<compile_context>
chip_gen: v7x
topology: tpu7x:2x2x1
jax: 0.10.2.dev20260603
libtpu: 0.0.44.dev20260713+nightly
codegen_flags: <defaults>
</compile_context>

<pallas_src>
import functools

import jax
import jax.numpy as jnp
from jax import lax
from jax.experimental import pallas as pl
from jax.experimental.pallas import tpu as pltpu
from jax.experimental.pallas import tpu_sc as plsc

_N = 10000
_E = 320000
_D_IN = 128
_D_HID = 4
_D_OUT = 2

_NC = 2
_NS = 16
_NW = _NC * _NS

_NT = _E // 128
_T_PER = _NT // _NW
_T_REM = _NT - _NW * _T_PER

_NP = 10240


_sc_mesh = plsc.VectorSubcoreMesh(core_axis_name="c", subcore_axis_name="s")


def _zero_fill(buf, n):
    z = jnp.zeros((16,), jnp.float32)

    def body(i, _):
        for u in range(8):
            buf[pl.ds(128 * i + 16 * u, 16)] = z
        return None

    lax.fori_loop(0, n // 128, body, None)


def _load_edge_tiles(ei_hbm, ei_v, w):
    tlo = w * _T_PER + jnp.minimum(w, _T_REM)
    cnt = _T_PER + jnp.where(w < _T_REM, 1, 0)
    pltpu.sync_copy(ei_hbm.at[pl.ds(tlo, _T_PER)], ei_v.at[pl.ds(0, _T_PER)])

    @pl.when(w < _T_REM)
    def _():
        pltpu.sync_copy(ei_hbm.at[pl.ds(tlo + _T_PER, 1)],
                        ei_v.at[pl.ds(_T_PER, 1)])

    return cnt


@functools.partial(
    pl.kernel,
    out_type=jax.ShapeDtypeStruct((_NW, _NP), jnp.float32),
    mesh=_sc_mesh,
    scratch_types=[
        pltpu.VMEM((_T_PER + 1, 2, 128), jnp.int32),
        pltpu.VMEM((_NP,), jnp.float32),
    ],
    compiler_params=pltpu.CompilerParams(needs_layout_passes=False),
)
def _deg_kernel(ei_hbm, out_hbm, ei_v, acc_v):
    cid = lax.axis_index("c")
    sid = lax.axis_index("s")
    w = sid * _NC + cid
    cnt = _load_edge_tiles(ei_hbm, ei_v, w)
    _zero_fill(acc_v, _NP)
    ones = jnp.ones((16,), jnp.float32)

    @plsc.parallel_loop(0, cnt, 1, unroll=2)
    def _(t):
        for k in range(8):
            didx = ei_v[t, 1, pl.ds(16 * k, 16)]
            plsc.addupdate_scatter(acc_v, [didx], ones)

    pltpu.sync_copy(acc_v, out_hbm.at[w])


@functools.partial(
    pl.kernel,
    out_type=jax.ShapeDtypeStruct((_NW, _D_HID * _NP), jnp.float32),
    mesh=_sc_mesh,
    scratch_types=[
        pltpu.VMEM((_T_PER + 1, 2, 128), jnp.int32),
        pltpu.VMEM((_D_HID * _NP,), jnp.float32),
        pltpu.VMEM((_D_HID * _NP,), jnp.float32),
    ],
    compiler_params=pltpu.CompilerParams(needs_layout_passes=False),
)
def _agg_kernel(ei_hbm, g_hbm, out_hbm, ei_v, g_v, acc_v):
    cid = lax.axis_index("c")
    sid = lax.axis_index("s")
    w = sid * _NC + cid
    cnt = _load_edge_tiles(ei_hbm, ei_v, w)
    for c in range(_D_HID):
        pltpu.sync_copy(g_hbm.at[c], g_v.at[pl.ds(c * _NP, _NP)])
    _zero_fill(acc_v, _D_HID * _NP)

    @plsc.parallel_loop(0, cnt, 1, unroll=2)
    def _(t):
        for k in range(8):
            sl = pl.ds(16 * k, 16)
            idx = ei_v[t, 0, sl]
            didx = ei_v[t, 1, sl]
            for c in range(_D_HID):
                v = plsc.load_gather(g_v, [idx + c * _NP])
                plsc.addupdate_scatter(acc_v, [didx + c * _NP], v)

    pltpu.sync_copy(acc_v, out_hbm.at[w])


def _tc1_body(x_ref, w1_ref, deg_ref, dinv_ref, g1_ref):
    deg = jnp.sum(deg_ref[...], axis=0, keepdims=True) + 1.0
    r = lax.rsqrt(deg)
    dinv = r * (1.5 - 0.5 * deg * r * r)
    dinv_ref[...] = dinv
    h0 = lax.dot_general(w1_ref[...], x_ref[...], (((0,), (1,)), ((), ())),
                         preferred_element_type=jnp.float32,
                         precision=lax.Precision.HIGHEST)
    g1_ref[...] = jnp.pad(h0, ((0, 0), (0, _NP - _N))) * dinv


_tc1 = pl.pallas_call(
    _tc1_body,
    out_shape=[
        jax.ShapeDtypeStruct((1, _NP), jnp.float32),
        jax.ShapeDtypeStruct((_D_HID, _NP), jnp.float32),
    ],
)


def _tc2_body(t1_ref, g1_ref, dinv_ref, b1_ref, g2_ref):
    dinv = dinv_ref[...]
    t1 = jnp.sum(t1_ref[...], axis=0).reshape(_D_HID, _NP) + g1_ref[...]
    h = jnp.maximum(dinv * t1 + b1_ref[...], 0.0)
    g2_ref[...] = dinv * h


_tc2 = pl.pallas_call(
    _tc2_body,
    out_shape=jax.ShapeDtypeStruct((_D_HID, _NP), jnp.float32),
)


def _tc3_body(t2_ref, g2_ref, dinv_ref, wmu_ref, bmu_ref,
              wls_ref, bls_ref, mu_ref, ls_ref):
    t2 = jnp.sum(t2_ref[...], axis=0).reshape(_D_HID, _NP)
    hag = dinv_ref[...] * (t2 + g2_ref[...])
    mu_ref[...] = lax.dot_general(wmu_ref[...], hag, (((0,), (0,)), ((), ())),
                                  preferred_element_type=jnp.float32,
                                  precision=lax.Precision.HIGHEST) + bmu_ref[...]
    ls_ref[...] = lax.dot_general(wls_ref[...], hag, (((0,), (0,)), ((), ())),
                                  preferred_element_type=jnp.float32,
                                  precision=lax.Precision.HIGHEST) + bls_ref[...]


_tc3 = pl.pallas_call(
    _tc3_body,
    out_shape=[
        jax.ShapeDtypeStruct((_D_OUT, _NP), jnp.float32),
        jax.ShapeDtypeStruct((_D_OUT, _NP), jnp.float32),
    ],
)


def kernel(x, edge_index, W1, b1, Wmu, bmu, Wls, bls):
    ei3 = jnp.swapaxes(edge_index.reshape(2, _NT, 128), 0, 1)
    deg = _deg_kernel(ei3)
    dinv, g1 = _tc1(x, W1, deg)
    t1 = _agg_kernel(ei3, g1)
    g2 = _tc2(t1, g1, dinv, b1.reshape(_D_HID, 1))
    t2 = _agg_kernel(ei3, g2)
    mu, ls = _tc3(t2, g2, dinv, Wmu, bmu.reshape(_D_OUT, 1),
                  Wls, bls.reshape(_D_OUT, 1))
    return mu[:, :_N].T, ls[:, :_N].T

# --- scband reference (transcript-rebuilt; emitter-appended) ---
"""Pipeline reference for scband-variational-gcnencoder-5686536700334 (READ-ONLY COPY).

The authoritative reference and input builder live on the scoring server;
editing this copy changes nothing except your own understanding.
"""

import jax, jax.numpy as jnp
import numpy as np

N = 10000
E = 320000
D_IN = 128
D_HID = 4   # 2 * out_channels
D_OUT = 2


def gcn_conv(x, src, dst, W, b, n):
    # GCNConv with added self-loops and symmetric normalization (PyG semantics)
    loop = jnp.arange(n, dtype=src.dtype)
    s = jnp.concatenate([src, loop])
    d = jnp.concatenate([dst, loop])
    deg = jax.ops.segment_sum(jnp.ones_like(d, dtype=x.dtype), d, num_segments=n)
    dinv = jnp.where(deg > 0, 1.0 / jnp.sqrt(deg), 0.0)
    norm = dinv[s] * dinv[d]
    h = x @ W
    msg = h[s] * norm[:, None]
    out = jax.ops.segment_sum(msg, d, num_segments=n)
    return out + b


def setup_inputs(seed: int = 0) -> dict:
    key = jax.random.key(seed)
    ks = jax.random.split(key, 8)
    x = jax.random.normal(ks[0], (N, D_IN), dtype=jnp.float32)
    edge_index = jax.random.randint(ks[1], (2, E), 0, N, dtype=jnp.int32)
    W1 = jax.random.normal(ks[2], (D_IN, D_HID), dtype=jnp.float32) * np.sqrt(2.0 / (D_IN + D_HID))
    b1 = jnp.zeros((D_HID,), dtype=jnp.float32)
    Wmu = jax.random.normal(ks[3], (D_HID, D_OUT), dtype=jnp.float32) * np.sqrt(2.0 / (D_HID + D_OUT))
    bmu = jnp.zeros((D_OUT,), dtype=jnp.float32)
    Wls = jax.random.normal(ks[4], (D_HID, D_OUT), dtype=jnp.float32) * np.sqrt(2.0 / (D_HID + D_OUT))
    bls = jnp.zeros((D_OUT,), dtype=jnp.float32)
    return {"x": x, "edge_index": edge_index, "W1": W1, "b1": b1,
            "Wmu": Wmu, "bmu": bmu, "Wls": Wls, "bls": bls}


def reference(x, edge_index, W1, b1, Wmu, bmu, Wls, bls):
    src = edge_index[0]
    dst = edge_index[1]
    h = gcn_conv(x, src, dst, W1, b1, N)
    h = jax.nn.relu(h)
    mu = gcn_conv(h, src, dst, Wmu, bmu, N)
    logstd = gcn_conv(h, src, dst, Wls, bls, N)
    return (mu, logstd)

if __name__ == "__main__":
    import jax
    _d = setup_inputs()
    print(jax.jit(kernel)(*tuple(_d.values())))

</pallas_src>

<mosaic_0001>
#map = affine_map<(d0, d1) -> (0, 0, 0)>
#map1 = affine_map<(d0, d1) -> (0, 0)>
module attributes {stable_mosaic.version = 14 : i64} {
  func.func @_agg_kernel(%arg0: i32, %arg1: i32, %arg2: memref<2500x2x128xi32, #tpu.memory_space<hbm>>, %arg3: memref<4x10240xf32, #tpu.memory_space<hbm>>, %arg4: memref<32x40960xf32, #tpu.memory_space<hbm>>, %arg5: memref<79x2x128xi32, #tpu.memory_space<vmem>>, %arg6: memref<40960xf32, #tpu.memory_space<vmem>>, %arg7: memref<40960xf32, #tpu.memory_space<vmem>>) attributes {dimension_semantics = [#tpu.dimension_semantics<core_parallel>, #tpu.dimension_semantics<subcore_parallel>], iteration_bounds = array<i64: 2, 16>, scalar_prefetch = 0 : i64, scratch_operands = 3 : i64, tpu.core_type = #tpu.core_type<sc_vector_subcore>, window_params = [{transform_indices = #map}, {transform_indices = #map1}, {transform_indices = #map1}]} {
    %mul3A = arith.constant 2 : i32
    %mul3A_0 = arith.muli %arg1, %mul3A : i32
    %add3A = arith.addi %mul3A_0, %arg0 : i32
    %mul3A_1 = arith.constant 78 : i32
    %mul3A_2 = arith.muli %add3A, %mul3A_1 : i32
    %min3A = arith.constant 4 : i32
    %min3A_3 = arith.minsi %add3A, %min3A : i32
    %add3A_4 = arith.addi %mul3A_2, %min3A_3 : i32
    %lt3A = arith.constant 4 : i32
    %lt3A_5 = arith.cmpi slt, %add3A, %lt3A : i32
    %jit3A = arith.constant 1 : i32
    %jit3A_6 = arith.constant 0 : i32
    %select_n3A = arith.select %lt3A_5, %jit3A, %jit3A_6 : i32
    %add3A_7 = arith.constant 78 : i32
    %add3A_8 = arith.addi %add3A_7, %select_n3A : i32
    "tpu.region"() ({
      %run_scoped3A_21 = tpu.sem_alloc : memref<!tpu.dma_semaphore, #tpu.memory_space<semaphore_mem>>
      %dma_start3A = arith.constant 0 : i32
      %dma_start3A_22 = arith.constant 0 : i32
      %dma_start3A_23 = arith.constant 0 : i32
      %dma_start3A_24 = tpu.memref_slice %arg5[%dma_start3A, %dma_start3A_22, %dma_start3A_23] : memref<79x2x128xi32, #tpu.memory_space<vmem>> -> memref<78x2x128xi32, #tpu.memory_space<vmem>>
      %dma_start3A_25 = arith.constant 0 : i32
      %dma_start3A_26 = arith.constant 0 : i32
      %dma_start3A_27 = tpu.memref_slice %arg2[%add3A_4, %dma_start3A_25, %dma_start3A_26] : memref<2500x2x128xi32, #tpu.memory_space<hbm>> -> memref<78x2x128xi32, #tpu.memory_space<hbm>>
      %dma_start3A_28 = arith.constant 0 : i32
      %dma_start3A_29 = arith.constant 0 : i32
      %dma_start3A_30 = arith.constant 0 : i32
      %dma_start3A_31 = tpu.memref_slice %arg5[%dma_start3A_28, %dma_start3A_29, %dma_start3A_30] : memref<79x2x128xi32, #tpu.memory_space<vmem>> -> memref<78x2x128xi32, #tpu.memory_space<vmem>>
      %dma_start3A_32 = arith.constant 0 : i32
      %dma_start3A_33 = arith.constant 0 : i32
      %dma_start3A_34 = tpu.memref_slice %arg2[%add3A_4, %dma_start3A_32, %dma_start3A_33] : memref<2500x2x128xi32, #tpu.memory_space<hbm>> -> memref<78x2x128xi32, #tpu.memory_space<hbm>>
      tpu.enqueue_dma source(%dma_start3A_34 : memref<78x2x128xi32, #tpu.memory_space<hbm>>) target(%dma_start3A_31 : memref<78x2x128xi32, #tpu.memory_space<vmem>>) target_semaphore(%run_scoped3A_21 : memref<!tpu.dma_semaphore, #tpu.memory_space<semaphore_mem>>)
      %dma_wait3A = arith.constant 0 : i32
      %dma_wait3A_35 = arith.constant 0 : i32
      %dma_wait3A_36 = arith.constant 0 : i32
      %dma_wait3A_37 = tpu.memref_slice %arg5[%dma_wait3A, %dma_wait3A_35, %dma_wait3A_36] : memref<79x2x128xi32, #tpu.memory_space<vmem>> -> memref<78x2x128xi32, #tpu.memory_space<vmem>>
      %dma_wait3A_38 = arith.constant 0 : i32
      %dma_wait3A_39 = arith.constant 0 : i32
      %dma_wait3A_40 = tpu.memref_slice %arg2[%add3A_4, %dma_wait3A_38, %dma_wait3A_39] : memref<2500x2x128xi32, #tpu.memory_space<hbm>> -> memref<78x2x128xi32, #tpu.memory_space<hbm>>
      %dma_wait3A_41 = arith.constant 0 : i32
      %dma_wait3A_42 = arith.constant 0 : i32
      %dma_wait3A_43 = arith.constant 0 : i32
      %dma_wait3A_44 = tpu.memref_slice %arg5[%dma_wait3A_41, %dma_wait3A_42, %dma_wait3A_43] : memref<79x2x128xi32, #tpu.memory_space<vmem>> -> memref<78x2x128xi32, #tpu.memory_space<vmem>>
      %dma_wait3A_45 = arith.constant 0 : i32
      %dma_wait3A_46 = arith.constant 0 : i32
      %dma_wait3A_47 = tpu.memref_slice %arg2[%add3A_4, %dma_wait3A_45, %dma_wait3A_46] : memref<2500x2x128xi32, #tpu.memory_space<hbm>> -> memref<78x2x128xi32, #tpu.memory_space<hbm>>
      tpu.wait_dma2 semaphore(%run_scoped3A_21 : memref<!tpu.dma_semaphore, #tpu.memory_space<semaphore_mem>>) src(%dma_wait3A_47 : memref<78x2x128xi32, #tpu.memory_space<hbm>>) dst(%dma_wait3A_44 : memref<78x2x128xi32, #tpu.memory_space<vmem>>)
      tpu.yield
    }) : () -> ()
    %lt3A_9 = arith.constant 4 : i32
    %lt3A_10 = arith.cmpi slt, %add3A, %lt3A_9 : i32
    %convert_element_type3A = arith.extui %lt3A_10 : i1 to i32
    %cond3A = arith.constant 0 : i32
    %cond3A_11 = arith.cmpi ne, %convert_element_type3A, %cond3A : i32
    scf.if %cond3A_11 {
      %add3A_21 = arith.constant 78 : i32
      %add3A_22 = arith.addi %add3A_4, %add3A_21 : i32
      "tpu.region"() ({
        %run_scoped3A_23 = tpu.sem_alloc : memref<!tpu.dma_semaphore, #tpu.memory_space<semaphore_mem>>
        %dma_start3A = arith.constant 78 : i32
        %dma_start3A_24 = arith.constant 0 : i32
        %dma_start3A_25 = arith.constant 0 : i32
        %dma_start3A_26 = tpu.memref_slice %arg5[%dma_start3A, %dma_start3A_24, %dma_start3A_25] : memref<79x2x128xi32, #tpu.memory_space<vmem>> -> memref<1x2x128xi32, #tpu.memory_space<vmem>>
        %dma_start3A_27 = arith.constant 0 : i32
        %dma_start3A_28 = arith.constant 0 : i32
        %dma_start3A_29 = tpu.memref_slice %arg2[%add3A_22, %dma_start3A_27, %dma_start3A_28] : memref<2500x2x128xi32, #tpu.memory_space<hbm>> -> memref<1x2x128xi32, #tpu.memory_space<hbm>>
        %dma_start3A_30 = arith.constant 78 : i32
        %dma_start3A_31 = arith.constant 0 : i32
        %dma_start3A_32 = arith.constant 0 : i32
        %dma_start3A_33 = tpu.memref_slice %arg5[%dma_start3A_30, %dma_start3A_31, %dma_start3A_32] : memref<79x2x128xi32, #tpu.memory_space<vmem>> -> memref<1x2x128xi32, #tpu.memory_space<vmem>>
        %dma_start3A_34 = arith.constant 0 : i32
        %dma_start3A_35 = arith.constant 0 : i32
        %dma_start3A_36 = tpu.memref_slice %arg2[%add3A_22, %dma_start3A_34, %dma_start3A_35] : memref<2500x2x128xi32, #tpu.memory_space<hbm>> -> memref<1x2x128xi32, #tpu.memory_space<hbm>>
        tpu.enqueue_dma source(%dma_start3A_36 : memref<1x2x128xi32, #tpu.memory_space<hbm>>) target(%dma_start3A_33 : memref<1x2x128xi32, #tpu.memory_space<vmem>>) target_semaphore(%run_scoped3A_23 : memref<!tpu.dma_semaphore, #tpu.memory_space<semaphore_mem>>)
        %dma_wait3A = arith.constant 78 : i32
        %dma_wait3A_37 = arith.constant 0 : i32
        %dma_wait3A_38 = arith.constant 0 : i32
        %dma_wait3A_39 = tpu.memref_slice %arg5[%dma_wait3A, %dma_wait3A_37, %dma_wait3A_38] : memref<79x2x128xi32, #tpu.memory_space<vmem>> -> memref<1x2x128xi32, #tpu.memory_space<vmem>>
        %dma_wait3A_40 = arith.constant 0 : i32
        %dma_wait3A_41 = arith.constant 0 : i32
        %dma_wait3A_42 = tpu.memref_slice %arg2[%add3A_22, %dma_wait3A_40, %dma_wait3A_41] : memref<2500x2x128xi32, #tpu.memory_space<hbm>> -> memref<1x2x128xi32, #tpu.memory_space<hbm>>
        %dma_wait3A_43 = arith.constant 78 : i32
        %dma_wait3A_44 = arith.constant 0 : i32
        %dma_wait3A_45 = arith.constant 0 : i32
        %dma_wait3A_46 = tpu.memref_slice %arg5[%dma_wait3A_43, %dma_wait3A_44, %dma_wait3A_45] : memref<79x2x128xi32, #tpu.memory_space<vmem>> -> memref<1x2x128xi32, #tpu.memory_space<vmem>>
        %dma_wait3A_47 = arith.constant 0 : i32
        %dma_wait3A_48 = arith.constant 0 : i32
        %dma_wait3A_49 = tpu.memref_slice %arg2[%add3A_22, %dma_wait3A_47, %dma_wait3A_48] : memref<2500x2x128xi32, #tpu.memory_space<hbm>> -> memref<1x2x128xi32, #tpu.memory_space<hbm>>
        tpu.wait_dma2 semaphore(%run_scoped3A_23 : memref<!tpu.dma_semaphore, #tpu.memory_space<semaphore_mem>>) src(%dma_wait3A_49 : memref<1x2x128xi32, #tpu.memory_space<hbm>>) dst(%dma_wait3A_46 : memref<1x2x128xi32, #tpu.memory_space<vmem>>)
        tpu.yield
      }) : () -> ()
    } else {
    }
    %run_scoped3A = arith.constant 0 : i32
    "tpu.region"() ({
      %run_scoped3A_21 = tpu.sem_alloc : memref<!tpu.dma_semaphore, #tpu.memory_space<semaphore_mem>>
      %dma_start3A = arith.constant 0 : i32
      %dma_start3A_22 = tpu.memref_slice %arg6[%dma_start3A] : memref<40960xf32, #tpu.memory_space<vmem>> -> memref<10240xf32, #tpu.memory_space<vmem>>
      %dma_start3A_23 = arith.constant 0 : i32
      %dma_start3A_24 = tpu.memref_slice %arg3[%run_scoped3A, %dma_start3A_23] : memref<4x10240xf32, #tpu.memory_space<hbm>> -> memref<1x10240xf32, #tpu.memory_space<hbm>>
      %dma_start3A_25 = tpu.memref_squeeze %dma_start3A_24 : memref<1x10240xf32, #tpu.memory_space<hbm>> -> memref<10240xf32, #tpu.memory_space<hbm>>
      %dma_start3A_26 = arith.constant 0 : i32
      %dma_start3A_27 = tpu.memref_slice %arg6[%dma_start3A_26] : memref<40960xf32, #tpu.memory_space<vmem>> -> memref<10240xf32, #tpu.memory_space<vmem>>
      %dma_start3A_28 = arith.constant 0 : i32
      %dma_start3A_29 = tpu.memref_slice %arg3[%run_scoped3A, %dma_start3A_28] : memref<4x10240xf32, #tpu.memory_space<hbm>> -> memref<1x10240xf32, #tpu.memory_space<hbm>>
      %dma_start3A_30 = tpu.memref_squeeze %dma_start3A_29 : memref<1x10240xf32, #tpu.memory_space<hbm>> -> memref<10240xf32, #tpu.memory_space<hbm>>
      tpu.enqueue_dma source(%dma_start3A_30 : memref<10240xf32, #tpu.memory_space<hbm>>) target(%dma_start3A_27 : memref<10240xf32, #tpu.memory_space<vmem>>) target_semaphore(%run_scoped3A_21 : memref<!tpu.dma_semaphore, #tpu.memory_space<semaphore_mem>>)
      %dma_wait3A = arith.constant 0 : i32
      %dma_wait3A_31 = tpu.memref_slice %arg6[%dma_wait3A] : memref<40960xf32, #tpu.memory_space<vmem>> -> memref<10240xf32, #tpu.memory_space<vmem>>
      %dma_wait3A_32 = arith.constant 0 : i32
      %dma_wait3A_33 = tpu.memref_slice %arg3[%run_scoped3A, %dma_wait3A_32] : memref<4x10240xf32, #tpu.memory_space<hbm>> -> memref<1x10240xf32, #tpu.memory_space<hbm>>
      %dma_wait3A_34 = tpu.memref_squeeze %dma_wait3A_33 : memref<1x10240xf32, #tpu.memory_space<hbm>> -> memref<10240xf32, #tpu.memory_space<hbm>>
      %dma_wait3A_35 = arith.constant 0 : i32
      %dma_wait3A_36 = tpu.memref_slice %arg6[%dma_wait3A_35] : memref<40960xf32, #tpu.memory_space<vmem>> -> memref<10240xf32, #tpu.memory_space<vmem>>
      %dma_wait3A_37 = arith.constant 0 : i32
      %dma_wait3A_38 = tpu.memref_slice %arg3[%run_scoped3A, %dma_wait3A_37] : memref<4x10240xf32, #tpu.memory_space<hbm>> -> memref<1x10240xf32, #tpu.memory_space<hbm>>
      %dma_wait3A_39 = tpu.memref_squeeze %dma_wait3A_38 : memref<1x10240xf32, #tpu.memory_space<hbm>> -> memref<10240xf32, #tpu.memory_space<hbm>>
      tpu.wait_dma2 semaphore(%run_scoped3A_21 : memref<!tpu.dma_semaphore, #tpu.memory_space<semaphore_mem>>) src(%dma_wait3A_39 : memref<10240xf32, #tpu.memory_space<hbm>>) dst(%dma_wait3A_36 : memref<10240xf32, #tpu.memory_space<vmem>>)
      tpu.yield
    }) : () -> ()
    %run_scoped3A_12 = arith.constant 1 : i32
    "tpu.region"() ({
      %run_scoped3A_21 = tpu.sem_alloc : memref<!tpu.dma_semaphore, #tpu.memory_space<semaphore_mem>>
      %dma_start3A = arith.constant 10240 : i32
      %dma_start3A_22 = tpu.memref_slice %arg6[%dma_start3A] : memref<40960xf32, #tpu.memory_space<vmem>> -> memref<10240xf32, #tpu.memory_space<vmem>>
      %dma_start3A_23 = arith.constant 0 : i32
      %dma_start3A_24 = tpu.memref_slice %arg3[%run_scoped3A_12, %dma_start3A_23] : memref<4x10240xf32, #tpu.memory_space<hbm>> -> memref<1x10240xf32, #tpu.memory_space<hbm>>
      %dma_start3A_25 = tpu.memref_squeeze %dma_start3A_24 : memref<1x10240xf32, #tpu.memory_space<hbm>> -> memref<10240xf32, #tpu.memory_space<hbm>>
      %dma_start3A_26 = arith.constant 10240 : i32
      %dma_start3A_27 = tpu.memref_slice %arg6[%dma_start3A_26] : memref<40960xf32, #tpu.memory_space<vmem>> -> memref<10240xf32, #tpu.memory_space<vmem>>
      %dma_start3A_28 = arith.constant 0 : i32
      %dma_start3A_29 = tpu.memref_slice %arg3[%run_scoped3A_12, %dma_start3A_28] : memref<4x10240xf32, #tpu.memory_space<hbm>> -> memref<1x10240xf32, #tpu.memory_space<hbm>>
      %dma_start3A_30 = tpu.memref_squeeze %dma_start3A_29 : memref<1x10240xf32, #tpu.memory_space<hbm>> -> memref<10240xf32, #tpu.memory_space<hbm>>
      tpu.enqueue_dma source(%dma_start3A_30 : memref<10240xf32, #tpu.memory_space<hbm>>) target(%dma_start3A_27 : memref<10240xf32, #tpu.memory_space<vmem>>) target_semaphore(%run_scoped3A_21 : memref<!tpu.dma_semaphore, #tpu.memory_space<semaphore_mem>>)
      %dma_wait3A = arith.constant 10240 : i32
      %dma_wait3A_31 = tpu.memref_slice %arg6[%dma_wait3A] : memref<40960xf32, #tpu.memory_space<vmem>> -> memref<10240xf32, #tpu.memory_space<vmem>>
      %dma_wait3A_32 = arith.constant 0 : i32
      %dma_wait3A_33 = tpu.memref_slice %arg3[%run_scoped3A_12, %dma_wait3A_32] : memref<4x10240xf32, #tpu.memory_space<hbm>> -> memref<1x10240xf32, #tpu.memory_space<hbm>>
      %dma_wait3A_34 = tpu.memref_squeeze %dma_wait3A_33 : memref<1x10240xf32, #tpu.memory_space<hbm>> -> memref<10240xf32, #tpu.memory_space<hbm>>
      %dma_wait3A_35 = arith.constant 10240 : i32
      %dma_wait3A_36 = tpu.memref_slice %arg6[%dma_wait3A_35] : memref<40960xf32, #tpu.memory_space<vmem>> -> memref<10240xf32, #tpu.memory_space<vmem>>
      %dma_wait3A_37 = arith.constant 0 : i32
      %dma_wait3A_38 = tpu.memref_slice %arg3[%run_scoped3A_12, %dma_wait3A_37] : memref<4x10240xf32, #tpu.memory_space<hbm>> -> memref<1x10240xf32, #tpu.memory_space<hbm>>
      %dma_wait3A_39 = tpu.memref_squeeze %dma_wait3A_38 : memref<1x10240xf32, #tpu.memory_space<hbm>> -> memref<10240xf32, #tpu.memory_space<hbm>>
      tpu.wait_dma2 semaphore(%run_scoped3A_21 : memref<!tpu.dma_semaphore, #tpu.memory_space<semaphore_mem>>) src(%dma_wait3A_39 : memref<10240xf32, #tpu.memory_space<hbm>>) dst(%dma_wait3A_36 : memref<10240xf32, #tpu.memory_space<vmem>>)
      tpu.yield
    }) : () -> ()
    %run_scoped3A_13 = arith.constant 2 : i32
    "tpu.region"() ({
      %run_scoped3A_21 = tpu.sem_alloc : memref<!tpu.dma_semaphore, #tpu.memory_space<semaphore_mem>>
      %dma_start3A = arith.constant 20480 : i32
      %dma_start3A_22 = tpu.memref_slice %arg6[%dma_start3A] : memref<40960xf32, #tpu.memory_space<vmem>> -> memref<10240xf32, #tpu.memory_space<vmem>>
      %dma_start3A_23 = arith.constant 0 : i32
      %dma_start3A_24 = tpu.memref_slice %arg3[%run_scoped3A_13, %dma_start3A_23] : memref<4x10240xf32, #tpu.memory_space<hbm>> -> memref<1x10240xf32, #tpu.memory_space<hbm>>
      %dma_start3A_25 = tpu.memref_squeeze %dma_start3A_24 : memref<1x10240xf32, #tpu.memory_space<hbm>> -> memref<10240xf32, #tpu.memory_space<hbm>>
      %dma_start3A_26 = arith.constant 20480 : i32
      %dma_start3A_27 = tpu.memref_slice %arg6[%dma_start3A_26] : memref<40960xf32, #tpu.memory_space<vmem>> -> memref<10240xf32, #tpu.memory_space<vmem>>
      %dma_start3A_28 = arith.constant 0 : i32
      %dma_start3A_29 = tpu.memref_slice %arg3[%run_scoped3A_13, %dma_start3A_28] : memref<4x10240xf32, #tpu.memory_space<hbm>> -> memref<1x10240xf32, #tpu.memory_space<hbm>>
      %dma_start3A_30 = tpu.memref_squeeze %dma_start3A_29 : memref<1x10240xf32, #tpu.memory_space<hbm>> -> memref<10240xf32, #tpu.memory_space<hbm>>
      tpu.enqueue_dma source(%dma_start3A_30 : memref<10240xf32, #tpu.memory_space<hbm>>) target(%dma_start3A_27 : memref<10240xf32, #tpu.memory_space<vmem>>) target_semaphore(%run_scoped3A_21 : memref<!tpu.dma_semaphore, #tpu.memory_space<semaphore_mem>>)
      %dma_wait3A = arith.constant 20480 : i32
      %dma_wait3A_31 = tpu.memref_slice %arg6[%dma_wait3A] : memref<40960xf32, #tpu.memory_space<vmem>> -> memref<10240xf32, #tpu.memory_space<vmem>>
      %dma_wait3A_32 = arith.constant 0 : i32
      %dma_wait3A_33 = tpu.memref_slice %arg3[%run_scoped3A_13, %dma_wait3A_32] : memref<4x10240xf32, #tpu.memory_space<hbm>> -> memref<1x10240xf32, #tpu.memory_space<hbm>>
      %dma_wait3A_34 = tpu.memref_squeeze %dma_wait3A_33 : memref<1x10240xf32, #tpu.memory_space<hbm>> -> memref<10240xf32, #tpu.memory_space<hbm>>
      %dma_wait3A_35 = arith.constant 20480 : i32
      %dma_wait3A_36 = tpu.memref_slice %arg6[%dma_wait3A_35] : memref<40960xf32, #tpu.memory_space<vmem>> -> memref<10240xf32, #tpu.memory_space<vmem>>
      %dma_wait3A_37 = arith.constant 0 : i32
      %dma_wait3A_38 = tpu.memref_slice %arg3[%run_scoped3A_13, %dma_wait3A_37] : memref<4x10240xf32, #tpu.memory_space<hbm>> -> memref<1x10240xf32, #tpu.memory_space<hbm>>
      %dma_wait3A_39 = tpu.memref_squeeze %dma_wait3A_38 : memref<1x10240xf32, #tpu.memory_space<hbm>> -> memref<10240xf32, #tpu.memory_space<hbm>>
      tpu.wait_dma2 semaphore(%run_scoped3A_21 : memref<!tpu.dma_semaphore, #tpu.memory_space<semaphore_mem>>) src(%dma_wait3A_39 : memref<10240xf32, #tpu.memory_space<hbm>>) dst(%dma_wait3A_36 : memref<10240xf32, #tpu.memory_space<vmem>>)
      tpu.yield
    }) : () -> ()
    %run_scoped3A_14 = arith.constant 3 : i32
    "tpu.region"() ({
      %run_scoped3A_21 = tpu.sem_alloc : memref<!tpu.dma_semaphore, #tpu.memory_space<semaphore_mem>>
      %dma_start3A = arith.constant 30720 : i32
      %dma_start3A_22 = tpu.memref_slice %arg6[%dma_start3A] : memref<40960xf32, #tpu.memory_space<vmem>> -> memref<10240xf32, #tpu.memory_space<vmem>>
      %dma_start3A_23 = arith.constant 0 : i32
      %dma_start3A_24 = tpu.memref_slice %arg3[%run_scoped3A_14, %dma_start3A_23] : memref<4x10240xf32, #tpu.memory_space<hbm>> -> memref<1x10240xf32, #tpu.memory_space<hbm>>
      %dma_start3A_25 = tpu.memref_squeeze %dma_start3A_24 : memref<1x10240xf32, #tpu.memory_space<hbm>> -> memref<10240xf32, #tpu.memory_space<hbm>>
      %dma_start3A_26 = arith.constant 30720 : i32
      %dma_start3A_27 = tpu.memref_slice %arg6[%dma_start3A_26] : memref<40960xf32, #tpu.memory_space<vmem>> -> memref<10240xf32, #tpu.memory_space<vmem>>
      %dma_start3A_28 = arith.constant 0 : i32
      %dma_start3A_29 = tpu.memref_slice %arg3[%run_scoped3A_14, %dma_start3A_28] : memref<4x10240xf32, #tpu.memory_space<hbm>> -> memref<1x10240xf32, #tpu.memory_space<hbm>>
      %dma_start3A_30 = tpu.memref_squeeze %dma_start3A_29 : memref<1x10240xf32, #tpu.memory_space<hbm>> -> memref<10240xf32, #tpu.memory_space<hbm>>
      tpu.enqueue_dma source(%dma_start3A_30 : memref<10240xf32, #tpu.memory_space<hbm>>) target(%dma_start3A_27 : memref<10240xf32, #tpu.memory_space<vmem>>) target_semaphore(%run_scoped3A_21 : memref<!tpu.dma_semaphore, #tpu.memory_space<semaphore_mem>>)
      %dma_wait3A = arith.constant 30720 : i32
      %dma_wait3A_31 = tpu.memref_slice %arg6[%dma_wait3A] : memref<40960xf32, #tpu.memory_space<vmem>> -> memref<10240xf32, #tpu.memory_space<vmem>>
      %dma_wait3A_32 = arith.constant 0 : i32
      %dma_wait3A_33 = tpu.memref_slice %arg3[%run_scoped3A_14, %dma_wait3A_32] : memref<4x10240xf32, #tpu.memory_space<hbm>> -> memref<1x10240xf32, #tpu.memory_space<hbm>>
      %dma_wait3A_34 = tpu.memref_squeeze %dma_wait3A_33 : memref<1x10240xf32, #tpu.memory_space<hbm>> -> memref<10240xf32, #tpu.memory_space<hbm>>
      %dma_wait3A_35 = arith.constant 30720 : i32
      %dma_wait3A_36 = tpu.memref_slice %arg6[%dma_wait3A_35] : memref<40960xf32, #tpu.memory_space<vmem>> -> memref<10240xf32, #tpu.memory_space<vmem>>
      %dma_wait3A_37 = arith.constant 0 : i32
      %dma_wait3A_38 = tpu.memref_slice %arg3[%run_scoped3A_14, %dma_wait3A_37] : memref<4x10240xf32, #tpu.memory_space<hbm>> -> memref<1x10240xf32, #tpu.memory_space<hbm>>
      %dma_wait3A_39 = tpu.memref_squeeze %dma_wait3A_38 : memref<1x10240xf32, #tpu.memory_space<hbm>> -> memref<10240xf32, #tpu.memory_space<hbm>>
      tpu.wait_dma2 semaphore(%run_scoped3A_21 : memref<!tpu.dma_semaphore, #tpu.memory_space<semaphore_mem>>) src(%dma_wait3A_39 : memref<10240xf32, #tpu.memory_space<hbm>>) dst(%dma_wait3A_36 : memref<10240xf32, #tpu.memory_space<vmem>>)
      tpu.yield
    }) : () -> ()
    %broadcast_in_dim3A = arith.constant 0.000000e+00 : f32
    %broadcast_in_dim3A_15 = vector.broadcast %broadcast_in_dim3A : f32 to vector<16xf32>
    %scan3A = arith.constant 0 : i32
    %scan3A_16 = arith.constant 320 : i32
    %scan3A_17 = arith.addi %scan3A, %scan3A_16 : i32
    %scan3A_18 = arith.constant 1 : i32
    scf.for %scan3A_21 = %scan3A to %scan3A_17 step %scan3A_18  : i32 {
      %mul3A_22 = arith.constant 128 : i32
      %mul3A_23 = arith.muli %mul3A_22, %scan3A_21 : i32
      %add3A_24 = arith.constant 0 : i32
      %add3A_25 = arith.addi %mul3A_23, %add3A_24 : i32
      %swap3A = arith.index_cast %add3A_25 : i32 to index
      %swap3A_26 = tpu.vector_load %arg7[%swap3A] {strides = array<i32>} : memref<40960xf32, #tpu.memory_space<vmem>>, vector<16xf32>,
      tpu.vector_store %arg7[%swap3A], %broadcast_in_dim3A_15 {strides = array<i32>} : memref<40960xf32, #tpu.memory_space<vmem>>, vector<16xf32>,
      %mul3A_27 = arith.constant 128 : i32
      %mul3A_28 = arith.muli %mul3A_27, %scan3A_21 : i32
      %add3A_29 = arith.constant 16 : i32
      %add3A_30 = arith.addi %mul3A_28, %add3A_29 : i32
      %swap3A_31 = arith.index_cast %add3A_30 : i32 to index
      %swap3A_32 = tpu.vector_load %arg7[%swap3A_31] {strides = array<i32>} : memref<40960xf32, #tpu.memory_space<vmem>>, vector<16xf32>,
      tpu.vector_store %arg7[%swap3A_31], %broadcast_in_dim3A_15 {strides = array<i32>} : memref<40960xf32, #tpu.memory_space<vmem>>, vector<16xf32>,
      %mul3A_33 = arith.constant 128 : i32
      %mul3A_34 = arith.muli %mul3A_33, %scan3A_21 : i32
      %add3A_35 = arith.constant 32 : i32
      %add3A_36 = arith.addi %mul3A_34, %add3A_35 : i32
      %swap3A_37 = arith.index_cast %add3A_36 : i32 to index
      %swap3A_38 = tpu.vector_load %arg7[%swap3A_37] {strides = array<i32>} : memref<40960xf32, #tpu.memory_space<vmem>>, vector<16xf32>,
      tpu.vector_store %arg7[%swap3A_37], %broadcast_in_dim3A_15 {strides = array<i32>} : memref<40960xf32, #tpu.memory_space<vmem>>, vector<16xf32>,
      %mul3A_39 = arith.constant 128 : i32
      %mul3A_40 = arith.muli %mul3A_39, %scan3A_21 : i32
      %add3A_41 = arith.constant 48 : i32
      %add3A_42 = arith.addi %mul3A_40, %add3A_41 : i32
      %swap3A_43 = arith.index_cast %add3A_42 : i32 to index
      %swap3A_44 = tpu.vector_load %arg7[%swap3A_43] {strides = array<i32>} : memref<40960xf32, #tpu.memory_space<vmem>>, vector<16xf32>,
      tpu.vector_store %arg7[%swap3A_43], %broadcast_in_dim3A_15 {strides = array<i32>} : memref<40960xf32, #tpu.memory_space<vmem>>, vector<16xf32>,
      %mul3A_45 = arith.constant 128 : i32
      %mul3A_46 = arith.muli %mul3A_45, %scan3A_21 : i32
      %add3A_47 = arith.constant 64 : i32
      %add3A_48 = arith.addi %mul3A_46, %add3A_47 : i32
      %swap3A_49 = arith.index_cast %add3A_48 : i32 to index
      %swap3A_50 = tpu.vector_load %arg7[%swap3A_49] {strides = array<i32>} : memref<40960xf32, #tpu.memory_space<vmem>>, vector<16xf32>,
      tpu.vector_store %arg7[%swap3A_49], %broadcast_in_dim3A_15 {strides = array<i32>} : memref<40960xf32, #tpu.memory_space<vmem>>, vector<16xf32>,
      %mul3A_51 = arith.constant 128 : i32
      %mul3A_52 = arith.muli %mul3A_51, %scan3A_21 : i32
      %add3A_53 = arith.constant 80 : i32
      %add3A_54 = arith.addi %mul3A_52, %add3A_53 : i32
      %swap3A_55 = arith.index_cast %add3A_54 : i32 to index
      %swap3A_56 = tpu.vector_load %arg7[%swap3A_55] {strides = array<i32>} : memref<40960xf32, #tpu.memory_space<vmem>>, vector<16xf32>,
      tpu.vector_store %arg7[%swap3A_55], %broadcast_in_dim3A_15 {strides = array<i32>} : memref<40960xf32, #tpu.memory_space<vmem>>, vector<16xf32>,
      %mul3A_57 = arith.constant 128 : i32
      %mul3A_58 = arith.muli %mul3A_57, %scan3A_21 : i32
      %add3A_59 = arith.constant 96 : i32
      %add3A_60 = arith.addi %mul3A_58, %add3A_59 : i32
      %swap3A_61 = arith.index_cast %add3A_60 : i32 to index
      %swap3A_62 = tpu.vector_load %arg7[%swap3A_61] {strides = array<i32>} : memref<40960xf32, #tpu.memory_space<vmem>>, vector<16xf32>,
      tpu.vector_store %arg7[%swap3A_61], %broadcast_in_dim3A_15 {strides = array<i32>} : memref<40960xf32, #tpu.memory_space<vmem>>, vector<16xf32>,
      %mul3A_63 = arith.constant 128 : i32
      %mul3A_64 = arith.muli %mul3A_63, %scan3A_21 : i32
      %add3A_65 = arith.constant 112 : i32
      %add3A_66 = arith.addi %mul3A_64, %add3A_65 : i32
      %swap3A_67 = arith.index_cast %add3A_66 : i32 to index
      %swap3A_68 = tpu.vector_load %arg7[%swap3A_67] {strides = array<i32>} : memref<40960xf32, #tpu.memory_space<vmem>>, vector<16xf32>,
      tpu.vector_store %arg7[%swap3A_67], %broadcast_in_dim3A_15 {strides = array<i32>} : memref<40960xf32, #tpu.memory_space<vmem>>, vector<16xf32>,
    }
    %scan3A_19 = arith.constant 320 : i32
    %parallel_loop3A = arith.constant 0 : i32
    %parallel_loop3A_20 = arith.constant 1 : i32
    scf.for %parallel_loop3A_21 = %parallel_loop3A to %add3A_8 step %parallel_loop3A_20  : i32 {
      %parallel_loop3A_22 = arith.constant 0 : i32
      %parallel_loop3A_23 = arith.index_cast %parallel_loop3A_21 : i32 to index
      %parallel_loop3A_24 = arith.index_cast %parallel_loop3A_22 : i32 to index
      %parallel_loop3A_25 = arith.constant 0 : index
      %parallel_loop3A_26 = tpu.vector_load %arg5[%parallel_loop3A_23, %parallel_loop3A_24, %parallel_loop3A_25] {strides = array<i32>} : memref<79x2x128xi32, #tpu.memory_space<vmem>>, vector<16xi32>,
      %parallel_loop3A_27 = arith.constant 1 : i32
      %parallel_loop3A_28 = arith.index_cast %parallel_loop3A_21 : i32 to index
      %parallel_loop3A_29 = arith.index_cast %parallel_loop3A_27 : i32 to index
      %parallel_loop3A_30 = arith.constant 0 : index
      %parallel_loop3A_31 = tpu.vector_load %arg5[%parallel_loop3A_28, %parallel_loop3A_29, %parallel_loop3A_30] {strides = array<i32>} : memref<79x2x128xi32, #tpu.memory_space<vmem>>, vector<16xi32>,
      %parallel_loop3A_32 = arith.constant 0 : i32
      %parallel_loop3A_33 = vector.broadcast %parallel_loop3A_32 : i32 to vector<16xi32>
      %parallel_loop3A_34 = arith.addi %parallel_loop3A_26, %parallel_loop3A_33 : vector<16xi32>
      %parallel_loop3A_35 = tpu.vector_load_idx %arg6[%parallel_loop3A_34] : memref<40960xf32, #tpu.memory_space<vmem>>[vector<16xi32>], vector<16xf32>,
      %parallel_loop3A_36 = arith.constant 0 : i32
      %parallel_loop3A_37 = vector.broadcast %parallel_loop3A_36 : i32 to vector<16xi32>
      %parallel_loop3A_38 = arith.addi %parallel_loop3A_31, %parallel_loop3A_37 : vector<16xi32>
      tpu.vector_store_idx %arg7[%parallel_loop3A_38], %parallel_loop3A_35 {add = true} : memref<40960xf32, #tpu.memory_space<vmem>>[vector<16xi32>], vector<16xf32>,
      %parallel_loop3A_39 = arith.constant 10240 : i32
      %parallel_loop3A_40 = vector.broadcast %parallel_loop3A_39 : i32 to vector<16xi32>
      %parallel_loop3A_41 = arith.addi %parallel_loop3A_26, %parallel_loop3A_40 : vector<16xi32>
      %parallel_loop3A_42 = tpu.vector_load_idx %arg6[%parallel_loop3A_41] : memref<40960xf32, #tpu.memory_space<vmem>>[vector<16xi32>], vector<16xf32>,
      %parallel_loop3A_43 = arith.constant 10240 : i32
      %parallel_loop3A_44 = vector.broadcast %parallel_loop3A_43 : i32 to vector<16xi32>
      %parallel_loop3A_45 = arith.addi %parallel_loop3A_31, %parallel_loop3A_44 : vector<16xi32>
      tpu.vector_store_idx %arg7[%parallel_loop3A_45], %parallel_loop3A_42 {add = true} : memref<40960xf32, #tpu.memory_space<vmem>>[vector<16xi32>], vector<16xf32>,
      %parallel_loop3A_46 = arith.constant 20480 : i32
      %parallel_loop3A_47 = vector.broadcast %parallel_loop3A_46 : i32 to vector<16xi32>
      %parallel_loop3A_48 = arith.addi %parallel_loop3A_26, %parallel_loop3A_47 : vector<16xi32>
      %parallel_loop3A_49 = tpu.vector_load_idx %arg6[%parallel_loop3A_48] : memref<40960xf32, #tpu.memory_space<vmem>>[vector<16xi32>], vector<16xf32>,
      %parallel_loop3A_50 = arith.constant 20480 : i32
      %parallel_loop3A_51 = vector.broadcast %parallel_loop3A_50 : i32 to vector<16xi32>
      %parallel_loop3A_52 = arith.addi %parallel_loop3A_31, %parallel_loop3A_51 : vector<16xi32>
      tpu.vector_store_idx %arg7[%parallel_loop3A_52], %parallel_loop3A_49 {add = true} : memref<40960xf32, #tpu.memory_space<vmem>>[vector<16xi32>], vector<16xf32>,
      %parallel_loop3A_53 = arith.constant 30720 : i32
      %parallel_loop3A_54 = vector.broadcast %parallel_loop3A_53 : i32 to vector<16xi32>
      %parallel_loop3A_55 = arith.addi %parallel_loop3A_26, %parallel_loop3A_54 : vector<16xi32>
      %parallel_loop3A_56 = tpu.vector_load_idx %arg6[%parallel_loop3A_55] : memref<40960xf32, #tpu.memory_space<vmem>>[vector<16xi32>], vector<16xf32>,
      %parallel_loop3A_57 = arith.constant 30720 : i32
      %parallel_loop3A_58 = vector.broadcast %parallel_loop3A_57 : i32 to vector<16xi32>
      %parallel_loop3A_59 = arith.addi %parallel_loop3A_31, %parallel_loop3A_58 : vector<16xi32>
      tpu.vector_store_idx %arg7[%parallel_loop3A_59], %parallel_loop3A_56 {add = true} : memref<40960xf32, #tpu.memory_space<vmem>>[vector<16xi32>], vector<16xf32>,
      %parallel_loop3A_60 = arith.constant 0 : i32
      %parallel_loop3A_61 = arith.index_cast %parallel_loop3A_21 : i32 to index
      %parallel_loop3A_62 = arith.index_cast %parallel_loop3A_60 : i32 to index
      %parallel_loop3A_63 = arith.constant 16 : index
      %parallel_loop3A_64 = tpu.vector_load %arg5[%parallel_loop3A_61, %parallel_loop3A_62, %parallel_loop3A_63] {strides = array<i32>} : memref<79x2x128xi32, #tpu.memory_space<vmem>>, vector<16xi32>,
      %parallel_loop3A_65 = arith.constant 1 : i32
      %parallel_loop3A_66 = arith.index_cast %parallel_loop3A_21 : i32 to index
      %parallel_loop3A_67 = arith.index_cast %parallel_loop3A_65 : i32 to index
      %parallel_loop3A_68 = arith.constant 16 : index
      %parallel_loop3A_69 = tpu.vector_load %arg5[%parallel_loop3A_66, %parallel_loop3A_67, %parallel_loop3A_68] {strides = array<i32>} : memref<79x2x128xi32, #tpu.memory_space<vmem>>, vector<16xi32>,
      %parallel_loop3A_70 = arith.constant 0 : i32
      %parallel_loop3A_71 = vector.broadcast %parallel_loop3A_70 : i32 to vector<16xi32>
      %parallel_loop3A_72 = arith.addi %parallel_loop3A_64, %parallel_loop3A_71 : vector<16xi32>
      %parallel_loop3A_73 = tpu.vector_load_idx %arg6[%parallel_loop3A_72] : memref<40960xf32, #tpu.memory_space<vmem>>[vector<16xi32>], vector<16xf32>,
      %parallel_loop3A_74 = arith.constant 0 : i32
      %parallel_loop3A_75 = vector.broadcast %parallel_loop3A_74 : i32 to vector<16xi32>
      %parallel_loop3A_76 = arith.addi %parallel_loop3A_69, %parallel_loop3A_75 : vector<16xi32>
      tpu.vector_store_idx %arg7[%parallel_loop3A_76], %parallel_loop3A_73 {add = true} : memref<40960xf32, #tpu.memory_space<vmem>>[vector<16xi32>], vector<16xf32>,
      %parallel_loop3A_77 = arith.constant 10240 : i32
      %parallel_loop3A_78 = vector.broadcast %parallel_loop3A_77 : i32 to vector<16xi32>
      %parallel_loop3A_79 = arith.addi %parallel_loop3A_64, %parallel_loop3A_78 : vector<16xi32>
      %parallel_loop3A_80 = tpu.vector_load_idx %arg6[%parallel_loop3A_79] : memref<40960xf32, #tpu.memory_space<vmem>>[vector<16xi32>], vector<16xf32>,
      %parallel_loop3A_81 = arith.constant 10240 : i32
      %parallel_loop3A_82 = vector.broadcast %parallel_loop3A_81 : i32 to vector<16xi32>
      %parallel_loop3A_83 = arith.addi %parallel_loop3A_69, %parallel_loop3A_82 : vector<16xi32>
      tpu.vector_store_idx %arg7[%parallel_loop3A_83], %parallel_loop3A_80 {add = true} : memref<40960xf32, #tpu.memory_space<vmem>>[vector<16xi32>], vector<16xf32>,
      %parallel_loop3A_84 = arith.constant 20480 : i32
      %parallel_loop3A_85 = vector.broadcast %parallel_loop3A_84 : i32 to vector<16xi32>
      %parallel_loop3A_86 = arith.addi %parallel_loop3A_64, %parallel_loop3A_85 : vector<16xi32>
      %parallel_loop3A_87 = tpu.vector_load_idx %arg6[%parallel_loop3A_86] : memref<40960xf32, #tpu.memory_space<vmem>>[vector<16xi32>], vector<16xf32>,
      %parallel_loop3A_88 = arith.constant 20480 : i32
      %parallel_loop3A_89 = vector.broadcast %parallel_loop3A_88 : i32 to vector<16xi32>
      %parallel_loop3A_90 = arith.addi %parallel_loop3A_69, %parallel_loop3A_89 : vector<16xi32>
      tpu.vector_store_idx %arg7[%parallel_loop3A_90], %parallel_loop3A_87 {add = true} : memref<40960xf32, #tpu.memory_space<vmem>>[vector<16xi32>], vector<16xf32>,
      %parallel_loop3A_91 = arith.constant 30720 : i32
      %parallel_loop3A_92 = vector.broadcast %parallel_loop3A_91 : i32 to vector<16xi32>
      %parallel_loop3A_93 = arith.addi %parallel_loop3A_64, %parallel_loop3A_92 : vector<16xi32>
      %parallel_loop3A_94 = tpu.vector_load_idx %arg6[%parallel_loop3A_93] : memref<40960xf32, #tpu.memory_space<vmem>>[vector<16xi32>], vector<16xf32>,
      %parallel_loop3A_95 = arith.constant 30720 : i32
      %parallel_loop3A_96 = vector.broadcast %parallel_loop3A_95 : i32 to vector<16xi32>
      %parallel_loop3A_97 = arith.addi %parallel_loop3A_69, %parallel_loop3A_96 : vector<16xi32>
      tpu.vector_store_idx %arg7[%parallel_loop3A_97], %parallel_loop3A_94 {add = true} : memref<40960xf32, #tpu.memory_space<vmem>>[vector<16xi32>], vector<16xf32>,
      %parallel_loop3A_98 = arith.constant 0 : i32
      %parallel_loop3A_99 = arith.index_cast %parallel_loop3A_21 : i32 to index
      %parallel_loop3A_100 = arith.index_cast %parallel_loop3A_98 : i32 to index
      %parallel_loop3A_101 = arith.constant 32 : index
      %parallel_loop3A_102 = tpu.vector_load %arg5[%parallel_loop3A_99, %parallel_loop3A_100, %parallel_loop3A_101] {strides = array<i32>} : memref<79x2x128xi32, #tpu.memory_space<vmem>>, vector<16xi32>,
      %parallel_loop3A_103 = arith.constant 1 : i32
      %parallel_loop3A_104 = arith.index_cast %parallel_loop3A_21 : i32 to index
      %parallel_loop3A_105 = arith.index_cast %parallel_loop3A_103 : i32 to index
      %parallel_loop3A_106 = arith.constant 32 : index
      %parallel_loop3A_107 = tpu.vector_load %arg5[%parallel_loop3A_104, %parallel_loop3A_105, %parallel_loop3A_106] {strides = array<i32>} : memref<79x2x128xi32, #tpu.memory_space<vmem>>, vector<16xi32>,
      %parallel_loop3A_108 = arith.constant 0 : i32
      %parallel_loop3A_109 = vector.broadcast %parallel_loop3A_108 : i32 to vector<16xi32>
      %parallel_loop3A_110 = arith.addi %parallel_loop3A_102, %parallel_loop3A_109 : vector<16xi32>
      %parallel_loop3A_111 = tpu.vector_load_idx %arg6[%parallel_loop3A_110] : memref<40960xf32, #tpu.memory_space<vmem>>[vector<16xi32>], vector<16xf32>,
      %parallel_loop3A_112 = arith.constant 0 : i32
      %parallel_loop3A_113 = vector.broadcast %parallel_loop3A_112 : i32 to vector<16xi32>
      %parallel_loop3A_114 = arith.addi %parallel_loop3A_107, %parallel_loop3A_113 : vector<16xi32>
      tpu.vector_store_idx %arg7[%parallel_loop3A_114], %parallel_loop3A_111 {add = true} : memref<40960xf32, #tpu.memory_space<vmem>>[vector<16xi32>], vector<16xf32>,
      %parallel_loop3A_115 = arith.constant 10240 : i32
      %parallel_loop3A_116 = vector.broadcast %parallel_loop3A_115 : i32 to vector<16xi32>
      %parallel_loop3A_117 = arith.addi %parallel_loop3A_102, %parallel_loop3A_116 : vector<16xi32>
      %parallel_loop3A_118 = tpu.vector_load_idx %arg6[%parallel_loop3A_117] : memref<40960xf32, #tpu.memory_space<vmem>>[vector<16xi32>], vector<16xf32>,
      %parallel_loop3A_119 = arith.constant 10240 : i32
      %parallel_loop3A_120 = vector.broadcast %parallel_loop3A_119 : i32 to vector<16xi32>
      %parallel_loop3A_121 = arith.addi %parallel_loop3A_107, %parallel_loop3A_120 : vector<16xi32>
      tpu.vector_store_idx %arg7[%parallel_loop3A_121], %parallel_loop3A_118 {add = true} : memref<40960xf32, #tpu.memory_space<vmem>>[vector<16xi32>], vector<16xf32>,
      %parallel_loop3A_122 = arith.constant 20480 : i32
      %parallel_loop3A_123 = vector.broadcast %parallel_loop3A_122 : i32 to vector<16xi32>
      %parallel_loop3A_124 = arith.addi %parallel_loop3A_102, %parallel_loop3A_123 : vector<16xi32>
      %parallel_loop3A_125 = tpu.vector_load_idx %arg6[%parallel_loop3A_124] : memref<40960xf32, #tpu.memory_space<vmem>>[vector<16xi32>], vector<16xf32>,
      %parallel_loop3A_126 = arith.constant 20480 : i32
      %parallel_loop3A_127 = vector.broadcast %parallel_loop3A_126 : i32 to vector<16xi32>
      %parallel_loop3A_128 = arith.addi %parallel_loop3A_107, %parallel_loop3A_127 : vector<16xi32>
      tpu.vector_store_idx %arg7[%parallel_loop3A_128], %parallel_loop3A_125 {add = true} : memref<40960xf32, #tpu.memory_space<vmem>>[vector<16xi32>], vector<16xf32>,
      %parallel_loop3A_129 = arith.constant 30720 : i32
      %parallel_loop3A_130 = vector.broadcast %parallel_loop3A_129 : i32 to vector<16xi32>
      %parallel_loop3A_131 = arith.addi %parallel_loop3A_102, %parallel_loop3A_130 : vector<16xi32>
      %parallel_loop3A_132 = tpu.vector_load_idx %arg6[%parallel_loop3A_131] : memref<40960xf32, #tpu.memory_space<vmem>>[vector<16xi32>], vector<16xf32>,
      %parallel_loop3A_133 = arith.constant 30720 : i32
      %parallel_loop3A_134 = vector.broadcast %parallel_loop3A_133 : i32 to vector<16xi32>
      %parallel_loop3A_135 = arith.addi %parallel_loop3A_107, %parallel_loop3A_134 : vector<16xi32>
      tpu.vector_store_idx %arg7[%parallel_loop3A_135], %parallel_loop3A_132 {add = true} : memref<40960xf32, #tpu.memory_space<vmem>>[vector<16xi32>], vector<16xf32>,
      %parallel_loop3A_136 = arith.constant 0 : i32
      %parallel_loop3A_137 = arith.index_cast %parallel_loop3A_21 : i32 to index
      %parallel_loop3A_138 = arith.index_cast %parallel_loop3A_136 : i32 to index
      %parallel_loop3A_139 = arith.constant 48 : index
      %parallel_loop3A_140 = tpu.vector_load %arg5[%parallel_loop3A_137, %parallel_loop3A_138, %parallel_loop3A_139] {strides = array<i32>} : memref<79x2x128xi32, #tpu.memory_space<vmem>>, vector<16xi32>,
      %parallel_loop3A_141 = arith.constant 1 : i32
      %parallel_loop3A_142 = arith.index_cast %parallel_loop3A_21 : i32 to index
      %parallel_loop3A_143 = arith.index_cast %parallel_loop3A_141 : i32 to index
      %parallel_loop3A_144 = arith.constant 48 : index
      %parallel_loop3A_145 = tpu.vector_load %arg5[%parallel_loop3A_142, %parallel_loop3A_143, %parallel_loop3A_144] {strides = array<i32>} : memref<79x2x128xi32, #tpu.memory_space<vmem>>, vector<16xi32>,
      %parallel_loop3A_146 = arith.constant 0 : i32
      %parallel_loop3A_147 = vector.broadcast %parallel_loop3A_146 : i32 to vector<16xi32>
      %parallel_loop3A_148 = arith.addi %parallel_loop3A_140, %parallel_loop3A_147 : vector<16xi32>
      %parallel_loop3A_149 = tpu.vector_load_idx %arg6[%parallel_loop3A_148] : memref<40960xf32, #tpu.memory_space<vmem>>[vector<16xi32>], vector<16xf32>,
      %parallel_loop3A_150 = arith.constant 0 : i32
      %parallel_loop3A_151 = vector.broadcast %parallel_loop3A_150 : i32 to vector<16xi32>
      %parallel_loop3A_152 = arith.addi %parallel_loop3A_145, %parallel_loop3A_151 : vector<16xi32>
      tpu.vector_store_idx %arg7[%parallel_loop3A_152], %parallel_loop3A_149 {add = true} : memref<40960xf32, #tpu.memory_space<vmem>>[vector<16xi32>], vector<16xf32>,
      %parallel_loop3A_153 = arith.constant 10240 : i32
      %parallel_loop3A_154 = vector.broadcast %parallel_loop3A_153 : i32 to vector<16xi32>
      %parallel_loop3A_155 = arith.addi %parallel_loop3A_140, %parallel_loop3A_154 : vector<16xi32>
      %parallel_loop3A_156 = tpu.vector_load_idx %arg6[%parallel_loop3A_155] : memref<40960xf32, #tpu.memory_space<vmem>>[vector<16xi32>], vector<16xf32>,
      %parallel_loop3A_157 = arith.constant 10240 : i32
      %parallel_loop3A_158 = vector.broadcast %parallel_loop3A_157 : i32 to vector<16xi32>
      %parallel_loop3A_159 = arith.addi %parallel_loop3A_145, %parallel_loop3A_158 : vector<16xi32>
      tpu.vector_store_idx %arg7[%parallel_loop3A_159], %parallel_loop3A_156 {add = true} : memref<40960xf32, #tpu.memory_space<vmem>>[vector<16xi32>], vector<16xf32>,
      %parallel_loop3A_160 = arith.constant 20480 : i32
      %parallel_loop3A_161 = vector.broadcast %parallel_loop3A_160 : i32 to vector<16xi32>
      %parallel_loop3A_162 = arith.addi %parallel_loop3A_140, %parallel_loop3A_161 : vector<16xi32>
      %parallel_loop3A_163 = tpu.vector_load_idx %arg6[%parallel_loop3A_162] : memref<40960xf32, #tpu.memory_space<vmem>>[vector<16xi32>], vector<16xf32>,
      %parallel_loop3A_164 = arith.constant 20480 : i32
      %parallel_loop3A_165 = vector.broadcast %parallel_loop3A_164 : i32 to vector<16xi32>
      %parallel_loop3A_166 = arith.addi %parallel_loop3A_145, %parallel_loop3A_165 : vector<16xi32>
      tpu.vector_store_idx %arg7[%parallel_loop3A_166], %parallel_loop3A_163 {add = true} : memref<40960xf32, #tpu.memory_space<vmem>>[vector<16xi32>], vector<16xf32>,
      %parallel_loop3A_167 = arith.constant 30720 : i32
      %parallel_loop3A_168 = vector.broadcast %parallel_loop3A_167 : i32 to vector<16xi32>
      %parallel_loop3A_169 = arith.addi %parallel_loop3A_140, %parallel_loop3A_168 : vector<16xi32>
      %parallel_loop3A_170 = tpu.vector_load_idx %arg6[%parallel_loop3A_169] : memref<40960xf32, #tpu.memory_space<vmem>>[vector<16xi32>], vector<16xf32>,
      %parallel_loop3A_171 = arith.constant 30720 : i32
      %parallel_loop3A_172 = vector.broadcast %parallel_loop3A_171 : i32 to vector<16xi32>
      %parallel_loop3A_173 = arith.addi %parallel_loop3A_145, %parallel_loop3A_172 : vector<16xi32>
      tpu.vector_store_idx %arg7[%parallel_loop3A_173], %parallel_loop3A_170 {add = true} : memref<40960xf32, #tpu.memory_space<vmem>>[vector<16xi32>], vector<16xf32>,
      %parallel_loop3A_174 = arith.constant 0 : i32
      %parallel_loop3A_175 = arith.index_cast %parallel_loop3A_21 : i32 to index
      %parallel_loop3A_176 = arith.index_cast %parallel_loop3A_174 : i32 to index
      %parallel_loop3A_177 = arith.constant 64 : index
      %parallel_loop3A_178 = tpu.vector_load %arg5[%parallel_loop3A_175, %parallel_loop3A_176, %parallel_loop3A_177] {strides = array<i32>} : memref<79x2x128xi32, #tpu.memory_space<vmem>>, vector<16xi32>,
      %parallel_loop3A_179 = arith.constant 1 : i32
      %parallel_loop3A_180 = arith.index_cast %parallel_loop3A_21 : i32 to index
      %parallel_loop3A_181 = arith.index_cast %parallel_loop3A_179 : i32 to index
      %parallel_loop3A_182 = arith.constant 64 : index
      %parallel_loop3A_183 = tpu.vector_load %arg5[%parallel_loop3A_180, %parallel_loop3A_181, %parallel_loop3A_182] {strides = array<i32>} : memref<79x2x128xi32, #tpu.memory_space<vmem>>, vector<16xi32>,
      %parallel_loop3A_184 = arith.constant 0 : i32
      %parallel_loop3A_185 = vector.broadcast %parallel_loop3A_184 : i32 to vector<16xi32>
      %parallel_loop3A_186 = arith.addi %parallel_loop3A_178, %parallel_loop3A_185 : vector<16xi32>
      %parallel_loop3A_187 = tpu.vector_load_idx %arg6[%parallel_loop3A_186] : memref<40960xf32, #tpu.memory_space<vmem>>[vector<16xi32>], vector<16xf32>,
      %parallel_loop3A_188 = arith.constant 0 : i32
      %parallel_loop3A_189 = vector.broadcast %parallel_loop3A_188 : i32 to vector<16xi32>
      %parallel_loop3A_190 = arith.addi %parallel_loop3A_183, %parallel_loop3A_189 : vector<16xi32>
      tpu.vector_store_idx %arg7[%parallel_loop3A_190], %parallel_loop3A_187 {add = true} : memref<40960xf32, #tpu.memory_space<vmem>>[vector<16xi32>], vector<16xf32>,
      %parallel_loop3A_191 = arith.constant 10240 : i32
      %parallel_loop3A_192 = vector.broadcast %parallel_loop3A_191 : i32 to vector<16xi32>
      %parallel_loop3A_193 = arith.addi %parallel_loop3A_178, %parallel_loop3A_192 : vector<16xi32>
      %parallel_loop3A_194 = tpu.vector_load_idx %arg6[%parallel_loop3A_193] : memref<40960xf32, #tpu.memory_space<vmem>>[vector<16xi32>], vector<16xf32>,
      %parallel_loop3A_195 = arith.constant 10240 : i32
      %parallel_loop3A_196 = vector.broadcast %parallel_loop3A_195 : i32 to vector<16xi32>
      %parallel_loop3A_197 = arith.addi %parallel_loop3A_183, %parallel_loop3A_196 : vector<16xi32>
      tpu.vector_store_idx %arg7[%parallel_loop3A_197], %parallel_loop3A_194 {add = true} : memref<40960xf32, #tpu.memory_space<vmem>>[vector<16xi32>], vector<16xf32>,
      %parallel_loop3A_198 = arith.constant 20480 : i32
      %parallel_loop3A_199 = vector.broadcast %parallel_loop3A_198 : i32 to vector<16xi32>
      %parallel_loop3A_200 = arith.addi %parallel_loop3A_178, %parallel_loop3A_199 : vector<16xi32>
      %parallel_loop3A_201 = tpu.vector_load_idx %arg6[%parallel_loop3A_200] : memref<40960xf32, #tpu.memory_space<vmem>>[vector<16xi32>], vector<16xf32>,
      %parallel_loop3A_202 = arith.constant 20480 : i32
      %parallel_loop3A_203 = vector.broadcast %parallel_loop3A_202 : i32 to vector<16xi32>
      %parallel_loop3A_204 = arith.addi %parallel_loop3A_183, %parallel_loop3A_203 : vector<16xi32>
      tpu.vector_store_idx %arg7[%parallel_loop3A_204], %parallel_loop3A_201 {add = true} : memref<40960xf32, #tpu.memory_space<vmem>>[vector<16xi32>], vector<16xf32>,
      %parallel_loop3A_205 = arith.constant 30720 : i32
      %parallel_loop3A_206 = vector.broadcast %parallel_loop3A_205 : i32 to vector<16xi32>
      %parallel_loop3A_207 = arith.addi %parallel_loop3A_178, %parallel_loop3A_206 : vector<16xi32>
      %parallel_loop3A_208 = tpu.vector_load_idx %arg6[%parallel_loop3A_207] : memref<40960xf32, #tpu.memory_space<vmem>>[vector<16xi32>], vector<16xf32>,
      %parallel_loop3A_209 = arith.constant 30720 : i32
      %parallel_loop3A_210 = vector.broadcast %parallel_loop3A_209 : i32 to vector<16xi32>
      %parallel_loop3A_211 = arith.addi %parallel_loop3A_183, %parallel_loop3A_210 : vector<16xi32>
      tpu.vector_store_idx %arg7[%parallel_loop3A_211], %parallel_loop3A_208 {add = true} : memref<40960xf32, #tpu.memory_space<vmem>>[vector<16xi32>], vector<16xf32>,
      %parallel_loop3A_212 = arith.constant 0 : i32
      %parallel_loop3A_213 = arith.index_cast %parallel_loop3A_21 : i32 to index
      %parallel_loop3A_214 = arith.index_cast %parallel_loop3A_212 : i32 to index
      %parallel_loop3A_215 = arith.constant 80 : index
      %parallel_loop3A_216 = tpu.vector_load %arg5[%parallel_loop3A_213, %parallel_loop3A_214, %parallel_loop3A_215] {strides = array<i32>} : memref<79x2x128xi32, #tpu.memory_space<vmem>>, vector<16xi32>,
      %parallel_loop3A_217 = arith.constant 1 : i32
      %parallel_loop3A_218 = arith.index_cast %parallel_loop3A_21 : i32 to index
      %parallel_loop3A_219 = arith.index_cast %parallel_loop3A_217 : i32 to index
      %parallel_loop3A_220 = arith.constant 80 : index
      %parallel_loop3A_221 = tpu.vector_load %arg5[%parallel_loop3A_218, %parallel_loop3A_219, %parallel_loop3A_220] {strides = array<i32>} : memref<79x2x128xi32, #tpu.memory_space<vmem>>, vector<16xi32>,
      %parallel_loop3A_222 = arith.constant 0 : i32
      %parallel_loop3A_223 = vector.broadcast %parallel_loop3A_222 : i32 to vector<16xi32>
      %parallel_loop3A_224 = arith.addi %parallel_loop3A_216, %parallel_loop3A_223 : vector<16xi32>
      %parallel_loop3A_225 = tpu.vector_load_idx %arg6[%parallel_loop3A_224] : memref<40960xf32, #tpu.memory_space<vmem>>[vector<16xi32>], vector<16xf32>,
      %parallel_loop3A_226 = arith.constant 0 : i32
      %parallel_loop3A_227 = vector.broadcast %parallel_loop3A_226 : i32 to vector<16xi32>
      %parallel_loop3A_228 = arith.addi %parallel_loop3A_221, %parallel_loop3A_227 : vector<16xi32>
      tpu.vector_store_idx %arg7[%parallel_loop3A_228], %parallel_loop3A_225 {add = true} : memref<40960xf32, #tpu.memory_space<vmem>>[vector<16xi32>], vector<16xf32>,
      %parallel_loop3A_229 = arith.constant 10240 : i32
      %parallel_loop3A_230 = vector.broadcast %parallel_loop3A_229 : i32 to vector<16xi32>
      %parallel_loop3A_231 = arith.addi %parallel_loop3A_216, %parallel_loop3A_230 : vector<16xi32>
      %parallel_loop3A_232 = tpu.vector_load_idx %arg6[%parallel_loop3A_231] : memref<40960xf32, #tpu.memory_space<vmem>>[vector<16xi32>], vector<16xf32>,
      %parallel_loop3A_233 = arith.constant 10240 : i32
      %parallel_loop3A_234 = vector.broadcast %parallel_loop3A_233 : i32 to vector<16xi32>
      %parallel_loop3A_235 = arith.addi %parallel_loop3A_221, %parallel_loop3A_234 : vector<16xi32>
      tpu.vector_store_idx %arg7[%parallel_loop3A_235], %parallel_loop3A_232 {add = true} : memref<40960xf32, #tpu.memory_space<vmem>>[vector<16xi32>], vector<16xf32>,
      %parallel_loop3A_236 = arith.constant 20480 : i32
      %parallel_loop3A_237 = vector.broadcast %parallel_loop3A_236 : i32 to vector<16xi32>
      %parallel_loop3A_238 = arith.addi %parallel_loop3A_216, %parallel_loop3A_237 : vector<16xi32>
      %parallel_loop3A_239 = tpu.vector_load_idx %arg6[%parallel_loop3A_238] : memref<40960xf32, #tpu.memory_space<vmem>>[vector<16xi32>], vector<16xf32>,
      %parallel_loop3A_240 = arith.constant 20480 : i32
      %parallel_loop3A_241 = vector.broadcast %parallel_loop3A_240 : i32 to vector<16xi32>
      %parallel_loop3A_242 = arith.addi %parallel_loop3A_221, %parallel_loop3A_241 : vector<16xi32>
      tpu.vector_store_idx %arg7[%parallel_loop3A_242], %parallel_loop3A_239 {add = true} : memref<40960xf32, #tpu.memory_space<vmem>>[vector<16xi32>], vector<16xf32>,
      %parallel_loop3A_243 = arith.constant 30720 : i32
      %parallel_loop3A_244 = vector.broadcast %parallel_loop3A_243 : i32 to vector<16xi32>
      %parallel_loop3A_245 = arith.addi %parallel_loop3A_216, %parallel_loop3A_244 : vector<16xi32>
      %parallel_loop3A_246 = tpu.vector_load_idx %arg6[%parallel_loop3A_245] : memref<40960xf32, #tpu.memory_space<vmem>>[vector<16xi32>], vector<16xf32>,
      %parallel_loop3A_247 = arith.constant 30720 : i32
      %parallel_loop3A_248 = vector.broadcast %parallel_loop3A_247 : i32 to vector<16xi32>
      %parallel_loop3A_249 = arith.addi %parallel_loop3A_221, %parallel_loop3A_248 : vector<16xi32>
      tpu.vector_store_idx %arg7[%parallel_loop3A_249], %parallel_loop3A_246 {add = true} : memref<40960xf32, #tpu.memory_space<vmem>>[vector<16xi32>], vector<16xf32>,
      %parallel_loop3A_250 = arith.constant 0 : i32
      %parallel_loop3A_251 = arith.index_cast %parallel_loop3A_21 : i32 to index
      %parallel_loop3A_252 = arith.index_cast %parallel_loop3A_250 : i32 to index
      %parallel_loop3A_253 = arith.constant 96 : index
      %parallel_loop3A_254 = tpu.vector_load %arg5[%parallel_loop3A_251, %parallel_loop3A_252, %parallel_loop3A_253] {strides = array<i32>} : memref<79x2x128xi32, #tpu.memory_space<vmem>>, vector<16xi32>,
      %parallel_loop3A_255 = arith.constant 1 : i32
      %parallel_loop3A_256 = arith.index_cast %parallel_loop3A_21 : i32 to index
      %parallel_loop3A_257 = arith.index_cast %parallel_loop3A_255 : i32 to index
      %parallel_loop3A_258 = arith.constant 96 : index
      %parallel_loop3A_259 = tpu.vector_load %arg5[%parallel_loop3A_256, %parallel_loop3A_257, %parallel_loop3A_258] {strides = array<i32>} : memref<79x2x128xi32, #tpu.memory_space<vmem>>, vector<16xi32>,
      %parallel_loop3A_260 = arith.constant 0 : i32
      %parallel_loop3A_261 = vector.broadcast %parallel_loop3A_260 : i32 to vector<16xi32>
      %parallel_loop3A_262 = arith.addi %parallel_loop3A_254, %parallel_loop3A_261 : vector<16xi32>
      %parallel_loop3A_263 = tpu.vector_load_idx %arg6[%parallel_loop3A_262] : memref<40960xf32, #tpu.memory_space<vmem>>[vector<16xi32>], vector<16xf32>,
      %parallel_loop3A_264 = arith.constant 0 : i32
      %parallel_loop3A_265 = vector.broadcast %parallel_loop3A_264 : i32 to vector<16xi32>
      %parallel_loop3A_266 = arith.addi %parallel_loop3A_259, %parallel_loop3A_265 : vector<16xi32>
      tpu.vector_store_idx %arg7[%parallel_loop3A_266], %parallel_loop3A_263 {add = true} : memref<40960xf32, #tpu.memory_space<vmem>>[vector<16xi32>], vector<16xf32>,
      %parallel_loop3A_267 = arith.constant 10240 : i32
      %parallel_loop3A_268 = vector.broadcast %parallel_loop3A_267 : i32 to vector<16xi32>
      %parallel_loop3A_269 = arith.addi %parallel_loop3A_254, %parallel_loop3A_268 : vector<16xi32>
      %parallel_loop3A_270 = tpu.vector_load_idx %arg6[%parallel_loop3A_269] : memref<40960xf32, #tpu.memory_space<vmem>>[vector<16xi32>], vector<16xf32>,
      %parallel_loop3A_271 = arith.constant 10240 : i32
      %parallel_loop3A_272 = vector.broadcast %parallel_loop3A_271 : i32 to vector<16xi32>
      %parallel_loop3A_273 = arith.addi %parallel_loop3A_259, %parallel_loop3A_272 : vector<16xi32>
      tpu.vector_store_idx %arg7[%parallel_loop3A_273], %parallel_loop3A_270 {add = true} : memref<40960xf32, #tpu.memory_space<vmem>>[vector<16xi32>], vector<16xf32>,
      %parallel_loop3A_274 = arith.constant 20480 : i32
      %parallel_loop3A_275 = vector.broadcast %parallel_loop3A_274 : i32 to vector<16xi32>
      %parallel_loop3A_276 = arith.addi %parallel_loop3A_254, %parallel_loop3A_275 : vector<16xi32>
      %parallel_loop3A_277 = tpu.vector_load_idx %arg6[%parallel_loop3A_276] : memref<40960xf32, #tpu.memory_space<vmem>>[vector<16xi32>], vector<16xf32>,
      %parallel_loop3A_278 = arith.constant 20480 : i32
      %parallel_loop3A_279 = vector.broadcast %parallel_loop3A_278 : i32 to vector<16xi32>
      %parallel_loop3A_280 = arith.addi %parallel_loop3A_259, %parallel_loop3A_279 : vector<16xi32>
      tpu.vector_store_idx %arg7[%parallel_loop3A_280], %parallel_loop3A_277 {add = true} : memref<40960xf32, #tpu.memory_space<vmem>>[vector<16xi32>], vector<16xf32>,
      %parallel_loop3A_281 = arith.constant 30720 : i32
      %parallel_loop3A_282 = vector.broadcast %parallel_loop3A_281 : i32 to vector<16xi32>
      %parallel_loop3A_283 = arith.addi %parallel_loop3A_254, %parallel_loop3A_282 : vector<16xi32>
      %parallel_loop3A_284 = tpu.vector_load_idx %arg6[%parallel_loop3A_283] : memref<40960xf32, #tpu.memory_space<vmem>>[vector<16xi32>], vector<16xf32>,
      %parallel_loop3A_285 = arith.constant 30720 : i32
      %parallel_loop3A_286 = vector.broadcast %parallel_loop3A_285 : i32 to vector<16xi32>
      %parallel_loop3A_287 = arith.addi %parallel_loop3A_259, %parallel_loop3A_286 : vector<16xi32>
      tpu.vector_store_idx %arg7[%parallel_loop3A_287], %parallel_loop3A_284 {add = true} : memref<40960xf32, #tpu.memory_space<vmem>>[vector<16xi32>], vector<16xf32>,
      %parallel_loop3A_288 = arith.constant 0 : i32
      %parallel_loop3A_289 = arith.index_cast %parallel_loop3A_21 : i32 to index
      %parallel_loop3A_290 = arith.index_cast %parallel_loop3A_288 : i32 to index
      %parallel_loop3A_291 = arith.constant 112 : index
      %parallel_loop3A_292 = tpu.vector_load %arg5[%parallel_loop3A_289, %parallel_loop3A_290, %parallel_loop3A_291] {strides = array<i32>} : memref<79x2x128xi32, #tpu.memory_space<vmem>>, vector<16xi32>,
      %parallel_loop3A_293 = arith.constant 1 : i32
      %parallel_loop3A_294 = arith.index_cast %parallel_loop3A_21 : i32 to index
      %parallel_loop3A_295 = arith.index_cast %parallel_loop3A_293 : i32 to index
      %parallel_loop3A_296 = arith.constant 112 : index
      %parallel_loop3A_297 = tpu.vector_load %arg5[%parallel_loop3A_294, %parallel_loop3A_295, %parallel_loop3A_296] {strides = array<i32>} : memref<79x2x128xi32, #tpu.memory_space<vmem>>, vector<16xi32>,
      %parallel_loop3A_298 = arith.constant 0 : i32
      %parallel_loop3A_299 = vector.broadcast %parallel_loop3A_298 : i32 to vector<16xi32>
      %parallel_loop3A_300 = arith.addi %parallel_loop3A_292, %parallel_loop3A_299 : vector<16xi32>
      %parallel_loop3A_301 = tpu.vector_load_idx %arg6[%parallel_loop3A_300] : memref<40960xf32, #tpu.memory_space<vmem>>[vector<16xi32>], vector<16xf32>,
      %parallel_loop3A_302 = arith.constant 0 : i32
      %parallel_loop3A_303 = vector.broadcast %parallel_loop3A_302 : i32 to vector<16xi32>
      %parallel_loop3A_304 = arith.addi %parallel_loop3A_297, %parallel_loop3A_303 : vector<16xi32>
      tpu.vector_store_idx %arg7[%parallel_loop3A_304], %parallel_loop3A_301 {add = true} : memref<40960xf32, #tpu.memory_space<vmem>>[vector<16xi32>], vector<16xf32>,
      %parallel_loop3A_305 = arith.constant 10240 : i32
      %parallel_loop3A_306 = vector.broadcast %parallel_loop3A_305 : i32 to vector<16xi32>
      %parallel_loop3A_307 = arith.addi %parallel_loop3A_292, %parallel_loop3A_306 : vector<16xi32>
      %parallel_loop3A_308 = tpu.vector_load_idx %arg6[%parallel_loop3A_307] : memref<40960xf32, #tpu.memory_space<vmem>>[vector<16xi32>], vector<16xf32>,
      %parallel_loop3A_309 = arith.constant 10240 : i32
      %parallel_loop3A_310 = vector.broadcast %parallel_loop3A_309 : i32 to vector<16xi32>
      %parallel_loop3A_311 = arith.addi %parallel_loop3A_297, %parallel_loop3A_310 : vector<16xi32>
      tpu.vector_store_idx %arg7[%parallel_loop3A_311], %parallel_loop3A_308 {add = true} : memref<40960xf32, #tpu.memory_space<vmem>>[vector<16xi32>], vector<16xf32>,
      %parallel_loop3A_312 = arith.constant 20480 : i32
      %parallel_loop3A_313 = vector.broadcast %parallel_loop3A_312 : i32 to vector<16xi32>
      %parallel_loop3A_314 = arith.addi %parallel_loop3A_292, %parallel_loop3A_313 : vector<16xi32>
      %parallel_loop3A_315 = tpu.vector_load_idx %arg6[%parallel_loop3A_314] : memref<40960xf32, #tpu.memory_space<vmem>>[vector<16xi32>], vector<16xf32>,
      %parallel_loop3A_316 = arith.constant 20480 : i32
      %parallel_loop3A_317 = vector.broadcast %parallel_loop3A_316 : i32 to vector<16xi32>
      %parallel_loop3A_318 = arith.addi %parallel_loop3A_297, %parallel_loop3A_317 : vector<16xi32>
      tpu.vector_store_idx %arg7[%parallel_loop3A_318], %parallel_loop3A_315 {add = true} : memref<40960xf32, #tpu.memory_space<vmem>>[vector<16xi32>], vector<16xf32>,
      %parallel_loop3A_319 = arith.constant 30720 : i32
      %parallel_loop3A_320 = vector.broadcast %parallel_loop3A_319 : i32 to vector<16xi32>
      %parallel_loop3A_321 = arith.addi %parallel_loop3A_292, %parallel_loop3A_320 : vector<16xi32>
      %parallel_loop3A_322 = tpu.vector_load_idx %arg6[%parallel_loop3A_321] : memref<40960xf32, #tpu.memory_space<vmem>>[vector<16xi32>], vector<16xf32>,
      %parallel_loop3A_323 = arith.constant 30720 : i32
      %parallel_loop3A_324 = vector.broadcast %parallel_loop3A_323 : i32 to vector<16xi32>
      %parallel_loop3A_325 = arith.addi %parallel_loop3A_297, %parallel_loop3A_324 : vector<16xi32>
      tpu.vector_store_idx %arg7[%parallel_loop3A_325], %parallel_loop3A_322 {add = true} : memref<40960xf32, #tpu.memory_space<vmem>>[vector<16xi32>], vector<16xf32>,
    } {sc.loop_unroll_factor = 2 : i64, sc.parallel_access}
    "tpu.region"() ({
      %run_scoped3A_21 = tpu.sem_alloc : memref<!tpu.dma_semaphore, #tpu.memory_space<semaphore_mem>>
      %dma_start3A = arith.constant 0 : i32
      %dma_start3A_22 = tpu.memref_slice %arg4[%add3A, %dma_start3A] : memref<32x40960xf32, #tpu.memory_space<hbm>> -> memref<1x40960xf32, #tpu.memory_space<hbm>>
      %dma_start3A_23 = tpu.memref_squeeze %dma_start3A_22 : memref<1x40960xf32, #tpu.memory_space<hbm>> -> memref<40960xf32, #tpu.memory_space<hbm>>
      %dma_start3A_24 = arith.constant 0 : i32
      %dma_start3A_25 = tpu.memref_slice %arg4[%add3A, %dma_start3A_24] : memref<32x40960xf32, #tpu.memory_space<hbm>> -> memref<1x40960xf32, #tpu.memory_space<hbm>>
      %dma_start3A_26 = tpu.memref_squeeze %dma_start3A_25 : memref<1x40960xf32, #tpu.memory_space<hbm>> -> memref<40960xf32, #tpu.memory_space<hbm>>
      tpu.enqueue_dma source(%arg7 : memref<40960xf32, #tpu.memory_space<vmem>>) target(%dma_start3A_26 : memref<40960xf32, #tpu.memory_space<hbm>>) target_semaphore(%run_scoped3A_21 : memref<!tpu.dma_semaphore, #tpu.memory_space<semaphore_mem>>)
      %dma_wait3A = arith.constant 0 : i32
      %dma_wait3A_27 = tpu.memref_slice %arg4[%add3A, %dma_wait3A] : memref<32x40960xf32, #tpu.memory_space<hbm>> -> memref<1x40960xf32, #tpu.memory_space<hbm>>
      %dma_wait3A_28 = tpu.memref_squeeze %dma_wait3A_27 : memref<1x40960xf32, #tpu.memory_space<hbm>> -> memref<40960xf32, #tpu.memory_space<hbm>>
      %dma_wait3A_29 = arith.constant 0 : i32
      %dma_wait3A_30 = tpu.memref_slice %arg4[%add3A, %dma_wait3A_29] : memref<32x40960xf32, #tpu.memory_space<hbm>> -> memref<1x40960xf32, #tpu.memory_space<hbm>>
      %dma_wait3A_31 = tpu.memref_squeeze %dma_wait3A_30 : memref<1x40960xf32, #tpu.memory_space<hbm>> -> memref<40960xf32, #tpu.memory_space<hbm>>
      tpu.wait_dma2 semaphore(%run_scoped3A_21 : memref<!tpu.dma_semaphore, #tpu.memory_space<semaphore_mem>>) src(%arg7 : memref<40960xf32, #tpu.memory_space<vmem>>) dst(%dma_wait3A_31 : memref<40960xf32, #tpu.memory_space<hbm>>)
      tpu.yield
    }) : () -> ()
    return
  }
}

#map = affine_map<(d0, d1) -> (0, 0, 0)>
#map1 = affine_map<(d0, d1) -> (0, 0)>
module attributes {stable_mosaic.version = 14 : i64} {
  func.func @_deg_kernel(%arg0: i32, %arg1: i32, %arg2: memref<2500x2x128xi32, #tpu.memory_space<hbm>>, %arg3: memref<32x10240xf32, #tpu.memory_space<hbm>>, %arg4: memref<79x2x128xi32, #tpu.memory_space<vmem>>, %arg5: memref<10240xf32, #tpu.memory_space<vmem>>) attributes {dimension_semantics = [#tpu.dimension_semantics<core_parallel>, #tpu.dimension_semantics<subcore_parallel>], iteration_bounds = array<i64: 2, 16>, scalar_prefetch = 0 : i64, scratch_operands = 2 : i64, tpu.core_type = #tpu.core_type<sc_vector_subcore>, window_params = [{transform_indices = #map}, {transform_indices = #map1}]} {
    %mul3A = arith.constant 2 : i32
    %mul3A_0 = arith.muli %arg1, %mul3A : i32
    %add3A = arith.addi %mul3A_0, %arg0 : i32
    %mul3A_1 = arith.constant 78 : i32
    %mul3A_2 = arith.muli %add3A, %mul3A_1 : i32
    %min3A = arith.constant 4 : i32
    %min3A_3 = arith.minsi %add3A, %min3A : i32
    %add3A_4 = arith.addi %mul3A_2, %min3A_3 : i32
    %lt3A = arith.constant 4 : i32
    %lt3A_5 = arith.cmpi slt, %add3A, %lt3A : i32
    %jit3A = arith.constant 1 : i32
    %jit3A_6 = arith.constant 0 : i32
    %select_n3A = arith.select %lt3A_5, %jit3A, %jit3A_6 : i32
    %add3A_7 = arith.constant 78 : i32
    %add3A_8 = arith.addi %add3A_7, %select_n3A : i32
    "tpu.region"() ({
      %run_scoped3A = tpu.sem_alloc : memref<!tpu.dma_semaphore, #tpu.memory_space<semaphore_mem>>
      %dma_start3A = arith.constant 0 : i32
      %dma_start3A_20 = arith.constant 0 : i32
      %dma_start3A_21 = arith.constant 0 : i32
      %dma_start3A_22 = tpu.memref_slice %arg4[%dma_start3A, %dma_start3A_20, %dma_start3A_21] : memref<79x2x128xi32, #tpu.memory_space<vmem>> -> memref<78x2x128xi32, #tpu.memory_space<vmem>>
      %dma_start3A_23 = arith.constant 0 : i32
      %dma_start3A_24 = arith.constant 0 : i32
      %dma_start3A_25 = tpu.memref_slice %arg2[%add3A_4, %dma_start3A_23, %dma_start3A_24] : memref<2500x2x128xi32, #tpu.memory_space<hbm>> -> memref<78x2x128xi32, #tpu.memory_space<hbm>>
      %dma_start3A_26 = arith.constant 0 : i32
      %dma_start3A_27 = arith.constant 0 : i32
      %dma_start3A_28 = arith.constant 0 : i32
      %dma_start3A_29 = tpu.memref_slice %arg4[%dma_start3A_26, %dma_start3A_27, %dma_start3A_28] : memref<79x2x128xi32, #tpu.memory_space<vmem>> -> memref<78x2x128xi32, #tpu.memory_space<vmem>>
      %dma_start3A_30 = arith.constant 0 : i32
      %dma_start3A_31 = arith.constant 0 : i32
      %dma_start3A_32 = tpu.memref_slice %arg2[%add3A_4, %dma_start3A_30, %dma_start3A_31] : memref<2500x2x128xi32, #tpu.memory_space<hbm>> -> memref<78x2x128xi32, #tpu.memory_space<hbm>>
      tpu.enqueue_dma source(%dma_start3A_32 : memref<78x2x128xi32, #tpu.memory_space<hbm>>) target(%dma_start3A_29 : memref<78x2x128xi32, #tpu.memory_space<vmem>>) target_semaphore(%run_scoped3A : memref<!tpu.dma_semaphore, #tpu.memory_space<semaphore_mem>>)
      %dma_wait3A = arith.constant 0 : i32
      %dma_wait3A_33 = arith.constant 0 : i32
      %dma_wait3A_34 = arith.constant 0 : i32
      %dma_wait3A_35 = tpu.memref_slice %arg4[%dma_wait3A, %dma_wait3A_33, %dma_wait3A_34] : memref<79x2x128xi32, #tpu.memory_space<vmem>> -> memref<78x2x128xi32, #tpu.memory_space<vmem>>
      %dma_wait3A_36 = arith.constant 0 : i32
      %dma_wait3A_37 = arith.constant 0 : i32
      %dma_wait3A_38 = tpu.memref_slice %arg2[%add3A_4, %dma_wait3A_36, %dma_wait3A_37] : memref<2500x2x128xi32, #tpu.memory_space<hbm>> -> memref<78x2x128xi32, #tpu.memory_space<hbm>>
      %dma_wait3A_39 = arith.constant 0 : i32
      %dma_wait3A_40 = arith.constant 0 : i32
      %dma_wait3A_41 = arith.constant 0 : i32
      %dma_wait3A_42 = tpu.memref_slice %arg4[%dma_wait3A_39, %dma_wait3A_40, %dma_wait3A_41] : memref<79x2x128xi32, #tpu.memory_space<vmem>> -> memref<78x2x128xi32, #tpu.memory_space<vmem>>
      %dma_wait3A_43 = arith.constant 0 : i32
      %dma_wait3A_44 = arith.constant 0 : i32
      %dma_wait3A_45 = tpu.memref_slice %arg2[%add3A_4, %dma_wait3A_43, %dma_wait3A_44] : memref<2500x2x128xi32, #tpu.memory_space<hbm>> -> memref<78x2x128xi32, #tpu.memory_space<hbm>>
      tpu.wait_dma2 semaphore(%run_scoped3A : memref<!tpu.dma_semaphore, #tpu.memory_space<semaphore_mem>>) src(%dma_wait3A_45 : memref<78x2x128xi32, #tpu.memory_space<hbm>>) dst(%dma_wait3A_42 : memref<78x2x128xi32, #tpu.memory_space<vmem>>)
      tpu.yield
    }) : () -> ()
    %lt3A_9 = arith.constant 4 : i32
    %lt3A_10 = arith.cmpi slt, %add3A, %lt3A_9 : i32
    %convert_element_type3A = arith.extui %lt3A_10 : i1 to i32
    %cond3A = arith.constant 0 : i32
    %cond3A_11 = arith.cmpi ne, %convert_element_type3A, %cond3A : i32
    scf.if %cond3A_11 {
      %add3A_20 = arith.constant 78 : i32
      %add3A_21 = arith.addi %add3A_4, %add3A_20 : i32
      "tpu.region"() ({
        %run_scoped3A = tpu.sem_alloc : memref<!tpu.dma_semaphore, #tpu.memory_space<semaphore_mem>>
        %dma_start3A = arith.constant 78 : i32
        %dma_start3A_22 = arith.constant 0 : i32
        %dma_start3A_23 = arith.constant 0 : i32
        %dma_start3A_24 = tpu.memref_slice %arg4[%dma_start3A, %dma_start3A_22, %dma_start3A_23] : memref<79x2x128xi32, #tpu.memory_space<vmem>> -> memref<1x2x128xi32, #tpu.memory_space<vmem>>
        %dma_start3A_25 = arith.constant 0 : i32
        %dma_start3A_26 = arith.constant 0 : i32
        %dma_start3A_27 = tpu.memref_slice %arg2[%add3A_21, %dma_start3A_25, %dma_start3A_26] : memref<2500x2x128xi32, #tpu.memory_space<hbm>> -> memref<1x2x128xi32, #tpu.memory_space<hbm>>
        %dma_start3A_28 = arith.constant 78 : i32
        %dma_start3A_29 = arith.constant 0 : i32
        %dma_start3A_30 = arith.constant 0 : i32
        %dma_start3A_31 = tpu.memref_slice %arg4[%dma_start3A_28, %dma_start3A_29, %dma_start3A_30] : memref<79x2x128xi32, #tpu.memory_space<vmem>> -> memref<1x2x128xi32, #tpu.memory_space<vmem>>
        %dma_start3A_32 = arith.constant 0 : i32
        %dma_start3A_33 = arith.constant 0 : i32
        %dma_start3A_34 = tpu.memref_slice %arg2[%add3A_21, %dma_start3A_32, %dma_start3A_33] : memref<2500x2x128xi32, #tpu.memory_space<hbm>> -> memref<1x2x128xi32, #tpu.memory_space<hbm>>
        tpu.enqueue_dma source(%dma_start3A_34 : memref<1x2x128xi32, #tpu.memory_space<hbm>>) target(%dma_start3A_31 : memref<1x2x128xi32, #tpu.memory_space<vmem>>) target_semaphore(%run_scoped3A : memref<!tpu.dma_semaphore, #tpu.memory_space<semaphore_mem>>)
        %dma_wait3A = arith.constant 78 : i32
        %dma_wait3A_35 = arith.constant 0 : i32
        %dma_wait3A_36 = arith.constant 0 : i32
        %dma_wait3A_37 = tpu.memref_slice %arg4[%dma_wait3A, %dma_wait3A_35, %dma_wait3A_36] : memref<79x2x128xi32, #tpu.memory_space<vmem>> -> memref<1x2x128xi32, #tpu.memory_space<vmem>>
        %dma_wait3A_38 = arith.constant 0 : i32
        %dma_wait3A_39 = arith.constant 0 : i32
        %dma_wait3A_40 = tpu.memref_slice %arg2[%add3A_21, %dma_wait3A_38, %dma_wait3A_39] : memref<2500x2x128xi32, #tpu.memory_space<hbm>> -> memref<1x2x128xi32, #tpu.memory_space<hbm>>
        %dma_wait3A_41 = arith.constant 78 : i32
        %dma_wait3A_42 = arith.constant 0 : i32
        %dma_wait3A_43 = arith.constant 0 : i32
        %dma_wait3A_44 = tpu.memref_slice %arg4[%dma_wait3A_41, %dma_wait3A_42, %dma_wait3A_43] : memref<79x2x128xi32, #tpu.memory_space<vmem>> -> memref<1x2x128xi32, #tpu.memory_space<vmem>>
        %dma_wait3A_45 = arith.constant 0 : i32
        %dma_wait3A_46 = arith.constant 0 : i32
        %dma_wait3A_47 = tpu.memref_slice %arg2[%add3A_21, %dma_wait3A_45, %dma_wait3A_46] : memref<2500x2x128xi32, #tpu.memory_space<hbm>> -> memref<1x2x128xi32, #tpu.memory_space<hbm>>
        tpu.wait_dma2 semaphore(%run_scoped3A : memref<!tpu.dma_semaphore, #tpu.memory_space<semaphore_mem>>) src(%dma_wait3A_47 : memref<1x2x128xi32, #tpu.memory_space<hbm>>) dst(%dma_wait3A_44 : memref<1x2x128xi32, #tpu.memory_space<vmem>>)
        tpu.yield
      }) : () -> ()
    } else {
    }
    %broadcast_in_dim3A = arith.constant 0.000000e+00 : f32
    %broadcast_in_dim3A_12 = vector.broadcast %broadcast_in_dim3A : f32 to vector<16xf32>
    %scan3A = arith.constant 0 : i32
    %scan3A_13 = arith.constant 80 : i32
    %scan3A_14 = arith.addi %scan3A, %scan3A_13 : i32
    %scan3A_15 = arith.constant 1 : i32
    scf.for %scan3A_20 = %scan3A to %scan3A_14 step %scan3A_15  : i32 {
      %mul3A_21 = arith.constant 128 : i32
      %mul3A_22 = arith.muli %mul3A_21, %scan3A_20 : i32
      %add3A_23 = arith.constant 0 : i32
      %add3A_24 = arith.addi %mul3A_22, %add3A_23 : i32
      %swap3A = arith.index_cast %add3A_24 : i32 to index
      %swap3A_25 = tpu.vector_load %arg5[%swap3A] {strides = array<i32>} : memref<10240xf32, #tpu.memory_space<vmem>>, vector<16xf32>,
      tpu.vector_store %arg5[%swap3A], %broadcast_in_dim3A_12 {strides = array<i32>} : memref<10240xf32, #tpu.memory_space<vmem>>, vector<16xf32>,
      %mul3A_26 = arith.constant 128 : i32
      %mul3A_27 = arith.muli %mul3A_26, %scan3A_20 : i32
      %add3A_28 = arith.constant 16 : i32
      %add3A_29 = arith.addi %mul3A_27, %add3A_28 : i32
      %swap3A_30 = arith.index_cast %add3A_29 : i32 to index
      %swap3A_31 = tpu.vector_load %arg5[%swap3A_30] {strides = array<i32>} : memref<10240xf32, #tpu.memory_space<vmem>>, vector<16xf32>,
      tpu.vector_store %arg5[%swap3A_30], %broadcast_in_dim3A_12 {strides = array<i32>} : memref<10240xf32, #tpu.memory_space<vmem>>, vector<16xf32>,
      %mul3A_32 = arith.constant 128 : i32
      %mul3A_33 = arith.muli %mul3A_32, %scan3A_20 : i32
      %add3A_34 = arith.constant 32 : i32
      %add3A_35 = arith.addi %mul3A_33, %add3A_34 : i32
      %swap3A_36 = arith.index_cast %add3A_35 : i32 to index
      %swap3A_37 = tpu.vector_load %arg5[%swap3A_36] {strides = array<i32>} : memref<10240xf32, #tpu.memory_space<vmem>>, vector<16xf32>,
      tpu.vector_store %arg5[%swap3A_36], %broadcast_in_dim3A_12 {strides = array<i32>} : memref<10240xf32, #tpu.memory_space<vmem>>, vector<16xf32>,
      %mul3A_38 = arith.constant 128 : i32
      %mul3A_39 = arith.muli %mul3A_38, %scan3A_20 : i32
      %add3A_40 = arith.constant 48 : i32
      %add3A_41 = arith.addi %mul3A_39, %add3A_40 : i32
      %swap3A_42 = arith.index_cast %add3A_41 : i32 to index
      %swap3A_43 = tpu.vector_load %arg5[%swap3A_42] {strides = array<i32>} : memref<10240xf32, #tpu.memory_space<vmem>>, vector<16xf32>,
      tpu.vector_store %arg5[%swap3A_42], %broadcast_in_dim3A_12 {strides = array<i32>} : memref<10240xf32, #tpu.memory_space<vmem>>, vector<16xf32>,
      %mul3A_44 = arith.constant 128 : i32
      %mul3A_45 = arith.muli %mul3A_44, %scan3A_20 : i32
      %add3A_46 = arith.constant 64 : i32
      %add3A_47 = arith.addi %mul3A_45, %add3A_46 : i32
      %swap3A_48 = arith.index_cast %add3A_47 : i32 to index
      %swap3A_49 = tpu.vector_load %arg5[%swap3A_48] {strides = array<i32>} : memref<10240xf32, #tpu.memory_space<vmem>>, vector<16xf32>,
      tpu.vector_store %arg5[%swap3A_48], %broadcast_in_dim3A_12 {strides = array<i32>} : memref<10240xf32, #tpu.memory_space<vmem>>, vector<16xf32>,
      %mul3A_50 = arith.constant 128 : i32
      %mul3A_51 = arith.muli %mul3A_50, %scan3A_20 : i32
      %add3A_52 = arith.constant 80 : i32
      %add3A_53 = arith.addi %mul3A_51, %add3A_52 : i32
      %swap3A_54 = arith.index_cast %add3A_53 : i32 to index
      %swap3A_55 = tpu.vector_load %arg5[%swap3A_54] {strides = array<i32>} : memref<10240xf32, #tpu.memory_space<vmem>>, vector<16xf32>,
      tpu.vector_store %arg5[%swap3A_54], %broadcast_in_dim3A_12 {strides = array<i32>} : memref<10240xf32, #tpu.memory_space<vmem>>, vector<16xf32>,
      %mul3A_56 = arith.constant 128 : i32
      %mul3A_57 = arith.muli %mul3A_56, %scan3A_20 : i32
      %add3A_58 = arith.constant 96 : i32
      %add3A_59 = arith.addi %mul3A_57, %add3A_58 : i32
      %swap3A_60 = arith.index_cast %add3A_59 : i32 to index
      %swap3A_61 = tpu.vector_load %arg5[%swap3A_60] {strides = array<i32>} : memref<10240xf32, #tpu.memory_space<vmem>>, vector<16xf32>,
      tpu.vector_store %arg5[%swap3A_60], %broadcast_in_dim3A_12 {strides = array<i32>} : memref<10240xf32, #tpu.memory_space<vmem>>, vector<16xf32>,
      %mul3A_62 = arith.constant 128 : i32
      %mul3A_63 = arith.muli %mul3A_62, %scan3A_20 : i32
      %add3A_64 = arith.constant 112 : i32
      %add3A_65 = arith.addi %mul3A_63, %add3A_64 : i32
      %swap3A_66 = arith.index_cast %add3A_65 : i32 to index
      %swap3A_67 = tpu.vector_load %arg5[%swap3A_66] {strides = array<i32>} : memref<10240xf32, #tpu.memory_space<vmem>>, vector<16xf32>,
      tpu.vector_store %arg5[%swap3A_66], %broadcast_in_dim3A_12 {strides = array<i32>} : memref<10240xf32, #tpu.memory_space<vmem>>, vector<16xf32>,
    }
    %scan3A_16 = arith.constant 80 : i32
    %broadcast_in_dim3A_17 = arith.constant 1.000000e+00 : f32
    %broadcast_in_dim3A_18 = vector.broadcast %broadcast_in_dim3A_17 : f32 to vector<16xf32>
    %parallel_loop3A = arith.constant 0 : i32
    %parallel_loop3A_19 = arith.constant 1 : i32
    scf.for %parallel_loop3A_20 = %parallel_loop3A to %add3A_8 step %parallel_loop3A_19  : i32 {
      %parallel_loop3A_21 = arith.constant 1 : i32
      %parallel_loop3A_22 = arith.index_cast %parallel_loop3A_20 : i32 to index
      %parallel_loop3A_23 = arith.index_cast %parallel_loop3A_21 : i32 to index
      %parallel_loop3A_24 = arith.constant 0 : index
      %parallel_loop3A_25 = tpu.vector_load %arg4[%parallel_loop3A_22, %parallel_loop3A_23, %parallel_loop3A_24] {strides = array<i32>} : memref<79x2x128xi32, #tpu.memory_space<vmem>>, vector<16xi32>,
      tpu.vector_store_idx %arg5[%parallel_loop3A_25], %broadcast_in_dim3A_18 {add = true} : memref<10240xf32, #tpu.memory_space<vmem>>[vector<16xi32>], vector<16xf32>,
      %parallel_loop3A_26 = arith.constant 1 : i32
      %parallel_loop3A_27 = arith.index_cast %parallel_loop3A_20 : i32 to index
      %parallel_loop3A_28 = arith.index_cast %parallel_loop3A_26 : i32 to index
      %parallel_loop3A_29 = arith.constant 16 : index
      %parallel_loop3A_30 = tpu.vector_load %arg4[%parallel_loop3A_27, %parallel_loop3A_28, %parallel_loop3A_29] {strides = array<i32>} : memref<79x2x128xi32, #tpu.memory_space<vmem>>, vector<16xi32>,
      tpu.vector_store_idx %arg5[%parallel_loop3A_30], %broadcast_in_dim3A_18 {add = true} : memref<10240xf32, #tpu.memory_space<vmem>>[vector<16xi32>], vector<16xf32>,
      %parallel_loop3A_31 = arith.constant 1 : i32
      %parallel_loop3A_32 = arith.index_cast %parallel_loop3A_20 : i32 to index
      %parallel_loop3A_33 = arith.index_cast %parallel_loop3A_31 : i32 to index
      %parallel_loop3A_34 = arith.constant 32 : index
      %parallel_loop3A_35 = tpu.vector_load %arg4[%parallel_loop3A_32, %parallel_loop3A_33, %parallel_loop3A_34] {strides = array<i32>} : memref<79x2x128xi32, #tpu.memory_space<vmem>>, vector<16xi32>,
      tpu.vector_store_idx %arg5[%parallel_loop3A_35], %broadcast_in_dim3A_18 {add = true} : memref<10240xf32, #tpu.memory_space<vmem>>[vector<16xi32>], vector<16xf32>,
      %parallel_loop3A_36 = arith.constant 1 : i32
      %parallel_loop3A_37 = arith.index_cast %parallel_loop3A_20 : i32 to index
      %parallel_loop3A_38 = arith.index_cast %parallel_loop3A_36 : i32 to index
      %parallel_loop3A_39 = arith.constant 48 : index
      %parallel_loop3A_40 = tpu.vector_load %arg4[%parallel_loop3A_37, %parallel_loop3A_38, %parallel_loop3A_39] {strides = array<i32>} : memref<79x2x128xi32, #tpu.memory_space<vmem>>, vector<16xi32>,
      tpu.vector_store_idx %arg5[%parallel_loop3A_40], %broadcast_in_dim3A_18 {add = true} : memref<10240xf32, #tpu.memory_space<vmem>>[vector<16xi32>], vector<16xf32>,
      %parallel_loop3A_41 = arith.constant 1 : i32
      %parallel_loop3A_42 = arith.index_cast %parallel_loop3A_20 : i32 to index
      %parallel_loop3A_43 = arith.index_cast %parallel_loop3A_41 : i32 to index
      %parallel_loop3A_44 = arith.constant 64 : index
      %parallel_loop3A_45 = tpu.vector_load %arg4[%parallel_loop3A_42, %parallel_loop3A_43, %parallel_loop3A_44] {strides = array<i32>} : memref<79x2x128xi32, #tpu.memory_space<vmem>>, vector<16xi32>,
      tpu.vector_store_idx %arg5[%parallel_loop3A_45], %broadcast_in_dim3A_18 {add = true} : memref<10240xf32, #tpu.memory_space<vmem>>[vector<16xi32>], vector<16xf32>,
      %parallel_loop3A_46 = arith.constant 1 : i32
      %parallel_loop3A_47 = arith.index_cast %parallel_loop3A_20 : i32 to index
      %parallel_loop3A_48 = arith.index_cast %parallel_loop3A_46 : i32 to index
      %parallel_loop3A_49 = arith.constant 80 : index
      %parallel_loop3A_50 = tpu.vector_load %arg4[%parallel_loop3A_47, %parallel_loop3A_48, %parallel_loop3A_49] {strides = array<i32>} : memref<79x2x128xi32, #tpu.memory_space<vmem>>, vector<16xi32>,
      tpu.vector_store_idx %arg5[%parallel_loop3A_50], %broadcast_in_dim3A_18 {add = true} : memref<10240xf32, #tpu.memory_space<vmem>>[vector<16xi32>], vector<16xf32>,
      %parallel_loop3A_51 = arith.constant 1 : i32
      %parallel_loop3A_52 = arith.index_cast %parallel_loop3A_20 : i32 to index
      %parallel_loop3A_53 = arith.index_cast %parallel_loop3A_51 : i32 to index
      %parallel_loop3A_54 = arith.constant 96 : index
      %parallel_loop3A_55 = tpu.vector_load %arg4[%parallel_loop3A_52, %parallel_loop3A_53, %parallel_loop3A_54] {strides = array<i32>} : memref<79x2x128xi32, #tpu.memory_space<vmem>>, vector<16xi32>,
      tpu.vector_store_idx %arg5[%parallel_loop3A_55], %broadcast_in_dim3A_18 {add = true} : memref<10240xf32, #tpu.memory_space<vmem>>[vector<16xi32>], vector<16xf32>,
      %parallel_loop3A_56 = arith.constant 1 : i32
      %parallel_loop3A_57 = arith.index_cast %parallel_loop3A_20 : i32 to index
      %parallel_loop3A_58 = arith.index_cast %parallel_loop3A_56 : i32 to index
      %parallel_loop3A_59 = arith.constant 112 : index
      %parallel_loop3A_60 = tpu.vector_load %arg4[%parallel_loop3A_57, %parallel_loop3A_58, %parallel_loop3A_59] {strides = array<i32>} : memref<79x2x128xi32, #tpu.memory_space<vmem>>, vector<16xi32>,
      tpu.vector_store_idx %arg5[%parallel_loop3A_60], %broadcast_in_dim3A_18 {add = true} : memref<10240xf32, #tpu.memory_space<vmem>>[vector<16xi32>], vector<16xf32>,
    } {sc.loop_unroll_factor = 2 : i64, sc.parallel_access}
    "tpu.region"() ({
      %run_scoped3A = tpu.sem_alloc : memref<!tpu.dma_semaphore, #tpu.memory_space<semaphore_mem>>
      %dma_start3A = arith.constant 0 : i32
      %dma_start3A_20 = tpu.memref_slice %arg3[%add3A, %dma_start3A] : memref<32x10240xf32, #tpu.memory_space<hbm>> -> memref<1x10240xf32, #tpu.memory_space<hbm>>
      %dma_start3A_21 = tpu.memref_squeeze %dma_start3A_20 : memref<1x10240xf32, #tpu.memory_space<hbm>> -> memref<10240xf32, #tpu.memory_space<hbm>>
      %dma_start3A_22 = arith.constant 0 : i32
      %dma_start3A_23 = tpu.memref_slice %arg3[%add3A, %dma_start3A_22] : memref<32x10240xf32, #tpu.memory_space<hbm>> -> memref<1x10240xf32, #tpu.memory_space<hbm>>
      %dma_start3A_24 = tpu.memref_squeeze %dma_start3A_23 : memref<1x10240xf32, #tpu.memory_space<hbm>> -> memref<10240xf32, #tpu.memory_space<hbm>>
      tpu.enqueue_dma source(%arg5 : memref<10240xf32, #tpu.memory_space<vmem>>) target(%dma_start3A_24 : memref<10240xf32, #tpu.memory_space<hbm>>) target_semaphore(%run_scoped3A : memref<!tpu.dma_semaphore, #tpu.memory_space<semaphore_mem>>)
      %dma_wait3A = arith.constant 0 : i32
      %dma_wait3A_25 = tpu.memref_slice %arg3[%add3A, %dma_wait3A] : memref<32x10240xf32, #tpu.memory_space<hbm>> -> memref<1x10240xf32, #tpu.memory_space<hbm>>
      %dma_wait3A_26 = tpu.memref_squeeze %dma_wait3A_25 : memref<1x10240xf32, #tpu.memory_space<hbm>> -> memref<10240xf32, #tpu.memory_space<hbm>>
      %dma_wait3A_27 = arith.constant 0 : i32
      %dma_wait3A_28 = tpu.memref_slice %arg3[%add3A, %dma_wait3A_27] : memref<32x10240xf32, #tpu.memory_space<hbm>> -> memref<1x10240xf32, #tpu.memory_space<hbm>>
      %dma_wait3A_29 = tpu.memref_squeeze %dma_wait3A_28 : memref<1x10240xf32, #tpu.memory_space<hbm>> -> memref<10240xf32, #tpu.memory_space<hbm>>
      tpu.wait_dma2 semaphore(%run_scoped3A : memref<!tpu.dma_semaphore, #tpu.memory_space<semaphore_mem>>) src(%arg5 : memref<10240xf32, #tpu.memory_space<vmem>>) dst(%dma_wait3A_29 : memref<10240xf32, #tpu.memory_space<hbm>>)
      tpu.yield
    }) : () -> ()
    return
  }
}

#map = affine_map<(d0, d1) -> (0, 0, 0)>
#map1 = affine_map<(d0, d1) -> (0, 0)>
module attributes {stable_mosaic.version = 14 : i64} {
  func.func @_agg_kernel(%arg0: i32, %arg1: i32, %arg2: memref<2500x2x128xi32, #tpu.memory_space<hbm>>, %arg3: memref<4x10240xf32, #tpu.memory_space<hbm>>, %arg4: memref<32x40960xf32, #tpu.memory_space<hbm>>, %arg5: memref<79x2x128xi32, #tpu.memory_space<vmem>>, %arg6: memref<40960xf32, #tpu.memory_space<vmem>>, %arg7: memref<40960xf32, #tpu.memory_space<vmem>>) attributes {dimension_semantics = [#tpu.dimension_semantics<core_parallel>, #tpu.dimension_semantics<subcore_parallel>], iteration_bounds = array<i64: 2, 16>, scalar_prefetch = 0 : i64, scratch_operands = 3 : i64, tpu.core_type = #tpu.core_type<sc_vector_subcore>, window_params = [{transform_indices = #map}, {transform_indices = #map1}, {transform_indices = #map1}]} {
    %mul3A = arith.constant 2 : i32
    %mul3A_0 = arith.muli %arg1, %mul3A : i32
    %add3A = arith.addi %mul3A_0, %arg0 : i32
    %mul3A_1 = arith.constant 78 : i32
    %mul3A_2 = arith.muli %add3A, %mul3A_1 : i32
    %min3A = arith.constant 4 : i32
    %min3A_3 = arith.minsi %add3A, %min3A : i32
    %add3A_4 = arith.addi %mul3A_2, %min3A_3 : i32
    %lt3A = arith.constant 4 : i32
    %lt3A_5 = arith.cmpi slt, %add3A, %lt3A : i32
    %jit3A = arith.constant 1 : i32
    %jit3A_6 = arith.constant 0 : i32
    %select_n3A = arith.select %lt3A_5, %jit3A, %jit3A_6 : i32
    %add3A_7 = arith.constant 78 : i32
    %add3A_8 = arith.addi %add3A_7, %select_n3A : i32
    "tpu.region"() ({
      %run_scoped3A_21 = tpu.sem_alloc : memref<!tpu.dma_semaphore, #tpu.memory_space<semaphore_mem>>
      %dma_start3A = arith.constant 0 : i32
      %dma_start3A_22 = arith.constant 0 : i32
      %dma_start3A_23 = arith.constant 0 : i32
      %dma_start3A_24 = tpu.memref_slice %arg5[%dma_start3A, %dma_start3A_22, %dma_start3A_23] : memref<79x2x128xi32, #tpu.memory_space<vmem>> -> memref<78x2x128xi32, #tpu.memory_space<vmem>>
      %dma_start3A_25 = arith.constant 0 : i32
      %dma_start3A_26 = arith.constant 0 : i32
      %dma_start3A_27 = tpu.memref_slice %arg2[%add3A_4, %dma_start3A_25, %dma_start3A_26] : memref<2500x2x128xi32, #tpu.memory_space<hbm>> -> memref<78x2x128xi32, #tpu.memory_space<hbm>>
      %dma_start3A_28 = arith.constant 0 : i32
      %dma_start3A_29 = arith.constant 0 : i32
      %dma_start3A_30 = arith.constant 0 : i32
      %dma_start3A_31 = tpu.memref_slice %arg5[%dma_start3A_28, %dma_start3A_29, %dma_start3A_30] : memref<79x2x128xi32, #tpu.memory_space<vmem>> -> memref<78x2x128xi32, #tpu.memory_space<vmem>>
      %dma_start3A_32 = arith.constant 0 : i32
      %dma_start3A_33 = arith.constant 0 : i32
      %dma_start3A_34 = tpu.memref_slice %arg2[%add3A_4, %dma_start3A_32, %dma_start3A_33] : memref<2500x2x128xi32, #tpu.memory_space<hbm>> -> memref<78x2x128xi32, #tpu.memory_space<hbm>>
      tpu.enqueue_dma source(%dma_start3A_34 : memref<78x2x128xi32, #tpu.memory_space<hbm>>) target(%dma_start3A_31 : memref<78x2x128xi32, #tpu.memory_space<vmem>>) target_semaphore(%run_scoped3A_21 : memref<!tpu.dma_semaphore, #tpu.memory_space<semaphore_mem>>)
      %dma_wait3A = arith.constant 0 : i32
      %dma_wait3A_35 = arith.constant 0 : i32
      %dma_wait3A_36 = arith.constant 0 : i32
      %dma_wait3A_37 = tpu.memref_slice %arg5[%dma_wait3A, %dma_wait3A_35, %dma_wait3A_36] : memref<79x2x128xi32, #tpu.memory_space<vmem>> -> memref<78x2x128xi32, #tpu.memory_space<vmem>>
      %dma_wait3A_38 = arith.constant 0 : i32
      %dma_wait3A_39 = arith.constant 0 : i32
      %dma_wait3A_40 = tpu.memref_slice %arg2[%add3A_4, %dma_wait3A_38, %dma_wait3A_39] : memref<2500x2x128xi32, #tpu.memory_space<hbm>> -> memref<78x2x128xi32, #tpu.memory_space<hbm>>
      %dma_wait3A_41 = arith.constant 0 : i32
      %dma_wait3A_42 = arith.constant 0 : i32
      %dma_wait3A_43 = arith.constant 0 : i32
      %dma_wait3A_44 = tpu.memref_slice %arg5[%dma_wait3A_41, %dma_wait3A_42, %dma_wait3A_43] : memref<79x2x128xi32, #tpu.memory_space<vmem>> -> memref<78x2x128xi32, #tpu.memory_space<vmem>>
      %dma_wait3A_45 = arith.constant 0 : i32
      %dma_wait3A_46 = arith.constant 0 : i32
      %dma_wait3A_47 = tpu.memref_slice %arg2[%add3A_4, %dma_wait3A_45, %dma_wait3A_46] : memref<2500x2x128xi32, #tpu.memory_space<hbm>> -> memref<78x2x128xi32, #tpu.memory_space<hbm>>
      tpu.wait_dma2 semaphore(%run_scoped3A_21 : memref<!tpu.dma_semaphore, #tpu.memory_space<semaphore_mem>>) src(%dma_wait3A_47 : memref<78x2x128xi32, #tpu.memory_space<hbm>>) dst(%dma_wait3A_44 : memref<78x2x128xi32, #tpu.memory_space<vmem>>)
      tpu.yield
    }) : () -> ()
    %lt3A_9 = arith.constant 4 : i32
    %lt3A_10 = arith.cmpi slt, %add3A, %lt3A_9 : i32
    %convert_element_type3A = arith.extui %lt3A_10 : i1 to i32
    %cond3A = arith.constant 0 : i32
    %cond3A_11 = arith.cmpi ne, %convert_element_type3A, %cond3A : i32
    scf.if %cond3A_11 {
      %add3A_21 = arith.constant 78 : i32
      %add3A_22 = arith.addi %add3A_4, %add3A_21 : i32
      "tpu.region"() ({
        %run_scoped3A_23 = tpu.sem_alloc : memref<!tpu.dma_semaphore, #tpu.memory_space<semaphore_mem>>
        %dma_start3A = arith.constant 78 : i32
        %dma_start3A_24 = arith.constant 0 : i32
        %dma_start3A_25 = arith.constant 0 : i32
        %dma_start3A_26 = tpu.memref_slice %arg5[%dma_start3A, %dma_start3A_24, %dma_start3A_25] : memref<79x2x128xi32, #tpu.memory_space<vmem>> -> memref<1x2x128xi32, #tpu.memory_space<vmem>>
        %dma_start3A_27 = arith.constant 0 : i32
        %dma_start3A_28 = arith.constant 0 : i32
        %dma_start3A_29 = tpu.memref_slice %arg2[%add3A_22, %dma_start3A_27, %dma_start3A_28] : memref<2500x2x128xi32, #tpu.memory_space<hbm>> -> memref<1x2x128xi32, #tpu.memory_space<hbm>>
        %dma_start3A_30 = arith.constant 78 : i32
        %dma_start3A_31 = arith.constant 0 : i32
        %dma_start3A_32 = arith.constant 0 : i32
        %dma_start3A_33 = tpu.memref_slice %arg5[%dma_start3A_30, %dma_start3A_31, %dma_start3A_32] : memref<79x2x128xi32, #tpu.memory_space<vmem>> -> memref<1x2x128xi32, #tpu.memory_space<vmem>>
        %dma_start3A_34 = arith.constant 0 : i32
        %dma_start3A_35 = arith.constant 0 : i32
        %dma_start3A_36 = tpu.memref_slice %arg2[%add3A_22, %dma_start3A_34, %dma_start3A_35] : memref<2500x2x128xi32, #tpu.memory_space<hbm>> -> memref<1x2x128xi32, #tpu.memory_space<hbm>>
        tpu.enqueue_dma source(%dma_start3A_36 : memref<1x2x128xi32, #tpu.memory_space<hbm>>) target(%dma_start3A_33 : memref<1x2x128xi32, #tpu.memory_space<vmem>>) target_semaphore(%run_scoped3A_23 : memref<!tpu.dma_semaphore, #tpu.memory_space<semaphore_mem>>)
        %dma_wait3A = arith.constant 78 : i32
        %dma_wait3A_37 = arith.constant 0 : i32
        %dma_wait3A_38 = arith.constant 0 : i32
        %dma_wait3A_39 = tpu.memref_slice %arg5[%dma_wait3A, %dma_wait3A_37, %dma_wait3A_38] : memref<79x2x128xi32, #tpu.memory_space<vmem>> -> memref<1x2x128xi32, #tpu.memory_space<vmem>>
        %dma_wait3A_40 = arith.constant 0 : i32
        %dma_wait3A_41 = arith.constant 0 : i32
        %dma_wait3A_42 = tpu.memref_slice %arg2[%add3A_22, %dma_wait3A_40, %dma_wait3A_41] : memref<2500x2x128xi32, #tpu.memory_space<hbm>> -> memref<1x2x128xi32, #tpu.memory_space<hbm>>
        %dma_wait3A_43 = arith.constant 78 : i32
        %dma_wait3A_44 = arith.constant 0 : i32
        %dma_wait3A_45 = arith.constant 0 : i32
        %dma_wait3A_46 = tpu.memref_slice %arg5[%dma_wait3A_43, %dma_wait3A_44, %dma_wait3A_45] : memref<79x2x128xi32, #tpu.memory_space<vmem>> -> memref<1x2x128xi32, #tpu.memory_space<vmem>>
        %dma_wait3A_47 = arith.constant 0 : i32
        %dma_wait3A_48 = arith.constant 0 : i32
        %dma_wait3A_49 = tpu.memref_slice %arg2[%add3A_22, %dma_wait3A_47, %dma_wait3A_48] : memref<2500x2x128xi32, #tpu.memory_space<hbm>> -> memref<1x2x128xi32, #tpu.memory_space<hbm>>
        tpu.wait_dma2 semaphore(%run_scoped3A_23 : memref<!tpu.dma_semaphore, #tpu.memory_space<semaphore_mem>>) src(%dma_wait3A_49 : memref<1x2x128xi32, #tpu.memory_space<hbm>>) dst(%dma_wait3A_46 : memref<1x2x128xi32, #tpu.memory_space<vmem>>)
        tpu.yield
      }) : () -> ()
    } else {
    }
    %run_scoped3A = arith.constant 0 : i32
    "tpu.region"() ({
      %run_scoped3A_21 = tpu.sem_alloc : memref<!tpu.dma_semaphore, #tpu.memory_space<semaphore_mem>>
      %dma_start3A = arith.constant 0 : i32
      %dma_start3A_22 = tpu.memref_slice %arg6[%dma_start3A] : memref<40960xf32, #tpu.memory_space<vmem>> -> memref<10240xf32, #tpu.memory_space<vmem>>
      %dma_start3A_23 = arith.constant 0 : i32
      %dma_start3A_24 = tpu.memref_slice %arg3[%run_scoped3A, %dma_start3A_23] : memref<4x10240xf32, #tpu.memory_space<hbm>> -> memref<1x10240xf32, #tpu.memory_space<hbm>>
      %dma_start3A_25 = tpu.memref_squeeze %dma_start3A_24 : memref<1x10240xf32, #tpu.memory_space<hbm>> -> memref<10240xf32, #tpu.memory_space<hbm>>
      %dma_start3A_26 = arith.constant 0 : i32
      %dma_start3A_27 = tpu.memref_slice %arg6[%dma_start3A_26] : memref<40960xf32, #tpu.memory_space<vmem>> -> memref<10240xf32, #tpu.memory_space<vmem>>
      %dma_start3A_28 = arith.constant 0 : i32
      %dma_start3A_29 = tpu.memref_slice %arg3[%run_scoped3A, %dma_start3A_28] : memref<4x10240xf32, #tpu.memory_space<hbm>> -> memref<1x10240xf32, #tpu.memory_space<hbm>>
      %dma_start3A_30 = tpu.memref_squeeze %dma_start3A_29 : memref<1x10240xf32, #tpu.memory_space<hbm>> -> memref<10240xf32, #tpu.memory_space<hbm>>
      tpu.enqueue_dma source(%dma_start3A_30 : memref<10240xf32, #tpu.memory_space<hbm>>) target(%dma_start3A_27 : memref<10240xf32, #tpu.memory_space<vmem>>) target_semaphore(%run_scoped3A_21 : memref<!tpu.dma_semaphore, #tpu.memory_space<semaphore_mem>>)
      %dma_wait3A = arith.constant 0 : i32
      %dma_wait3A_31 = tpu.memref_slice %arg6[%dma_wait3A] : memref<40960xf32, #tpu.memory_space<vmem>> -> memref<10240xf32, #tpu.memory_space<vmem>>
      %dma_wait3A_32 = arith.constant 0 : i32
      %dma_wait3A_33 = tpu.memref_slice %arg3[%run_scoped3A, %dma_wait3A_32] : memref<4x10240xf32, #tpu.memory_space<hbm>> -> memref<1x10240xf32, #tpu.memory_space<hbm>>
      %dma_wait3A_34 = tpu.memref_squeeze %dma_wait3A_33 : memref<1x10240xf32, #tpu.memory_space<hbm>> -> memref<10240xf32, #tpu.memory_space<hbm>>
      %dma_wait3A_35 = arith.constant 0 : i32
      %dma_wait3A_36 = tpu.memref_slice %arg6[%dma_wait3A_35] : memref<40960xf32, #tpu.memory_space<vmem>> -> memref<10240xf32, #tpu.memory_space<vmem>>
      %dma_wait3A_37 = arith.constant 0 : i32
      %dma_wait3A_38 = tpu.memref_slice %arg3[%run_scoped3A, %dma_wait3A_37] : memref<4x10240xf32, #tpu.memory_space<hbm>> -> memref<1x10240xf32, #tpu.memory_space<hbm>>
      %dma_wait3A_39 = tpu.memref_squeeze %dma_wait3A_38 : memref<1x10240xf32, #tpu.memory_space<hbm>> -> memref<10240xf32, #tpu.memory_space<hbm>>
      tpu.wait_dma2 semaphore(%run_scoped3A_21 : memref<!tpu.dma_semaphore, #tpu.memory_space<semaphore_mem>>) src(%dma_wait3A_39 : memref<10240xf32, #tpu.memory_space<hbm>>) dst(%dma_wait3A_36 : memref<10240xf32, #tpu.memory_space<vmem>>)
      tpu.yield
    }) : () -> ()
    %run_scoped3A_12 = arith.constant 1 : i32
    "tpu.region"() ({
      %run_scoped3A_21 = tpu.sem_alloc : memref<!tpu.dma_semaphore, #tpu.memory_space<semaphore_mem>>
      %dma_start3A = arith.constant 10240 : i32
      %dma_start3A_22 = tpu.memref_slice %arg6[%dma_start3A] : memref<40960xf32, #tpu.memory_space<vmem>> -> memref<10240xf32, #tpu.memory_space<vmem>>
      %dma_start3A_23 = arith.constant 0 : i32
      %dma_start3A_24 = tpu.memref_slice %arg3[%run_scoped3A_12, %dma_start3A_23] : memref<4x10240xf32, #tpu.memory_space<hbm>> -> memref<1x10240xf32, #tpu.memory_space<hbm>>
      %dma_start3A_25 = tpu.memref_squeeze %dma_start3A_24 : memref<1x10240xf32, #tpu.memory_space<hbm>> -> memref<10240xf32, #tpu.memory_space<hbm>>
      %dma_start3A_26 = arith.constant 10240 : i32
      %dma_start3A_27 = tpu.memref_slice %arg6[%dma_start3A_26] : memref<40960xf32, #tpu.memory_space<vmem>> -> memref<10240xf32, #tpu.memory_space<vmem>>
      %dma_start3A_28 = arith.constant 0 : i32
      %dma_start3A_29 = tpu.memref_slice %arg3[%run_scoped3A_12, %dma_start3A_28] : memref<4x10240xf32, #tpu.memory_space<hbm>> -> memref<1x10240xf32, #tpu.memory_space<hbm>>
      %dma_start3A_30 = tpu.memref_squeeze %dma_start3A_29 : memref<1x10240xf32, #tpu.memory_space<hbm>> -> memref<10240xf32, #tpu.memory_space<hbm>>
      tpu.enqueue_dma source(%dma_start3A_30 : memref<10240xf32, #tpu.memory_space<hbm>>) target(%dma_start3A_27 : memref<10240xf32, #tpu.memory_space<vmem>>) target_semaphore(%run_scoped3A_21 : memref<!tpu.dma_semaphore, #tpu.memory_space<semaphore_mem>>)
      %dma_wait3A = arith.constant 10240 : i32
      %dma_wait3A_31 = tpu.memref_slice %arg6[%dma_wait3A] : memref<40960xf32, #tpu.memory_space<vmem>> -> memref<10240xf32, #tpu.memory_space<vmem>>
      %dma_wait3A_32 = arith.constant 0 : i32
      %dma_wait3A_33 = tpu.memref_slice %arg3[%run_scoped3A_12, %dma_wait3A_32] : memref<4x10240xf32, #tpu.memory_space<hbm>> -> memref<1x10240xf32, #tpu.memory_space<hbm>>
      %dma_wait3A_34 = tpu.memref_squeeze %dma_wait3A_33 : memref<1x10240xf32, #tpu.memory_space<hbm>> -> memref<10240xf32, #tpu.memory_space<hbm>>
      %dma_wait3A_35 = arith.constant 10240 : i32
      %dma_wait3A_36 = tpu.memref_slice %arg6[%dma_wait3A_35] : memref<40960xf32, #tpu.memory_space<vmem>> -> memref<10240xf32, #tpu.memory_space<vmem>>
      %dma_wait3A_37 = arith.constant 0 : i32
      %dma_wait3A_38 = tpu.memref_slice %arg3[%run_scoped3A_12, %dma_wait3A_37] : memref<4x10240xf32, #tpu.memory_space<hbm>> -> memref<1x10240xf32, #tpu.memory_space<hbm>>
      %dma_wait3A_39 = tpu.memref_squeeze %dma_wait3A_38 : memref<1x10240xf32, #tpu.memory_space<hbm>> -> memref<10240xf32, #tpu.memory_space<hbm>>
      tpu.wait_dma2 semaphore(%run_scoped3A_21 : memref<!tpu.dma_semaphore, #tpu.memory_space<semaphore_mem>>) src(%dma_wait3A_39 : memref<10240xf32, #tpu.memory_space<hbm>>) dst(%dma_wait3A_36 : memref<10240xf32, #tpu.memory_space<vmem>>)
      tpu.yield
    }) : () -> ()
    %run_scoped3A_13 = arith.constant 2 : i32
    "tpu.region"() ({
      %run_scoped3A_21 = tpu.sem_alloc : memref<!tpu.dma_semaphore, #tpu.memory_space<semaphore_mem>>
      %dma_start3A = arith.constant 20480 : i32
      %dma_start3A_22 = tpu.memref_slice %arg6[%dma_start3A] : memref<40960xf32, #tpu.memory_space<vmem>> -> memref<10240xf32, #tpu.memory_space<vmem>>
      %dma_start3A_23 = arith.constant 0 : i32
      %dma_start3A_24 = tpu.memref_slice %arg3[%run_scoped3A_13, %dma_start3A_23] : memref<4x10240xf32, #tpu.memory_space<hbm>> -> memref<1x10240xf32, #tpu.memory_space<hbm>>
      %dma_start3A_25 = tpu.memref_squeeze %dma_start3A_24 : memref<1x10240xf32, #tpu.memory_space<hbm>> -> memref<10240xf32, #tpu.memory_space<hbm>>
      %dma_start3A_26 = arith.constant 20480 : i32
      %dma_start3A_27 = tpu.memref_slice %arg6[%dma_start3A_26] : memref<40960xf32, #tpu.memory_space<vmem>> -> memref<10240xf32, #tpu.memory_space<vmem>>
      %dma_start3A_28 = arith.constant 0 : i32
      %dma_start3A_29 = tpu.memref_slice %arg3[%run_scoped3A_13, %dma_start3A_28] : memref<4x10240xf32, #tpu.memory_space<hbm>> -> memref<1x10240xf32, #tpu.memory_space<hbm>>
      %dma_start3A_30 = tpu.memref_squeeze %dma_start3A_29 : memref<1x10240xf32, #tpu.memory_space<hbm>> -> memref<10240xf32, #tpu.memory_space<hbm>>
      tpu.enqueue_dma source(%dma_start3A_30 : memref<10240xf32, #tpu.memory_space<hbm>>) target(%dma_start3A_27 : memref<10240xf32, #tpu.memory_space<vmem>>) target_semaphore(%run_scoped3A_21 : memref<!tpu.dma_semaphore, #tpu.memory_space<semaphore_mem>>)
      %dma_wait3A = arith.constant 20480 : i32
      %dma_wait3A_31 = tpu.memref_slice %arg6[%dma_wait3A] : memref<40960xf32, #tpu.memory_space<vmem>> -> memref<10240xf32, #tpu.memory_space<vmem>>
      %dma_wait3A_32 = arith.constant 0 : i32
      %dma_wait3A_33 = tpu.memref_slice %arg3[%run_scoped3A_13, %dma_wait3A_32] : memref<4x10240xf32, #tpu.memory_space<hbm>> -> memref<1x10240xf32, #tpu.memory_space<hbm>>
      %dma_wait3A_34 = tpu.memref_squeeze %dma_wait3A_33 : memref<1x10240xf32, #tpu.memory_space<hbm>> -> memref<10240xf32, #tpu.memory_space<hbm>>
      %dma_wait3A_35 = arith.constant 20480 : i32
      %dma_wait3A_36 = tpu.memref_slice %arg6[%dma_wait3A_35] : memref<40960xf32, #tpu.memory_space<vmem>> -> memref<10240xf32, #tpu.memory_space<vmem>>
      %dma_wait3A_37 = arith.constant 0 : i32
      %dma_wait3A_38 = tpu.memref_slice %arg3[%run_scoped3A_13, %dma_wait3A_37] : memref<4x10240xf32, #tpu.memory_space<hbm>> -> memref<1x10240xf32, #tpu.memory_space<hbm>>
      %dma_wait3A_39 = tpu.memref_squeeze %dma_wait3A_38 : memref<1x10240xf32, #tpu.memory_space<hbm>> -> memref<10240xf32, #tpu.memory_space<hbm>>
      tpu.wait_dma2 semaphore(%run_scoped3A_21 : memref<!tpu.dma_semaphore, #tpu.memory_space<semaphore_mem>>) src(%dma_wait3A_39 : memref<10240xf32, #tpu.memory_space<hbm>>) dst(%dma_wait3A_36 : memref<10240xf32, #tpu.memory_space<vmem>>)
      tpu.yield
    }) : () -> ()
    %run_scoped3A_14 = arith.constant 3 : i32
    "tpu.region"() ({
      %run_scoped3A_21 = tpu.sem_alloc : memref<!tpu.dma_semaphore, #tpu.memory_space<semaphore_mem>>
      %dma_start3A = arith.constant 30720 : i32
      %dma_start3A_22 = tpu.memref_slice %arg6[%dma_start3A] : memref<40960xf32, #tpu.memory_space<vmem>> -> memref<10240xf32, #tpu.memory_space<vmem>>
      %dma_start3A_23 = arith.constant 0 : i32
      %dma_start3A_24 = tpu.memref_slice %arg3[%run_scoped3A_14, %dma_start3A_23] : memref<4x10240xf32, #tpu.memory_space<hbm>> -> memref<1x10240xf32, #tpu.memory_space<hbm>>
      %dma_start3A_25 = tpu.memref_squeeze %dma_start3A_24 : memref<1x10240xf32, #tpu.memory_space<hbm>> -> memref<10240xf32, #tpu.memory_space<hbm>>
      %dma_start3A_26 = arith.constant 30720 : i32
      %dma_start3A_27 = tpu.memref_slice %arg6[%dma_start3A_26] : memref<40960xf32, #tpu.memory_space<vmem>> -> memref<10240xf32, #tpu.memory_space<vmem>>
      %dma_start3A_28 = arith.constant 0 : i32
      %dma_start3A_29 = tpu.memref_slice %arg3[%run_scoped3A_14, %dma_start3A_28] : memref<4x10240xf32, #tpu.memory_space<hbm>> -> memref<1x10240xf32, #tpu.memory_space<hbm>>
      %dma_start3A_30 = tpu.memref_squeeze %dma_start3A_29 : memref<1x10240xf32, #tpu.memory_space<hbm>> -> memref<10240xf32, #tpu.memory_space<hbm>>
      tpu.enqueue_dma source(%dma_start3A_30 : memref<10240xf32, #tpu.memory_space<hbm>>) target(%dma_start3A_27 : memref<10240xf32, #tpu.memory_space<vmem>>) target_semaphore(%run_scoped3A_21 : memref<!tpu.dma_semaphore, #tpu.memory_space<semaphore_mem>>)
      %dma_wait3A = arith.constant 30720 : i32
      %dma_wait3A_31 = tpu.memref_slice %arg6[%dma_wait3A] : memref<40960xf32, #tpu.memory_space<vmem>> -> memref<10240xf32, #tpu.memory_space<vmem>>
      %dma_wait3A_32 = arith.constant 0 : i32
      %dma_wait3A_33 = tpu.memref_slice %arg3[%run_scoped3A_14, %dma_wait3A_32] : memref<4x10240xf32, #tpu.memory_space<hbm>> -> memref<1x10240xf32, #tpu.memory_space<hbm>>
      %dma_wait3A_34 = tpu.memref_squeeze %dma_wait3A_33 : memref<1x10240xf32, #tpu.memory_space<hbm>> -> memref<10240xf32, #tpu.memory_space<hbm>>
      %dma_wait3A_35 = arith.constant 30720 : i32
      %dma_wait3A_36 = tpu.memref_slice %arg6[%dma_wait3A_35] : memref<40960xf32, #tpu.memory_space<vmem>> -> memref<10240xf32, #tpu.memory_space<vmem>>
      %dma_wait3A_37 = arith.constant 0 : i32
      %dma_wait3A_38 = tpu.memref_slice %arg3[%run_scoped3A_14, %dma_wait3A_37] : memref<4x10240xf32, #tpu.memory_space<hbm>> -> memref<1x10240xf32, #tpu.memory_space<hbm>>
      %dma_wait3A_39 = tpu.memref_squeeze %dma_wait3A_38 : memref<1x10240xf32, #tpu.memory_space<hbm>> -> memref<10240xf32, #tpu.memory_space<hbm>>
      tpu.wait_dma2 semaphore(%run_scoped3A_21 : memref<!tpu.dma_semaphore, #tpu.memory_space<semaphore_mem>>) src(%dma_wait3A_39 : memref<10240xf32, #tpu.memory_space<hbm>>) dst(%dma_wait3A_36 : memref<10240xf32, #tpu.memory_space<vmem>>)
      tpu.yield
    }) : () -> ()
    %broadcast_in_dim3A = arith.constant 0.000000e+00 : f32
    %broadcast_in_dim3A_15 = vector.broadcast %broadcast_in_dim3A : f32 to vector<16xf32>
    %scan3A = arith.constant 0 : i32
    %scan3A_16 = arith.constant 320 : i32
    %scan3A_17 = arith.addi %scan3A, %scan3A_16 : i32
    %scan3A_18 = arith.constant 1 : i32
    scf.for %scan3A_21 = %scan3A to %scan3A_17 step %scan3A_18  : i32 {
      %mul3A_22 = arith.constant 128 : i32
      %mul3A_23 = arith.muli %mul3A_22, %scan3A_21 : i32
      %add3A_24 = arith.constant 0 : i32
      %add3A_25 = arith.addi %mul3A_23, %add3A_24 : i32
      %swap3A = arith.index_cast %add3A_25 : i32 to index
      %swap3A_26 = tpu.vector_load %arg7[%swap3A] {strides = array<i32>} : memref<40960xf32, #tpu.memory_space<vmem>>, vector<16xf32>,
      tpu.vector_store %arg7[%swap3A], %broadcast_in_dim3A_15 {strides = array<i32>} : memref<40960xf32, #tpu.memory_space<vmem>>, vector<16xf32>,
      %mul3A_27 = arith.constant 128 : i32
      %mul3A_28 = arith.muli %mul3A_27, %scan3A_21 : i32
      %add3A_29 = arith.constant 16 : i32
      %add3A_30 = arith.addi %mul3A_28, %add3A_29 : i32
      %swap3A_31 = arith.index_cast %add3A_30 : i32 to index
      %swap3A_32 = tpu.vector_load %arg7[%swap3A_31] {strides = array<i32>} : memref<40960xf32, #tpu.memory_space<vmem>>, vector<16xf32>,
      tpu.vector_store %arg7[%swap3A_31], %broadcast_in_dim3A_15 {strides = array<i32>} : memref<40960xf32, #tpu.memory_space<vmem>>, vector<16xf32>,
      %mul3A_33 = arith.constant 128 : i32
      %mul3A_34 = arith.muli %mul3A_33, %scan3A_21 : i32
      %add3A_35 = arith.constant 32 : i32
      %add3A_36 = arith.addi %mul3A_34, %add3A_35 : i32
      %swap3A_37 = arith.index_cast %add3A_36 : i32 to index
      %swap3A_38 = tpu.vector_load %arg7[%swap3A_37] {strides = array<i32>} : memref<40960xf32, #tpu.memory_space<vmem>>, vector<16xf32>,
      tpu.vector_store %arg7[%swap3A_37], %broadcast_in_dim3A_15 {strides = array<i32>} : memref<40960xf32, #tpu.memory_space<vmem>>, vector<16xf32>,
      %mul3A_39 = arith.constant 128 : i32
      %mul3A_40 = arith.muli %mul3A_39, %scan3A_21 : i32
      %add3A_41 = arith.constant 48 : i32
      %add3A_42 = arith.addi %mul3A_40, %add3A_41 : i32
      %swap3A_43 = arith.index_cast %add3A_42 : i32 to index
      %swap3A_44 = tpu.vector_load %arg7[%swap3A_43] {strides = array<i32>} : memref<40960xf32, #tpu.memory_space<vmem>>, vector<16xf32>,
      tpu.vector_store %arg7[%swap3A_43], %broadcast_in_dim3A_15 {strides = array<i32>} : memref<40960xf32, #tpu.memory_space<vmem>>, vector<16xf32>,
      %mul3A_45 = arith.constant 128 : i32
      %mul3A_46 = arith.muli %mul3A_45, %scan3A_21 : i32
      %add3A_47 = arith.constant 64 : i32
      %add3A_48 = arith.addi %mul3A_46, %add3A_47 : i32
      %swap3A_49 = arith.index_cast %add3A_48 : i32 to index
      %swap3A_50 = tpu.vector_load %arg7[%swap3A_49] {strides = array<i32>} : memref<40960xf32, #tpu.memory_space<vmem>>, vector<16xf32>,
      tpu.vector_store %arg7[%swap3A_49], %broadcast_in_dim3A_15 {strides = array<i32>} : memref<40960xf32, #tpu.memory_space<vmem>>, vector<16xf32>,
      %mul3A_51 = arith.constant 128 : i32
      %mul3A_52 = arith.muli %mul3A_51, %scan3A_21 : i32
      %add3A_53 = arith.constant 80 : i32
      %add3A_54 = arith.addi %mul3A_52, %add3A_53 : i32
      %swap3A_55 = arith.index_cast %add3A_54 : i32 to index
      %swap3A_56 = tpu.vector_load %arg7[%swap3A_55] {strides = array<i32>} : memref<40960xf32, #tpu.memory_space<vmem>>, vector<16xf32>,
      tpu.vector_store %arg7[%swap3A_55], %broadcast_in_dim3A_15 {strides = array<i32>} : memref<40960xf32, #tpu.memory_space<vmem>>, vector<16xf32>,
      %mul3A_57 = arith.constant 128 : i32
      %mul3A_58 = arith.muli %mul3A_57, %scan3A_21 : i32
      %add3A_59 = arith.constant 96 : i32
      %add3A_60 = arith.addi %mul3A_58, %add3A_59 : i32
      %swap3A_61 = arith.index_cast %add3A_60 : i32 to index
      %swap3A_62 = tpu.vector_load %arg7[%swap3A_61] {strides = array<i32>} : memref<40960xf32, #tpu.memory_space<vmem>>, vector<16xf32>,
      tpu.vector_store %arg7[%swap3A_61], %broadcast_in_dim3A_15 {strides = array<i32>} : memref<40960xf32, #tpu.memory_space<vmem>>, vector<16xf32>,
      %mul3A_63 = arith.constant 128 : i32
      %mul3A_64 = arith.muli %mul3A_63, %scan3A_21 : i32
      %add3A_65 = arith.constant 112 : i32
      %add3A_66 = arith.addi %mul3A_64, %add3A_65 : i32
      %swap3A_67 = arith.index_cast %add3A_66 : i32 to index
      %swap3A_68 = tpu.vector_load %arg7[%swap3A_67] {strides = array<i32>} : memref<40960xf32, #tpu.memory_space<vmem>>, vector<16xf32>,
      tpu.vector_store %arg7[%swap3A_67], %broadcast_in_dim3A_15 {strides = array<i32>} : memref<40960xf32, #tpu.memory_space<vmem>>, vector<16xf32>,
    }
    %scan3A_19 = arith.constant 320 : i32
    %parallel_loop3A = arith.constant 0 : i32
    %parallel_loop3A_20 = arith.constant 1 : i32
    scf.for %parallel_loop3A_21 = %parallel_loop3A to %add3A_8 step %parallel_loop3A_20  : i32 {
      %parallel_loop3A_22 = arith.constant 0 : i32
      %parallel_loop3A_23 = arith.index_cast %parallel_loop3A_21 : i32 to index
      %parallel_loop3A_24 = arith.index_cast %parallel_loop3A_22 : i32 to index
      %parallel_loop3A_25 = arith.constant 0 : index
      %parallel_loop3A_26 = tpu.vector_load %arg5[%parallel_loop3A_23, %parallel_loop3A_24, %parallel_loop3A_25] {strides = array<i32>} : memref<79x2x128xi32, #tpu.memory_space<vmem>>, vector<16xi32>,
      %parallel_loop3A_27 = arith.constant 1 : i32
      %parallel_loop3A_28 = arith.index_cast %parallel_loop3A_21 : i32 to index
      %parallel_loop3A_29 = arith.index_cast %parallel_loop3A_27 : i32 to index
      %parallel_loop3A_30 = arith.constant 0 : index
      %parallel_loop3A_31 = tpu.vector_load %arg5[%parallel_loop3A_28, %parallel_loop3A_29, %parallel_loop3A_30] {strides = array<i32>} : memref<79x2x128xi32, #tpu.memory_space<vmem>>, vector<16xi32>,
      %parallel_loop3A_32 = arith.constant 0 : i32
      %parallel_loop3A_33 = vector.broadcast %parallel_loop3A_32 : i32 to vector<16xi32>
      %parallel_loop3A_34 = arith.addi %parallel_loop3A_26, %parallel_loop3A_33 : vector<16xi32>
      %parallel_loop3A_35 = tpu.vector_load_idx %arg6[%parallel_loop3A_34] : memref<40960xf32, #tpu.memory_space<vmem>>[vector<16xi32>], vector<16xf32>,
      %parallel_loop3A_36 = arith.constant 0 : i32
      %parallel_loop3A_37 = vector.broadcast %parallel_loop3A_36 : i32 to vector<16xi32>
      %parallel_loop3A_38 = arith.addi %parallel_loop3A_31, %parallel_loop3A_37 : vector<16xi32>
      tpu.vector_store_idx %arg7[%parallel_loop3A_38], %parallel_loop3A_35 {add = true} : memref<40960xf32, #tpu.memory_space<vmem>>[vector<16xi32>], vector<16xf32>,
      %parallel_loop3A_39 = arith.constant 10240 : i32
      %parallel_loop3A_40 = vector.broadcast %parallel_loop3A_39 : i32 to vector<16xi32>
      %parallel_loop3A_41 = arith.addi %parallel_loop3A_26, %parallel_loop3A_40 : vector<16xi32>
      %parallel_loop3A_42 = tpu.vector_load_idx %arg6[%parallel_loop3A_41] : memref<40960xf32, #tpu.memory_space<vmem>>[vector<16xi32>], vector<16xf32>,
      %parallel_loop3A_43 = arith.constant 10240 : i32
      %parallel_loop3A_44 = vector.broadcast %parallel_loop3A_43 : i32 to vector<16xi32>
      %parallel_loop3A_45 = arith.addi %parallel_loop3A_31, %parallel_loop3A_44 : vector<16xi32>
      tpu.vector_store_idx %arg7[%parallel_loop3A_45], %parallel_loop3A_42 {add = true} : memref<40960xf32, #tpu.memory_space<vmem>>[vector<16xi32>], vector<16xf32>,
      %parallel_loop3A_46 = arith.constant 20480 : i32
      %parallel_loop3A_47 = vector.broadcast %parallel_loop3A_46 : i32 to vector<16xi32>
      %parallel_loop3A_48 = arith.addi %parallel_loop3A_26, %parallel_loop3A_47 : vector<16xi32>
      %parallel_loop3A_49 = tpu.vector_load_idx %arg6[%parallel_loop3A_48] : memref<40960xf32, #tpu.memory_space<vmem>>[vector<16xi32>], vector<16xf32>,
      %parallel_loop3A_50 = arith.constant 20480 : i32
      %parallel_loop3A_51 = vector.broadcast %parallel_loop3A_50 : i32 to vector<16xi32>
      %parallel_loop3A_52 = arith.addi %parallel_loop3A_31, %parallel_loop3A_51 : vector<16xi32>
      tpu.vector_store_idx %arg7[%parallel_loop3A_52], %parallel_loop3A_49 {add = true} : memref<40960xf32, #tpu.memory_space<vmem>>[vector<16xi32>], vector<16xf32>,
      %parallel_loop3A_53 = arith.constant 30720 : i32
      %parallel_loop3A_54 = vector.broadcast %parallel_loop3A_53 : i32 to vector<16xi32>
      %parallel_loop3A_55 = arith.addi %parallel_loop3A_26, %parallel_loop3A_54 : vector<16xi32>
      %parallel_loop3A_56 = tpu.vector_load_idx %arg6[%parallel_loop3A_55] : memref<40960xf32, #tpu.memory_space<vmem>>[vector<16xi32>], vector<16xf32>,
      %parallel_loop3A_57 = arith.constant 30720 : i32
      %parallel_loop3A_58 = vector.broadcast %parallel_loop3A_57 : i32 to vector<16xi32>
      %parallel_loop3A_59 = arith.addi %parallel_loop3A_31, %parallel_loop3A_58 : vector<16xi32>
      tpu.vector_store_idx %arg7[%parallel_loop3A_59], %parallel_loop3A_56 {add = true} : memref<40960xf32, #tpu.memory_space<vmem>>[vector<16xi32>], vector<16xf32>,
      %parallel_loop3A_60 = arith.constant 0 : i32
      %parallel_loop3A_61 = arith.index_cast %parallel_loop3A_21 : i32 to index
      %parallel_loop3A_62 = arith.index_cast %parallel_loop3A_60 : i32 to index
      %parallel_loop3A_63 = arith.constant 16 : index
      %parallel_loop3A_64 = tpu.vector_load %arg5[%parallel_loop3A_61, %parallel_loop3A_62, %parallel_loop3A_63] {strides = array<i32>} : memref<79x2x128xi32, #tpu.memory_space<vmem>>, vector<16xi32>,
      %parallel_loop3A_65 = arith.constant 1 : i32
      %parallel_loop3A_66 = arith.index_cast %parallel_loop3A_21 : i32 to index
      %parallel_loop3A_67 = arith.index_cast %parallel_loop3A_65 : i32 to index
      %parallel_loop3A_68 = arith.constant 16 : index
      %parallel_loop3A_69 = tpu.vector_load %arg5[%parallel_loop3A_66, %parallel_loop3A_67, %parallel_loop3A_68] {strides = array<i32>} : memref<79x2x128xi32, #tpu.memory_space<vmem>>, vector<16xi32>,
      %parallel_loop3A_70 = arith.constant 0 : i32
      %parallel_loop3A_71 = vector.broadcast %parallel_loop3A_70 : i32 to vector<16xi32>
      %parallel_loop3A_72 = arith.addi %parallel_loop3A_64, %parallel_loop3A_71 : vector<16xi32>
      %parallel_loop3A_73 = tpu.vector_load_idx %arg6[%parallel_loop3A_72] : memref<40960xf32, #tpu.memory_space<vmem>>[vector<16xi32>], vector<16xf32>,
      %parallel_loop3A_74 = arith.constant 0 : i32
      %parallel_loop3A_75 = vector.broadcast %parallel_loop3A_74 : i32 to vector<16xi32>
      %parallel_loop3A_76 = arith.addi %parallel_loop3A_69, %parallel_loop3A_75 : vector<16xi32>
      tpu.vector_store_idx %arg7[%parallel_loop3A_76], %parallel_loop3A_73 {add = true} : memref<40960xf32, #tpu.memory_space<vmem>>[vector<16xi32>], vector<16xf32>,
      %parallel_loop3A_77 = arith.constant 10240 : i32
      %parallel_loop3A_78 = vector.broadcast %parallel_loop3A_77 : i32 to vector<16xi32>
      %parallel_loop3A_79 = arith.addi %parallel_loop3A_64, %parallel_loop3A_78 : vector<16xi32>
      %parallel_loop3A_80 = tpu.vector_load_idx %arg6[%parallel_loop3A_79] : memref<40960xf32, #tpu.memory_space<vmem>>[vector<16xi32>], vector<16xf32>,
      %parallel_loop3A_81 = arith.constant 10240 : i32
      %parallel_loop3A_82 = vector.broadcast %parallel_loop3A_81 : i32 to vector<16xi32>
      %parallel_loop3A_83 = arith.addi %parallel_loop3A_69, %parallel_loop3A_82 : vector<16xi32>
      tpu.vector_store_idx %arg7[%parallel_loop3A_83], %parallel_loop3A_80 {add = true} : memref<40960xf32, #tpu.memory_space<vmem>>[vector<16xi32>], vector<16xf32>,
      %parallel_loop3A_84 = arith.constant 20480 : i32
      %parallel_loop3A_85 = vector.broadcast %parallel_loop3A_84 : i32 to vector<16xi32>
      %parallel_loop3A_86 = arith.addi %parallel_loop3A_64, %parallel_loop3A_85 : vector<16xi32>
      %parallel_loop3A_87 = tpu.vector_load_idx %arg6[%parallel_loop3A_86] : memref<40960xf32, #tpu.memory_space<vmem>>[vector<16xi32>], vector<16xf32>,
      %parallel_loop3A_88 = arith.constant 20480 : i32
      %parallel_loop3A_89 = vector.broadcast %parallel_loop3A_88 : i32 to vector<16xi32>
      %parallel_loop3A_90 = arith.addi %parallel_loop3A_69, %parallel_loop3A_89 : vector<16xi32>
      tpu.vector_store_idx %arg7[%parallel_loop3A_90], %parallel_loop3A_87 {add = true} : memref<40960xf32, #tpu.memory_space<vmem>>[vector<16xi32>], vector<16xf32>,
      %parallel_loop3A_91 = arith.constant 30720 : i32
      %parallel_loop3A_92 = vector.broadcast %parallel_loop3A_91 : i32 to vector<16xi32>
      %parallel_loop3A_93 = arith.addi %parallel_loop3A_64, %parallel_loop3A_92 : vector<16xi32>
      %parallel_loop3A_94 = tpu.vector_load_idx %arg6[%parallel_loop3A_93] : memref<40960xf32, #tpu.memory_space<vmem>>[vector<16xi32>], vector<16xf32>,
      %parallel_loop3A_95 = arith.constant 30720 : i32
      %parallel_loop3A_96 = vector.broadcast %parallel_loop3A_95 : i32 to vector<16xi32>
      %parallel_loop3A_97 = arith.addi %parallel_loop3A_69, %parallel_loop3A_96 : vector<16xi32>
      tpu.vector_store_idx %arg7[%parallel_loop3A_97], %parallel_loop3A_94 {add = true} : memref<40960xf32, #tpu.memory_space<vmem>>[vector<16xi32>], vector<16xf32>,
      %parallel_loop3A_98 = arith.constant 0 : i32
      %parallel_loop3A_99 = arith.index_cast %parallel_loop3A_21 : i32 to index
      %parallel_loop3A_100 = arith.index_cast %parallel_loop3A_98 : i32 to index
      %parallel_loop3A_101 = arith.constant 32 : index
      %parallel_loop3A_102 = tpu.vector_load %arg5[%parallel_loop3A_99, %parallel_loop3A_100, %parallel_loop3A_101] {strides = array<i32>} : memref<79x2x128xi32, #tpu.memory_space<vmem>>, vector<16xi32>,
      %parallel_loop3A_103 = arith.constant 1 : i32
      %parallel_loop3A_104 = arith.index_cast %parallel_loop3A_21 : i32 to index
      %parallel_loop3A_105 = arith.index_cast %parallel_loop3A_103 : i32 to index
      %parallel_loop3A_106 = arith.constant 32 : index
      %parallel_loop3A_107 = tpu.vector_load %arg5[%parallel_loop3A_104, %parallel_loop3A_105, %parallel_loop3A_106] {strides = array<i32>} : memref<79x2x128xi32, #tpu.memory_space<vmem>>, vector<16xi32>,
      %parallel_loop3A_108 = arith.constant 0 : i32
      %parallel_loop3A_109 = vector.broadcast %parallel_loop3A_108 : i32 to vector<16xi32>
      %parallel_loop3A_110 = arith.addi %parallel_loop3A_102, %parallel_loop3A_109 : vector<16xi32>
      %parallel_loop3A_111 = tpu.vector_load_idx %arg6[%parallel_loop3A_110] : memref<40960xf32, #tpu.memory_space<vmem>>[vector<16xi32>], vector<16xf32>,
      %parallel_loop3A_112 = arith.constant 0 : i32
      %parallel_loop3A_113 = vector.broadcast %parallel_loop3A_112 : i32 to vector<16xi32>
      %parallel_loop3A_114 = arith.addi %parallel_loop3A_107, %parallel_loop3A_113 : vector<16xi32>
      tpu.vector_store_idx %arg7[%parallel_loop3A_114], %parallel_loop3A_111 {add = true} : memref<40960xf32, #tpu.memory_space<vmem>>[vector<16xi32>], vector<16xf32>,
      %parallel_loop3A_115 = arith.constant 10240 : i32
      %parallel_loop3A_116 = vector.broadcast %parallel_loop3A_115 : i32 to vector<16xi32>
      %parallel_loop3A_117 = arith.addi %parallel_loop3A_102, %parallel_loop3A_116 : vector<16xi32>
      %parallel_loop3A_118 = tpu.vector_load_idx %arg6[%parallel_loop3A_117] : memref<40960xf32, #tpu.memory_space<vmem>>[vector<16xi32>], vector<16xf32>,
      %parallel_loop3A_119 = arith.constant 10240 : i32
      %parallel_loop3A_120 = vector.broadcast %parallel_loop3A_119 : i32 to vector<16xi32>
      %parallel_loop3A_121 = arith.addi %parallel_loop3A_107, %parallel_loop3A_120 : vector<16xi32>
      tpu.vector_store_idx %arg7[%parallel_loop3A_121], %parallel_loop3A_118 {add = true} : memref<40960xf32, #tpu.memory_space<vmem>>[vector<16xi32>], vector<16xf32>,
      %parallel_loop3A_122 = arith.constant 20480 : i32
      %parallel_loop3A_123 = vector.broadcast %parallel_loop3A_122 : i32 to vector<16xi32>
      %parallel_loop3A_124 = arith.addi %parallel_loop3A_102, %parallel_loop3A_123 : vector<16xi32>
      %parallel_loop3A_125 = tpu.vector_load_idx %arg6[%parallel_loop3A_124] : memref<40960xf32, #tpu.memory_space<vmem>>[vector<16xi32>], vector<16xf32>,
      %parallel_loop3A_126 = arith.constant 20480 : i32
      %parallel_loop3A_127 = vector.broadcast %parallel_loop3A_126 : i32 to vector<16xi32>
      %parallel_loop3A_128 = arith.addi %parallel_loop3A_107, %parallel_loop3A_127 : vector<16xi32>
      tpu.vector_store_idx %arg7[%parallel_loop3A_128], %parallel_loop3A_125 {add = true} : memref<40960xf32, #tpu.memory_space<vmem>>[vector<16xi32>], vector<16xf32>,
      %parallel_loop3A_129 = arith.constant 30720 : i32
      %parallel_loop3A_130 = vector.broadcast %parallel_loop3A_129 : i32 to vector<16xi32>
      %parallel_loop3A_131 = arith.addi %parallel_loop3A_102, %parallel_loop3A_130 : vector<16xi32>
      %parallel_loop3A_132 = tpu.vector_load_idx %arg6[%parallel_loop3A_131] : memref<40960xf32, #tpu.memory_space<vmem>>[vector<16xi32>], vector<16xf32>,
      %parallel_loop3A_133 = arith.constant 30720 : i32
      %parallel_loop3A_134 = vector.broadcast %parallel_loop3A_133 : i32 to vector<16xi32>
      %parallel_loop3A_135 = arith.addi %parallel_loop3A_107, %parallel_loop3A_134 : vector<16xi32>
      tpu.vector_store_idx %arg7[%parallel_loop3A_135], %parallel_loop3A_132 {add = true} : memref<40960xf32, #tpu.memory_space<vmem>>[vector<16xi32>], vector<16xf32>,
      %parallel_loop3A_136 = arith.constant 0 : i32
      %parallel_loop3A_137 = arith.index_cast %parallel_loop3A_21 : i32 to index
      %parallel_loop3A_138 = arith.index_cast %parallel_loop3A_136 : i32 to index
      %parallel_loop3A_139 = arith.constant 48 : index
      %parallel_loop3A_140 = tpu.vector_load %arg5[%parallel_loop3A_137, %parallel_loop3A_138, %parallel_loop3A_139] {strides = array<i32>} : memref<79x2x128xi32, #tpu.memory_space<vmem>>, vector<16xi32>,
      %parallel_loop3A_141 = arith.constant 1 : i32
      %parallel_loop3A_142 = arith.index_cast %parallel_loop3A_21 : i32 to index
      %parallel_loop3A_143 = arith.index_cast %parallel_loop3A_141 : i32 to index
      %parallel_loop3A_144 = arith.constant 48 : index
      %parallel_loop3A_145 = tpu.vector_load %arg5[%parallel_loop3A_142, %parallel_loop3A_143, %parallel_loop3A_144] {strides = array<i32>} : memref<79x2x128xi32, #tpu.memory_space<vmem>>, vector<16xi32>,
      %parallel_loop3A_146 = arith.constant 0 : i32
      %parallel_loop3A_147 = vector.broadcast %parallel_loop3A_146 : i32 to vector<16xi32>
      %parallel_loop3A_148 = arith.addi %parallel_loop3A_140, %parallel_loop3A_147 : vector<16xi32>
      %parallel_loop3A_149 = tpu.vector_load_idx %arg6[%parallel_loop3A_148] : memref<40960xf32, #tpu.memory_space<vmem>>[vector<16xi32>], vector<16xf32>,
      %parallel_loop3A_150 = arith.constant 0 : i32
      %parallel_loop3A_151 = vector.broadcast %parallel_loop3A_150 : i32 to vector<16xi32>
      %parallel_loop3A_152 = arith.addi %parallel_loop3A_145, %parallel_loop3A_151 : vector<16xi32>
      tpu.vector_store_idx %arg7[%parallel_loop3A_152], %parallel_loop3A_149 {add = true} : memref<40960xf32, #tpu.memory_space<vmem>>[vector<16xi32>], vector<16xf32>,
      %parallel_loop3A_153 = arith.constant 10240 : i32
      %parallel_loop3A_154 = vector.broadcast %parallel_loop3A_153 : i32 to vector<16xi32>
      %parallel_loop3A_155 = arith.addi %parallel_loop3A_140, %parallel_loop3A_154 : vector<16xi32>
      %parallel_loop3A_156 = tpu.vector_load_idx %arg6[%parallel_loop3A_155] : memref<40960xf32, #tpu.memory_space<vmem>>[vector<16xi32>], vector<16xf32>,
      %parallel_loop3A_157 = arith.constant 10240 : i32
      %parallel_loop3A_158 = vector.broadcast %parallel_loop3A_157 : i32 to vector<16xi32>
      %parallel_loop3A_159 = arith.addi %parallel_loop3A_145, %parallel_loop3A_158 : vector<16xi32>
      tpu.vector_store_idx %arg7[%parallel_loop3A_159], %parallel_loop3A_156 {add = true} : memref<40960xf32, #tpu.memory_space<vmem>>[vector<16xi32>], vector<16xf32>,
      %parallel_loop3A_160 = arith.constant 20480 : i32
      %parallel_loop3A_161 = vector.broadcast %parallel_loop3A_160 : i32 to vector<16xi32>
      %parallel_loop3A_162 = arith.addi %parallel_loop3A_140, %parallel_loop3A_161 : vector<16xi32>
      %parallel_loop3A_163 = tpu.vector_load_idx %arg6[%parallel_loop3A_162] : memref<40960xf32, #tpu.memory_space<vmem>>[vector<16xi32>], vector<16xf32>,
      %parallel_loop3A_164 = arith.constant 20480 : i32
      %parallel_loop3A_165 = vector.broadcast %parallel_loop3A_164 : i32 to vector<16xi32>
      %parallel_loop3A_166 = arith.addi %parallel_loop3A_145, %parallel_loop3A_165 : vector<16xi32>
      tpu.vector_store_idx %arg7[%parallel_loop3A_166], %parallel_loop3A_163 {add = true} : memref<40960xf32, #tpu.memory_space<vmem>>[vector<16xi32>], vector<16xf32>,
      %parallel_loop3A_167 = arith.constant 30720 : i32
      %parallel_loop3A_168 = vector.broadcast %parallel_loop3A_167 : i32 to vector<16xi32>
      %parallel_loop3A_169 = arith.addi %parallel_loop3A_140, %parallel_loop3A_168 : vector<16xi32>
      %parallel_loop3A_170 = tpu.vector_load_idx %arg6[%parallel_loop3A_169] : memref<40960xf32, #tpu.memory_space<vmem>>[vector<16xi32>], vector<16xf32>,
      %parallel_loop3A_171 = arith.constant 30720 : i32
      %parallel_loop3A_172 = vector.broadcast %parallel_loop3A_171 : i32 to vector<16xi32>
      %parallel_loop3A_173 = arith.addi %parallel_loop3A_145, %parallel_loop3A_172 : vector<16xi32>
      tpu.vector_store_idx %arg7[%parallel_loop3A_173], %parallel_loop3A_170 {add = true} : memref<40960xf32, #tpu.memory_space<vmem>>[vector<16xi32>], vector<16xf32>,
      %parallel_loop3A_174 = arith.constant 0 : i32
      %parallel_loop3A_175 = arith.index_cast %parallel_loop3A_21 : i32 to index
      %parallel_loop3A_176 = arith.index_cast %parallel_loop3A_174 : i32 to index
      %parallel_loop3A_177 = arith.constant 64 : index
      %parallel_loop3A_178 = tpu.vector_load %arg5[%parallel_loop3A_175, %parallel_loop3A_176, %parallel_loop3A_177] {strides = array<i32>} : memref<79x2x128xi32, #tpu.memory_space<vmem>>, vector<16xi32>,
      %parallel_loop3A_179 = arith.constant 1 : i32
      %parallel_loop3A_180 = arith.index_cast %parallel_loop3A_21 : i32 to index
      %parallel_loop3A_181 = arith.index_cast %parallel_loop3A_179 : i32 to index
      %parallel_loop3A_182 = arith.constant 64 : index
      %parallel_loop3A_183 = tpu.vector_load %arg5[%parallel_loop3A_180, %parallel_loop3A_181, %parallel_loop3A_182] {strides = array<i32>} : memref<79x2x128xi32, #tpu.memory_space<vmem>>, vector<16xi32>,
      %parallel_loop3A_184 = arith.constant 0 : i32
      %parallel_loop3A_185 = vector.broadcast %parallel_loop3A_184 : i32 to vector<16xi32>
      %parallel_loop3A_186 = arith.addi %parallel_loop3A_178, %parallel_loop3A_185 : vector<16xi32>
      %parallel_loop3A_187 = tpu.vector_load_idx %arg6[%parallel_loop3A_186] : memref<40960xf32, #tpu.memory_space<vmem>>[vector<16xi32>], vector<16xf32>,
      %parallel_loop3A_188 = arith.constant 0 : i32
      %parallel_loop3A_189 = vector.broadcast %parallel_loop3A_188 : i32 to vector<16xi32>
      %parallel_loop3A_190 = arith.addi %parallel_loop3A_183, %parallel_loop3A_189 : vector<16xi32>
      tpu.vector_store_idx %arg7[%parallel_loop3A_190], %parallel_loop3A_187 {add = true} : memref<40960xf32, #tpu.memory_space<vmem>>[vector<16xi32>], vector<16xf32>,
      %parallel_loop3A_191 = arith.constant 10240 : i32
      %parallel_loop3A_192 = vector.broadcast %parallel_loop3A_191 : i32 to vector<16xi32>
      %parallel_loop3A_193 = arith.addi %parallel_loop3A_178, %parallel_loop3A_192 : vector<16xi32>
      %parallel_loop3A_194 = tpu.vector_load_idx %arg6[%parallel_loop3A_193] : memref<40960xf32, #tpu.memory_space<vmem>>[vector<16xi32>], vector<16xf32>,
      %parallel_loop3A_195 = arith.constant 10240 : i32
      %parallel_loop3A_196 = vector.broadcast %parallel_loop3A_195 : i32 to vector<16xi32>
      %parallel_loop3A_197 = arith.addi %parallel_loop3A_183, %parallel_loop3A_196 : vector<16xi32>
      tpu.vector_store_idx %arg7[%parallel_loop3A_197], %parallel_loop3A_194 {add = true} : memref<40960xf32, #tpu.memory_space<vmem>>[vector<16xi32>], vector<16xf32>,
      %parallel_loop3A_198 = arith.constant 20480 : i32
      %parallel_loop3A_199 = vector.broadcast %parallel_loop3A_198 : i32 to vector<16xi32>
      %parallel_loop3A_200 = arith.addi %parallel_loop3A_178, %parallel_loop3A_199 : vector<16xi32>
      %parallel_loop3A_201 = tpu.vector_load_idx %arg6[%parallel_loop3A_200] : memref<40960xf32, #tpu.memory_space<vmem>>[vector<16xi32>], vector<16xf32>,
      %parallel_loop3A_202 = arith.constant 20480 : i32
      %parallel_loop3A_203 = vector.broadcast %parallel_loop3A_202 : i32 to vector<16xi32>
      %parallel_loop3A_204 = arith.addi %parallel_loop3A_183, %parallel_loop3A_203 : vector<16xi32>
      tpu.vector_store_idx %arg7[%parallel_loop3A_204], %parallel_loop3A_201 {add = true} : memref<40960xf32, #tpu.memory_space<vmem>>[vector<16xi32>], vector<16xf32>,
      %parallel_loop3A_205 = arith.constant 30720 : i32
      %parallel_loop3A_206 = vector.broadcast %parallel_loop3A_205 : i32 to vector<16xi32>
      %parallel_loop3A_207 = arith.addi %parallel_loop3A_178, %parallel_loop3A_206 : vector<16xi32>
      %parallel_loop3A_208 = tpu.vector_load_idx %arg6[%parallel_loop3A_207] : memref<40960xf32, #tpu.memory_space<vmem>>[vector<16xi32>], vector<16xf32>,
      %parallel_loop3A_209 = arith.constant 30720 : i32
      %parallel_loop3A_210 = vector.broadcast %parallel_loop3A_209 : i32 to vector<16xi32>
      %parallel_loop3A_211 = arith.addi %parallel_loop3A_183, %parallel_loop3A_210 : vector<16xi32>
      tpu.vector_store_idx %arg7[%parallel_loop3A_211], %parallel_loop3A_208 {add = true} : memref<40960xf32, #tpu.memory_space<vmem>>[vector<16xi32>], vector<16xf32>,
      %parallel_loop3A_212 = arith.constant 0 : i32
      %parallel_loop3A_213 = arith.index_cast %parallel_loop3A_21 : i32 to index
      %parallel_loop3A_214 = arith.index_cast %parallel_loop3A_212 : i32 to index
      %parallel_loop3A_215 = arith.constant 80 : index
      %parallel_loop3A_216 = tpu.vector_load %arg5[%parallel_loop3A_213, %parallel_loop3A_214, %parallel_loop3A_215] {strides = array<i32>} : memref<79x2x128xi32, #tpu.memory_space<vmem>>, vector<16xi32>,
      %parallel_loop3A_217 = arith.constant 1 : i32
      %parallel_loop3A_218 = arith.index_cast %parallel_loop3A_21 : i32 to index
      %parallel_loop3A_219 = arith.index_cast %parallel_loop3A_217 : i32 to index
      %parallel_loop3A_220 = arith.constant 80 : index
      %parallel_loop3A_221 = tpu.vector_load %arg5[%parallel_loop3A_218, %parallel_loop3A_219, %parallel_loop3A_220] {strides = array<i32>} : memref<79x2x128xi32, #tpu.memory_space<vmem>>, vector<16xi32>,
      %parallel_loop3A_222 = arith.constant 0 : i32
      %parallel_loop3A_223 = vector.broadcast %parallel_loop3A_222 : i32 to vector<16xi32>
      %parallel_loop3A_224 = arith.addi %parallel_loop3A_216, %parallel_loop3A_223 : vector<16xi32>
      %parallel_loop3A_225 = tpu.vector_load_idx %arg6[%parallel_loop3A_224] : memref<40960xf32, #tpu.memory_space<vmem>>[vector<16xi32>], vector<16xf32>,
      %parallel_loop3A_226 = arith.constant 0 : i32
      %parallel_loop3A_227 = vector.broadcast %parallel_loop3A_226 : i32 to vector<16xi32>
      %parallel_loop3A_228 = arith.addi %parallel_loop3A_221, %parallel_loop3A_227 : vector<16xi32>
      tpu.vector_store_idx %arg7[%parallel_loop3A_228], %parallel_loop3A_225 {add = true} : memref<40960xf32, #tpu.memory_space<vmem>>[vector<16xi32>], vector<16xf32>,
      %parallel_loop3A_229 = arith.constant 10240 : i32
      %parallel_loop3A_230 = vector.broadcast %parallel_loop3A_229 : i32 to vector<16xi32>
      %parallel_loop3A_231 = arith.addi %parallel_loop3A_216, %parallel_loop3A_230 : vector<16xi32>
      %parallel_loop3A_232 = tpu.vector_load_idx %arg6[%parallel_loop3A_231] : memref<40960xf32, #tpu.memory_space<vmem>>[vector<16xi32>], vector<16xf32>,
      %parallel_loop3A_233 = arith.constant 10240 : i32
      %parallel_loop3A_234 = vector.broadcast %parallel_loop3A_233 : i32 to vector<16xi32>
      %parallel_loop3A_235 = arith.addi %parallel_loop3A_221, %parallel_loop3A_234 : vector<16xi32>
      tpu.vector_store_idx %arg7[%parallel_loop3A_235], %parallel_loop3A_232 {add = true} : memref<40960xf32, #tpu.memory_space<vmem>>[vector<16xi32>], vector<16xf32>,
      %parallel_loop3A_236 = arith.constant 20480 : i32
      %parallel_loop3A_237 = vector.broadcast %parallel_loop3A_236 : i32 to vector<16xi32>
      %parallel_loop3A_238 = arith.addi %parallel_loop3A_216, %parallel_loop3A_237 : vector<16xi32>
      %parallel_loop3A_239 = tpu.vector_load_idx %arg6[%parallel_loop3A_238] : memref<40960xf32, #tpu.memory_space<vmem>>[vector<16xi32>], vector<16xf32>,
      %parallel_loop3A_240 = arith.constant 20480 : i32
      %parallel_loop3A_241 = vector.broadcast %parallel_loop3A_240 : i32 to vector<16xi32>
      %parallel_loop3A_242 = arith.addi %parallel_loop3A_221, %parallel_loop3A_241 : vector<16xi32>
      tpu.vector_store_idx %arg7[%parallel_loop3A_242], %parallel_loop3A_239 {add = true} : memref<40960xf32, #tpu.memory_space<vmem>>[vector<16xi32>], vector<16xf32>,
      %parallel_loop3A_243 = arith.constant 30720 : i32
      %parallel_loop3A_244 = vector.broadcast %parallel_loop3A_243 : i32 to vector<16xi32>
      %parallel_loop3A_245 = arith.addi %parallel_loop3A_216, %parallel_loop3A_244 : vector<16xi32>
      %parallel_loop3A_246 = tpu.vector_load_idx %arg6[%parallel_loop3A_245] : memref<40960xf32, #tpu.memory_space<vmem>>[vector<16xi32>], vector<16xf32>,
      %parallel_loop3A_247 = arith.constant 30720 : i32
      %parallel_loop3A_248 = vector.broadcast %parallel_loop3A_247 : i32 to vector<16xi32>
      %parallel_loop3A_249 = arith.addi %parallel_loop3A_221, %parallel_loop3A_248 : vector<16xi32>
      tpu.vector_store_idx %arg7[%parallel_loop3A_249], %parallel_loop3A_246 {add = true} : memref<40960xf32, #tpu.memory_space<vmem>>[vector<16xi32>], vector<16xf32>,
      %parallel_loop3A_250 = arith.constant 0 : i32
      %parallel_loop3A_251 = arith.index_cast %parallel_loop3A_21 : i32 to index
      %parallel_loop3A_252 = arith.index_cast %parallel_loop3A_250 : i32 to index
      %parallel_loop3A_253 = arith.constant 96 : index
      %parallel_loop3A_254 = tpu.vector_load %arg5[%parallel_loop3A_251, %parallel_loop3A_252, %parallel_loop3A_253] {strides = array<i32>} : memref<79x2x128xi32, #tpu.memory_space<vmem>>, vector<16xi32>,
      %parallel_loop3A_255 = arith.constant 1 : i32
      %parallel_loop3A_256 = arith.index_cast %parallel_loop3A_21 : i32 to index
      %parallel_loop3A_257 = arith.index_cast %parallel_loop3A_255 : i32 to index
      %parallel_loop3A_258 = arith.constant 96 : index
      %parallel_loop3A_259 = tpu.vector_load %arg5[%parallel_loop3A_256, %parallel_loop3A_257, %parallel_loop3A_258] {strides = array<i32>} : memref<79x2x128xi32, #tpu.memory_space<vmem>>, vector<16xi32>,
      %parallel_loop3A_260 = arith.constant 0 : i32
      %parallel_loop3A_261 = vector.broadcast %parallel_loop3A_260 : i32 to vector<16xi32>
      %parallel_loop3A_262 = arith.addi %parallel_loop3A_254, %parallel_loop3A_261 : vector<16xi32>
      %parallel_loop3A_263 = tpu.vector_load_idx %arg6[%parallel_loop3A_262] : memref<40960xf32, #tpu.memory_space<vmem>>[vector<16xi32>], vector<16xf32>,
      %parallel_loop3A_264 = arith.constant 0 : i32
      %parallel_loop3A_265 = vector.broadcast %parallel_loop3A_264 : i32 to vector<16xi32>
      %parallel_loop3A_266 = arith.addi %parallel_loop3A_259, %parallel_loop3A_265 : vector<16xi32>
      tpu.vector_store_idx %arg7[%parallel_loop3A_266], %parallel_loop3A_263 {add = true} : memref<40960xf32, #tpu.memory_space<vmem>>[vector<16xi32>], vector<16xf32>,
      %parallel_loop3A_267 = arith.constant 10240 : i32
      %parallel_loop3A_268 = vector.broadcast %parallel_loop3A_267 : i32 to vector<16xi32>
      %parallel_loop3A_269 = arith.addi %parallel_loop3A_254, %parallel_loop3A_268 : vector<16xi32>
      %parallel_loop3A_270 = tpu.vector_load_idx %arg6[%parallel_loop3A_269] : memref<40960xf32, #tpu.memory_space<vmem>>[vector<16xi32>], vector<16xf32>,
      %parallel_loop3A_271 = arith.constant 10240 : i32
      %parallel_loop3A_272 = vector.broadcast %parallel_loop3A_271 : i32 to vector<16xi32>
      %parallel_loop3A_273 = arith.addi %parallel_loop3A_259, %parallel_loop3A_272 : vector<16xi32>
      tpu.vector_store_idx %arg7[%parallel_loop3A_273], %parallel_loop3A_270 {add = true} : memref<40960xf32, #tpu.memory_space<vmem>>[vector<16xi32>], vector<16xf32>,
      %parallel_loop3A_274 = arith.constant 20480 : i32
      %parallel_loop3A_275 = vector.broadcast %parallel_loop3A_274 : i32 to vector<16xi32>
      %parallel_loop3A_276 = arith.addi %parallel_loop3A_254, %parallel_loop3A_275 : vector<16xi32>
      %parallel_loop3A_277 = tpu.vector_load_idx %arg6[%parallel_loop3A_276] : memref<40960xf32, #tpu.memory_space<vmem>>[vector<16xi32>], vector<16xf32>,
      %parallel_loop3A_278 = arith.constant 20480 : i32
      %parallel_loop3A_279 = vector.broadcast %parallel_loop3A_278 : i32 to vector<16xi32>
      %parallel_loop3A_280 = arith.addi %parallel_loop3A_259, %parallel_loop3A_279 : vector<16xi32>
      tpu.vector_store_idx %arg7[%parallel_loop3A_280], %parallel_loop3A_277 {add = true} : memref<40960xf32, #tpu.memory_space<vmem>>[vector<16xi32>], vector<16xf32>,
      %parallel_loop3A_281 = arith.constant 30720 : i32
      %parallel_loop3A_282 = vector.broadcast %parallel_loop3A_281 : i32 to vector<16xi32>
      %parallel_loop3A_283 = arith.addi %parallel_loop3A_254, %parallel_loop3A_282 : vector<16xi32>
      %parallel_loop3A_284 = tpu.vector_load_idx %arg6[%parallel_loop3A_283] : memref<40960xf32, #tpu.memory_space<vmem>>[vector<16xi32>], vector<16xf32>,
      %parallel_loop3A_285 = arith.constant 30720 : i32
      %parallel_loop3A_286 = vector.broadcast %parallel_loop3A_285 : i32 to vector<16xi32>
      %parallel_loop3A_287 = arith.addi %parallel_loop3A_259, %parallel_loop3A_286 : vector<16xi32>
      tpu.vector_store_idx %arg7[%parallel_loop3A_287], %parallel_loop3A_284 {add = true} : memref<40960xf32, #tpu.memory_space<vmem>>[vector<16xi32>], vector<16xf32>,
      %parallel_loop3A_288 = arith.constant 0 : i32
      %parallel_loop3A_289 = arith.index_cast %parallel_loop3A_21 : i32 to index
      %parallel_loop3A_290 = arith.index_cast %parallel_loop3A_288 : i32 to index
      %parallel_loop3A_291 = arith.constant 112 : index
      %parallel_loop3A_292 = tpu.vector_load %arg5[%parallel_loop3A_289, %parallel_loop3A_290, %parallel_loop3A_291] {strides = array<i32>} : memref<79x2x128xi32, #tpu.memory_space<vmem>>, vector<16xi32>,
      %parallel_loop3A_293 = arith.constant 1 : i32
      %parallel_loop3A_294 = arith.index_cast %parallel_loop3A_21 : i32 to index
      %parallel_loop3A_295 = arith.index_cast %parallel_loop3A_293 : i32 to index
      %parallel_loop3A_296 = arith.constant 112 : index
      %parallel_loop3A_297 = tpu.vector_load %arg5[%parallel_loop3A_294, %parallel_loop3A_295, %parallel_loop3A_296] {strides = array<i32>} : memref<79x2x128xi32, #tpu.memory_space<vmem>>, vector<16xi32>,
      %parallel_loop3A_298 = arith.constant 0 : i32
      %parallel_loop3A_299 = vector.broadcast %parallel_loop3A_298 : i32 to vector<16xi32>
      %parallel_loop3A_300 = arith.addi %parallel_loop3A_292, %parallel_loop3A_299 : vector<16xi32>
      %parallel_loop3A_301 = tpu.vector_load_idx %arg6[%parallel_loop3A_300] : memref<40960xf32, #tpu.memory_space<vmem>>[vector<16xi32>], vector<16xf32>,
      %parallel_loop3A_302 = arith.constant 0 : i32
      %parallel_loop3A_303 = vector.broadcast %parallel_loop3A_302 : i32 to vector<16xi32>
      %parallel_loop3A_304 = arith.addi %parallel_loop3A_297, %parallel_loop3A_303 : vector<16xi32>
      tpu.vector_store_idx %arg7[%parallel_loop3A_304], %parallel_loop3A_301 {add = true} : memref<40960xf32, #tpu.memory_space<vmem>>[vector<16xi32>], vector<16xf32>,
      %parallel_loop3A_305 = arith.constant 10240 : i32
      %parallel_loop3A_306 = vector.broadcast %parallel_loop3A_305 : i32 to vector<16xi32>
      %parallel_loop3A_307 = arith.addi %parallel_loop3A_292, %parallel_loop3A_306 : vector<16xi32>
      %parallel_loop3A_308 = tpu.vector_load_idx %arg6[%parallel_loop3A_307] : memref<40960xf32, #tpu.memory_space<vmem>>[vector<16xi32>], vector<16xf32>,
      %parallel_loop3A_309 = arith.constant 10240 : i32
      %parallel_loop3A_310 = vector.broadcast %parallel_loop3A_309 : i32 to vector<16xi32>
      %parallel_loop3A_311 = arith.addi %parallel_loop3A_297, %parallel_loop3A_310 : vector<16xi32>
      tpu.vector_store_idx %arg7[%parallel_loop3A_311], %parallel_loop3A_308 {add = true} : memref<40960xf32, #tpu.memory_space<vmem>>[vector<16xi32>], vector<16xf32>,
      %parallel_loop3A_312 = arith.constant 20480 : i32
      %parallel_loop3A_313 = vector.broadcast %parallel_loop3A_312 : i32 to vector<16xi32>
      %parallel_loop3A_314 = arith.addi %parallel_loop3A_292, %parallel_loop3A_313 : vector<16xi32>
      %parallel_loop3A_315 = tpu.vector_load_idx %arg6[%parallel_loop3A_314] : memref<40960xf32, #tpu.memory_space<vmem>>[vector<16xi32>], vector<16xf32>,
      %parallel_loop3A_316 = arith.constant 20480 : i32
      %parallel_loop3A_317 = vector.broadcast %parallel_loop3A_316 : i32 to vector<16xi32>
      %parallel_loop3A_318 = arith.addi %parallel_loop3A_297, %parallel_loop3A_317 : vector<16xi32>
      tpu.vector_store_idx %arg7[%parallel_loop3A_318], %parallel_loop3A_315 {add = true} : memref<40960xf32, #tpu.memory_space<vmem>>[vector<16xi32>], vector<16xf32>,
      %parallel_loop3A_319 = arith.constant 30720 : i32
      %parallel_loop3A_320 = vector.broadcast %parallel_loop3A_319 : i32 to vector<16xi32>
      %parallel_loop3A_321 = arith.addi %parallel_loop3A_292, %parallel_loop3A_320 : vector<16xi32>
      %parallel_loop3A_322 = tpu.vector_load_idx %arg6[%parallel_loop3A_321] : memref<40960xf32, #tpu.memory_space<vmem>>[vector<16xi32>], vector<16xf32>,
      %parallel_loop3A_323 = arith.constant 30720 : i32
      %parallel_loop3A_324 = vector.broadcast %parallel_loop3A_323 : i32 to vector<16xi32>
      %parallel_loop3A_325 = arith.addi %parallel_loop3A_297, %parallel_loop3A_324 : vector<16xi32>
      tpu.vector_store_idx %arg7[%parallel_loop3A_325], %parallel_loop3A_322 {add = true} : memref<40960xf32, #tpu.memory_space<vmem>>[vector<16xi32>], vector<16xf32>,
    } {sc.loop_unroll_factor = 2 : i64, sc.parallel_access}
    "tpu.region"() ({
      %run_scoped3A_21 = tpu.sem_alloc : memref<!tpu.dma_semaphore, #tpu.memory_space<semaphore_mem>>
      %dma_start3A = arith.constant 0 : i32
      %dma_start3A_22 = tpu.memref_slice %arg4[%add3A, %dma_start3A] : memref<32x40960xf32, #tpu.memory_space<hbm>> -> memref<1x40960xf32, #tpu.memory_space<hbm>>
      %dma_start3A_23 = tpu.memref_squeeze %dma_start3A_22 : memref<1x40960xf32, #tpu.memory_space<hbm>> -> memref<40960xf32, #tpu.memory_space<hbm>>
      %dma_start3A_24 = arith.constant 0 : i32
      %dma_start3A_25 = tpu.memref_slice %arg4[%add3A, %dma_start3A_24] : memref<32x40960xf32, #tpu.memory_space<hbm>> -> memref<1x40960xf32, #tpu.memory_space<hbm>>
      %dma_start3A_26 = tpu.memref_squeeze %dma_start3A_25 : memref<1x40960xf32, #tpu.memory_space<hbm>> -> memref<40960xf32, #tpu.memory_space<hbm>>
      tpu.enqueue_dma source(%arg7 : memref<40960xf32, #tpu.memory_space<vmem>>) target(%dma_start3A_26 : memref<40960xf32, #tpu.memory_space<hbm>>) target_semaphore(%run_scoped3A_21 : memref<!tpu.dma_semaphore, #tpu.memory_space<semaphore_mem>>)
      %dma_wait3A = arith.constant 0 : i32
      %dma_wait3A_27 = tpu.memref_slice %arg4[%add3A, %dma_wait3A] : memref<32x40960xf32, #tpu.memory_space<hbm>> -> memref<1x40960xf32, #tpu.memory_space<hbm>>
      %dma_wait3A_28 = tpu.memref_squeeze %dma_wait3A_27 : memref<1x40960xf32, #tpu.memory_space<hbm>> -> memref<40960xf32, #tpu.memory_space<hbm>>
      %dma_wait3A_29 = arith.constant 0 : i32
      %dma_wait3A_30 = tpu.memref_slice %arg4[%add3A, %dma_wait3A_29] : memref<32x40960xf32, #tpu.memory_space<hbm>> -> memref<1x40960xf32, #tpu.memory_space<hbm>>
      %dma_wait3A_31 = tpu.memref_squeeze %dma_wait3A_30 : memref<1x40960xf32, #tpu.memory_space<hbm>> -> memref<40960xf32, #tpu.memory_space<hbm>>
      tpu.wait_dma2 semaphore(%run_scoped3A_21 : memref<!tpu.dma_semaphore, #tpu.memory_space<semaphore_mem>>) src(%arg7 : memref<40960xf32, #tpu.memory_space<vmem>>) dst(%dma_wait3A_31 : memref<40960xf32, #tpu.memory_space<hbm>>)
      tpu.yield
    }) : () -> ()
    return
  }
}

module attributes {stable_mosaic.version = 14 : i64} {
  func.func @_tc2_body(%arg0: memref<32x40960xf32, #tpu.memory_space<vmem>>, %arg1: memref<4x10240xf32, #tpu.memory_space<vmem>>, %arg2: memref<1x10240xf32, #tpu.memory_space<vmem>>, %arg3: memref<4x1xf32, #tpu.memory_space<vmem>>, %arg4: memref<4x10240xf32, #tpu.memory_space<vmem>>) attributes {dimension_semantics = [], scalar_prefetch = 0 : i64, scratch_operands = 0 : i64, tpu.core_type = #tpu.core_type<tc>} {
    %get3A = arith.constant 0 : index
    %get3A_0 = arith.constant 0 : index
    %get3A_1 = vector.load %arg2[%get3A, %get3A_0] : memref<1x10240xf32, #tpu.memory_space<vmem>>, vector<1x10240xf32>
    %get3A_2 = arith.constant 0 : index
    %get3A_3 = arith.constant 0 : index
    %get3A_4 = vector.load %arg0[%get3A_2, %get3A_3] : memref<32x40960xf32, #tpu.memory_space<vmem>>, vector<32x40960xf32>
    %reduce_sum3A = arith.constant dense<0.000000e+00> : vector<40960xf32>
    %reduce_sum3A_5 = vector.multi_reduction <add>, %get3A_4, %reduce_sum3A [0] : vector<32x40960xf32> to vector<40960xf32>
    %reshape3A = vector.shape_cast %reduce_sum3A_5 : vector<40960xf32> to vector<4x10240xf32>
    %get3A_6 = arith.constant 0 : index
    %get3A_7 = arith.constant 0 : index
    %get3A_8 = vector.load %arg1[%get3A_6, %get3A_7] : memref<4x10240xf32, #tpu.memory_space<vmem>>, vector<4x10240xf32>
    %add3A = arith.addf %reshape3A, %get3A_8 : vector<4x10240xf32>
    %mul3A = vector.broadcast %get3A_1 : vector<1x10240xf32> to vector<4x10240xf32>
    %mul3A_9 = arith.mulf %mul3A, %add3A : vector<4x10240xf32>
    %get3A_10 = arith.constant 0 : index
    %get3A_11 = arith.constant 0 : index
    %get3A_12 = vector.load %arg3[%get3A_10, %get3A_11] : memref<4x1xf32, #tpu.memory_space<vmem>>, vector<4x1xf32>
    %add3A_13 = vector.broadcast %get3A_12 : vector<4x1xf32> to vector<4x10240xf32>
    %add3A_14 = arith.addf %mul3A_9, %add3A_13 : vector<4x10240xf32>
    %max3A = arith.constant 0.000000e+00 : f32
    %max3A_15 = vector.broadcast %max3A : f32 to vector<4x10240xf32>
    %max3A_16 = arith.maximumf %add3A_14, %max3A_15 : vector<4x10240xf32>
    %mul3A_17 = vector.broadcast %get3A_1 : vector<1x10240xf32> to vector<4x10240xf32>
    %mul3A_18 = arith.mulf %mul3A_17, %max3A_16 : vector<4x10240xf32>
    %swap3A = arith.constant 0 : index
    %swap3A_19 = arith.constant 0 : index
    %swap3A_20 = vector.load %arg4[%swap3A, %swap3A_19] : memref<4x10240xf32, #tpu.memory_space<vmem>>, vector<4x10240xf32>
    tpu.vector_store %arg4[%swap3A, %swap3A_19], %mul3A_18 {strides = array<i32>} : memref<4x10240xf32, #tpu.memory_space<vmem>>, vector<4x10240xf32>,
    return
  }
}

module attributes {stable_mosaic.version = 14 : i64} {
  func.func @_tc1_body(%arg0: memref<10000x128xf32, #tpu.memory_space<vmem>>, %arg1: memref<128x4xf32, #tpu.memory_space<vmem>>, %arg2: memref<32x10240xf32, #tpu.memory_space<vmem>>, %arg3: memref<1x10240xf32, #tpu.memory_space<vmem>>, %arg4: memref<4x10240xf32, #tpu.memory_space<vmem>>) attributes {dimension_semantics = [], scalar_prefetch = 0 : i64, scratch_operands = 0 : i64, tpu.core_type = #tpu.core_type<tc>} {
    %get3A = arith.constant 0 : index
    %get3A_0 = arith.constant 0 : index
    %get3A_1 = vector.load %arg2[%get3A, %get3A_0] : memref<32x10240xf32, #tpu.memory_space<vmem>>, vector<32x10240xf32>
    %reduce_sum3A = arith.constant dense<0.000000e+00> : vector<10240xf32>
    %reduce_sum3A_2 = vector.multi_reduction <add>, %get3A_1, %reduce_sum3A [0] : vector<32x10240xf32> to vector<10240xf32>
    %broadcast_in_dim3A = vector.shape_cast %reduce_sum3A_2 : vector<10240xf32> to vector<1x10240xf32>
    %add3A = arith.constant 1.000000e+00 : f32
    %add3A_3 = vector.broadcast %add3A : f32 to vector<1x10240xf32>
    %add3A_4 = arith.addf %broadcast_in_dim3A, %add3A_3 : vector<1x10240xf32>
    %rsqrt3A = math.rsqrt %add3A_4 : vector<1x10240xf32>
    %mul3A = arith.constant 5.000000e-01 : f32
    %mul3A_5 = vector.broadcast %mul3A : f32 to vector<1x10240xf32>
    %mul3A_6 = arith.mulf %mul3A_5, %add3A_4 : vector<1x10240xf32>
    %mul3A_7 = arith.mulf %mul3A_6, %rsqrt3A : vector<1x10240xf32>
    %mul3A_8 = arith.mulf %mul3A_7, %rsqrt3A : vector<1x10240xf32>
    %sub3A = arith.constant 1.500000e+00 : f32
    %sub3A_9 = vector.broadcast %sub3A : f32 to vector<1x10240xf32>
    %sub3A_10 = arith.subf %sub3A_9, %mul3A_8 : vector<1x10240xf32>
    %mul3A_11 = arith.mulf %rsqrt3A, %sub3A_10 : vector<1x10240xf32>
    %swap3A = arith.constant 0 : index
    %swap3A_12 = arith.constant 0 : index
    %swap3A_13 = vector.load %arg3[%swap3A, %swap3A_12] : memref<1x10240xf32, #tpu.memory_space<vmem>>, vector<1x10240xf32>
    tpu.vector_store %arg3[%swap3A, %swap3A_12], %mul3A_11 {strides = array<i32>} : memref<1x10240xf32, #tpu.memory_space<vmem>>, vector<1x10240xf32>,
    %get3A_14 = arith.constant 0 : index
    %get3A_15 = arith.constant 0 : index
    %get3A_16 = vector.load %arg1[%get3A_14, %get3A_15] : memref<128x4xf32, #tpu.memory_space<vmem>>, vector<128x4xf32>
    %get3A_17 = arith.constant 0 : index
    %get3A_18 = arith.constant 0 : index
    %get3A_19 = vector.load %arg0[%get3A_17, %get3A_18] : memref<10000x128xf32, #tpu.memory_space<vmem>>, vector<10000x128xf32>
    %dot_general3A = arith.constant dense<0.000000e+00> : vector<4x10000xf32>
    %dot_general3A_20 = tpu.matmul %get3A_16, %get3A_19, %dot_general3A {dimension_numbers = #tpu.dot_dimension_numbers<[0], [1], [1], [0], [0, 1, 1, 0], [], []>, precision = #tpu.contract_precision<fp32>, transpose_lhs_hint = false} : vector<128x4xf32>, vector<10000x128xf32>, vector<4x10000xf32> -> vector<4x10000xf32>
    %jit3A = arith.constant 0 : i32
    %convert_element_type3A = arith.sitofp %jit3A : i32 to f32
    %pad3A = vector.broadcast %convert_element_type3A : f32 to vector<4x240xf32>
    %pad3A_21 = tpu.concatenate %dot_general3A_20, %pad3A in 1 : vector<4x10000xf32>, vector<4x240xf32> -> vector<4x10240xf32>
    %mul3A_22 = vector.broadcast %mul3A_11 : vector<1x10240xf32> to vector<4x10240xf32>
    %mul3A_23 = arith.mulf %pad3A_21, %mul3A_22 : vector<4x10240xf32>
    %swap3A_24 = arith.constant 0 : index
    %swap3A_25 = arith.constant 0 : index
    %swap3A_26 = vector.load %arg4[%swap3A_24, %swap3A_25] : memref<4x10240xf32, #tpu.memory_space<vmem>>, vector<4x10240xf32>
    tpu.vector_store %arg4[%swap3A_24, %swap3A_25], %mul3A_23 {strides = array<i32>} : memref<4x10240xf32, #tpu.memory_space<vmem>>, vector<4x10240xf32>,
    return
  }
}

module attributes {stable_mosaic.version = 14 : i64} {
  func.func @_tc3_body(%arg0: memref<32x40960xf32, #tpu.memory_space<vmem>>, %arg1: memref<4x10240xf32, #tpu.memory_space<vmem>>, %arg2: memref<1x10240xf32, #tpu.memory_space<vmem>>, %arg3: memref<4x2xf32, #tpu.memory_space<vmem>>, %arg4: memref<2x1xf32, #tpu.memory_space<vmem>>, %arg5: memref<4x2xf32, #tpu.memory_space<vmem>>, %arg6: memref<2x1xf32, #tpu.memory_space<vmem>>, %arg7: memref<2x10240xf32, #tpu.memory_space<vmem>>, %arg8: memref<2x10240xf32, #tpu.memory_space<vmem>>) attributes {dimension_semantics = [], scalar_prefetch = 0 : i64, scratch_operands = 0 : i64, tpu.core_type = #tpu.core_type<tc>} {
    %get3A = arith.constant 0 : index
    %get3A_0 = arith.constant 0 : index
    %get3A_1 = vector.load %arg0[%get3A, %get3A_0] : memref<32x40960xf32, #tpu.memory_space<vmem>>, vector<32x40960xf32>
    %reduce_sum3A = arith.constant dense<0.000000e+00> : vector<40960xf32>
    %reduce_sum3A_2 = vector.multi_reduction <add>, %get3A_1, %reduce_sum3A [0] : vector<32x40960xf32> to vector<40960xf32>
    %reshape3A = vector.shape_cast %reduce_sum3A_2 : vector<40960xf32> to vector<4x10240xf32>
    %get3A_3 = arith.constant 0 : index
    %get3A_4 = arith.constant 0 : index
    %get3A_5 = vector.load %arg2[%get3A_3, %get3A_4] : memref<1x10240xf32, #tpu.memory_space<vmem>>, vector<1x10240xf32>
    %get3A_6 = arith.constant 0 : index
    %get3A_7 = arith.constant 0 : index
    %get3A_8 = vector.load %arg1[%get3A_6, %get3A_7] : memref<4x10240xf32, #tpu.memory_space<vmem>>, vector<4x10240xf32>
    %add3A = arith.addf %reshape3A, %get3A_8 : vector<4x10240xf32>
    %mul3A = vector.broadcast %get3A_5 : vector<1x10240xf32> to vector<4x10240xf32>
    %mul3A_9 = arith.mulf %mul3A, %add3A : vector<4x10240xf32>
    %get3A_10 = arith.constant 0 : index
    %get3A_11 = arith.constant 0 : index
    %get3A_12 = vector.load %arg3[%get3A_10, %get3A_11] : memref<4x2xf32, #tpu.memory_space<vmem>>, vector<4x2xf32>
    %dot_general3A = arith.constant dense<0.000000e+00> : vector<2x10240xf32>
    %dot_general3A_13 = tpu.matmul %get3A_12, %mul3A_9, %dot_general3A {dimension_numbers = #tpu.dot_dimension_numbers<[0], [0], [1], [1], [0, 1, 1, 1], [], []>, precision = #tpu.contract_precision<fp32>, transpose_lhs_hint = false} : vector<4x2xf32>, vector<4x10240xf32>, vector<2x10240xf32> -> vector<2x10240xf32>
    %get3A_14 = arith.constant 0 : index
    %get3A_15 = arith.constant 0 : index
    %get3A_16 = vector.load %arg4[%get3A_14, %get3A_15] : memref<2x1xf32, #tpu.memory_space<vmem>>, vector<2x1xf32>
    %add3A_17 = vector.broadcast %get3A_16 : vector<2x1xf32> to vector<2x10240xf32>
    %add3A_18 = arith.addf %dot_general3A_13, %add3A_17 : vector<2x10240xf32>
    %swap3A = arith.constant 0 : index
    %swap3A_19 = arith.constant 0 : index
    %swap3A_20 = vector.load %arg7[%swap3A, %swap3A_19] : memref<2x10240xf32, #tpu.memory_space<vmem>>, vector<2x10240xf32>
    tpu.vector_store %arg7[%swap3A, %swap3A_19], %add3A_18 {strides = array<i32>} : memref<2x10240xf32, #tpu.memory_space<vmem>>, vector<2x10240xf32>,
    %get3A_21 = arith.constant 0 : index
    %get3A_22 = arith.constant 0 : index
    %get3A_23 = vector.load %arg5[%get3A_21, %get3A_22] : memref<4x2xf32, #tpu.memory_space<vmem>>, vector<4x2xf32>
    %dot_general3A_24 = arith.constant dense<0.000000e+00> : vector<2x10240xf32>
    %dot_general3A_25 = tpu.matmul %get3A_23, %mul3A_9, %dot_general3A_24 {dimension_numbers = #tpu.dot_dimension_numbers<[0], [0], [1], [1], [0, 1, 1, 1], [], []>, precision = #tpu.contract_precision<fp32>, transpose_lhs_hint = false} : vector<4x2xf32>, vector<4x10240xf32>, vector<2x10240xf32> -> vector<2x10240xf32>
    %get3A_26 = arith.constant 0 : index
    %get3A_27 = arith.constant 0 : index
    %get3A_28 = vector.load %arg6[%get3A_26, %get3A_27] : memref<2x1xf32, #tpu.memory_space<vmem>>, vector<2x1xf32>
    %add3A_29 = vector.broadcast %get3A_28 : vector<2x1xf32> to vector<2x10240xf32>
    %add3A_30 = arith.addf %dot_general3A_25, %add3A_29 : vector<2x10240xf32>
    %swap3A_31 = arith.constant 0 : index
    %swap3A_32 = arith.constant 0 : index
    %swap3A_33 = vector.load %arg8[%swap3A_31, %swap3A_32] : memref<2x10240xf32, #tpu.memory_space<vmem>>, vector<2x10240xf32>
    tpu.vector_store %arg8[%swap3A_31, %swap3A_32], %add3A_30 {strides = array<i32>} : memref<2x10240xf32, #tpu.memory_space<vmem>>, vector<2x10240xf32>,
    return
  }
}

</mosaic_0001>

<sc_bundles>
// kernel: kernel.11.cloned.1.call-start
scs
__scs_entry_jumppad:
0x0: {  	(pc) =	sbr.rel $0x88, $3  }
0x1: {  	(tag) =	ssettag $0x0;
	lr =	simm.s32 $0x1  }
0x2: {  	[smem:$0x3F99] =	sst lr;
	_ =	strace $0xD0000000  }
0x3: {  	_ = 	snop  }
0x4: {  	_ = 	snop  }
0x5: {  	_ = 	snop  }
0x6: {  	_ = 	snop  }
0x7: {  	_ = 	snop  }
__scs_overlays_trampoline_lowered:
0x8: {  	[smem:$0x3FA8] =	sst s0  }
0x9: {  	[smem:$0x3FA9] =	sst s1  }
0xa: {  	[smem:$0x3FAA] =	sst s2  }
0xb: {  	[smem:$0x3FAB] =	sst s3  }
0xc: {  	[smem:$0x3FAC] =	sst s4  }
0xd: {  	[smem:$0x3FAD] =	sst s5  }
0xe: {  	[smem:$0x3FAE] =	sst s6  }
0xf: {  	[smem:$0x3FAF] =	sst s7  }
0x10: {  	[smem:$0x3FB0] =	sst s8  }
0x11: {  	[smem:$0x3FB1] =	sst s9;
	s0 =	simm.s32 @!p0 $0x0  }
0x12: {  	s1 =	sld [smem:$0x3F97];
	s0 =	simm.s32 @p0 $0x1  }
0x13: {  	[smem:$0x3FB2] =	sst s0;
	s0 =	simm.s32 @!p1 $0x0  }
0x14: {  	s2 =	sld [smem:$0x3F96];
	s0 =	simm.s32 @p1 $0x1  }
0x15: {  	[smem:$0x3FB3] =	sst s0;
	s0 =	simm.s32 @!p2 $0x0  }
0x16: {  	s3 =	sld [smem:$0x3FDB];
	s0 =	simm.s32 @p2 $0x1  }
0x17: {  	s4 =	simm.s32 $0x1BF5;
	[smem:$0x3FB5] =	sst s0  }
0x18: {  	s0 =	sld [smem:$0x3F98];
	_ =	swait.ge [sflag:s4], $0x0  }
0x19: {  	s7 =	sld [smem:$0x3F99]  }
0x1a: {  	s8 =	sadd.s32 $0xFFFFE003, lr  }
0x1b: {  	s9 =	sadd.s32 $0xFFFFFEF7, lr;
	s5 =	simm.s32 $0xFFFFFFFF;
	p2 =	slt.u32 s8, $0xFFFFF086  }
0x1c: {  	p1 =	slt.u32 s9, $0xF7A;
	s5 =	simm.s32 @!p2 $0x0  }
0x1d: {  	s5 =	simm.s32 @p1 $0x1;
	p0 =	seq.s32 s7, s2  }
0x1e: {  	s7 =	smul.u32 @!p0 $0xF7A, s2;
	p2 =	seq.s32 @!p0 s5, $0x0  }
0x1f: {  	s9 =	smul.u32 $0xF7A, s1;
	s8 =	simm.s32 @!p0 $0x1BF5;
	p2 =	por !p2, p0  }
0x20: {  	[sflag:s8] =	ssyncset.s32 @!p0 $0xFFFFF086;
	s6 =	sadd.s32 @!p0 s3, s7;
	s7 =	simm.s32 @!p0 $0x108  }
0x21: {  	s3 =	sadd.s32 s3, s9;
	s6 =	sadd.s32 @!p0 $0x88, s6;
	s7 =	simm.s32 @p2 $0x1082  }
0x22: {  	[simem:s7], [sflag:s8] =	dma.local @!p0 [hbm:s6], $0xF7A  }
0x23: {  	s9 =	sor.u32 $0xD0000000, s2;
	s6 =	simm.s32 $0x108;
	_ =	swait.ge @!p0 [sflag:s8], $0x0  }
0x24: {  	s3 =	sadd.s32 $0x88, s3;
	s6 =	simm.s32 @!p1 $0x1082;
	[sflag:s4] =	ssyncset.s32 $0xFFFFF086  }
0x25: {  	[simem:s6], [sflag:s4] =	dma.local [hbm:s3], $0xF7A  }
0x26: {  	[smem:$0x3F99] =	sst s1;
	(tag) =	ssettag s2;
	_ =	strace s9  }
0x27: {  	s1 =	sld [smem:$0x3FA9]  }
0x28: {  	s2 =	sld [smem:$0x3FAA]  }
0x29: {  	s4 =	sld [smem:$0x3FAC]  }
0x2a: {  	p0 =	seq.s32 s5, $0x0;
	s5 =	sld [smem:$0x3FAD]  }
0x2b: {  	s6 =	sld [smem:$0x3FAE]  }
0x2c: {  	s7 =	sld [smem:$0x3FAF]  }
0x2d: {  	s3 =	simm.s32 $0x108;
	s8 =	sld [smem:$0x3FB0]  }
0x2e: {  	s3 =	simm.s32 @!p0 $0x1082;
	s9 =	sld [smem:$0x3FB1]  }
0x2f: {  	lr =	sadd.s32 s0, s3;
	s0 =	sld [smem:$0x3FA8]  }
0x30: {  	s3 =	sld [smem:$0x3FAB]  }
0x31: {  	[smem:$0x3FB4] =	sst s10  }
0x32: {  	s10 =	sld [smem:$0x3FB2];
	_ =	sdelay $0x3  }
0x33: {  	p0 =	seq.s32 s10, $0x1;
	s10 =	sld [smem:$0x3FB4];
	_ =	sdelay $0x3  }
0x34: {  	[smem:$0x3FB4] =	sst s10  }
0x35: {  	s10 =	sld [smem:$0x3FB3];
	_ =	sdelay $0x3  }
0x36: {  	p1 =	seq.s32 s10, $0x1;
	s10 =	sld [smem:$0x3FB4];
	_ =	sdelay $0x3  }
0x37: {  	[smem:$0x3FB4] =	sst s10  }
0x38: {  	s10 =	sld [smem:$0x3FB5]  }
0x39: {  	_ = 	snop;
	(pc) =	sbr.ind lr, $3  }
0x3a: {  	_ = 	snop  }
0x3b: {  	_ = 	snop  }
0x3c: {  	p2 =	seq.s32 s10, $0x1;
	s10 =	sld [smem:$0x3FB4]  }
0x3d: {  	_ =	shalt  }
0x3e: {  	_ =	shalt  }
0x3f: {  	_ =	shalt  }
0x40: {  	_ =	shalt  }
0x41: {  	_ =	shalt  }
0x42: {  	_ =	shalt  }
0x43: {  	_ =	shalt  }
0x44: {  	_ =	shalt  }
0x45: {  	_ =	shalt  }
0x46: {  	_ =	shalt  }
0x47: {  	_ =	shalt  }
0x48: {  	_ =	shalt  }
0x49: {  	_ =	shalt  }
0x4a: {  	_ =	shalt  }
0x4b: {  	_ =	shalt  }
0x4c: {  	_ =	shalt  }
0x4d: {  	_ =	shalt  }
0x4e: {  	_ =	shalt  }
0x4f: {  	_ =	shalt  }
0x50: {  	_ =	shalt  }
0x51: {  	_ =	shalt  }
0x52: {  	_ =	shalt  }
0x53: {  	_ =	shalt  }
0x54: {  	_ =	shalt  }
0x55: {  	_ =	shalt  }
0x56: {  	_ =	shalt  }
0x57: {  	_ =	shalt  }
0x58: {  	_ =	shalt  }
0x59: {  	_ =	shalt  }
0x5a: {  	_ =	shalt  }
0x5b: {  	_ =	shalt  }
0x5c: {  	_ =	shalt  }
0x5d: {  	_ =	shalt  }
0x5e: {  	_ =	shalt  }
0x5f: {  	_ =	shalt  }
0x60: {  	_ =	shalt  }
0x61: {  	_ =	shalt  }
0x62: {  	_ =	shalt  }
0x63: {  	_ =	shalt  }
0x64: {  	_ =	shalt  }
0x65: {  	_ =	shalt  }
0x66: {  	_ =	shalt  }
0x67: {  	_ =	shalt  }
0x68: {  	_ =	shalt  }
0x69: {  	_ =	shalt  }
0x6a: {  	_ =	shalt  }
0x6b: {  	_ =	shalt  }
0x6c: {  	_ =	shalt  }
0x6d: {  	_ =	shalt  }
0x6e: {  	_ =	shalt  }
0x6f: {  	_ =	shalt  }
0x70: {  	_ =	shalt  }
0x71: {  	_ =	shalt  }
0x72: {  	_ =	shalt  }
0x73: {  	_ =	shalt  }
0x74: {  	_ =	shalt  }
0x75: {  	_ =	shalt  }
0x76: {  	_ =	shalt  }
0x77: {  	_ =	shalt  }
0x78: {  	_ =	shalt  }
0x79: {  	_ =	shalt  }
0x7a: {  	_ =	shalt  }
0x7b: {  	_ =	shalt  }
0x7c: {  	_ =	shalt  }
0x7d: {  	_ =	shalt  }
0x7e: {  	_ =	shalt  }
0x7f: {  	_ =	shalt  }
0x80: {  	_ =	shalt  }
0x81: {  	_ =	shalt  }
0x82: {  	_ =	shalt  }
0x83: {  	_ =	shalt  }
0x84: {  	_ =	shalt  }
0x85: {  	_ =	shalt  }
0x86: {  	_ =	shalt  }
0x87: {  	_ =	shalt  }
.Lfunc_end0:
.L_simem_size_0:
called_computation.1_lowered:
.L_overlay_start_0:
0x88: {  	s2 =	sld [smem:$0x3FD9]  }
0x89: {  	s3 =	sld [smem:$0x3FFE];
	_ =	sdelay $0x1  }
0x8a: {  	s1 =	srdreg.scid  }
0x8b: {  	s0 =	sand.u32 $0x1, s1  }
0x8c: {  	s17 =	sshll.u32 s0, $0xA;
	s2 =	sadd.s32 s3, s2  }
0x8d: {  	s2 =	sadd.s32 s2, s17  }
0x8e: {  	[smem:$0x3FC0] =	sst s2  }
0x8f: {  	_ = 	snop  }
0x90: {  	s2 =	sld [smem:$0x3FC8];
	(tm) =	ssettm $0x1  }
0x91: {  	s18 =	sld [smem:$0x3FFB];
	_ =	sdelay $0x3  }
0x92: {  	_ =	strace s18  }
0x93: {  	s3 =	sld [smem:$0x3FFC];
	_ =	sdelay $0x3  }
0x94: {  	_ =	strace s3  }
0x95: {  	s3 =	sld [smem:$0x3FFD];
	_ =	sdelay $0x3  }
0x96: {  	_ =	strace s3  }
0x97: {  	_ =	strace $0x8FFFFFFF  }
0x98: {  	s19 =	sld [smem:$0x3FDB];
	_ =	sdelay $0x1  }
0x99: {  	s4 =	simm.s32 $_scs_section_size  }
0x9a: {  	s5 =	simm.s32 $_size__tile_overlayer_lowered;
	s6 =	simm.s32 $_tile_overlayer_lowered  }
0x9b: {  	s22 =	simm.s32 $0x1BFF;
	s21 =	sshll.u32 s6, $0x1;
	s3 =	sadd.s32 s4, s19  }
0x9c: {  	s7 =	simm.s32 $0x0;
	s20 =	sshll.u32 s5, $0x1;
	s5 =	sadd.s32 s21, s3  }
0x9d: {  	[timem:s7], [sflag:s22] =	dma.local [hbm:s5], s20  }
0x9e: {  	_ =	swait.ge [sflag:s22], s20  }
0x9f: {  	s4 =	ssub.s32 $0x0, s20;
	[sflag:s22] =	ssyncset.done $0x0  }
0xa0: {  	[sflag:s22] =	ssyncadd.s32 s4;
	_ =	sdelay $0x1  }
0xa1: {  	s23 =	simm.s32 $0x1B8B  }
0xa2: {  	_ =	swait.ge [sflag:s23], $0x1  }
0xa3: {  	[sflag:s23] =	ssyncset.done $0x0  }
0xa4: {  	s25 =	simm.s32 $0x1B8E;
	s24 =	sld [smem:$0x3FFE];
	[sflag:s23] =	ssyncadd.s32 $0xFFFFFFFF  }
0xa5: {  	s26 =	simm.s32 $execute0_lowered;
	[smem:$0x3FD2] =	sst s25  }
0xa6: {  	s5 =	sshll.u32 s26, $0x1;
	_ =	strace $0x80000049;
	[dreg:$0x1] =	wrdreg $0xFFFFFFFF  }
0xa7: {  	s28 =	simm.s32 $_size_execute0_lowered;
	s3 =	sadd.s32 s3, s5;
	[dreg:$0x0] =	wrdreg $0x0  }
0xa8: {  	s5 =	sshll.u32 s28, $0x1;
	[dreg:$0x2] =	wrdreg s3  }
0xa9: {  	[dreg:$0x3] =	wrdreg s5  }
0xaa: {  	[dreg:$0x4] =	wrdreg $0xC0  }
0xab: {  	_ =	task [dreg:s7], $0x5FFFF  }
0xac: {  	[dreg:$0x1] =	wrdreg $0xFFFFFFFF  }
0xad: {  	[dreg:$0x0] =	wrdreg $0x60  }
0xae: {  	[dreg:$0x2] =	wrdreg s2  }
0xaf: {  	[dreg:$0x3] =	wrdreg s24  }
0xb0: {  	[dreg:$0x4] =	wrdreg $0x9  }
0xb1: {  	_ =	task.clear_ibuf [dreg:s7], $0x5FFFF;
	_ =	strace $0x90000049  }
0xb2: {  	s29 =	simm.s32 $0x9;
	_ =	strace $0x8000004B  }
0xb3: {  	_ =	swait.ge [sflag:s29], $0x1  }
0xb4: {  	[sflag:s29] =	ssyncadd.s32 $0xFFFFFFFF  }
0xb5: {  	_ =	strace $0x9000004B  }
0xb6: {  	_ =	sfence  }
0xb7: {  	s30 =	sld [smem:$0x0];
	_ =	sdelay $0x2  }
0xb8: {  	s31 =	sshll.u32 s1, $0xD;
	s1 =	sshrl.u32 s1, $0x2  }
0xb9: {  	s3 =	sand.u32 $0x4000, s31;
	s1 =	sadd.s32 s1, s30  }
0xba: {  	s0 =	sor.u32 s3, s0;
	s1 =	sshll.u32 s1, $0x11  }
0xbb: {  	s0 =	sor.u32 s1, s0  }
0xbc: {  	s0 =	sadd.s32 $0x8F2B, s0  }
0xbd: {  	[sflag:s0] =	ssyncadd.remote.s32 $0x1  }
0xbe: {  	_ =	sfence.sel $0xFFFF  }
0xbf: {  	[dreg:$0x0] =	wrdreg $0xFFFFFFFF;
	(pc) =	sbr.abs _section_cstart, $3  }
0xc0: {  	[dreg:$0x1] =	wrdreg $0xFFFFFFFF  }
0xc1: {  	_ =	task.clear_ibuf [dreg:s7], $0x2FFFF;
	_ =	strace $0x9FFFFFFF  }
0xc2: {  	(tm) =	ssettm $0x7FFFFFFF  }
0xc3: {  	_ =	shalt  }
tec
execute0_lowered:
.L_overlay_start_1:
0x0: {  	(tag) =	ssettag $0x1  }
0x1: {  	s4 =	rddreg [dreg:$0x0]  }
0x2: {  	s8 =	rddreg [dreg:$0x1]  }
0x3: {  	s0 =	rddreg [dreg:$0x2]  }
0x4: {  	s2 =	srdreg.scid;
	s1 =	stileid.u32;
	s11 =	simm.s32 $0x1  }
0x5: {  	s12 =	simm.s32 $0x80;
	s13 =	simm.s32 $0x200;
	s14 =	simm.s32 $0x4F00  }
0x6: {  	s15 =	simm.s32 $0x7700;
	s16 =	simm.s32 $0x9F00;
	s17 =	simm.s32 $0xC700  }
0x7: {  	s18 =	simm.s32 $0xEF00;
	s19 =	simm.s32 $0x400;
	s20 =	simm.s32 $0x0  }
0x8: {  	s5 =	sand.u32 $0x1, s2;
	s3 =	sshll.u32 s1, $0x1;
	s6 =	sshrl.u32 s1, $0x2  }
0x9: {  	s2 =	simm.s32 $0x0;
	p0 =	sgt.u32 s1, $0x1;
	s3 =	sor.u32 s5, s3  }
0xa: {  	s6 =	smul.u32 $0x50000, s6;
	[smem:$0x7FF] =	sst s2;
	s5 =	ssub.s32 $0x2, s5  }
0xb: {  	s7 =	sshll.u32 s3, $0x7;
	s9 =	smul.u32 $0x4E, s3;
	_ =	strace $0x8000004A  }
0xc: {  	s10 =	smin.u32 s3, $0x4;
	s3 =	sadd.s32 $0x2E00, s8;
	s7 =	sand.u32 $0x380, s7  }
.Ltmp0:
0xd: {  	s30 =	sshrl.u32 s5, $0x1;
	s6 =	sor.u32 s6, s7;
	(pc) =	sbr.rel .LBB2_1-.Ltmp0, $4  }
0xe: {  	s31 =	ssub.s32 s5, s30;
	s28 =	sadd.s32 s10, s9;
	s6 =	sshrl.u32 s6, $0x3  }
0xf: {  	s10 =	smax.u32 s31, $0x1;
	s7 =	sshll.u32 s28, $0x5;
	s29 =	sadd.s32 s6, s8  }
0x10: {  	s4 =	sadd.s32 s4, s7;
	s6 =	sadd.s32 $0x2E10, s8;
	s7 =	sadd.s32 $0x2E20, s8  }
0x11: {  	v0 =	vimm.f32 $0.0e+00;
	s8 =	sadd.s32 $0x2E30, s8;
	s5 =	sadd.s32 $0x9C0, s4;
	s9 =	sadd.s32 $0x4200, s29  }
.LBB2_7:
0x12: {  	s20 =	sadd.s32 $0x1, s20  }
0x13: {  	p1 =	sne.s32 s20, s10  }
.Ltmp1:
0x14: {  	_ = 	snop;
	(pc) =	sbr.rel @!p1 .LBB2_8-.Ltmp1, $4  }
0x15: {  	[hbm4b:s9+s12] =	stream.strided.scatter [tilespmem:s18], [sflag:$0x1], $0xA000, s19, s12, $0x38;
	[tilespmem:$0x18F00] =	vst v63  }
0x16: {  	_ =	swait.ge [sflag:s11], $0xA000  }
0x17: {  	[sflag:s11] =	ssyncset.done $0x0  }
0x18: {  	[sflag:s11] =	ssyncadd.s32 $0xFFFF6000  }
.LBB2_1:
0x19: {  	[tilespmem:s2], [sflag:$0x1] =	stream.linear.gather [hbm4b:s4+s2], $0x4E00, $0x38;
	[tilespmem:$0x18F00] =	vst v63  }
0x1a: {  	_ =	swait.ge [sflag:s11], $0x4E00  }
0x1b: {  	[sflag:s11] =	ssyncset.done $0x0  }
0x1c: {  	s21 =	simm.s32 @!p0 $0x0;
	s22 =	simm.s32 @!p0 $0x4E00;
	[sflag:s11] =	ssyncadd.s32 $0xFFFFB200  }
0x1d: {  	[tilespmem:s22], [sflag:$0x1] =	stream.linear.gather @!p0 [hbm4b:s5+s21], $0x100, $0x38;
	[tilespmem:$0x18F00] =	vst v63  }
0x1e: {  	s21 =	simm.s32 @!p0 $0x1  }
0x1f: {  	_ =	swait.ge @!p0 [sflag:s21], $0x100  }
0x20: {  	[sflag:s21] =	ssyncset.done @!p0 $0x0  }
0x21: {  	[sflag:s21] =	ssyncadd.s32 @!p0 $0xFFFFFF00  }
0x22: {  	[tilespmem:s14], [sflag:$0x1] =	stream.strided.gather [hbm4b:s3+s12], $0x2800, s13, s12, $0x38;
	[tilespmem:$0x18F00] =	vst v63  }
0x23: {  	_ =	swait.ge [sflag:s11], $0x2800  }
0x24: {  	[sflag:s11] =	ssyncset.done $0x0  }
0x25: {  	[sflag:s11] =	ssyncadd.s32 $0xFFFFD800  }
0x26: {  	[tilespmem:s15], [sflag:$0x1] =	stream.strided.gather [hbm4b:s6+s12], $0x2800, s13, s12, $0x38;
	[tilespmem:$0x18F00] =	vst v63  }
0x27: {  	_ =	swait.ge [sflag:s11], $0x2800  }
0x28: {  	[sflag:s11] =	ssyncset.done $0x0  }
0x29: {  	[sflag:s11] =	ssyncadd.s32 $0xFFFFD800  }
0x2a: {  	[tilespmem:s16], [sflag:$0x1] =	stream.strided.gather [hbm4b:s7+s12], $0x2800, s13, s12, $0x38;
	[tilespmem:$0x18F00] =	vst v63  }
0x2b: {  	_ =	swait.ge [sflag:s11], $0x2800  }
0x2c: {  	p1 =	por $0x0, $0x0;
	[sflag:s11] =	ssyncset.done $0x0  }
.Ltmp2:
0x2d: {  	[sflag:s11] =	ssyncadd.s32 $0xFFFFD800;
	(pc) =	sbr.rel @p1 .LBB2_3-.Ltmp2, $4  }
0x2e: {  	[tilespmem:s17], [sflag:$0x1] =	stream.strided.gather [hbm4b:s8+s12], $0x2800, s13, s12, $0x38;
	[tilespmem:$0x18F00] =	vst v63  }
0x2f: {  	_ =	swait.ge [sflag:s11], $0x2800  }
0x30: {  	[sflag:s11] =	ssyncset.done $0x0  }
0x31: {  	s22 =	simm.s32 $0x200;
	s21 =	simm.s32 $0x0;
	[sflag:s11] =	ssyncadd.s32 $0xFFFFD800  }
.LBB2_2:
0x32: {  	p1 =	seq.s32 s22, $0x27E00;
	[tilespmem:s21+$0xEF70] =	vst v0  }
0x33: {  	[tilespmem:s21+$0xEF00] =	vst v0  }
0x34: {  	[tilespmem:s21+$0xEF10] =	vst v0  }
.Ltmp3:
0x35: {  	[tilespmem:s21+$0xEF20] =	vst v0;
	(pc) =	sbr.rel @!p1 .LBB2_2-.Ltmp3, $4  }
0x36: {  	[tilespmem:s21+$0xEF30] =	vst v0  }
0x37: {  	[tilespmem:s21+$0xEF40] =	vst v0  }
0x38: {  	[tilespmem:s21+$0xEF50] =	vst v0  }
0x39: {  	[tilespmem:s21+$0xEF60] =	vst v0;
	s21 =	sshra.s32 s22, $0x2;
	s22 =	sadd.s32 $0x200, s22  }
.LBB2_3:
0x3a: {  	[tilespmem:s21+$0xEF70] =	vst v0  }
0x3b: {  	[tilespmem:s21+$0xEF00] =	vst v0  }
0x3c: {  	[tilespmem:s21+$0xEF10] =	vst v0  }
0x3d: {  	[tilespmem:s21+$0xEF20] =	vst v0  }
0x3e: {  	[tilespmem:s21+$0xEF30] =	vst v0  }
0x3f: {  	[tilespmem:s21+$0xEF40] =	vst v0  }
0x40: {  	[tilespmem:s21+$0xEF50] =	vst v0  }
0x41: {  	[tilespmem:s21+$0xEF60] =	vst v0;
	s31 =	simm.s32 $0x100  }
0x42: {  	v1 =	vld [tilespmem:s31+$0x0]  }
0x43: {  	v2 =	vld [tilespmem:s31+$0xFFFFFF00];
	_ =	sdelay $0x3  }
0x44: {  	v3 =	vld [tilespmem:s31+$0x80]  }
0x45: {  	v4 =	vld [tilespmem:s31+$0xFFFFFF80];
	_ =	sdelay $0x1  }
0x46: {  	v5 =	vld.idx.msk [tilespmem:v1+s14+$0x0], $0xffff  }
0x47: {  	v7 =	vld.idx.msk [tilespmem:v2+s14+$0x0], $0xffff  }
0x48: {  	v6 =	vadd.s32 $0x2800, v1  }
0x49: {  	v8 =	vadd.s32 $0x2800, v2;
	_ =	sdelay $0x1  }
0x4a: {  	[tilespmem:v3+s18+$0x0] =	vst.idx.add.f32.msk $0xffff, v5  }
0x4b: {  	[tilespmem:v4+s18+$0x0] =	vst.idx.add.f32.msk $0xffff, v7  }
0x4c: {  	v5 =	vld.idx.msk [tilespmem:v6+s14+$0x0], $0xffff;
	v6 =	vadd.s32 $0x2800, v3  }
0x4d: {  	v7 =	vadd.s32 $0x2800, v4;
	v8 =	vld.idx.msk [tilespmem:v8+s14+$0x0], $0xffff  }
0x4e: {  	v9 =	vadd.s32 $0x5000, v1  }
0x4f: {  	v10 =	vadd.s32 $0x5000, v2;
	_ =	sdelay $0x1  }
0x50: {  	[tilespmem:v6+s18+$0x0] =	vst.idx.add.f32.msk $0xffff, v5  }
0x51: {  	[tilespmem:v7+s18+$0x0] =	vst.idx.add.f32.msk $0xffff, v8  }
0x52: {  	v6 =	vadd.s32 $0x5000, v3;
	v5 =	vld.idx.msk [tilespmem:v9+s14+$0x0], $0xffff  }
0x53: {  	v7 =	vadd.s32 $0x5000, v4;
	v8 =	vld.idx.msk [tilespmem:v10+s14+$0x0], $0xffff  }
0x54: {  	v1 =	vadd.s32 $0x7800, v1  }
0x55: {  	v2 =	vadd.s32 $0x7800, v2;
	_ =	sdelay $0x1  }
0x56: {  	[tilespmem:v6+s18+$0x0] =	vst.idx.add.f32.msk $0xffff, v5  }
0x57: {  	[tilespmem:v7+s18+$0x0] =	vst.idx.add.f32.msk $0xffff, v8  }
0x58: {  	v3 =	vadd.s32 $0x7800, v3;
	v1 =	vld.idx.msk [tilespmem:v1+s14+$0x0], $0xffff  }
0x59: {  	v4 =	vadd.s32 $0x7800, v4;
	v2 =	vld.idx.msk [tilespmem:v2+s14+$0x0], $0xffff;
	_ =	sdelay $0x3  }
0x5a: {  	[tilespmem:v3+s18+$0x0] =	vst.idx.add.f32.msk $0xffff, v1  }
0x5b: {  	[tilespmem:v4+s18+$0x0] =	vst.idx.add.f32.msk $0xffff, v2  }
0x5c: {  	v1 =	vld [tilespmem:s31+$0x10]  }
0x5d: {  	v2 =	vld [tilespmem:s31+$0xFFFFFF10];
	_ =	sdelay $0x3  }
0x5e: {  	v3 =	vld [tilespmem:s31+$0x90]  }
0x5f: {  	v4 =	vld [tilespmem:s31+$0xFFFFFF90];
	_ =	sdelay $0x1  }
0x60: {  	v5 =	vld.idx.msk [tilespmem:v1+s14+$0x0], $0xffff  }
0x61: {  	v7 =	vld.idx.msk [tilespmem:v2+s14+$0x0], $0xffff  }
0x62: {  	v6 =	vadd.s32 $0x2800, v1  }
0x63: {  	v8 =	vadd.s32 $0x2800, v2;
	_ =	sdelay $0x1  }
0x64: {  	[tilespmem:v3+s18+$0x0] =	vst.idx.add.f32.msk $0xffff, v5  }
0x65: {  	[tilespmem:v4+s18+$0x0] =	vst.idx.add.f32.msk $0xffff, v7  }
0x66: {  	v5 =	vld.idx.msk [tilespmem:v6+s14+$0x0], $0xffff;
	v6 =	vadd.s32 $0x2800, v3  }
0x67: {  	v7 =	vadd.s32 $0x2800, v4;
	v8 =	vld.idx.msk [tilespmem:v8+s14+$0x0], $0xffff  }
0x68: {  	v9 =	vadd.s32 $0x5000, v1  }
0x69: {  	v10 =	vadd.s32 $0x5000, v2;
	_ =	sdelay $0x1  }
0x6a: {  	[tilespmem:v6+s18+$0x0] =	vst.idx.add.f32.msk $0xffff, v5  }
0x6b: {  	[tilespmem:v7+s18+$0x0] =	vst.idx.add.f32.msk $0xffff, v8  }
0x6c: {  	v6 =	vadd.s32 $0x5000, v3;
	v5 =	vld.idx.msk [tilespmem:v9+s14+$0x0], $0xffff  }
0x6d: {  	v7 =	vadd.s32 $0x5000, v4;
	v8 =	vld.idx.msk [tilespmem:v10+s14+$0x0], $0xffff  }
0x6e: {  	v1 =	vadd.s32 $0x7800, v1  }
0x6f: {  	v2 =	vadd.s32 $0x7800, v2;
	_ =	sdelay $0x1  }
0x70: {  	[tilespmem:v6+s18+$0x0] =	vst.idx.add.f32.msk $0xffff, v5  }
0x71: {  	[tilespmem:v7+s18+$0x0] =	vst.idx.add.f32.msk $0xffff, v8  }
0x72: {  	v3 =	vadd.s32 $0x7800, v3;
	v1 =	vld.idx.msk [tilespmem:v1+s14+$0x0], $0xffff  }
0x73: {  	v4 =	vadd.s32 $0x7800, v4;
	v2 =	vld.idx.msk [tilespmem:v2+s14+$0x0], $0xffff;
	_ =	sdelay $0x3  }
0x74: {  	[tilespmem:v3+s18+$0x0] =	vst.idx.add.f32.msk $0xffff, v1  }
0x75: {  	[tilespmem:v4+s18+$0x0] =	vst.idx.add.f32.msk $0xffff, v2  }
0x76: {  	v1 =	vld [tilespmem:s31+$0x20]  }
0x77: {  	v2 =	vld [tilespmem:s31+$0xFFFFFF20];
	_ =	sdelay $0x3  }
0x78: {  	v3 =	vld [tilespmem:s31+$0xA0]  }
0x79: {  	v4 =	vld [tilespmem:s31+$0xFFFFFFA0];
	_ =	sdelay $0x1  }
0x7a: {  	v5 =	vld.idx.msk [tilespmem:v1+s14+$0x0], $0xffff  }
0x7b: {  	v7 =	vld.idx.msk [tilespmem:v2+s14+$0x0], $0xffff  }
0x7c: {  	v6 =	vadd.s32 $0x2800, v1  }
0x7d: {  	v8 =	vadd.s32 $0x2800, v2;
	_ =	sdelay $0x1  }
0x7e: {  	[tilespmem:v3+s18+$0x0] =	vst.idx.add.f32.msk $0xffff, v5  }
0x7f: {  	[tilespmem:v4+s18+$0x0] =	vst.idx.add.f32.msk $0xffff, v7  }
0x80: {  	v5 =	vld.idx.msk [tilespmem:v6+s14+$0x0], $0xffff;
	v6 =	vadd.s32 $0x2800, v3  }
0x81: {  	v7 =	vadd.s32 $0x2800, v4;
	v8 =	vld.idx.msk [tilespmem:v8+s14+$0x0], $0xffff  }
0x82: {  	v9 =	vadd.s32 $0x5000, v1  }
0x83: {  	v10 =	vadd.s32 $0x5000, v2;
	_ =	sdelay $0x1  }
0x84: {  	[tilespmem:v6+s18+$0x0] =	vst.idx.add.f32.msk $0xffff, v5  }
0x85: {  	[tilespmem:v7+s18+$0x0] =	vst.idx.add.f32.msk $0xffff, v8  }
0x86: {  	v6 =	vadd.s32 $0x5000, v3;
	v5 =	vld.idx.msk [tilespmem:v9+s14+$0x0], $0xffff  }
0x87: {  	v7 =	vadd.s32 $0x5000, v4;
	v8 =	vld.idx.msk [tilespmem:v10+s14+$0x0], $0xffff  }
0x88: {  	v1 =	vadd.s32 $0x7800, v1  }
0x89: {  	v2 =	vadd.s32 $0x7800, v2;
	_ =	sdelay $0x1  }
0x8a: {  	[tilespmem:v6+s18+$0x0] =	vst.idx.add.f32.msk $0xffff, v5  }
0x8b: {  	[tilespmem:v7+s18+$0x0] =	vst.idx.add.f32.msk $0xffff, v8  }
0x8c: {  	v3 =	vadd.s32 $0x7800, v3;
	v1 =	vld.idx.msk [tilespmem:v1+s14+$0x0], $0xffff  }
0x8d: {  	v4 =	vadd.s32 $0x7800, v4;
	v2 =	vld.idx.msk [tilespmem:v2+s14+$0x0], $0xffff;
	_ =	sdelay $0x3  }
0x8e: {  	[tilespmem:v3+s18+$0x0] =	vst.idx.add.f32.msk $0xffff, v1  }
0x8f: {  	[tilespmem:v4+s18+$0x0] =	vst.idx.add.f32.msk $0xffff, v2  }
0x90: {  	v1 =	vld [tilespmem:s31+$0x30]  }
0x91: {  	v2 =	vld [tilespmem:s31+$0xFFFFFF30];
	_ =	sdelay $0x3  }
0x92: {  	v3 =	vld [tilespmem:s31+$0xB0]  }
0x93: {  	v4 =	vld [tilespmem:s31+$0xFFFFFFB0];
	_ =	sdelay $0x1  }
0x94: {  	v5 =	vld.idx.msk [tilespmem:v1+s14+$0x0], $0xffff  }
0x95: {  	v7 =	vld.idx.msk [tilespmem:v2+s14+$0x0], $0xffff  }
0x96: {  	v6 =	vadd.s32 $0x2800, v1  }
0x97: {  	v8 =	vadd.s32 $0x2800, v2;
	_ =	sdelay $0x1  }
0x98: {  	[tilespmem:v3+s18+$0x0] =	vst.idx.add.f32.msk $0xffff, v5  }
0x99: {  	[tilespmem:v4+s18+$0x0] =	vst.idx.add.f32.msk $0xffff, v7  }
0x9a: {  	v5 =	vld.idx.msk [tilespmem:v6+s14+$0x0], $0xffff;
	v6 =	vadd.s32 $0x2800, v3  }
0x9b: {  	v9 =	vadd.s32 $0x2800, v4;
	v8 =	vld.idx.msk [tilespmem:v8+s14+$0x0], $0xffff  }
0x9c: {  	v7 =	vadd.s32 $0x5000, v1  }
0x9d: {  	v10 =	vadd.s32 $0x5000, v2;
	_ =	sdelay $0x1  }
0x9e: {  	[tilespmem:v6+s18+$0x0] =	vst.idx.add.f32.msk $0xffff, v5  }
0x9f: {  	[tilespmem:v9+s18+$0x0] =	vst.idx.add.f32.msk $0xffff, v8  }
0xa0: {  	v6 =	vadd.s32 $0x5000, v3;
	v5 =	vld.idx.msk [tilespmem:v7+s14+$0x0], $0xffff  }
0xa1: {  	v7 =	vadd.s32 $0x5000, v4;
	v8 =	vld.idx.msk [tilespmem:v10+s14+$0x0], $0xffff  }
0xa2: {  	v1 =	vadd.s32 $0x7800, v1  }
0xa3: {  	v2 =	vadd.s32 $0x7800, v2;
	_ =	sdelay $0x1  }
0xa4: {  	[tilespmem:v6+s18+$0x0] =	vst.idx.add.f32.msk $0xffff, v5  }
0xa5: {  	[tilespmem:v7+s18+$0x0] =	vst.idx.add.f32.msk $0xffff, v8  }
0xa6: {  	v3 =	vadd.s32 $0x7800, v3;
	v1 =	vld.idx.msk [tilespmem:v1+s14+$0x0], $0xffff  }
0xa7: {  	v4 =	vadd.s32 $0x7800, v4;
	v2 =	vld.idx.msk [tilespmem:v2+s14+$0x0], $0xffff;
	_ =	sdelay $0x3  }
0xa8: {  	[tilespmem:v3+s18+$0x0] =	vst.idx.add.f32.msk $0xffff, v1  }
0xa9: {  	[tilespmem:v4+s18+$0x0] =	vst.idx.add.f32.msk $0xffff, v2  }
0xaa: {  	v1 =	vld [tilespmem:s31+$0x40]  }
0xab: {  	v2 =	vld [tilespmem:s31+$0xFFFFFF40];
	_ =	sdelay $0x3  }
0xac: {  	v3 =	vld [tilespmem:s31+$0xC0]  }
0xad: {  	v5 =	vld [tilespmem:s31+$0xFFFFFFC0];
	_ =	sdelay $0x1  }
0xae: {  	v4 =	vld.idx.msk [tilespmem:v1+s14+$0x0], $0xffff  }
0xaf: {  	s22 =	simm.s32 $0x300;
	v7 =	vld.idx.msk [tilespmem:v2+s14+$0x0], $0xffff  }
0xb0: {  	v8 =	vld [tilespmem:s22+$0x0];
	v6 =	vadd.s32 $0x2800, v1  }
0xb1: {  	v9 =	vld [tilespmem:s22+$0xFFFFFF00]  }
0xb2: {  	v13 =	vld [tilespmem:s22+$0x80];
	v10 =	vadd.s32 $0x2800, v2  }
0xb3: {  	[tilespmem:v3+s18+$0x0] =	vst.idx.add.f32.msk $0xffff, v4  }
0xb4: {  	[tilespmem:v5+s18+$0x0] =	vst.idx.add.f32.msk $0xffff, v7  }
0xb5: {  	v11 =	vadd.s32 $0x2800, v3;
	v4 =	vld.idx.msk [tilespmem:v6+s14+$0x0], $0xffff  }
0xb6: {  	v12 =	vadd.s32 $0x5000, v1;
	v6 =	vld [tilespmem:s22+$0xFFFFFF80]  }
0xb7: {  	v7 =	vadd.s32 $0x2800, v5;
	v10 =	vld.idx.msk [tilespmem:v10+s14+$0x0], $0xffff  }
0xb8: {  	v14 =	vld.idx.msk [tilespmem:v8+s14+$0x0], $0xffff  }
0xb9: {  	v15 =	vld.idx.msk [tilespmem:v9+s14+$0x0], $0xffff  }
0xba: {  	[tilespmem:v11+s18+$0x0] =	vst.idx.add.f32.msk $0xffff, v4;
	v4 =	vadd.s32 $0x2800, v8  }
0xbb: {  	v11 =	vld.idx.msk [tilespmem:v12+s14+$0x0], $0xffff;
	v12 =	vadd.s32 $0x5000, v3  }
0xbc: {  	[tilespmem:v7+s18+$0x0] =	vst.idx.add.f32.msk $0xffff, v10;
	v7 =	vadd.s32 $0x2800, v9  }
0xbd: {  	[tilespmem:v13+s18+$0x0] =	vst.idx.add.f32.msk $0xffff, v14;
	v1 =	vadd.s32 $0x7800, v1  }
0xbe: {  	v10 =	vadd.s32 $0x5000, v2;
	[tilespmem:v6+s18+$0x0] =	vst.idx.add.f32.msk $0xffff, v15  }
0xbf: {  	v14 =	vadd.s32 $0x2800, v13;
	v4 =	vld.idx.msk [tilespmem:v4+s14+$0x0], $0xffff  }
0xc0: {  	[tilespmem:v12+s18+$0x0] =	vst.idx.add.f32.msk $0xffff, v11;
	v11 =	vadd.s32 $0x5000, v8  }
0xc1: {  	v7 =	vld.idx.msk [tilespmem:v7+s14+$0x0], $0xffff;
	v12 =	vadd.s32 $0x2800, v6  }
0xc2: {  	v3 =	vadd.s32 $0x7800, v3;
	v1 =	vld.idx.msk [tilespmem:v1+s14+$0x0], $0xffff  }
0xc3: {  	v10 =	vld.idx.msk [tilespmem:v10+s14+$0x0], $0xffff  }
0xc4: {  	v15 =	vadd.s32 $0x5000, v9;
	[tilespmem:v14+s18+$0x0] =	vst.idx.add.f32.msk $0xffff, v4  }
0xc5: {  	v4 =	vadd.s32 $0x5000, v5;
	v11 =	vld.idx.msk [tilespmem:v11+s14+$0x0], $0xffff  }
0xc6: {  	[tilespmem:v12+s18+$0x0] =	vst.idx.add.f32.msk $0xffff, v7  }
0xc7: {  	v14 =	vadd.s32 $0x5000, v13;
	[tilespmem:v3+s18+$0x0] =	vst.idx.add.f32.msk $0xffff, v1  }
0xc8: {  	v2 =	vadd.s32 $0x7800, v2;
	v3 =	vld [tilespmem:s31+$0x50]  }
0xc9: {  	v1 =	vadd.s32 $0x7800, v8;
	v7 =	vld.idx.msk [tilespmem:v15+s14+$0x0], $0xffff  }
0xca: {  	[tilespmem:v4+s18+$0x0] =	vst.idx.add.f32.msk $0xffff, v10;
	v4 =	vadd.s32 $0x5000, v6  }
0xcb: {  	v10 =	vld [tilespmem:s31+$0xD0]  }
0xcc: {  	v8 =	vadd.s32 $0x7800, v9;
	[tilespmem:v14+s18+$0x0] =	vst.idx.add.f32.msk $0xffff, v11  }
0xcd: {  	v5 =	vadd.s32 $0x7800, v5;
	v2 =	vld.idx.msk [tilespmem:v2+s14+$0x0], $0xffff  }
0xce: {  	v9 =	vadd.s32 $0x7800, v13;
	v1 =	vld.idx.msk [tilespmem:v1+s14+$0x0], $0xffff  }
0xcf: {  	[tilespmem:v4+s18+$0x0] =	vst.idx.add.f32.msk $0xffff, v7  }
0xd0: {  	v11 =	vld.idx.msk [tilespmem:v3+s14+$0x0], $0xffff  }
0xd1: {  	v6 =	vadd.s32 $0x7800, v6;
	v4 =	vld.idx.msk [tilespmem:v8+s14+$0x0], $0xffff  }
0xd2: {  	v7 =	vadd.s32 $0x2800, v3;
	[tilespmem:v5+s18+$0x0] =	vst.idx.add.f32.msk $0xffff, v2  }
0xd3: {  	[tilespmem:v9+s18+$0x0] =	vst.idx.add.f32.msk $0xffff, v1  }
0xd4: {  	v1 =	vld [tilespmem:s22+$0x10]  }
0xd5: {  	[tilespmem:v10+s18+$0x0] =	vst.idx.add.f32.msk $0xffff, v11  }
0xd6: {  	[tilespmem:v6+s18+$0x0] =	vst.idx.add.f32.msk $0xffff, v4  }
0xd7: {  	v2 =	vld.idx.msk [tilespmem:v7+s14+$0x0], $0xffff  }
0xd8: {  	v4 =	vadd.s32 $0x2800, v10;
	v5 =	vld [tilespmem:s22+$0xFFFFFF10]  }
0xd9: {  	v6 =	vadd.s32 $0x5000, v3;
	v7 =	vld [tilespmem:s22+$0x90]  }
0xda: {  	v12 =	vld [tilespmem:s31+$0xFFFFFFD0]  }
0xdb: {  	v8 =	vld [tilespmem:s22+$0xFFFFFF90]  }
0xdc: {  	v9 =	vld.idx.msk [tilespmem:v1+s14+$0x0], $0xffff  }
0xdd: {  	[tilespmem:v4+s18+$0x0] =	vst.idx.add.f32.msk $0xffff, v2;
	v2 =	vadd.s32 $0x2800, v1  }
0xde: {  	v11 =	vadd.s32 $0x5000, v10;
	v4 =	vld.idx.msk [tilespmem:v6+s14+$0x0], $0xffff  }
0xdf: {  	v3 =	vadd.s32 $0x7800, v3;
	v6 =	vld [tilespmem:s31+$0xFFFFFF50]  }
0xe0: {  	v13 =	vld.idx.msk [tilespmem:v5+s14+$0x0], $0xffff  }
0xe1: {  	v14 =	vadd.s32 $0x2800, v5;
	[tilespmem:v7+s18+$0x0] =	vst.idx.add.f32.msk $0xffff, v9  }
0xe2: {  	v9 =	vadd.s32 $0x2800, v7;
	v2 =	vld.idx.msk [tilespmem:v2+s14+$0x0], $0xffff  }
0xe3: {  	[tilespmem:v11+s18+$0x0] =	vst.idx.add.f32.msk $0xffff, v4;
	v4 =	vadd.s32 $0x5000, v1  }
0xe4: {  	v10 =	vadd.s32 $0x7800, v10;
	v3 =	vld.idx.msk [tilespmem:v3+s14+$0x0], $0xffff  }
0xe5: {  	[tilespmem:v8+s18+$0x0] =	vst.idx.add.f32.msk $0xffff, v13  }
0xe6: {  	v11 =	vld.idx.msk [tilespmem:v14+s14+$0x0], $0xffff  }
0xe7: {  	v13 =	vadd.s32 $0x2800, v8;
	[tilespmem:v9+s18+$0x0] =	vst.idx.add.f32.msk $0xffff, v2  }
0xe8: {  	v2 =	vadd.s32 $0x5000, v5;
	v4 =	vld.idx.msk [tilespmem:v4+s14+$0x0], $0xffff  }
0xe9: {  	v9 =	vadd.s32 $0x5000, v7;
	[tilespmem:v10+s18+$0x0] =	vst.idx.add.f32.msk $0xffff, v3  }
0xea: {  	v10 =	vld.idx.msk [tilespmem:v6+s14+$0x0], $0xffff  }
0xeb: {  	v1 =	vadd.s32 $0x7800, v1;
	v3 =	vld [tilespmem:s31+$0x60]  }
0xec: {  	[tilespmem:v13+s18+$0x0] =	vst.idx.add.f32.msk $0xffff, v11  }
0xed: {  	v11 =	vadd.s32 $0x5000, v8;
	v2 =	vld.idx.msk [tilespmem:v2+s14+$0x0], $0xffff  }
0xee: {  	[tilespmem:v9+s18+$0x0] =	vst.idx.add.f32.msk $0xffff, v4  }
0xef: {  	v4 =	vadd.s32 $0x7800, v5;
	v5 =	vadd.s32 $0x7800, v7;
	v7 =	vld [tilespmem:s31+$0xE0]  }
0xf0: {  	v1 =	vld.idx.msk [tilespmem:v1+s14+$0x0], $0xffff  }
0xf1: {  	[tilespmem:v12+s18+$0x0] =	vst.idx.add.f32.msk $0xffff, v10  }
0xf2: {  	v9 =	vadd.s32 $0x2800, v6;
	[tilespmem:v11+s18+$0x0] =	vst.idx.add.f32.msk $0xffff, v2  }
0xf3: {  	v10 =	vld.idx.msk [tilespmem:v3+s14+$0x0], $0xffff  }
0xf4: {  	v8 =	vadd.s32 $0x7800, v8;
	v2 =	vld.idx.msk [tilespmem:v4+s14+$0x0], $0xffff  }
0xf5: {  	v4 =	vadd.s32 $0x2800, v3;
	[tilespmem:v5+s18+$0x0] =	vst.idx.add.f32.msk $0xffff, v1  }
0xf6: {  	v1 =	vld [tilespmem:s22+$0x20]  }
0xf7: {  	v5 =	vld.idx.msk [tilespmem:v9+s14+$0x0], $0xffff  }
0xf8: {  	[tilespmem:v7+s18+$0x0] =	vst.idx.add.f32.msk $0xffff, v10  }
0xf9: {  	[tilespmem:v8+s18+$0x0] =	vst.idx.add.f32.msk $0xffff, v2  }
0xfa: {  	v10 =	vadd.s32 $0x2800, v12;
	v4 =	vld.idx.msk [tilespmem:v4+s14+$0x0], $0xffff  }
0xfb: {  	v2 =	vadd.s32 $0x2800, v7;
	v8 =	vld [tilespmem:s22+$0xFFFFFF20]  }
0xfc: {  	v9 =	vadd.s32 $0x5000, v3;
	v11 =	vld [tilespmem:s22+$0xA0]  }
0xfd: {  	v13 =	vadd.s32 $0x5000, v6;
	v14 =	vld [tilespmem:s22+$0xFFFFFFA0]  }
0xfe: {  	v15 =	vld.idx.msk [tilespmem:v1+s14+$0x0], $0xffff  }
0xff: {  	[tilespmem:v10+s18+$0x0] =	vst.idx.add.f32.msk $0xffff, v5  }
0x100: {  	[tilespmem:v2+s18+$0x0] =	vst.idx.add.f32.msk $0xffff, v4;
	v2 =	vadd.s32 $0x2800, v1  }
0x101: {  	v5 =	vadd.s32 $0x5000, v7;
	v4 =	vld.idx.msk [tilespmem:v9+s14+$0x0], $0xffff  }
0x102: {  	v3 =	vadd.s32 $0x7800, v3;
	v9 =	vld.idx.msk [tilespmem:v13+s14+$0x0], $0xffff  }
0x103: {  	v10 =	vld.idx.msk [tilespmem:v8+s14+$0x0], $0xffff  }
0x104: {  	v13 =	vadd.s32 $0x2800, v8;
	[tilespmem:v11+s18+$0x0] =	vst.idx.add.f32.msk $0xffff, v15  }
0x105: {  	v15 =	vadd.s32 $0x2800, v11;
	v2 =	vld.idx.msk [tilespmem:v2+s14+$0x0], $0xffff  }
0x106: {  	[tilespmem:v5+s18+$0x0] =	vst.idx.add.f32.msk $0xffff, v4;
	v4 =	vadd.s32 $0x5000, v1  }
0x107: {  	v5 =	vadd.s32 $0x7800, v7;
	v3 =	vld.idx.msk [tilespmem:v3+s14+$0x0], $0xffff  }
0x108: {  	[tilespmem:v14+s18+$0x0] =	vst.idx.add.f32.msk $0xffff, v10  }
0x109: {  	v7 =	vadd.s32 $0x5000, v12;
	v10 =	vld.idx.msk [tilespmem:v13+s14+$0x0], $0xffff  }
0x10a: {  	v6 =	vadd.s32 $0x7800, v6;
	[tilespmem:v15+s18+$0x0] =	vst.idx.add.f32.msk $0xffff, v2  }
0x10b: {  	v2 =	vadd.s32 $0x2800, v14;
	v4 =	vld.idx.msk [tilespmem:v4+s14+$0x0], $0xffff  }
0x10c: {  	v13 =	vadd.s32 $0x5000, v8;
	[tilespmem:v5+s18+$0x0] =	vst.idx.add.f32.msk $0xffff, v3  }
0x10d: {  	v3 =	vadd.s32 $0x5000, v11;
	v5 =	vld [tilespmem:s31+$0x70]  }
0x10e: {  	[tilespmem:v7+s18+$0x0] =	vst.idx.add.f32.msk $0xffff, v9  }
0x10f: {  	v1 =	vadd.s32 $0x7800, v1;
	v6 =	vld.idx.msk [tilespmem:v6+s14+$0x0], $0xffff  }
0x110: {  	[tilespmem:v2+s18+$0x0] =	vst.idx.add.f32.msk $0xffff, v10  }
0x111: {  	v2 =	vadd.s32 $0x5000, v14;
	v7 =	vld.idx.msk [tilespmem:v13+s14+$0x0], $0xffff  }
0x112: {  	v8 =	vadd.s32 $0x7800, v8;
	[tilespmem:v3+s18+$0x0] =	vst.idx.add.f32.msk $0xffff, v4  }
0x113: {  	v3 =	vadd.s32 $0x7800, v12;
	v4 =	vld [tilespmem:s31+$0xF0]  }
0x114: {  	v1 =	vld.idx.msk [tilespmem:v1+s14+$0x0], $0xffff  }
0x115: {  	v9 =	vadd.s32 $0x7800, v11;
	v10 =	vld.idx.msk [tilespmem:v5+s14+$0x0], $0xffff  }
0x116: {  	[tilespmem:v2+s18+$0x0] =	vst.idx.add.f32.msk $0xffff, v7  }
0x117: {  	v7 =	vadd.s32 $0x2800, v5;
	v2 =	vld.idx.msk [tilespmem:v8+s14+$0x0], $0xffff  }
0x118: {  	[tilespmem:v3+s18+$0x0] =	vst.idx.add.f32.msk $0xffff, v6  }
0x119: {  	v3 =	vadd.s32 $0x7800, v14;
	v6 =	vld [tilespmem:s31+$0xFFFFFF60]  }
0x11a: {  	[tilespmem:v9+s18+$0x0] =	vst.idx.add.f32.msk $0xffff, v1  }
0x11b: {  	[tilespmem:v4+s18+$0x0] =	vst.idx.add.f32.msk $0xffff, v10  }
0x11c: {  	v1 =	vld.idx.msk [tilespmem:v7+s14+$0x0], $0xffff  }
0x11d: {  	v8 =	vadd.s32 $0x2800, v4;
	v7 =	vld [tilespmem:s22+$0x30]  }
0x11e: {  	[tilespmem:v3+s18+$0x0] =	vst.idx.add.f32.msk $0xffff, v2;
	v2 =	vadd.s32 $0x5000, v5  }
0x11f: {  	v3 =	vld [tilespmem:s22+$0xFFFFFF30]  }
0x120: {  	v12 =	vld [tilespmem:s31+$0xFFFFFFE0]  }
0x121: {  	v10 =	vld [tilespmem:s22+$0xB0]  }
0x122: {  	[tilespmem:v8+s18+$0x0] =	vst.idx.add.f32.msk $0xffff, v1  }
0x123: {  	v1 =	vld.idx.msk [tilespmem:v2+s14+$0x0], $0xffff;
	v2 =	vadd.s32 $0x5000, v4  }
0x124: {  	v5 =	vadd.s32 $0x7800, v5;
	v9 =	vld [tilespmem:s22+$0xFFFFFFB0]  }
0x125: {  	v11 =	vld.idx.msk [tilespmem:v7+s14+$0x0], $0xffff  }
0x126: {  	v8 =	vld.idx.msk [tilespmem:v6+s14+$0x0], $0xffff;
	v13 =	vadd.s32 $0x2800, v7  }
0x127: {  	v14 =	vld.idx.msk [tilespmem:v3+s14+$0x0], $0xffff  }
0x128: {  	v15 =	vadd.s32 $0x2800, v3;
	[tilespmem:v2+s18+$0x0] =	vst.idx.add.f32.msk $0xffff, v1  }
0x129: {  	v1 =	vld.idx.msk [tilespmem:v5+s14+$0x0], $0xffff  }
0x12a: {  	v2 =	vadd.s32 $0x2800, v6;
	[tilespmem:v10+s18+$0x0] =	vst.idx.add.f32.msk $0xffff, v11  }
0x12b: {  	v11 =	vadd.s32 $0x2800, v10;
	v5 =	vld.idx.msk [tilespmem:v13+s14+$0x0], $0xffff  }
0x12c: {  	[tilespmem:v9+s18+$0x0] =	vst.idx.add.f32.msk $0xffff, v14;
	v13 =	vadd.s32 $0x5000, v7  }
0x12d: {  	v14 =	vadd.s32 $0x2800, v9;
	v15 =	vld.idx.msk [tilespmem:v15+s14+$0x0], $0xffff  }
0x12e: {  	v16 =	vadd.s32 $0x5000, v3;
	[tilespmem:v12+s18+$0x0] =	vst.idx.add.f32.msk $0xffff, v8  }
0x12f: {  	v8 =	vadd.s32 $0x2800, v12;
	v2 =	vld.idx.msk [tilespmem:v2+s14+$0x0], $0xffff  }
0x130: {  	v17 =	vadd.s32 $0x5000, v6;
	[tilespmem:v11+s18+$0x0] =	vst.idx.add.f32.msk $0xffff, v5  }
0x131: {  	v11 =	vadd.s32 $0x5000, v10;
	v5 =	vld.idx.msk [tilespmem:v13+s14+$0x0], $0xffff  }
0x132: {  	[tilespmem:v14+s18+$0x0] =	vst.idx.add.f32.msk $0xffff, v15  }
0x133: {  	v7 =	vadd.s32 $0x7800, v7;
	v14 =	vld.idx.msk [tilespmem:v16+s14+$0x0], $0xffff  }
0x134: {  	v13 =	vadd.s32 $0x5000, v9;
	[tilespmem:v8+s18+$0x0] =	vst.idx.add.f32.msk $0xffff, v2  }
0x135: {  	v8 =	vld.idx.msk [tilespmem:v17+s14+$0x0], $0xffff  }
0x136: {  	s21 =	simm.s32 $0x500;
	[tilespmem:v11+s18+$0x0] =	vst.idx.add.f32.msk $0xffff, v5  }
0x137: {  	v3 =	vadd.s32 $0x7800, v3;
	v11 =	vld [tilespmem:s21+$0xFFFFFF00]  }
0x138: {  	v2 =	vadd.s32 $0x5000, v12;
	v5 =	vld.idx.msk [tilespmem:v7+s14+$0x0], $0xffff  }
0x139: {  	v6 =	vadd.s32 $0x7800, v6;
	[tilespmem:v13+s18+$0x0] =	vst.idx.add.f32.msk $0xffff, v14  }
0x13a: {  	v7 =	vadd.s32 $0x7800, v10;
	v10 =	vld [tilespmem:s21+$0x0]  }
0x13b: {  	v14 =	vld [tilespmem:s21+$0x80]  }
0x13c: {  	v9 =	vadd.s32 $0x7800, v9;
	v3 =	vld.idx.msk [tilespmem:v3+s14+$0x0], $0xffff  }
0x13d: {  	[tilespmem:v2+s18+$0x0] =	vst.idx.add.f32.msk $0xffff, v8;
	v2 =	vadd.s32 $0x7800, v4  }
0x13e: {  	v4 =	vld.idx.msk [tilespmem:v6+s14+$0x0], $0xffff  }
0x13f: {  	[tilespmem:v7+s18+$0x0] =	vst.idx.add.f32.msk $0xffff, v5  }
0x140: {  	v5 =	vld [tilespmem:s22+$0x40]  }
0x141: {  	v6 =	vadd.s32 $0x7800, v12;
	[tilespmem:v9+s18+$0x0] =	vst.idx.add.f32.msk $0xffff, v3  }
0x142: {  	[tilespmem:v2+s18+$0x0] =	vst.idx.add.f32.msk $0xffff, v1  }
0x143: {  	v3 =	vld [tilespmem:s22+$0xFFFFFF40]  }
0x144: {  	v8 =	vld [tilespmem:s22+$0xC0]  }
0x145: {  	v7 =	vld [tilespmem:s22+$0xFFFFFFC0]  }
0x146: {  	[tilespmem:v6+s18+$0x0] =	vst.idx.add.f32.msk $0xffff, v4  }
0x147: {  	v16 =	vld.idx.msk [tilespmem:v10+s14+$0x0], $0xffff  }
0x148: {  	v4 =	vld.idx.msk [tilespmem:v5+s14+$0x0], $0xffff  }
0x149: {  	v2 =	vld [tilespmem:s31+$0xFFFFFF70];
	v6 =	vadd.s32 $0x2800, v5  }
0x14a: {  	v1 =	vld [tilespmem:s31+$0xFFFFFFF0]  }
0x14b: {  	v9 =	vld.idx.msk [tilespmem:v3+s14+$0x0], $0xffff  }
0x14c: {  	v12 =	vadd.s32 $0x2800, v3;
	[tilespmem:v14+s18+$0x0] =	vst.idx.add.f32.msk $0xffff, v16  }
0x14d: {  	[tilespmem:v8+s18+$0x0] =	vst.idx.add.f32.msk $0xffff, v4  }
0x14e: {  	v13 =	vadd.s32 $0x2800, v8;
	v4 =	vld.idx.msk [tilespmem:v6+s14+$0x0], $0xffff  }
0x14f: {  	v6 =	vld [tilespmem:s21+$0xFFFFFF80]  }
0x150: {  	[tilespmem:v7+s18+$0x0] =	vst.idx.add.f32.msk $0xffff, v9;
	v9 =	vadd.s32 $0x5000, v5  }
0x151: {  	v15 =	vadd.s32 $0x2800, v7;
	v12 =	vld.idx.msk [tilespmem:v12+s14+$0x0], $0xffff  }
0x152: {  	v18 =	vld.idx.msk [tilespmem:v2+s14+$0x0], $0xffff  }
0x153: {  	[tilespmem:v13+s18+$0x0] =	vst.idx.add.f32.msk $0xffff, v4;
	v4 =	vadd.s32 $0x2800, v10  }
0x154: {  	v13 =	vld.idx.msk [tilespmem:v11+s14+$0x0], $0xffff  }
0x155: {  	v17 =	vadd.s32 $0x5000, v8;
	v9 =	vld.idx.msk [tilespmem:v9+s14+$0x0], $0xffff  }
0x156: {  	[tilespmem:v15+s18+$0x0] =	vst.idx.add.f32.msk $0xffff, v12;
	v12 =	vadd.s32 $0x2800, v11  }
0x157: {  	v5 =	vadd.s32 $0x7800, v5;
	[tilespmem:v1+s18+$0x0] =	vst.idx.add.f32.msk $0xffff, v18  }
0x158: {  	v15 =	vadd.s32 $0x5000, v3;
	v4 =	vld.idx.msk [tilespmem:v4+s14+$0x0], $0xffff  }
0x159: {  	v16 =	vadd.s32 $0x2800, v14;
	[tilespmem:v6+s18+$0x0] =	vst.idx.add.f32.msk $0xffff, v13  }
0x15a: {  	[tilespmem:v17+s18+$0x0] =	vst.idx.add.f32.msk $0xffff, v9;
	v9 =	vadd.s32 $0x5000, v10  }
0x15b: {  	v13 =	vadd.s32 $0x2800, v6;
	v12 =	vld.idx.msk [tilespmem:v12+s14+$0x0], $0xffff  }
0x15c: {  	v8 =	vadd.s32 $0x7800, v8;
	v5 =	vld.idx.msk [tilespmem:v5+s14+$0x0], $0xffff  }
0x15d: {  	v15 =	vld.idx.msk [tilespmem:v15+s14+$0x0], $0xffff  }
0x15e: {  	v17 =	vadd.s32 $0x5000, v11;
	[tilespmem:v16+s18+$0x0] =	vst.idx.add.f32.msk $0xffff, v4  }
0x15f: {  	v4 =	vadd.s32 $0x5000, v7;
	v9 =	vld.idx.msk [tilespmem:v9+s14+$0x0], $0xffff  }
0x160: {  	[tilespmem:v13+s18+$0x0] =	vst.idx.add.f32.msk $0xffff, v12  }
0x161: {  	v16 =	vadd.s32 $0x5000, v14;
	[tilespmem:v8+s18+$0x0] =	vst.idx.add.f32.msk $0xffff, v5  }
0x162: {  	v3 =	vadd.s32 $0x7800, v3;
	v8 =	vld [tilespmem:s22+$0x50]  }
0x163: {  	v5 =	vadd.s32 $0x7800, v10;
	v10 =	vld.idx.msk [tilespmem:v17+s14+$0x0], $0xffff  }
0x164: {  	[tilespmem:v4+s18+$0x0] =	vst.idx.add.f32.msk $0xffff, v15;
	v4 =	vadd.s32 $0x5000, v6  }
0x165: {  	v12 =	vld [tilespmem:s22+$0xD0]  }
0x166: {  	[tilespmem:v16+s18+$0x0] =	vst.idx.add.f32.msk $0xffff, v9;
	v9 =	vadd.s32 $0x7800, v11  }
0x167: {  	v7 =	vadd.s32 $0x7800, v7;
	v3 =	vld.idx.msk [tilespmem:v3+s14+$0x0], $0xffff  }
0x168: {  	v11 =	vadd.s32 $0x7800, v14;
	v5 =	vld.idx.msk [tilespmem:v5+s14+$0x0], $0xffff  }
0x169: {  	[tilespmem:v4+s18+$0x0] =	vst.idx.add.f32.msk $0xffff, v10  }
0x16a: {  	v13 =	vld.idx.msk [tilespmem:v8+s14+$0x0], $0xffff  }
0x16b: {  	v6 =	vadd.s32 $0x7800, v6;
	v4 =	vld.idx.msk [tilespmem:v9+s14+$0x0], $0xffff  }
0x16c: {  	v9 =	vadd.s32 $0x2800, v8;
	[tilespmem:v7+s18+$0x0] =	vst.idx.add.f32.msk $0xffff, v3  }
0x16d: {  	[tilespmem:v11+s18+$0x0] =	vst.idx.add.f32.msk $0xffff, v5  }
0x16e: {  	v5 =	vld [tilespmem:s21+$0x10]  }
0x16f: {  	[tilespmem:v12+s18+$0x0] =	vst.idx.add.f32.msk $0xffff, v13  }
0x170: {  	[tilespmem:v6+s18+$0x0] =	vst.idx.add.f32.msk $0xffff, v4  }
0x171: {  	v3 =	vld.idx.msk [tilespmem:v9+s14+$0x0], $0xffff  }
0x172: {  	v4 =	vadd.s32 $0x2800, v12;
	v6 =	vld [tilespmem:s21+$0xFFFFFF10]  }
0x173: {  	v7 =	vadd.s32 $0x5000, v8;
	v9 =	vld [tilespmem:s21+$0x90]  }
0x174: {  	v14 =	vld [tilespmem:s22+$0xFFFFFFD0]  }
0x175: {  	v10 =	vld [tilespmem:s21+$0xFFFFFF90]  }
0x176: {  	v11 =	vld.idx.msk [tilespmem:v5+s14+$0x0], $0xffff  }
0x177: {  	[tilespmem:v4+s18+$0x0] =	vst.idx.add.f32.msk $0xffff, v3;
	v3 =	vadd.s32 $0x2800, v5  }
0x178: {  	v13 =	vadd.s32 $0x5000, v12;
	v4 =	vld.idx.msk [tilespmem:v7+s14+$0x0], $0xffff  }
0x179: {  	v8 =	vadd.s32 $0x7800, v8;
	v7 =	vld [tilespmem:s22+$0xFFFFFF50]  }
0x17a: {  	v15 =	vld.idx.msk [tilespmem:v6+s14+$0x0], $0xffff  }
0x17b: {  	[tilespmem:v9+s18+$0x0] =	vst.idx.add.f32.msk $0xffff, v11;
	v11 =	vadd.s32 $0x2800, v6  }
0x17c: {  	v16 =	vadd.s32 $0x2800, v9;
	v3 =	vld.idx.msk [tilespmem:v3+s14+$0x0], $0xffff  }
0x17d: {  	[tilespmem:v13+s18+$0x0] =	vst.idx.add.f32.msk $0xffff, v4;
	v4 =	vadd.s32 $0x5000, v5  }
0x17e: {  	v12 =	vadd.s32 $0x7800, v12;
	v8 =	vld.idx.msk [tilespmem:v8+s14+$0x0], $0xffff  }
0x17f: {  	[tilespmem:v10+s18+$0x0] =	vst.idx.add.f32.msk $0xffff, v15  }
0x180: {  	v11 =	vld.idx.msk [tilespmem:v11+s14+$0x0], $0xffff  }
0x181: {  	v13 =	vadd.s32 $0x2800, v10;
	[tilespmem:v16+s18+$0x0] =	vst.idx.add.f32.msk $0xffff, v3  }
0x182: {  	v3 =	vadd.s32 $0x5000, v6;
	v4 =	vld.idx.msk [tilespmem:v4+s14+$0x0], $0xffff  }
0x183: {  	v15 =	vadd.s32 $0x5000, v9;
	[tilespmem:v12+s18+$0x0] =	vst.idx.add.f32.msk $0xffff, v8  }
0x184: {  	v12 =	vld.idx.msk [tilespmem:v7+s14+$0x0], $0xffff  }
0x185: {  	v5 =	vadd.s32 $0x7800, v5;
	v8 =	vld [tilespmem:s22+$0x60]  }
0x186: {  	[tilespmem:v13+s18+$0x0] =	vst.idx.add.f32.msk $0xffff, v11  }
0x187: {  	v11 =	vadd.s32 $0x5000, v10;
	v3 =	vld.idx.msk [tilespmem:v3+s14+$0x0], $0xffff  }
0x188: {  	[tilespmem:v15+s18+$0x0] =	vst.idx.add.f32.msk $0xffff, v4  }
0x189: {  	v4 =	vadd.s32 $0x7800, v6;
	v6 =	vadd.s32 $0x7800, v9;
	v9 =	vld [tilespmem:s22+$0xE0]  }
0x18a: {  	v5 =	vld.idx.msk [tilespmem:v5+s14+$0x0], $0xffff  }
0x18b: {  	[tilespmem:v14+s18+$0x0] =	vst.idx.add.f32.msk $0xffff, v12;
	v12 =	vadd.s32 $0x2800, v7  }
0x18c: {  	[tilespmem:v11+s18+$0x0] =	vst.idx.add.f32.msk $0xffff, v3  }
0x18d: {  	v13 =	vld.idx.msk [tilespmem:v8+s14+$0x0], $0xffff  }
0x18e: {  	v10 =	vadd.s32 $0x7800, v10;
	v3 =	vld.idx.msk [tilespmem:v4+s14+$0x0], $0xffff  }
0x18f: {  	v4 =	vadd.s32 $0x2800, v8;
	[tilespmem:v6+s18+$0x0] =	vst.idx.add.f32.msk $0xffff, v5  }
0x190: {  	v6 =	vld.idx.msk [tilespmem:v12+s14+$0x0], $0xffff  }
0x191: {  	v5 =	vld [tilespmem:s21+$0x20]  }
0x192: {  	[tilespmem:v9+s18+$0x0] =	vst.idx.add.f32.msk $0xffff, v13  }
0x193: {  	v12 =	vadd.s32 $0x2800, v14;
	[tilespmem:v10+s18+$0x0] =	vst.idx.add.f32.msk $0xffff, v3  }
0x194: {  	v4 =	vld.idx.msk [tilespmem:v4+s14+$0x0], $0xffff  }
0x195: {  	v3 =	vadd.s32 $0x2800, v9;
	v10 =	vld [tilespmem:s21+$0xFFFFFF20]  }
0x196: {  	v11 =	vadd.s32 $0x5000, v8;
	v13 =	vld [tilespmem:s21+$0xA0]  }
0x197: {  	v15 =	vadd.s32 $0x5000, v7;
	v16 =	vld [tilespmem:s21+$0xFFFFFFA0]  }
0x198: {  	[tilespmem:v12+s18+$0x0] =	vst.idx.add.f32.msk $0xffff, v6  }
0x199: {  	v17 =	vld.idx.msk [tilespmem:v5+s14+$0x0], $0xffff  }
0x19a: {  	[tilespmem:v3+s18+$0x0] =	vst.idx.add.f32.msk $0xffff, v4;
	v3 =	vadd.s32 $0x2800, v5  }
0x19b: {  	v6 =	vadd.s32 $0x5000, v9;
	v4 =	vld.idx.msk [tilespmem:v11+s14+$0x0], $0xffff  }
0x19c: {  	v12 =	vadd.s32 $0x5000, v14;
	v11 =	vld.idx.msk [tilespmem:v15+s14+$0x0], $0xffff  }
0x19d: {  	v8 =	vadd.s32 $0x7800, v8;
	v15 =	vld.idx.msk [tilespmem:v10+s14+$0x0], $0xffff  }
0x19e: {  	v7 =	vadd.s32 $0x7800, v7;
	[tilespmem:v13+s18+$0x0] =	vst.idx.add.f32.msk $0xffff, v17  }
0x19f: {  	v3 =	vld.idx.msk [tilespmem:v3+s14+$0x0], $0xffff  }
0x1a0: {  	v17 =	vadd.s32 $0x2800, v10;
	[tilespmem:v6+s18+$0x0] =	vst.idx.add.f32.msk $0xffff, v4  }
0x1a1: {  	v18 =	vadd.s32 $0x2800, v13;
	[tilespmem:v12+s18+$0x0] =	vst.idx.add.f32.msk $0xffff, v11  }
0x1a2: {  	v4 =	vadd.s32 $0x5000, v5;
	v6 =	vld.idx.msk [tilespmem:v8+s14+$0x0], $0xffff  }
0x1a3: {  	v8 =	vadd.s32 $0x7800, v9;
	v7 =	vld.idx.msk [tilespmem:v7+s14+$0x0], $0xffff  }
0x1a4: {  	[tilespmem:v16+s18+$0x0] =	vst.idx.add.f32.msk $0xffff, v15  }
0x1a5: {  	v11 =	vadd.s32 $0x2800, v16;
	v9 =	vld.idx.msk [tilespmem:v17+s14+$0x0], $0xffff  }
0x1a6: {  	[tilespmem:v18+s18+$0x0] =	vst.idx.add.f32.msk $0xffff, v3;
	v3 =	vadd.s32 $0x5000, v10  }
0x1a7: {  	v12 =	vadd.s32 $0x2800, v2;
	v4 =	vld.idx.msk [tilespmem:v4+s14+$0x0], $0xffff  }
0x1a8: {  	[tilespmem:v8+s18+$0x0] =	vst.idx.add.f32.msk $0xffff, v6;
	v6 =	vadd.s32 $0x5000, v13  }
0x1a9: {  	v8 =	vld [tilespmem:s22+$0x70]  }
0x1aa: {  	v5 =	vadd.s32 $0x7800, v5;
	[tilespmem:v11+s18+$0x0] =	vst.idx.add.f32.msk $0xffff, v9  }
0x1ab: {  	v9 =	vadd.s32 $0x5000, v16;
	v3 =	vld.idx.msk [tilespmem:v3+s14+$0x0], $0xffff  }
0x1ac: {  	v11 =	vld.idx.msk [tilespmem:v12+s14+$0x0], $0xffff  }
0x1ad: {  	v10 =	vadd.s32 $0x7800, v10;
	[tilespmem:v6+s18+$0x0] =	vst.idx.add.f32.msk $0xffff, v4  }
0x1ae: {  	v4 =	vadd.s32 $0x7800, v14;
	v6 =	vld [tilespmem:s22+$0xF0]  }
0x1af: {  	v5 =	vld.idx.msk [tilespmem:v5+s14+$0x0], $0xffff  }
0x1b0: {  	v12 =	vadd.s32 $0x7800, v13;
	[tilespmem:v9+s18+$0x0] =	vst.idx.add.f32.msk $0xffff, v3  }
0x1b1: {  	v13 =	vld.idx.msk [tilespmem:v8+s14+$0x0], $0xffff  }
0x1b2: {  	v9 =	vadd.s32 $0x2800, v8;
	v3 =	vld.idx.msk [tilespmem:v10+s14+$0x0], $0xffff  }
0x1b3: {  	[tilespmem:v4+s18+$0x0] =	vst.idx.add.f32.msk $0xffff, v7  }
0x1b4: {  	v4 =	vadd.s32 $0x7800, v16;
	v7 =	vld [tilespmem:s22+$0xFFFFFF60]  }
0x1b5: {  	[tilespmem:v12+s18+$0x0] =	vst.idx.add.f32.msk $0xffff, v5  }
0x1b6: {  	[tilespmem:v6+s18+$0x0] =	vst.idx.add.f32.msk $0xffff, v13  }
0x1b7: {  	v5 =	vld.idx.msk [tilespmem:v9+s14+$0x0], $0xffff  }
0x1b8: {  	v9 =	vld [tilespmem:s21+$0x30]  }
0x1b9: {  	v10 =	vadd.s32 $0x2800, v6;
	[tilespmem:v4+s18+$0x0] =	vst.idx.add.f32.msk $0xffff, v3  }
0x1ba: {  	v4 =	vld [tilespmem:s21+$0xFFFFFF30]  }
0x1bb: {  	v16 =	vld [tilespmem:s22+$0xFFFFFFE0];
	v3 =	vadd.s32 $0x5000, v8  }
0x1bc: {  	v13 =	vld [tilespmem:s21+$0xB0]  }
0x1bd: {  	v12 =	vld [tilespmem:s21+$0xFFFFFFB0]  }
0x1be: {  	[tilespmem:v10+s18+$0x0] =	vst.idx.add.f32.msk $0xffff, v5;
	v5 =	vadd.s32 $0x2800, v1  }
0x1bf: {  	v10 =	vld.idx.msk [tilespmem:v7+s14+$0x0], $0xffff  }
0x1c0: {  	v14 =	vadd.s32 $0x5000, v6;
	v3 =	vld.idx.msk [tilespmem:v3+s14+$0x0], $0xffff  }
0x1c1: {  	v8 =	vadd.s32 $0x7800, v8;
	v15 =	vld.idx.msk [tilespmem:v9+s14+$0x0], $0xffff  }
0x1c2: {  	v17 =	vld.idx.msk [tilespmem:v4+s14+$0x0], $0xffff  }
0x1c3: {  	v18 =	vadd.s32 $0x2800, v9;
	[tilespmem:v5+s18+$0x0] =	vst.idx.add.f32.msk $0xffff, v11  }
0x1c4: {  	[tilespmem:v16+s18+$0x0] =	vst.idx.add.f32.msk $0xffff, v10  }
0x1c5: {  	v5 =	vadd.s32 $0x2800, v4;
	[tilespmem:v14+s18+$0x0] =	vst.idx.add.f32.msk $0xffff, v3  }
0x1c6: {  	v6 =	vadd.s32 $0x7800, v6;
	v3 =	vld.idx.msk [tilespmem:v8+s14+$0x0], $0xffff  }
0x1c7: {  	v8 =	vadd.s32 $0x2800, v7;
	[tilespmem:v13+s18+$0x0] =	vst.idx.add.f32.msk $0xffff, v15  }
0x1c8: {  	v14 =	vadd.s32 $0x2800, v13;
	v11 =	vld.idx.msk [tilespmem:v18+s14+$0x0], $0xffff  }
0x1c9: {  	v15 =	vadd.s32 $0x5000, v9;
	[tilespmem:v12+s18+$0x0] =	vst.idx.add.f32.msk $0xffff, v17  }
0x1ca: {  	v17 =	vadd.s32 $0x2800, v12;
	v5 =	vld.idx.msk [tilespmem:v5+s14+$0x0], $0xffff  }
0x1cb: {  	v10 =	vadd.s32 $0x5000, v4;
	[tilespmem:v6+s18+$0x0] =	vst.idx.add.f32.msk $0xffff, v3  }
0x1cc: {  	v3 =	vadd.s32 $0x5000, v2;
	v6 =	vld.idx.msk [tilespmem:v8+s14+$0x0], $0xffff  }
0x1cd: {  	v8 =	vadd.s32 $0x2800, v16;
	[tilespmem:v14+s18+$0x0] =	vst.idx.add.f32.msk $0xffff, v11  }
0x1ce: {  	v11 =	vadd.s32 $0x5000, v7;
	v14 =	vld.idx.msk [tilespmem:v15+s14+$0x0], $0xffff  }
0x1cf: {  	[tilespmem:v17+s18+$0x0] =	vst.idx.add.f32.msk $0xffff, v5;
	v5 =	vadd.s32 $0x5000, v13  }
0x1d0: {  	v9 =	vadd.s32 $0x7800, v9;
	v10 =	vld.idx.msk [tilespmem:v10+s14+$0x0], $0xffff  }
0x1d1: {  	v15 =	vadd.s32 $0x5000, v12;
	v3 =	vld.idx.msk [tilespmem:v3+s14+$0x0], $0xffff  }
0x1d2: {  	v4 =	vadd.s32 $0x7800, v4;
	[tilespmem:v8+s18+$0x0] =	vst.idx.add.f32.msk $0xffff, v6  }
0x1d3: {  	v6 =	vadd.s32 $0x5000, v1;
	v8 =	vld.idx.msk [tilespmem:v11+s14+$0x0], $0xffff  }
0x1d4: {  	v11 =	vadd.s32 $0x5000, v16;
	[tilespmem:v5+s18+$0x0] =	vst.idx.add.f32.msk $0xffff, v14  }
0x1d5: {  	v5 =	vadd.s32 $0x7800, v7;
	v7 =	vld.idx.msk [tilespmem:v9+s14+$0x0], $0xffff  }
0x1d6: {  	[tilespmem:v15+s18+$0x0] =	vst.idx.add.f32.msk $0xffff, v10;
	v9 =	vadd.s32 $0x7800, v13  }
0x1d7: {  	v4 =	vld.idx.msk [tilespmem:v4+s14+$0x0], $0xffff  }
0x1d8: {  	v10 =	vadd.s32 $0x7800, v12;
	[tilespmem:v6+s18+$0x0] =	vst.idx.add.f32.msk $0xffff, v3  }
0x1d9: {  	[tilespmem:v11+s18+$0x0] =	vst.idx.add.f32.msk $0xffff, v8  }
0x1da: {  	v3 =	vld.idx.msk [tilespmem:v5+s14+$0x0], $0xffff  }
0x1db: {  	[tilespmem:v9+s18+$0x0] =	vst.idx.add.f32.msk $0xffff, v7  }
0x1dc: {  	v5 =	vadd.s32 $0x7800, v16;
	v16 =	vld [tilespmem:s21+$0x40]  }
0x1dd: {  	[tilespmem:v10+s18+$0x0] =	vst.idx.add.f32.msk $0xffff, v4  }
0x1de: {  	v15 =	vld [tilespmem:s21+$0xC0]  }
0x1df: {  	v4 =	vld [tilespmem:s21+$0xFFFFFF40]  }
0x1e0: {  	v19 =	vld [tilespmem:s21+$0xFFFFFFC0]  }
0x1e1: {  	v2 =	vadd.s32 $0x7800, v2;
	[tilespmem:v5+s18+$0x0] =	vst.idx.add.f32.msk $0xffff, v3  }
0x1e2: {  	v10 =	vld [tilespmem:s22+$0xFFFFFF70]  }
0x1e3: {  	v9 =	vld [tilespmem:s22+$0xFFFFFFF0]  }
0x1e4: {  	v1 =	vadd.s32 $0x7800, v1;
	v23 =	vadd.s32 $0x2800, v16  }
0x1e5: {  	v20 =	vadd.s32 $0x2800, v4;
	v17 =	vadd.s32 $0x5000, v4;
	v13 =	vadd.s32 $0x7800, v4;
	v22 =	vld.idx.msk [tilespmem:v16+s14+$0x0], $0xffff  }
0x1e6: {  	v11 =	vld.idx.msk [tilespmem:v2+s14+$0x0], $0xffff;
	v18 =	vadd.s32 $0x2800, v19;
	v14 =	vadd.s32 $0x5000, v19;
	v12 =	vadd.s32 $0x7800, v19  }
0x1e7: {  	s23 =	simm.s32 $0x700;
	s22 =	simm.s32 $0x4;
	v21 =	vld.idx.msk [tilespmem:v4+s14+$0x0], $0xffff;
	v6 =	vadd.s32 $0x2800, v10;
	v3 =	vadd.s32 $0x5000, v10;
	v2 =	vadd.s32 $0x7800, v10  }
.LBB2_4:
0x1e8: {  	v24 =	vld [tilespmem:s23+$0x0];
	v8 =	vadd.s32 $0x2800, v9;
	v7 =	vadd.s32 $0x5000, v9;
	v4 =	vadd.s32 $0x7800, v9  }
0x1e9: {  	v25 =	vld [tilespmem:s23+$0xFFFFFF00]  }
0x1ea: {  	[tilespmem:v15+s18+$0x0] =	vst.idx.add.f32.msk $0xffff, v22  }
0x1eb: {  	v5 =	vmov v11;
	v22 =	vld.idx.msk [tilespmem:v23+s14+$0x0], $0xffff  }
0x1ec: {  	s22 =	sadd.s32 $0x2, s22;
	v23 =	vadd.s32 $0x2800, v15;
	v11 =	vld [tilespmem:s23+$0xFFFFFF80]  }
0x1ed: {  	p1 =	slt.u32 s22, $0x4C;
	[tilespmem:v19+s18+$0x0] =	vst.idx.add.f32.msk $0xffff, v21;
	v19 =	vadd.s32 $0x5000, v16  }
0x1ee: {  	v21 =	vadd.s32 $0x2800, v25;
	v26 =	vadd.s32 $0x5000, v25;
	v27 =	vadd.s32 $0x7800, v25;
	v28 =	vld [tilespmem:s23+$0x80]  }
0x1ef: {  	v20 =	vld.idx.msk [tilespmem:v20+s14+$0x0], $0xffff  }
0x1f0: {  	v29 =	vld.idx.msk [tilespmem:v24+s14+$0x0], $0xffff  }
0x1f1: {  	v30 =	vadd.s32 $0x2800, v11;
	v31 =	vadd.s32 $0x5000, v11;
	v32 =	vadd.s32 $0x7800, v11;
	[tilespmem:v23+s18+$0x0] =	vst.idx.add.f32.msk $0xffff, v22  }
0x1f2: {  	v22 =	vadd.s32 $0x2800, v24;
	v19 =	vld.idx.msk [tilespmem:v19+s14+$0x0], $0xffff  }
0x1f3: {  	v23 =	vld.idx.msk [tilespmem:v25+s14+$0x0], $0xffff;
	v25 =	vadd.s32 $0x5000, v15  }
0x1f4: {  	v16 =	vadd.s32 $0x7800, v16;
	v33 =	vld.idx.msk [tilespmem:v10+s14+$0x0], $0xffff  }
0x1f5: {  	[tilespmem:v18+s18+$0x0] =	vst.idx.add.f32.msk $0xffff, v20  }
0x1f6: {  	[tilespmem:v28+s18+$0x0] =	vst.idx.add.f32.msk $0xffff, v29  }
0x1f7: {  	v10 =	vld.idx.msk [tilespmem:v22+s14+$0x0], $0xffff  }
0x1f8: {  	v18 =	vadd.s32 $0x2800, v28;
	[tilespmem:v25+s18+$0x0] =	vst.idx.add.f32.msk $0xffff, v19  }
0x1f9: {  	v19 =	vadd.s32 $0x5000, v24;
	v16 =	vld.idx.msk [tilespmem:v16+s14+$0x0], $0xffff  }
0x1fa: {  	[tilespmem:v11+s18+$0x0] =	vst.idx.add.f32.msk $0xffff, v23;
	v11 =	vadd.s32 $0x7800, v15  }
0x1fb: {  	v15 =	vld.idx.msk [tilespmem:v21+s14+$0x0], $0xffff  }
0x1fc: {  	v17 =	vld.idx.msk [tilespmem:v17+s14+$0x0], $0xffff  }
0x1fd: {  	[tilespmem:v18+s18+$0x0] =	vst.idx.add.f32.msk $0xffff, v10  }
0x1fe: {  	v10 =	vld.idx.msk [tilespmem:v19+s14+$0x0], $0xffff  }
0x1ff: {  	v18 =	vadd.s32 $0x5000, v28;
	[tilespmem:v11+s18+$0x0] =	vst.idx.add.f32.msk $0xffff, v16  }
0x200: {  	v11 =	vadd.s32 $0x7800, v24;
	v16 =	vld [tilespmem:s21+$0x50]  }
0x201: {  	[tilespmem:v30+s18+$0x0] =	vst.idx.add.f32.msk $0xffff, v15  }
0x202: {  	v15 =	vld.idx.msk [tilespmem:v26+s14+$0x0], $0xffff  }
0x203: {  	[tilespmem:v14+s18+$0x0] =	vst.idx.add.f32.msk $0xffff, v17  }
0x204: {  	[tilespmem:v18+s18+$0x0] =	vst.idx.add.f32.msk $0xffff, v10  }
0x205: {  	v10 =	vld.idx.msk [tilespmem:v11+s14+$0x0], $0xffff  }
0x206: {  	v11 =	vadd.s32 $0x7800, v28;
	v14 =	vld [tilespmem:s21+$0xD0]  }
0x207: {  	v13 =	vld.idx.msk [tilespmem:v13+s14+$0x0], $0xffff  }
0x208: {  	v17 =	vld.idx.msk [tilespmem:v16+s14+$0x0], $0xffff  }
0x209: {  	[tilespmem:v31+s18+$0x0] =	vst.idx.add.f32.msk $0xffff, v15  }
0x20a: {  	v18 =	vadd.s32 $0x2800, v16;
	v15 =	vld.idx.msk [tilespmem:v27+s14+$0x0], $0xffff  }
0x20b: {  	[tilespmem:v11+s18+$0x0] =	vst.idx.add.f32.msk $0xffff, v10  }
0x20c: {  	v11 =	vld [tilespmem:s23+$0x10]  }
0x20d: {  	[tilespmem:v12+s18+$0x0] =	vst.idx.add.f32.msk $0xffff, v13  }
0x20e: {  	[tilespmem:v14+s18+$0x0] =	vst.idx.add.f32.msk $0xffff, v17  }
0x20f: {  	v10 =	vld.idx.msk [tilespmem:v18+s14+$0x0], $0xffff  }
0x210: {  	v12 =	vadd.s32 $0x2800, v14;
	[tilespmem:v32+s18+$0x0] =	vst.idx.add.f32.msk $0xffff, v15  }
0x211: {  	v15 =	vadd.s32 $0x5000, v16;
	v13 =	vld [tilespmem:s23+$0xFFFFFF10]  }
0x212: {  	v17 =	vld [tilespmem:s23+$0x90]  }
0x213: {  	v18 =	vld [tilespmem:s23+$0xFFFFFF90]  }
0x214: {  	v19 =	vld.idx.msk [tilespmem:v11+s14+$0x0], $0xffff  }
0x215: {  	[tilespmem:v12+s18+$0x0] =	vst.idx.add.f32.msk $0xffff, v10  }
0x216: {  	v10 =	vadd.s32 $0x2800, v11;
	v12 =	vadd.s32 $0x2800, v13;
	v20 =	vadd.s32 $0x5000, v13;
	v15 =	vld.idx.msk [tilespmem:v15+s14+$0x0], $0xffff  }
0x217: {  	v23 =	vadd.s32 $0x5000, v14;
	v21 =	vadd.s32 $0x7800, v13;
	v22 =	vld [tilespmem:s21+$0xFFFFFF50]  }
0x218: {  	v16 =	vadd.s32 $0x7800, v16;
	v24 =	vadd.s32 $0x2800, v18;
	v25 =	vadd.s32 $0x5000, v18;
	v26 =	vld [tilespmem:s21+$0xFFFFFFD0]  }
0x219: {  	v27 =	vadd.s32 $0x7800, v18;
	v13 =	vld.idx.msk [tilespmem:v13+s14+$0x0], $0xffff  }
0x21a: {  	[tilespmem:v17+s18+$0x0] =	vst.idx.add.f32.msk $0xffff, v19  }
0x21b: {  	v19 =	vld.idx.msk [tilespmem:v10+s14+$0x0], $0xffff  }
0x21c: {  	v28 =	vadd.s32 $0x2800, v17;
	v29 =	vadd.s32 $0x2800, v22;
	v30 =	vadd.s32 $0x5000, v22;
	[tilespmem:v23+s18+$0x0] =	vst.idx.add.f32.msk $0xffff, v15  }
0x21d: {  	v15 =	vadd.s32 $0x5000, v11;
	v23 =	vadd.s32 $0x2800, v26;
	v31 =	vadd.s32 $0x5000, v26;
	v16 =	vld.idx.msk [tilespmem:v16+s14+$0x0], $0xffff  }
0x21e: {  	v14 =	vadd.s32 $0x7800, v14;
	v32 =	vadd.s32 $0x7800, v22;
	v10 =	vadd.s32 $0x7800, v26;
	[tilespmem:v9+s18+$0x0] =	vst.idx.add.f32.msk $0xffff, v33  }
0x21f: {  	[tilespmem:v18+s18+$0x0] =	vst.idx.add.f32.msk $0xffff, v13  }
0x220: {  	v9 =	vld.idx.msk [tilespmem:v12+s14+$0x0], $0xffff  }
0x221: {  	[tilespmem:v28+s18+$0x0] =	vst.idx.add.f32.msk $0xffff, v19  }
0x222: {  	v12 =	vld.idx.msk [tilespmem:v15+s14+$0x0], $0xffff  }
0x223: {  	v13 =	vadd.s32 $0x5000, v17;
	[tilespmem:v14+s18+$0x0] =	vst.idx.add.f32.msk $0xffff, v16  }
0x224: {  	v11 =	vadd.s32 $0x7800, v11;
	v14 =	vld [tilespmem:s21+$0x60]  }
0x225: {  	v15 =	vld.idx.msk [tilespmem:v22+s14+$0x0], $0xffff  }
0x226: {  	[tilespmem:v24+s18+$0x0] =	vst.idx.add.f32.msk $0xffff, v9  }
0x227: {  	v9 =	vld.idx.msk [tilespmem:v20+s14+$0x0], $0xffff  }
0x228: {  	[tilespmem:v13+s18+$0x0] =	vst.idx.add.f32.msk $0xffff, v12  }
0x229: {  	v11 =	vld.idx.msk [tilespmem:v11+s14+$0x0], $0xffff  }
0x22a: {  	v12 =	vadd.s32 $0x7800, v17;
	v13 =	vld [tilespmem:s21+$0xE0]  }
0x22b: {  	[tilespmem:v26+s18+$0x0] =	vst.idx.add.f32.msk $0xffff, v15  }
0x22c: {  	v15 =	vld.idx.msk [tilespmem:v14+s14+$0x0], $0xffff  }
0x22d: {  	[tilespmem:v25+s18+$0x0] =	vst.idx.add.f32.msk $0xffff, v9  }
0x22e: {  	v16 =	vadd.s32 $0x2800, v14;
	v9 =	vld.idx.msk [tilespmem:v21+s14+$0x0], $0xffff  }
0x22f: {  	[tilespmem:v12+s18+$0x0] =	vst.idx.add.f32.msk $0xffff, v11  }
0x230: {  	v11 =	vld [tilespmem:s23+$0x20]  }
0x231: {  	v12 =	vld.idx.msk [tilespmem:v29+s14+$0x0], $0xffff  }
0x232: {  	[tilespmem:v13+s18+$0x0] =	vst.idx.add.f32.msk $0xffff, v15  }
0x233: {  	v15 =	vld.idx.msk [tilespmem:v16+s14+$0x0], $0xffff  }
0x234: {  	[tilespmem:v27+s18+$0x0] =	vst.idx.add.f32.msk $0xffff, v9;
	v9 =	vadd.s32 $0x2800, v13  }
0x235: {  	v17 =	vadd.s32 $0x5000, v14;
	v16 =	vld [tilespmem:s23+$0xFFFFFF20]  }
0x236: {  	v18 =	vld [tilespmem:s23+$0xA0]  }
0x237: {  	v19 =	vld [tilespmem:s23+$0xFFFFFFA0]  }
0x238: {  	v20 =	vld.idx.msk [tilespmem:v11+s14+$0x0], $0xffff  }
0x239: {  	[tilespmem:v9+s18+$0x0] =	vst.idx.add.f32.msk $0xffff, v15  }
0x23a: {  	v21 =	vadd.s32 $0x2800, v11;
	v9 =	vadd.s32 $0x2800, v16;
	v15 =	vadd.s32 $0x5000, v16;
	v17 =	vld.idx.msk [tilespmem:v17+s14+$0x0], $0xffff  }
0x23b: {  	v22 =	vadd.s32 $0x7800, v16;
	[tilespmem:v23+s18+$0x0] =	vst.idx.add.f32.msk $0xffff, v12;
	v12 =	vadd.s32 $0x5000, v13  }
0x23c: {  	v14 =	vadd.s32 $0x7800, v14;
	v23 =	vadd.s32 $0x2800, v19;
	v24 =	vadd.s32 $0x5000, v19;
	v25 =	vld.idx.msk [tilespmem:v30+s14+$0x0], $0xffff  }
0x23d: {  	v26 =	vadd.s32 $0x7800, v19;
	v16 =	vld.idx.msk [tilespmem:v16+s14+$0x0], $0xffff  }
0x23e: {  	[tilespmem:v18+s18+$0x0] =	vst.idx.add.f32.msk $0xffff, v20  }
0x23f: {  	v20 =	vld.idx.msk [tilespmem:v21+s14+$0x0], $0xffff  }
0x240: {  	v21 =	vadd.s32 $0x2800, v18;
	[tilespmem:v12+s18+$0x0] =	vst.idx.add.f32.msk $0xffff, v17  }
0x241: {  	v12 =	vadd.s32 $0x5000, v11;
	v14 =	vld.idx.msk [tilespmem:v14+s14+$0x0], $0xffff  }
0x242: {  	v13 =	vadd.s32 $0x7800, v13;
	[tilespmem:v31+s18+$0x0] =	vst.idx.add.f32.msk $0xffff, v25  }
0x243: {  	[tilespmem:v19+s18+$0x0] =	vst.idx.add.f32.msk $0xffff, v16  }
0x244: {  	v9 =	vld.idx.msk [tilespmem:v9+s14+$0x0], $0xffff  }
0x245: {  	[tilespmem:v21+s18+$0x0] =	vst.idx.add.f32.msk $0xffff, v20  }
0x246: {  	v12 =	vld.idx.msk [tilespmem:v12+s14+$0x0], $0xffff  }
0x247: {  	[tilespmem:v13+s18+$0x0] =	vst.idx.add.f32.msk $0xffff, v14  }
0x248: {  	v13 =	vadd.s32 $0x5000, v18;
	v14 =	vld [tilespmem:s21+$0x70]  }
0x249: {  	v16 =	vld.idx.msk [tilespmem:v32+s14+$0x0], $0xffff  }
0x24a: {  	[tilespmem:v23+s18+$0x0] =	vst.idx.add.f32.msk $0xffff, v9;
	v9 =	vadd.s32 $0x7800, v11  }
0x24b: {  	v11 =	vld.idx.msk [tilespmem:v15+s14+$0x0], $0xffff  }
0x24c: {  	v6 =	vld.idx.msk [tilespmem:v6+s14+$0x0], $0xffff  }
0x24d: {  	[tilespmem:v13+s18+$0x0] =	vst.idx.add.f32.msk $0xffff, v12  }
0x24e: {  	v12 =	vld [tilespmem:s21+$0xF0]  }
0x24f: {  	v9 =	vld.idx.msk [tilespmem:v9+s14+$0x0], $0xffff  }
0x250: {  	v13 =	vadd.s32 $0x7800, v18;
	v15 =	vld.idx.msk [tilespmem:v14+s14+$0x0], $0xffff  }
0x251: {  	[tilespmem:v24+s18+$0x0] =	vst.idx.add.f32.msk $0xffff, v11  }
0x252: {  	v17 =	vadd.s32 $0x2800, v14;
	v11 =	vld.idx.msk [tilespmem:v22+s14+$0x0], $0xffff  }
0x253: {  	[tilespmem:v10+s18+$0x0] =	vst.idx.add.f32.msk $0xffff, v16  }
0x254: {  	v10 =	vld [tilespmem:s21+$0xFFFFFF60]  }
0x255: {  	[tilespmem:v13+s18+$0x0] =	vst.idx.add.f32.msk $0xffff, v9  }
0x256: {  	[tilespmem:v12+s18+$0x0] =	vst.idx.add.f32.msk $0xffff, v15  }
0x257: {  	v9 =	vld.idx.msk [tilespmem:v17+s14+$0x0], $0xffff  }
0x258: {  	v15 =	vadd.s32 $0x2800, v12;
	v13 =	vld [tilespmem:s23+$0x30]  }
0x259: {  	v17 =	vadd.s32 $0x5000, v14;
	[tilespmem:v26+s18+$0x0] =	vst.idx.add.f32.msk $0xffff, v11;
	v11 =	vadd.s32 $0x2800, v10;
	v16 =	vadd.s32 $0x5000, v10  }
0x25a: {  	v19 =	vadd.s32 $0x7800, v10;
	v18 =	vld [tilespmem:s23+$0xFFFFFF30]  }
0x25b: {  	v20 =	vld [tilespmem:s23+$0xFFFFFFB0]  }
0x25c: {  	v21 =	vld [tilespmem:s23+$0xB0]  }
0x25d: {  	[tilespmem:v15+s18+$0x0] =	vst.idx.add.f32.msk $0xffff, v9  }
0x25e: {  	v9 =	vld.idx.msk [tilespmem:v17+s14+$0x0], $0xffff  }
0x25f: {  	v22 =	vadd.s32 $0x5000, v12;
	v15 =	vadd.s32 $0x2800, v18;
	v17 =	vadd.s32 $0x5000, v18;
	v10 =	vld.idx.msk [tilespmem:v10+s14+$0x0], $0xffff  }
0x260: {  	v14 =	vadd.s32 $0x7800, v14;
	v23 =	vadd.s32 $0x2800, v20;
	v24 =	vadd.s32 $0x5000, v20;
	v25 =	vld.idx.msk [tilespmem:v13+s14+$0x0], $0xffff  }
0x261: {  	v26 =	vadd.s32 $0x7800, v18;
	v27 =	vadd.s32 $0x7800, v20;
	v28 =	vld [tilespmem:s21+$0xFFFFFFE0]  }
0x262: {  	v29 =	vadd.s32 $0x2800, v13;
	v18 =	vld.idx.msk [tilespmem:v18+s14+$0x0], $0xffff  }
0x263: {  	[tilespmem:v8+s18+$0x0] =	vst.idx.add.f32.msk $0xffff, v6  }
0x264: {  	[tilespmem:v22+s18+$0x0] =	vst.idx.add.f32.msk $0xffff, v9  }
0x265: {  	v6 =	vld.idx.msk [tilespmem:v14+s14+$0x0], $0xffff  }
0x266: {  	v12 =	vadd.s32 $0x7800, v12;
	[tilespmem:v21+s18+$0x0] =	vst.idx.add.f32.msk $0xffff, v25;
	v8 =	vadd.s32 $0x2800, v28;
	v9 =	vadd.s32 $0x5000, v28  }
0x267: {  	v22 =	vadd.s32 $0x7800, v28;
	v14 =	vld.idx.msk [tilespmem:v29+s14+$0x0], $0xffff  }
0x268: {  	[tilespmem:v20+s18+$0x0] =	vst.idx.add.f32.msk $0xffff, v18;
	v18 =	vadd.s32 $0x2800, v21  }
0x269: {  	v20 =	vadd.s32 $0x5000, v13;
	v15 =	vld.idx.msk [tilespmem:v15+s14+$0x0], $0xffff  }
0x26a: {  	[tilespmem:v28+s18+$0x0] =	vst.idx.add.f32.msk $0xffff, v10  }
0x26b: {  	[tilespmem:v12+s18+$0x0] =	vst.idx.add.f32.msk $0xffff, v6  }
0x26c: {  	v6 =	vld.idx.msk [tilespmem:v11+s14+$0x0], $0xffff  }
0x26d: {  	[tilespmem:v18+s18+$0x0] =	vst.idx.add.f32.msk $0xffff, v14  }
0x26e: {  	v10 =	vld.idx.msk [tilespmem:v20+s14+$0x0], $0xffff  }
0x26f: {  	v11 =	vadd.s32 $0x5000, v21;
	[tilespmem:v23+s18+$0x0] =	vst.idx.add.f32.msk $0xffff, v15  }
0x270: {  	v13 =	vadd.s32 $0x7800, v13;
	v12 =	vld.idx.msk [tilespmem:v17+s14+$0x0], $0xffff  }
0x271: {  	v3 =	vld.idx.msk [tilespmem:v3+s14+$0x0], $0xffff  }
0x272: {  	[tilespmem:v8+s18+$0x0] =	vst.idx.add.f32.msk $0xffff, v6  }
0x273: {  	v6 =	vld.idx.msk [tilespmem:v16+s14+$0x0], $0xffff  }
0x274: {  	[tilespmem:v11+s18+$0x0] =	vst.idx.add.f32.msk $0xffff, v10  }
0x275: {  	v8 =	vld.idx.msk [tilespmem:v13+s14+$0x0], $0xffff  }
0x276: {  	v10 =	vadd.s32 $0x7800, v21;
	[tilespmem:v24+s18+$0x0] =	vst.idx.add.f32.msk $0xffff, v12  }
0x277: {  	v11 =	vld.idx.msk [tilespmem:v26+s14+$0x0], $0xffff  }
0x278: {  	[tilespmem:v7+s18+$0x0] =	vst.idx.add.f32.msk $0xffff, v3  }
0x279: {  	[tilespmem:v9+s18+$0x0] =	vst.idx.add.f32.msk $0xffff, v6  }
0x27a: {  	v3 =	vld.idx.msk [tilespmem:v19+s14+$0x0], $0xffff  }
0x27b: {  	[tilespmem:v10+s18+$0x0] =	vst.idx.add.f32.msk $0xffff, v8  }
0x27c: {  	v16 =	vld [tilespmem:s23+$0x40]  }
0x27d: {  	[tilespmem:v27+s18+$0x0] =	vst.idx.add.f32.msk $0xffff, v11  }
0x27e: {  	v6 =	vld [tilespmem:s23+$0xFFFFFF40]  }
0x27f: {  	v19 =	vld [tilespmem:s23+$0xFFFFFFC0]  }
0x280: {  	[tilespmem:v22+s18+$0x0] =	vst.idx.add.f32.msk $0xffff, v3  }
0x281: {  	v10 =	vld [tilespmem:s21+$0xFFFFFF70]  }
0x282: {  	v15 =	vld [tilespmem:s23+$0xC0]  }
.Ltmp4:
0x283: {  	v20 =	vadd.s32 $0x2800, v6;
	v17 =	vadd.s32 $0x5000, v6;
	v13 =	vadd.s32 $0x7800, v6;
	v9 =	vld [tilespmem:s21+$0xFFFFFFF0];
	s21 =	smov.u32 s23;
	(pc) =	sbr.rel @p1 .LBB2_4-.Ltmp4, $4  }
0x284: {  	v18 =	vadd.s32 $0x2800, v19;
	v14 =	vadd.s32 $0x5000, v19;
	v12 =	vadd.s32 $0x7800, v19;
	v22 =	vld.idx.msk [tilespmem:v16+s14+$0x0], $0xffff  }
0x285: {  	v11 =	vld.idx.msk [tilespmem:v2+s14+$0x0], $0xffff  }
0x286: {  	v23 =	vadd.s32 $0x2800, v16;
	v21 =	vld.idx.msk [tilespmem:v6+s14+$0x0], $0xffff;
	v6 =	vadd.s32 $0x2800, v10;
	v3 =	vadd.s32 $0x5000, v10  }
0x287: {  	s23 =	sadd.s32 $0x200, s23;
	v2 =	vadd.s32 $0x7800, v10;
	[tilespmem:v1+s18+$0x0] =	vst.idx.add.f32.msk $0xffff, v5;
	v1 =	vmov v4  }
0x288: {  	_ =	sdelay $0x3  }
0x289: {  	[tilespmem:v15+s18+$0x0] =	vst.idx.add.f32.msk $0xffff, v22  }
0x28a: {  	v5 =	vadd.s32 $0x2800, v15;
	v4 =	vld.idx.msk [tilespmem:v23+s14+$0x0], $0xffff  }
0x28b: {  	v7 =	vadd.s32 $0x5000, v16;
	[tilespmem:v19+s18+$0x0] =	vst.idx.add.f32.msk $0xffff, v21  }
0x28c: {  	v8 =	vld.idx.msk [tilespmem:v20+s14+$0x0], $0xffff;
	_ =	sdelay $0x2  }
0x28d: {  	[tilespmem:v5+s18+$0x0] =	vst.idx.add.f32.msk $0xffff, v4  }
0x28e: {  	v23 =	vadd.s32 $0x5000, v15;
	v4 =	vld.idx.msk [tilespmem:v7+s14+$0x0], $0xffff  }
0x28f: {  	v24 =	vadd.s32 $0x7800, v16;
	[tilespmem:v18+s18+$0x0] =	vst.idx.add.f32.msk $0xffff, v8  }
0x290: {  	v8 =	vld.idx.msk [tilespmem:v17+s14+$0x0], $0xffff;
	_ =	sdelay $0x2  }
0x291: {  	[tilespmem:v23+s18+$0x0] =	vst.idx.add.f32.msk $0xffff, v4  }
0x292: {  	v25 =	vadd.s32 $0x7800, v15;
	v4 =	vld.idx.msk [tilespmem:v24+s14+$0x0], $0xffff  }
0x293: {  	[tilespmem:v14+s18+$0x0] =	vst.idx.add.f32.msk $0xffff, v8  }
0x294: {  	v26 =	vld.idx.msk [tilespmem:v13+s14+$0x0], $0xffff;
	_ =	sdelay $0x2  }
0x295: {  	[tilespmem:v25+s18+$0x0] =	vst.idx.add.f32.msk $0xffff, v4  }
0x296: {  	v4 =	vld [tilespmem:s21+$0x50]  }
0x297: {  	[tilespmem:v12+s18+$0x0] =	vst.idx.add.f32.msk $0xffff, v26  }
0x298: {  	v27 =	vld [tilespmem:s21+$0xFFFFFF50];
	_ =	sdelay $0x2  }
0x299: {  	v28 =	vld [tilespmem:s21+$0xD0];
	_ =	sdelay $0x1  }
0x29a: {  	v31 =	vld [tilespmem:s21+$0xFFFFFFD0]  }
0x29b: {  	v29 =	vld.idx.msk [tilespmem:v4+s14+$0x0], $0xffff  }
0x29c: {  	v30 =	vadd.s32 $0x2800, v4  }
0x29d: {  	v14 =	vld.idx.msk [tilespmem:v27+s14+$0x0], $0xffff  }
0x29e: {  	v32 =	vadd.s32 $0x2800, v27;
	_ =	sdelay $0x1  }
0x29f: {  	[tilespmem:v28+s18+$0x0] =	vst.idx.add.f32.msk $0xffff, v29  }
0x2a0: {  	v33 =	vadd.s32 $0x2800, v28;
	v12 =	vld.idx.msk [tilespmem:v30+s14+$0x0], $0xffff  }
0x2a1: {  	v34 =	vadd.s32 $0x5000, v4;
	[tilespmem:v31+s18+$0x0] =	vst.idx.add.f32.msk $0xffff, v14  }
0x2a2: {  	v35 =	vadd.s32 $0x2800, v31;
	v8 =	vld.idx.msk [tilespmem:v32+s14+$0x0], $0xffff  }
0x2a3: {  	v36 =	vadd.s32 $0x5000, v27;
	_ =	sdelay $0x1  }
0x2a4: {  	[tilespmem:v33+s18+$0x0] =	vst.idx.add.f32.msk $0xffff, v12  }
0x2a5: {  	v37 =	vadd.s32 $0x5000, v28;
	v15 =	vld.idx.msk [tilespmem:v34+s14+$0x0], $0xffff  }
0x2a6: {  	v4 =	vadd.s32 $0x7800, v4;
	[tilespmem:v35+s18+$0x0] =	vst.idx.add.f32.msk $0xffff, v8  }
0x2a7: {  	v38 =	vadd.s32 $0x5000, v31;
	v12 =	vld.idx.msk [tilespmem:v36+s14+$0x0], $0xffff  }
0x2a8: {  	v5 =	vadd.s32 $0x7800, v27;
	_ =	sdelay $0x1  }
0x2a9: {  	[tilespmem:v37+s18+$0x0] =	vst.idx.add.f32.msk $0xffff, v15  }
0x2aa: {  	v7 =	vadd.s32 $0x7800, v28;
	v4 =	vld.idx.msk [tilespmem:v4+s14+$0x0], $0xffff  }
0x2ab: {  	[tilespmem:v38+s18+$0x0] =	vst.idx.add.f32.msk $0xffff, v12  }
0x2ac: {  	v39 =	vadd.s32 $0x7800, v31;
	v5 =	vld.idx.msk [tilespmem:v5+s14+$0x0], $0xffff;
	_ =	sdelay $0x2  }
0x2ad: {  	[tilespmem:v7+s18+$0x0] =	vst.idx.add.f32.msk $0xffff, v4  }
0x2ae: {  	v4 =	vld [tilespmem:s21+$0x60]  }
0x2af: {  	[tilespmem:v39+s18+$0x0] =	vst.idx.add.f32.msk $0xffff, v5  }
0x2b0: {  	v5 =	vld [tilespmem:s21+$0xFFFFFF60];
	_ =	sdelay $0x2  }
0x2b1: {  	v7 =	vld [tilespmem:s21+$0xE0];
	_ =	sdelay $0x1  }
0x2b2: {  	v42 =	vld [tilespmem:s21+$0xFFFFFFE0]  }
0x2b3: {  	v40 =	vld.idx.msk [tilespmem:v4+s14+$0x0], $0xffff  }
0x2b4: {  	v41 =	vadd.s32 $0x2800, v4  }
0x2b5: {  	v14 =	vld.idx.msk [tilespmem:v5+s14+$0x0], $0xffff  }
0x2b6: {  	v43 =	vadd.s32 $0x2800, v5;
	_ =	sdelay $0x1  }
0x2b7: {  	[tilespmem:v7+s18+$0x0] =	vst.idx.add.f32.msk $0xffff, v40  }
0x2b8: {  	v44 =	vadd.s32 $0x2800, v7;
	v12 =	vld.idx.msk [tilespmem:v41+s14+$0x0], $0xffff  }
0x2b9: {  	v45 =	vadd.s32 $0x5000, v4;
	[tilespmem:v42+s18+$0x0] =	vst.idx.add.f32.msk $0xffff, v14  }
0x2ba: {  	v46 =	vadd.s32 $0x2800, v42;
	v8 =	vld.idx.msk [tilespmem:v43+s14+$0x0], $0xffff  }
0x2bb: {  	v47 =	vadd.s32 $0x5000, v5;
	_ =	sdelay $0x1  }
0x2bc: {  	[tilespmem:v44+s18+$0x0] =	vst.idx.add.f32.msk $0xffff, v12  }
0x2bd: {  	v48 =	vadd.s32 $0x5000, v7;
	v15 =	vld.idx.msk [tilespmem:v45+s14+$0x0], $0xffff  }
0x2be: {  	v4 =	vadd.s32 $0x7800, v4;
	[tilespmem:v46+s18+$0x0] =	vst.idx.add.f32.msk $0xffff, v8  }
0x2bf: {  	v49 =	vadd.s32 $0x5000, v42;
	v12 =	vld.idx.msk [tilespmem:v47+s14+$0x0], $0xffff  }
0x2c0: {  	v5 =	vadd.s32 $0x7800, v5;
	_ =	sdelay $0x1  }
0x2c1: {  	[tilespmem:v48+s18+$0x0] =	vst.idx.add.f32.msk $0xffff, v15  }
0x2c2: {  	v7 =	vadd.s32 $0x7800, v7;
	v4 =	vld.idx.msk [tilespmem:v4+s14+$0x0], $0xffff  }
0x2c3: {  	[tilespmem:v49+s18+$0x0] =	vst.idx.add.f32.msk $0xffff, v12  }
0x2c4: {  	v50 =	vadd.s32 $0x7800, v42;
	v5 =	vld.idx.msk [tilespmem:v5+s14+$0x0], $0xffff;
	_ =	sdelay $0x2  }
0x2c5: {  	[tilespmem:v7+s18+$0x0] =	vst.idx.add.f32.msk $0xffff, v4  }
0x2c6: {  	v4 =	vld [tilespmem:s21+$0x70]  }
0x2c7: {  	[tilespmem:v50+s18+$0x0] =	vst.idx.add.f32.msk $0xffff, v5  }
0x2c8: {  	v5 =	vld [tilespmem:s21+$0xFFFFFF70];
	_ =	sdelay $0x2  }
0x2c9: {  	v7 =	vld [tilespmem:s21+$0xF0]  }
0x2ca: {  	v10 =	vld.idx.msk [tilespmem:v10+s14+$0x0], $0xffff  }
0x2cb: {  	v53 =	vld [tilespmem:s21+$0xFFFFFFF0]  }
0x2cc: {  	v51 =	vld.idx.msk [tilespmem:v4+s14+$0x0], $0xffff  }
0x2cd: {  	v52 =	vadd.s32 $0x2800, v4  }
0x2ce: {  	v14 =	vld.idx.msk [tilespmem:v5+s14+$0x0], $0xffff  }
0x2cf: {  	[tilespmem:v9+s18+$0x0] =	vst.idx.add.f32.msk $0xffff, v10;
	v54 =	vadd.s32 $0x2800, v5  }
0x2d0: {  	v57 =	vadd.s32 $0x2800, v9;
	v6 =	vld.idx.msk [tilespmem:v6+s14+$0x0], $0xffff  }
0x2d1: {  	[tilespmem:v7+s18+$0x0] =	vst.idx.add.f32.msk $0xffff, v51  }
0x2d2: {  	v55 =	vadd.s32 $0x2800, v7;
	v12 =	vld.idx.msk [tilespmem:v52+s14+$0x0], $0xffff  }
0x2d3: {  	v56 =	vadd.s32 $0x5000, v4;
	[tilespmem:v53+s18+$0x0] =	vst.idx.add.f32.msk $0xffff, v14  }
0x2d4: {  	v58 =	vadd.s32 $0x2800, v53;
	v8 =	vld.idx.msk [tilespmem:v54+s14+$0x0], $0xffff  }
0x2d5: {  	[tilespmem:v57+s18+$0x0] =	vst.idx.add.f32.msk $0xffff, v6;
	v59 =	vadd.s32 $0x5000, v5  }
0x2d6: {  	v61 =	vadd.s32 $0x5000, v9;
	v3 =	vld.idx.msk [tilespmem:v3+s14+$0x0], $0xffff  }
0x2d7: {  	[tilespmem:v55+s18+$0x0] =	vst.idx.add.f32.msk $0xffff, v12  }
0x2d8: {  	v60 =	vadd.s32 $0x5000, v7;
	v10 =	vld.idx.msk [tilespmem:v56+s14+$0x0], $0xffff  }
0x2d9: {  	v4 =	vadd.s32 $0x7800, v4;
	[tilespmem:v58+s18+$0x0] =	vst.idx.add.f32.msk $0xffff, v8  }
0x2da: {  	v62 =	vadd.s32 $0x5000, v53;
	v12 =	vld.idx.msk [tilespmem:v59+s14+$0x0], $0xffff  }
0x2db: {  	[tilespmem:v61+s18+$0x0] =	vst.idx.add.f32.msk $0xffff, v3;
	v5 =	vadd.s32 $0x7800, v5  }
0x2dc: {  	v2 =	vld.idx.msk [tilespmem:v2+s14+$0x0], $0xffff  }
0x2dd: {  	[tilespmem:v60+s18+$0x0] =	vst.idx.add.f32.msk $0xffff, v10  }
0x2de: {  	v3 =	vadd.s32 $0x7800, v9;
	v4 =	vld.idx.msk [tilespmem:v4+s14+$0x0], $0xffff  }
0x2df: {  	v7 =	vadd.s32 $0x7800, v7;
	[tilespmem:v62+s18+$0x0] =	vst.idx.add.f32.msk $0xffff, v12  }
0x2e0: {  	v63 =	vadd.s32 $0x7800, v53;
	v5 =	vld.idx.msk [tilespmem:v5+s14+$0x0], $0xffff  }
.Ltmp5:
0x2e1: {  	_ = 	snop;
	(pc) =	sbr.rel @p0 .LBB2_7-.Ltmp5, $4  }
0x2e2: {  	[tilespmem:v1+s18+$0x0] =	vst.idx.add.f32.msk $0xffff, v11  }
0x2e3: {  	[tilespmem:v3+s18+$0x0] =	vst.idx.add.f32.msk $0xffff, v2  }
0x2e4: {  	[tilespmem:v7+s18+$0x0] =	vst.idx.add.f32.msk $0xffff, v4  }
0x2e5: {  	[tilespmem:v63+s18+$0x0] =	vst.idx.add.f32.msk $0xffff, v5  }
0x2e6: {  	v1 =	vld [tilespmem:$0x4E00];
	_ =	sdelay $0x4  }
0x2e7: {  	v2 =	vld [tilespmem:$0x4E80];
	_ =	sdelay $0x2  }
0x2e8: {  	v3 =	vld.idx.msk [tilespmem:v1+s14+$0x0], $0xffff  }
0x2e9: {  	v4 =	vadd.s32 $0x2800, v1;
	_ =	sdelay $0x3  }
0x2ea: {  	[tilespmem:v2+s18+$0x0] =	vst.idx.add.f32.msk $0xffff, v3  }
0x2eb: {  	v34 =	vadd.s32 $0x2800, v2;
	v3 =	vld.idx.msk [tilespmem:v4+s14+$0x0], $0xffff  }
0x2ec: {  	v5 =	vadd.s32 $0x5000, v1;
	_ =	sdelay $0x3  }
0x2ed: {  	[tilespmem:v34+s18+$0x0] =	vst.idx.add.f32.msk $0xffff, v3  }
0x2ee: {  	v35 =	vadd.s32 $0x5000, v2;
	v3 =	vld.idx.msk [tilespmem:v5+s14+$0x0], $0xffff  }
0x2ef: {  	v1 =	vadd.s32 $0x7800, v1;
	_ =	sdelay $0x3  }
0x2f0: {  	[tilespmem:v35+s18+$0x0] =	vst.idx.add.f32.msk $0xffff, v3  }
0x2f1: {  	v2 =	vadd.s32 $0x7800, v2;
	v1 =	vld.idx.msk [tilespmem:v1+s14+$0x0], $0xffff;
	_ =	sdelay $0x4  }
0x2f2: {  	[tilespmem:v2+s18+$0x0] =	vst.idx.add.f32.msk $0xffff, v1  }
0x2f3: {  	v1 =	vld [tilespmem:$0x4E10];
	_ =	sdelay $0x4  }
0x2f4: {  	v2 =	vld [tilespmem:$0x4E90];
	_ =	sdelay $0x2  }
0x2f5: {  	v3 =	vld.idx.msk [tilespmem:v1+s14+$0x0], $0xffff  }
0x2f6: {  	v36 =	vadd.s32 $0x2800, v1;
	_ =	sdelay $0x3  }
0x2f7: {  	[tilespmem:v2+s18+$0x0] =	vst.idx.add.f32.msk $0xffff, v3  }
0x2f8: {  	v37 =	vadd.s32 $0x2800, v2;
	v3 =	vld.idx.msk [tilespmem:v36+s14+$0x0], $0xffff  }
0x2f9: {  	v38 =	vadd.s32 $0x5000, v1;
	_ =	sdelay $0x3  }
0x2fa: {  	[tilespmem:v37+s18+$0x0] =	vst.idx.add.f32.msk $0xffff, v3  }
0x2fb: {  	v39 =	vadd.s32 $0x5000, v2;
	v3 =	vld.idx.msk [tilespmem:v38+s14+$0x0], $0xffff  }
0x2fc: {  	v1 =	vadd.s32 $0x7800, v1;
	_ =	sdelay $0x3  }
0x2fd: {  	[tilespmem:v39+s18+$0x0] =	vst.idx.add.f32.msk $0xffff, v3  }
0x2fe: {  	v2 =	vadd.s32 $0x7800, v2;
	v1 =	vld.idx.msk [tilespmem:v1+s14+$0x0], $0xffff;
	_ =	sdelay $0x4  }
0x2ff: {  	[tilespmem:v2+s18+$0x0] =	vst.idx.add.f32.msk $0xffff, v1  }
0x300: {  	v1 =	vld [tilespmem:$0x4E20];
	_ =	sdelay $0x4  }
0x301: {  	v2 =	vld [tilespmem:$0x4EA0];
	_ =	sdelay $0x2  }
0x302: {  	v3 =	vld.idx.msk [tilespmem:v1+s14+$0x0], $0xffff  }
0x303: {  	v40 =	vadd.s32 $0x2800, v1;
	_ =	sdelay $0x3  }
0x304: {  	[tilespmem:v2+s18+$0x0] =	vst.idx.add.f32.msk $0xffff, v3  }
0x305: {  	v41 =	vadd.s32 $0x2800, v2;
	v3 =	vld.idx.msk [tilespmem:v40+s14+$0x0], $0xffff  }
0x306: {  	v42 =	vadd.s32 $0x5000, v1;
	_ =	sdelay $0x3  }
0x307: {  	[tilespmem:v41+s18+$0x0] =	vst.idx.add.f32.msk $0xffff, v3  }
0x308: {  	v43 =	vadd.s32 $0x5000, v2;
	v3 =	vld.idx.msk [tilespmem:v42+s14+$0x0], $0xffff  }
0x309: {  	v1 =	vadd.s32 $0x7800, v1;
	_ =	sdelay $0x3  }
0x30a: {  	[tilespmem:v43+s18+$0x0] =	vst.idx.add.f32.msk $0xffff, v3  }
0x30b: {  	v2 =	vadd.s32 $0x7800, v2;
	v1 =	vld.idx.msk [tilespmem:v1+s14+$0x0], $0xffff;
	_ =	sdelay $0x4  }
0x30c: {  	[tilespmem:v2+s18+$0x0] =	vst.idx.add.f32.msk $0xffff, v1  }
0x30d: {  	v1 =	vld [tilespmem:$0x4E30];
	_ =	sdelay $0x4  }
0x30e: {  	v2 =	vld [tilespmem:$0x4EB0];
	_ =	sdelay $0x2  }
0x30f: {  	v3 =	vld.idx.msk [tilespmem:v1+s14+$0x0], $0xffff  }
0x310: {  	v44 =	vadd.s32 $0x2800, v1;
	_ =	sdelay $0x3  }
0x311: {  	[tilespmem:v2+s18+$0x0] =	vst.idx.add.f32.msk $0xffff, v3  }
0x312: {  	v45 =	vadd.s32 $0x2800, v2;
	v3 =	vld.idx.msk [tilespmem:v44+s14+$0x0], $0xffff  }
0x313: {  	v46 =	vadd.s32 $0x5000, v1;
	_ =	sdelay $0x3  }
0x314: {  	[tilespmem:v45+s18+$0x0] =	vst.idx.add.f32.msk $0xffff, v3  }
0x315: {  	v47 =	vadd.s32 $0x5000, v2;
	v3 =	vld.idx.msk [tilespmem:v46+s14+$0x0], $0xffff  }
0x316: {  	v1 =	vadd.s32 $0x7800, v1;
	_ =	sdelay $0x3  }
0x317: {  	[tilespmem:v47+s18+$0x0] =	vst.idx.add.f32.msk $0xffff, v3  }
0x318: {  	v2 =	vadd.s32 $0x7800, v2;
	v1 =	vld.idx.msk [tilespmem:v1+s14+$0x0], $0xffff;
	_ =	sdelay $0x4  }
0x319: {  	[tilespmem:v2+s18+$0x0] =	vst.idx.add.f32.msk $0xffff, v1  }
0x31a: {  	v1 =	vld [tilespmem:$0x4E40];
	_ =	sdelay $0x4  }
0x31b: {  	v2 =	vld [tilespmem:$0x4EC0];
	_ =	sdelay $0x2  }
0x31c: {  	v3 =	vld.idx.msk [tilespmem:v1+s14+$0x0], $0xffff  }
0x31d: {  	v48 =	vadd.s32 $0x2800, v1;
	_ =	sdelay $0x3  }
0x31e: {  	[tilespmem:v2+s18+$0x0] =	vst.idx.add.f32.msk $0xffff, v3  }
0x31f: {  	v49 =	vadd.s32 $0x2800, v2;
	v3 =	vld.idx.msk [tilespmem:v48+s14+$0x0], $0xffff  }
0x320: {  	v50 =	vadd.s32 $0x5000, v1;
	_ =	sdelay $0x3  }
0x321: {  	[tilespmem:v49+s18+$0x0] =	vst.idx.add.f32.msk $0xffff, v3  }
0x322: {  	v51 =	vadd.s32 $0x5000, v2;
	v3 =	vld.idx.msk [tilespmem:v50+s14+$0x0], $0xffff  }
0x323: {  	v1 =	vadd.s32 $0x7800, v1;
	_ =	sdelay $0x3  }
0x324: {  	[tilespmem:v51+s18+$0x0] =	vst.idx.add.f32.msk $0xffff, v3  }
0x325: {  	v2 =	vadd.s32 $0x7800, v2;
	v1 =	vld.idx.msk [tilespmem:v1+s14+$0x0], $0xffff;
	_ =	sdelay $0x4  }
0x326: {  	[tilespmem:v2+s18+$0x0] =	vst.idx.add.f32.msk $0xffff, v1  }
0x327: {  	v1 =	vld [tilespmem:$0x4E50];
	_ =	sdelay $0x4  }
0x328: {  	v2 =	vld [tilespmem:$0x4ED0];
	_ =	sdelay $0x2  }
0x329: {  	v3 =	vld.idx.msk [tilespmem:v1+s14+$0x0], $0xffff  }
0x32a: {  	v52 =	vadd.s32 $0x2800, v1;
	_ =	sdelay $0x3  }
0x32b: {  	[tilespmem:v2+s18+$0x0] =	vst.idx.add.f32.msk $0xffff, v3  }
0x32c: {  	v53 =	vadd.s32 $0x2800, v2;
	v3 =	vld.idx.msk [tilespmem:v52+s14+$0x0], $0xffff  }
0x32d: {  	v54 =	vadd.s32 $0x5000, v1;
	_ =	sdelay $0x3  }
0x32e: {  	[tilespmem:v53+s18+$0x0] =	vst.idx.add.f32.msk $0xffff, v3  }
0x32f: {  	v55 =	vadd.s32 $0x5000, v2;
	v3 =	vld.idx.msk [tilespmem:v54+s14+$0x0], $0xffff  }
0x330: {  	v1 =	vadd.s32 $0x7800, v1;
	_ =	sdelay $0x3  }
0x331: {  	[tilespmem:v55+s18+$0x0] =	vst.idx.add.f32.msk $0xffff, v3  }
0x332: {  	v2 =	vadd.s32 $0x7800, v2;
	v1 =	vld.idx.msk [tilespmem:v1+s14+$0x0], $0xffff;
	_ =	sdelay $0x4  }
0x333: {  	[tilespmem:v2+s18+$0x0] =	vst.idx.add.f32.msk $0xffff, v1  }
0x334: {  	v1 =	vld [tilespmem:$0x4E60];
	_ =	sdelay $0x4  }
0x335: {  	v2 =	vld [tilespmem:$0x4EE0];
	_ =	sdelay $0x2  }
0x336: {  	v3 =	vld.idx.msk [tilespmem:v1+s14+$0x0], $0xffff  }
0x337: {  	v56 =	vadd.s32 $0x2800, v1;
	_ =	sdelay $0x3  }
0x338: {  	[tilespmem:v2+s18+$0x0] =	vst.idx.add.f32.msk $0xffff, v3  }
0x339: {  	v57 =	vadd.s32 $0x2800, v2;
	v3 =	vld.idx.msk [tilespmem:v56+s14+$0x0], $0xffff  }
0x33a: {  	v58 =	vadd.s32 $0x5000, v1;
	_ =	sdelay $0x3  }
0x33b: {  	[tilespmem:v57+s18+$0x0] =	vst.idx.add.f32.msk $0xffff, v3  }
0x33c: {  	v59 =	vadd.s32 $0x5000, v2;
	v3 =	vld.idx.msk [tilespmem:v58+s14+$0x0], $0xffff  }
0x33d: {  	v1 =	vadd.s32 $0x7800, v1;
	_ =	sdelay $0x3  }
0x33e: {  	[tilespmem:v59+s18+$0x0] =	vst.idx.add.f32.msk $0xffff, v3  }
0x33f: {  	v2 =	vadd.s32 $0x7800, v2;
	v1 =	vld.idx.msk [tilespmem:v1+s14+$0x0], $0xffff;
	_ =	sdelay $0x4  }
0x340: {  	[tilespmem:v2+s18+$0x0] =	vst.idx.add.f32.msk $0xffff, v1  }
0x341: {  	v1 =	vld [tilespmem:$0x4E70];
	_ =	sdelay $0x4  }
0x342: {  	v2 =	vld [tilespmem:$0x4EF0];
	_ =	sdelay $0x2  }
0x343: {  	v3 =	vld.idx.msk [tilespmem:v1+s14+$0x0], $0xffff  }
0x344: {  	v60 =	vadd.s32 $0x2800, v1;
	_ =	sdelay $0x3  }
0x345: {  	[tilespmem:v2+s18+$0x0] =	vst.idx.add.f32.msk $0xffff, v3  }
0x346: {  	v61 =	vadd.s32 $0x2800, v2;
	v3 =	vld.idx.msk [tilespmem:v60+s14+$0x0], $0xffff  }
0x347: {  	v62 =	vadd.s32 $0x5000, v1;
	_ =	sdelay $0x3  }
0x348: {  	[tilespmem:v61+s18+$0x0] =	vst.idx.add.f32.msk $0xffff, v3  }
0x349: {  	v63 =	vadd.s32 $0x5000, v2;
	v3 =	vld.idx.msk [tilespmem:v62+s14+$0x0], $0xffff  }
0x34a: {  	v1 =	vadd.s32 $0x7800, v1;
	_ =	sdelay $0x3  }
0x34b: {  	[tilespmem:v63+s18+$0x0] =	vst.idx.add.f32.msk $0xffff, v3  }
0x34c: {  	v2 =	vadd.s32 $0x7800, v2;
	v1 =	vld.idx.msk [tilespmem:v1+s14+$0x0], $0xffff  }
.Ltmp6:
0x34d: {  	_ = 	snop;
	(pc) =	sbr.rel .LBB2_7-.Ltmp6, $2  }
0x34e: {  	_ =	sdelay $0x2  }
0x34f: {  	[tilespmem:v2+s18+$0x0] =	vst.idx.add.f32.msk $0xffff, v1  }
.LBB2_8:
0x350: {  	_ =	sfence.sel $0x180000  }
0x351: {  	[bflag:$0x0] =	sbarrier.arrive $0xFFFF  }
0x352: {  	p0 =	sne.s32 s1, $0x0;
	_ =	strace $0x9000004A  }
0x353: {  	s0 =	sadd.s32 @!p0 $0x100000, s0;
	[bflag:$0x2] =	sbarrier.arrive $0xFFFF  }
0x354: {  	[sflag:s0] =	ssyncadd.tile.s32 @!p0 $0x1;
	_ =	shalt  }
.Lfunc_end2:
_tile_overlayer_lowered:
.L_overlay_start_2:
0x355: {  	(tag) =	ssettag $0x2  }
0x356: {  	s0 =	rddreg [dreg:$0x0];
	s2 =	stileid.u32  }
0x357: {  	s1 =	rddreg [dreg:$0x1];
	p0 =	sne.s32 s2, $0x0  }
0x358: {  	s3 =	rddreg [dreg:$0x2];
	[bflag:$0x3] =	sbarrier.arrive $0xFFFF;
	s2 =	simm.s32 @!p0 $0x1C01  }
0x359: {  	[timem:s3], [sflag:s2] =	dma.local @!p0 [hbm:s0], s1  }
0x35a: {  	s0 =	simm.s32 @!p0 $0x1  }
0x35b: {  	_ =	swait.ge @!p0 [sflag:s0], s1  }
0x35c: {  	s1 =	ssub.s32 @!p0 $0x0, s1;
	[sflag:s0] =	ssyncset.done @!p0 $0x0  }
0x35d: {  	[sflag:s0] =	ssyncadd.s32 @!p0 s1  }
0x35e: {  	[bflag:$0x3] =	sbarrier.arrive $0xFFFF  }
0x35f: {  	_ =	shalt  }

// kernel: kernel.14.cloned.1.call-start
scs
__scs_entry_jumppad:
0x0: {  	(pc) =	sbr.rel $0x88, $3  }
0x1: {  	(tag) =	ssettag $0x0;
	lr =	simm.s32 $0x1  }
0x2: {  	[smem:$0x3F99] =	sst lr;
	_ =	strace $0xD0000000  }
0x3: {  	_ = 	snop  }
0x4: {  	_ = 	snop  }
0x5: {  	_ = 	snop  }
0x6: {  	_ = 	snop  }
0x7: {  	_ = 	snop  }
__scs_overlays_trampoline_lowered:
0x8: {  	[smem:$0x3FA8] =	sst s0  }
0x9: {  	[smem:$0x3FA9] =	sst s1  }
0xa: {  	[smem:$0x3FAA] =	sst s2  }
0xb: {  	[smem:$0x3FAB] =	sst s3  }
0xc: {  	[smem:$0x3FAC] =	sst s4  }
0xd: {  	[smem:$0x3FAD] =	sst s5  }
0xe: {  	[smem:$0x3FAE] =	sst s6  }
0xf: {  	[smem:$0x3FAF] =	sst s7  }
0x10: {  	[smem:$0x3FB0] =	sst s8  }
0x11: {  	[smem:$0x3FB1] =	sst s9;
	s0 =	simm.s32 @!p0 $0x0  }
0x12: {  	s1 =	sld [smem:$0x3F97];
	s0 =	simm.s32 @p0 $0x1  }
0x13: {  	[smem:$0x3FB2] =	sst s0;
	s0 =	simm.s32 @!p1 $0x0  }
0x14: {  	s2 =	sld [smem:$0x3F96];
	s0 =	simm.s32 @p1 $0x1  }
0x15: {  	[smem:$0x3FB3] =	sst s0;
	s0 =	simm.s32 @!p2 $0x0  }
0x16: {  	s3 =	sld [smem:$0x3FDB];
	s0 =	simm.s32 @p2 $0x1  }
0x17: {  	s4 =	simm.s32 $0x1BF5;
	[smem:$0x3FB5] =	sst s0  }
0x18: {  	s0 =	sld [smem:$0x3F98];
	_ =	swait.ge [sflag:s4], $0x0  }
0x19: {  	s7 =	sld [smem:$0x3F99]  }
0x1a: {  	s8 =	sadd.s32 $0xFFFFE003, lr  }
0x1b: {  	s9 =	sadd.s32 $0xFFFFFEF7, lr;
	s5 =	simm.s32 $0xFFFFFFFF;
	p2 =	slt.u32 s8, $0xFFFFF086  }
0x1c: {  	p1 =	slt.u32 s9, $0xF7A;
	s5 =	simm.s32 @!p2 $0x0  }
0x1d: {  	s5 =	simm.s32 @p1 $0x1;
	p0 =	seq.s32 s7, s2  }
0x1e: {  	s7 =	smul.u32 @!p0 $0xF7A, s2;
	p2 =	seq.s32 @!p0 s5, $0x0  }
0x1f: {  	s9 =	smul.u32 $0xF7A, s1;
	s8 =	simm.s32 @!p0 $0x1BF5;
	p2 =	por !p2, p0  }
0x20: {  	[sflag:s8] =	ssyncset.s32 @!p0 $0xFFFFF086;
	s6 =	sadd.s32 @!p0 s3, s7;
	s7 =	simm.s32 @!p0 $0x108  }
0x21: {  	s3 =	sadd.s32 s3, s9;
	s6 =	sadd.s32 @!p0 $0x88, s6;
	s7 =	simm.s32 @p2 $0x1082  }
0x22: {  	[simem:s7], [sflag:s8] =	dma.local @!p0 [hbm:s6], $0xF7A  }
0x23: {  	s9 =	sor.u32 $0xD0000000, s2;
	s6 =	simm.s32 $0x108;
	_ =	swait.ge @!p0 [sflag:s8], $0x0  }
0x24: {  	s3 =	sadd.s32 $0x88, s3;
	s6 =	simm.s32 @!p1 $0x1082;
	[sflag:s4] =	ssyncset.s32 $0xFFFFF086  }
0x25: {  	[simem:s6], [sflag:s4] =	dma.local [hbm:s3], $0xF7A  }
0x26: {  	[smem:$0x3F99] =	sst s1;
	(tag) =	ssettag s2;
	_ =	strace s9  }
0x27: {  	s1 =	sld [smem:$0x3FA9]  }
0x28: {  	s2 =	sld [smem:$0x3FAA]  }
0x29: {  	s4 =	sld [smem:$0x3FAC]  }
0x2a: {  	p0 =	seq.s32 s5, $0x0;
	s5 =	sld [smem:$0x3FAD]  }
0x2b: {  	s6 =	sld [smem:$0x3FAE]  }
0x2c: {  	s7 =	sld [smem:$0x3FAF]  }
0x2d: {  	s3 =	simm.s32 $0x108;
	s8 =	sld [smem:$0x3FB0]  }
0x2e: {  	s3 =	simm.s32 @!p0 $0x1082;
	s9 =	sld [smem:$0x3FB1]  }
0x2f: {  	lr =	sadd.s32 s0, s3;
	s0 =	sld [smem:$0x3FA8]  }
0x30: {  	s3 =	sld [smem:$0x3FAB]  }
0x31: {  	[smem:$0x3FB4] =	sst s10  }
0x32: {  	s10 =	sld [smem:$0x3FB2];
	_ =	sdelay $0x3  }
0x33: {  	p0 =	seq.s32 s10, $0x1;
	s10 =	sld [smem:$0x3FB4];
	_ =	sdelay $0x3  }
0x34: {  	[smem:$0x3FB4] =	sst s10  }
0x35: {  	s10 =	sld [smem:$0x3FB3];
	_ =	sdelay $0x3  }
0x36: {  	p1 =	seq.s32 s10, $0x1;
	s10 =	sld [smem:$0x3FB4];
	_ =	sdelay $0x3  }
0x37: {  	[smem:$0x3FB4] =	sst s10  }
0x38: {  	s10 =	sld [smem:$0x3FB5]  }
0x39: {  	_ = 	snop;
	(pc) =	sbr.ind lr, $3  }
0x3a: {  	_ = 	snop  }
0x3b: {  	_ = 	snop  }
0x3c: {  	p2 =	seq.s32 s10, $0x1;
	s10 =	sld [smem:$0x3FB4]  }
0x3d: {  	_ =	shalt  }
0x3e: {  	_ =	shalt  }
0x3f: {  	_ =	shalt  }
0x40: {  	_ =	shalt  }
0x41: {  	_ =	shalt  }
0x42: {  	_ =	shalt  }
0x43: {  	_ =	shalt  }
0x44: {  	_ =	shalt  }
0x45: {  	_ =	shalt  }
0x46: {  	_ =	shalt  }
0x47: {  	_ =	shalt  }
0x48: {  	_ =	shalt  }
0x49: {  	_ =	shalt  }
0x4a: {  	_ =	shalt  }
0x4b: {  	_ =	shalt  }
0x4c: {  	_ =	shalt  }
0x4d: {  	_ =	shalt  }
0x4e: {  	_ =	shalt  }
0x4f: {  	_ =	shalt  }
0x50: {  	_ =	shalt  }
0x51: {  	_ =	shalt  }
0x52: {  	_ =	shalt  }
0x53: {  	_ =	shalt  }
0x54: {  	_ =	shalt  }
0x55: {  	_ =	shalt  }
0x56: {  	_ =	shalt  }
0x57: {  	_ =	shalt  }
0x58: {  	_ =	shalt  }
0x59: {  	_ =	shalt  }
0x5a: {  	_ =	shalt  }
0x5b: {  	_ =	shalt  }
0x5c: {  	_ =	shalt  }
0x5d: {  	_ =	shalt  }
0x5e: {  	_ =	shalt  }
0x5f: {  	_ =	shalt  }
0x60: {  	_ =	shalt  }
0x61: {  	_ =	shalt  }
0x62: {  	_ =	shalt  }
0x63: {  	_ =	shalt  }
0x64: {  	_ =	shalt  }
0x65: {  	_ =	shalt  }
0x66: {  	_ =	shalt  }
0x67: {  	_ =	shalt  }
0x68: {  	_ =	shalt  }
0x69: {  	_ =	shalt  }
0x6a: {  	_ =	shalt  }
0x6b: {  	_ =	shalt  }
0x6c: {  	_ =	shalt  }
0x6d: {  	_ =	shalt  }
0x6e: {  	_ =	shalt  }
0x6f: {  	_ =	shalt  }
0x70: {  	_ =	shalt  }
0x71: {  	_ =	shalt  }
0x72: {  	_ =	shalt  }
0x73: {  	_ =	shalt  }
0x74: {  	_ =	shalt  }
0x75: {  	_ =	shalt  }
0x76: {  	_ =	shalt  }
0x77: {  	_ =	shalt  }
0x78: {  	_ =	shalt  }
0x79: {  	_ =	shalt  }
0x7a: {  	_ =	shalt  }
0x7b: {  	_ =	shalt  }
0x7c: {  	_ =	shalt  }
0x7d: {  	_ =	shalt  }
0x7e: {  	_ =	shalt  }
0x7f: {  	_ =	shalt  }
0x80: {  	_ =	shalt  }
0x81: {  	_ =	shalt  }
0x82: {  	_ =	shalt  }
0x83: {  	_ =	shalt  }
0x84: {  	_ =	shalt  }
0x85: {  	_ =	shalt  }
0x86: {  	_ =	shalt  }
0x87: {  	_ =	shalt  }
.Lfunc_end0:
.L_simem_size_0:
called_computation.2_lowered:
.L_overlay_start_0:
0x88: {  	s2 =	sld [smem:$0x3FD9]  }
0x89: {  	s3 =	sld [smem:$0x3FFE];
	_ =	sdelay $0x1  }
0x8a: {  	s1 =	srdreg.scid  }
0x8b: {  	s0 =	sand.u32 $0x1, s1  }
0x8c: {  	s17 =	sshll.u32 s0, $0xA;
	s2 =	sadd.s32 s3, s2  }
0x8d: {  	s2 =	sadd.s32 s2, s17  }
0x8e: {  	[smem:$0x3FC0] =	sst s2  }
0x8f: {  	_ = 	snop  }
0x90: {  	s2 =	sld [smem:$0x3FC8];
	(tm) =	ssettm $0x1  }
0x91: {  	s18 =	sld [smem:$0x3FFB];
	_ =	sdelay $0x3  }
0x92: {  	_ =	strace s18  }
0x93: {  	s3 =	sld [smem:$0x3FFC];
	_ =	sdelay $0x3  }
0x94: {  	_ =	strace s3  }
0x95: {  	s3 =	sld [smem:$0x3FFD];
	_ =	sdelay $0x3  }
0x96: {  	_ =	strace s3  }
0x97: {  	_ =	strace $0x8FFFFFFF  }
0x98: {  	s19 =	sld [smem:$0x3FDB];
	_ =	sdelay $0x1  }
0x99: {  	s4 =	simm.s32 $_scs_section_size  }
0x9a: {  	s5 =	simm.s32 $_size__tile_overlayer_lowered;
	s6 =	simm.s32 $_tile_overlayer_lowered  }
0x9b: {  	s22 =	simm.s32 $0x1BFF;
	s21 =	sshll.u32 s6, $0x1;
	s3 =	sadd.s32 s4, s19  }
0x9c: {  	s7 =	simm.s32 $0x0;
	s20 =	sshll.u32 s5, $0x1;
	s5 =	sadd.s32 s21, s3  }
0x9d: {  	[timem:s7], [sflag:s22] =	dma.local [hbm:s5], s20  }
0x9e: {  	_ =	swait.ge [sflag:s22], s20  }
0x9f: {  	s4 =	ssub.s32 $0x0, s20;
	[sflag:s22] =	ssyncset.done $0x0  }
0xa0: {  	[sflag:s22] =	ssyncadd.s32 s4;
	_ =	sdelay $0x1  }
0xa1: {  	s23 =	simm.s32 $0x1B8B  }
0xa2: {  	_ =	swait.ge [sflag:s23], $0x1  }
0xa3: {  	[sflag:s23] =	ssyncset.done $0x0  }
0xa4: {  	s25 =	simm.s32 $0x1B8E;
	s24 =	sld [smem:$0x3FFE];
	[sflag:s23] =	ssyncadd.s32 $0xFFFFFFFF  }
0xa5: {  	s26 =	simm.s32 $execute0_lowered;
	[smem:$0x3FD2] =	sst s25  }
0xa6: {  	s5 =	sshll.u32 s26, $0x1;
	_ =	strace $0x8000004C;
	[dreg:$0x1] =	wrdreg $0xFFFFFFFF  }
0xa7: {  	s28 =	simm.s32 $_size_execute0_lowered;
	s3 =	sadd.s32 s3, s5;
	[dreg:$0x0] =	wrdreg $0x0  }
0xa8: {  	s5 =	sshll.u32 s28, $0x1;
	[dreg:$0x2] =	wrdreg s3  }
0xa9: {  	[dreg:$0x3] =	wrdreg s5  }
0xaa: {  	[dreg:$0x4] =	wrdreg $0xC0  }
0xab: {  	_ =	task [dreg:s7], $0x5FFFF  }
0xac: {  	[dreg:$0x1] =	wrdreg $0xFFFFFFFF  }
0xad: {  	[dreg:$0x0] =	wrdreg $0x60  }
0xae: {  	[dreg:$0x2] =	wrdreg s2  }
0xaf: {  	[dreg:$0x3] =	wrdreg s24  }
0xb0: {  	[dreg:$0x4] =	wrdreg $0x9  }
0xb1: {  	_ =	task.clear_ibuf [dreg:s7], $0x5FFFF;
	_ =	strace $0x9000004C  }
0xb2: {  	s29 =	simm.s32 $0x9;
	_ =	strace $0x8000004E  }
0xb3: {  	_ =	swait.ge [sflag:s29], $0x1  }
0xb4: {  	[sflag:s29] =	ssyncadd.s32 $0xFFFFFFFF  }
0xb5: {  	_ =	strace $0x9000004E  }
0xb6: {  	_ =	sfence  }
0xb7: {  	s30 =	sld [smem:$0x0];
	_ =	sdelay $0x2  }
0xb8: {  	s31 =	sshll.u32 s1, $0xD;
	s1 =	sshrl.u32 s1, $0x2  }
0xb9: {  	s3 =	sand.u32 $0x4000, s31;
	s1 =	sadd.s32 s1, s30  }
0xba: {  	s0 =	sor.u32 s3, s0;
	s1 =	sshll.u32 s1, $0x11  }
0xbb: {  	s0 =	sor.u32 s1, s0  }
0xbc: {  	s0 =	sadd.s32 $0x8F2B, s0  }
0xbd: {  	[sflag:s0] =	ssyncadd.remote.s32 $0x1  }
0xbe: {  	_ =	sfence.sel $0xFFFF  }
0xbf: {  	[dreg:$0x0] =	wrdreg $0xFFFFFFFF;
	(pc) =	sbr.abs _section_cstart, $3  }
0xc0: {  	[dreg:$0x1] =	wrdreg $0xFFFFFFFF  }
0xc1: {  	_ =	task.clear_ibuf [dreg:s7], $0x2FFFF;
	_ =	strace $0x9FFFFFFF  }
0xc2: {  	(tm) =	ssettm $0x7FFFFFFF  }
0xc3: {  	_ =	shalt  }
tec
execute0_lowered:
.L_overlay_start_1:
0x0: {  	(tag) =	ssettag $0x1  }
0x1: {  	s4 =	rddreg [dreg:$0x0]  }
0x2: {  	s8 =	rddreg [dreg:$0x1]  }
0x3: {  	s0 =	rddreg [dreg:$0x2]  }
0x4: {  	s2 =	srdreg.scid;
	s1 =	stileid.u32;
	s11 =	simm.s32 $0x1  }
0x5: {  	s12 =	simm.s32 $0x80;
	s13 =	simm.s32 $0x200;
	s14 =	simm.s32 $0x4F00  }
0x6: {  	s15 =	simm.s32 $0x7700;
	s16 =	simm.s32 $0x9F00;
	s17 =	simm.s32 $0xC700  }
0x7: {  	s18 =	simm.s32 $0xEF00;
	s19 =	simm.s32 $0x400;
	s20 =	simm.s32 $0x0  }
0x8: {  	s5 =	sand.u32 $0x1, s2;
	s3 =	sshll.u32 s1, $0x1;
	s6 =	sshrl.u32 s1, $0x2  }
0x9: {  	s2 =	simm.s32 $0x0;
	p0 =	sgt.u32 s1, $0x1;
	s3 =	sor.u32 s5, s3  }
0xa: {  	s6 =	smul.u32 $0x50000, s6;
	[smem:$0x7FF] =	sst s2;
	s5 =	ssub.s32 $0x2, s5  }
0xb: {  	s7 =	sshll.u32 s3, $0x7;
	s9 =	smul.u32 $0x4E, s3;
	_ =	strace $0x8000004D  }
0xc: {  	s10 =	smin.u32 s3, $0x4;
	s3 =	sadd.s32 $0x2E00, s8;
	s7 =	sand.u32 $0x380, s7  }
.Ltmp0:
0xd: {  	s30 =	sshrl.u32 s5, $0x1;
	s6 =	sor.u32 s6, s7;
	(pc) =	sbr.rel .LBB2_1-.Ltmp0, $4  }
0xe: {  	s31 =	ssub.s32 s5, s30;
	s28 =	sadd.s32 s10, s9;
	s6 =	sshrl.u32 s6, $0x3  }
0xf: {  	s10 =	smax.u32 s31, $0x1;
	s7 =	sshll.u32 s28, $0x5;
	s29 =	sadd.s32 s6, s8  }
0x10: {  	s4 =	sadd.s32 s4, s7;
	s6 =	sadd.s32 $0x2E10, s8;
	s7 =	sadd.s32 $0x2E20, s8  }
0x11: {  	v0 =	vimm.f32 $0.0e+00;
	s8 =	sadd.s32 $0x2E30, s8;
	s5 =	sadd.s32 $0x9C0, s4;
	s9 =	sadd.s32 $0x4200, s29  }
.LBB2_7:
0x12: {  	s20 =	sadd.s32 $0x1, s20  }
0x13: {  	p1 =	sne.s32 s20, s10  }
.Ltmp1:
0x14: {  	_ = 	snop;
	(pc) =	sbr.rel @!p1 .LBB2_8-.Ltmp1, $4  }
0x15: {  	[hbm4b:s9+s12] =	stream.strided.scatter [tilespmem:s18], [sflag:$0x1], $0xA000, s19, s12, $0x38;
	[tilespmem:$0x18F00] =	vst v63  }
0x16: {  	_ =	swait.ge [sflag:s11], $0xA000  }
0x17: {  	[sflag:s11] =	ssyncset.done $0x0  }
0x18: {  	[sflag:s11] =	ssyncadd.s32 $0xFFFF6000  }
.LBB2_1:
0x19: {  	[tilespmem:s2], [sflag:$0x1] =	stream.linear.gather [hbm4b:s4+s2], $0x4E00, $0x38;
	[tilespmem:$0x18F00] =	vst v63  }
0x1a: {  	_ =	swait.ge [sflag:s11], $0x4E00  }
0x1b: {  	[sflag:s11] =	ssyncset.done $0x0  }
0x1c: {  	s21 =	simm.s32 @!p0 $0x0;
	s22 =	simm.s32 @!p0 $0x4E00;
	[sflag:s11] =	ssyncadd.s32 $0xFFFFB200  }
0x1d: {  	[tilespmem:s22], [sflag:$0x1] =	stream.linear.gather @!p0 [hbm4b:s5+s21], $0x100, $0x38;
	[tilespmem:$0x18F00] =	vst v63  }
0x1e: {  	s21 =	simm.s32 @!p0 $0x1  }
0x1f: {  	_ =	swait.ge @!p0 [sflag:s21], $0x100  }
0x20: {  	[sflag:s21] =	ssyncset.done @!p0 $0x0  }
0x21: {  	[sflag:s21] =	ssyncadd.s32 @!p0 $0xFFFFFF00  }
0x22: {  	[tilespmem:s14], [sflag:$0x1] =	stream.strided.gather [hbm4b:s3+s12], $0x2800, s13, s12, $0x38;
	[tilespmem:$0x18F00] =	vst v63  }
0x23: {  	_ =	swait.ge [sflag:s11], $0x2800  }
0x24: {  	[sflag:s11] =	ssyncset.done $0x0  }
0x25: {  	[sflag:s11] =	ssyncadd.s32 $0xFFFFD800  }
0x26: {  	[tilespmem:s15], [sflag:$0x1] =	stream.strided.gather [hbm4b:s6+s12], $0x2800, s13, s12, $0x38;
	[tilespmem:$0x18F00] =	vst v63  }
0x27: {  	_ =	swait.ge [sflag:s11], $0x2800  }
0x28: {  	[sflag:s11] =	ssyncset.done $0x0  }
0x29: {  	[sflag:s11] =	ssyncadd.s32 $0xFFFFD800  }
0x2a: {  	[tilespmem:s16], [sflag:$0x1] =	stream.strided.gather [hbm4b:s7+s12], $0x2800, s13, s12, $0x38;
	[tilespmem:$0x18F00] =	vst v63  }
0x2b: {  	_ =	swait.ge [sflag:s11], $0x2800  }
0x2c: {  	p1 =	por $0x0, $0x0;
	[sflag:s11] =	ssyncset.done $0x0  }
.Ltmp2:
0x2d: {  	[sflag:s11] =	ssyncadd.s32 $0xFFFFD800;
	(pc) =	sbr.rel @p1 .LBB2_3-.Ltmp2, $4  }
0x2e: {  	[tilespmem:s17], [sflag:$0x1] =	stream.strided.gather [hbm4b:s8+s12], $0x2800, s13, s12, $0x38;
	[tilespmem:$0x18F00] =	vst v63  }
0x2f: {  	_ =	swait.ge [sflag:s11], $0x2800  }
0x30: {  	[sflag:s11] =	ssyncset.done $0x0  }
0x31: {  	s22 =	simm.s32 $0x200;
	s21 =	simm.s32 $0x0;
	[sflag:s11] =	ssyncadd.s32 $0xFFFFD800  }
.LBB2_2:
0x32: {  	p1 =	seq.s32 s22, $0x27E00;
	[tilespmem:s21+$0xEF70] =	vst v0  }
0x33: {  	[tilespmem:s21+$0xEF00] =	vst v0  }
0x34: {  	[tilespmem:s21+$0xEF10] =	vst v0  }
.Ltmp3:
0x35: {  	[tilespmem:s21+$0xEF20] =	vst v0;
	(pc) =	sbr.rel @!p1 .LBB2_2-.Ltmp3, $4  }
0x36: {  	[tilespmem:s21+$0xEF30] =	vst v0  }
0x37: {  	[tilespmem:s21+$0xEF40] =	vst v0  }
0x38: {  	[tilespmem:s21+$0xEF50] =	vst v0  }
0x39: {  	[tilespmem:s21+$0xEF60] =	vst v0;
	s21 =	sshra.s32 s22, $0x2;
	s22 =	sadd.s32 $0x200, s22  }
.LBB2_3:
0x3a: {  	[tilespmem:s21+$0xEF70] =	vst v0  }
0x3b: {  	[tilespmem:s21+$0xEF00] =	vst v0  }
0x3c: {  	[tilespmem:s21+$0xEF10] =	vst v0  }
0x3d: {  	[tilespmem:s21+$0xEF20] =	vst v0  }
0x3e: {  	[tilespmem:s21+$0xEF30] =	vst v0  }
0x3f: {  	[tilespmem:s21+$0xEF40] =	vst v0  }
0x40: {  	[tilespmem:s21+$0xEF50] =	vst v0  }
0x41: {  	[tilespmem:s21+$0xEF60] =	vst v0;
	s31 =	simm.s32 $0x100  }
0x42: {  	v1 =	vld [tilespmem:s31+$0x0]  }
0x43: {  	v2 =	vld [tilespmem:s31+$0xFFFFFF00];
	_ =	sdelay $0x3  }
0x44: {  	v3 =	vld [tilespmem:s31+$0x80]  }
0x45: {  	v4 =	vld [tilespmem:s31+$0xFFFFFF80];
	_ =	sdelay $0x1  }
0x46: {  	v5 =	vld.idx.msk [tilespmem:v1+s14+$0x0], $0xffff  }
0x47: {  	v7 =	vld.idx.msk [tilespmem:v2+s14+$0x0], $0xffff  }
0x48: {  	v6 =	vadd.s32 $0x2800, v1  }
0x49: {  	v8 =	vadd.s32 $0x2800, v2;
	_ =	sdelay $0x1  }
0x4a: {  	[tilespmem:v3+s18+$0x0] =	vst.idx.add.f32.msk $0xffff, v5  }
0x4b: {  	[tilespmem:v4+s18+$0x0] =	vst.idx.add.f32.msk $0xffff, v7  }
0x4c: {  	v5 =	vld.idx.msk [tilespmem:v6+s14+$0x0], $0xffff;
	v6 =	vadd.s32 $0x2800, v3  }
0x4d: {  	v7 =	vadd.s32 $0x2800, v4;
	v8 =	vld.idx.msk [tilespmem:v8+s14+$0x0], $0xffff  }
0x4e: {  	v9 =	vadd.s32 $0x5000, v1  }
0x4f: {  	v10 =	vadd.s32 $0x5000, v2;
	_ =	sdelay $0x1  }
0x50: {  	[tilespmem:v6+s18+$0x0] =	vst.idx.add.f32.msk $0xffff, v5  }
0x51: {  	[tilespmem:v7+s18+$0x0] =	vst.idx.add.f32.msk $0xffff, v8  }
0x52: {  	v6 =	vadd.s32 $0x5000, v3;
	v5 =	vld.idx.msk [tilespmem:v9+s14+$0x0], $0xffff  }
0x53: {  	v7 =	vadd.s32 $0x5000, v4;
	v8 =	vld.idx.msk [tilespmem:v10+s14+$0x0], $0xffff  }
0x54: {  	v1 =	vadd.s32 $0x7800, v1  }
0x55: {  	v2 =	vadd.s32 $0x7800, v2;
	_ =	sdelay $0x1  }
0x56: {  	[tilespmem:v6+s18+$0x0] =	vst.idx.add.f32.msk $0xffff, v5  }
0x57: {  	[tilespmem:v7+s18+$0x0] =	vst.idx.add.f32.msk $0xffff, v8  }
0x58: {  	v3 =	vadd.s32 $0x7800, v3;
	v1 =	vld.idx.msk [tilespmem:v1+s14+$0x0], $0xffff  }
0x59: {  	v4 =	vadd.s32 $0x7800, v4;
	v2 =	vld.idx.msk [tilespmem:v2+s14+$0x0], $0xffff;
	_ =	sdelay $0x3  }
0x5a: {  	[tilespmem:v3+s18+$0x0] =	vst.idx.add.f32.msk $0xffff, v1  }
0x5b: {  	[tilespmem:v4+s18+$0x0] =	vst.idx.add.f32.msk $0xffff, v2  }
0x5c: {  	v1 =	vld [tilespmem:s31+$0x10]  }
0x5d: {  	v2 =	vld [tilespmem:s31+$0xFFFFFF10];
	_ =	sdelay $0x3  }
0x5e: {  	v3 =	vld [tilespmem:s31+$0x90]  }
0x5f: {  	v4 =	vld [tilespmem:s31+$0xFFFFFF90];
	_ =	sdelay $0x1  }
0x60: {  	v5 =	vld.idx.msk [tilespmem:v1+s14+$0x0], $0xffff  }
0x61: {  	v7 =	vld.idx.msk [tilespmem:v2+s14+$0x0], $0xffff  }
0x62: {  	v6 =	vadd.s32 $0x2800, v1  }
0x63: {  	v8 =	vadd.s32 $0x2800, v2;
	_ =	sdelay $0x1  }
0x64: {  	[tilespmem:v3+s18+$0x0] =	vst.idx.add.f32.msk $0xffff, v5  }
0x65: {  	[tilespmem:v4+s18+$0x0] =	vst.idx.add.f32.msk $0xffff, v7  }
0x66: {  	v5 =	vld.idx.msk [tilespmem:v6+s14+$0x0], $0xffff;
	v6 =	vadd.s32 $0x2800, v3  }
0x67: {  	v7 =	vadd.s32 $0x2800, v4;
	v8 =	vld.idx.msk [tilespmem:v8+s14+$0x0], $0xffff  }
0x68: {  	v9 =	vadd.s32 $0x5000, v1  }
0x69: {  	v10 =	vadd.s32 $0x5000, v2;
	_ =	sdelay $0x1  }
0x6a: {  	[tilespmem:v6+s18+$0x0] =	vst.idx.add.f32.msk $0xffff, v5  }
0x6b: {  	[tilespmem:v7+s18+$0x0] =	vst.idx.add.f32.msk $0xffff, v8  }
0x6c: {  	v6 =	vadd.s32 $0x5000, v3;
	v5 =	vld.idx.msk [tilespmem:v9+s14+$0x0], $0xffff  }
0x6d: {  	v7 =	vadd.s32 $0x5000, v4;
	v8 =	vld.idx.msk [tilespmem:v10+s14+$0x0], $0xffff  }
0x6e: {  	v1 =	vadd.s32 $0x7800, v1  }
0x6f: {  	v2 =	vadd.s32 $0x7800, v2;
	_ =	sdelay $0x1  }
0x70: {  	[tilespmem:v6+s18+$0x0] =	vst.idx.add.f32.msk $0xffff, v5  }
0x71: {  	[tilespmem:v7+s18+$0x0] =	vst.idx.add.f32.msk $0xffff, v8  }
0x72: {  	v3 =	vadd.s32 $0x7800, v3;
	v1 =	vld.idx.msk [tilespmem:v1+s14+$0x0], $0xffff  }
0x73: {  	v4 =	vadd.s32 $0x7800, v4;
	v2 =	vld.idx.msk [tilespmem:v2+s14+$0x0], $0xffff;
	_ =	sdelay $0x3  }
0x74: {  	[tilespmem:v3+s18+$0x0] =	vst.idx.add.f32.msk $0xffff, v1  }
0x75: {  	[tilespmem:v4+s18+$0x0] =	vst.idx.add.f32.msk $0xffff, v2  }
0x76: {  	v1 =	vld [tilespmem:s31+$0x20]  }
0x77: {  	v2 =	vld [tilespmem:s31+$0xFFFFFF20];
	_ =	sdelay $0x3  }
0x78: {  	v3 =	vld [tilespmem:s31+$0xA0]  }
0x79: {  	v4 =	vld [tilespmem:s31+$0xFFFFFFA0];
	_ =	sdelay $0x1  }
0x7a: {  	v5 =	vld.idx.msk [tilespmem:v1+s14+$0x0], $0xffff  }
0x7b: {  	v7 =	vld.idx.msk [tilespmem:v2+s14+$0x0], $0xffff  }
0x7c: {  	v6 =	vadd.s32 $0x2800, v1  }
0x7d: {  	v8 =	vadd.s32 $0x2800, v2;
	_ =	sdelay $0x1  }
0x7e: {  	[tilespmem:v3+s18+$0x0] =	vst.idx.add.f32.msk $0xffff, v5  }
0x7f: {  	[tilespmem:v4+s18+$0x0] =	vst.idx.add.f32.msk $0xffff, v7  }
0x80: {  	v5 =	vld.idx.msk [tilespmem:v6+s14+$0x0], $0xffff;
	v6 =	vadd.s32 $0x2800, v3  }
0x81: {  	v7 =	vadd.s32 $0x2800, v4;
	v8 =	vld.idx.msk [tilespmem:v8+s14+$0x0], $0xffff  }
0x82: {  	v9 =	vadd.s32 $0x5000, v1  }
0x83: {  	v10 =	vadd.s32 $0x5000, v2;
	_ =	sdelay $0x1  }
0x84: {  	[tilespmem:v6+s18+$0x0] =	vst.idx.add.f32.msk $0xffff, v5  }
0x85: {  	[tilespmem:v7+s18+$0x0] =	vst.idx.add.f32.msk $0xffff, v8  }
0x86: {  	v6 =	vadd.s32 $0x5000, v3;
	v5 =	vld.idx.msk [tilespmem:v9+s14+$0x0], $0xffff  }
0x87: {  	v7 =	vadd.s32 $0x5000, v4;
	v8 =	vld.idx.msk [tilespmem:v10+s14+$0x0], $0xffff  }
0x88: {  	v1 =	vadd.s32 $0x7800, v1  }
0x89: {  	v2 =	vadd.s32 $0x7800, v2;
	_ =	sdelay $0x1  }
0x8a: {  	[tilespmem:v6+s18+$0x0] =	vst.idx.add.f32.msk $0xffff, v5  }
0x8b: {  	[tilespmem:v7+s18+$0x0] =	vst.idx.add.f32.msk $0xffff, v8  }
0x8c: {  	v3 =	vadd.s32 $0x7800, v3;
	v1 =	vld.idx.msk [tilespmem:v1+s14+$0x0], $0xffff  }
0x8d: {  	v4 =	vadd.s32 $0x7800, v4;
	v2 =	vld.idx.msk [tilespmem:v2+s14+$0x0], $0xffff;
	_ =	sdelay $0x3  }
0x8e: {  	[tilespmem:v3+s18+$0x0] =	vst.idx.add.f32.msk $0xffff, v1  }
0x8f: {  	[tilespmem:v4+s18+$0x0] =	vst.idx.add.f32.msk $0xffff, v2  }
0x90: {  	v1 =	vld [tilespmem:s31+$0x30]  }
0x91: {  	v2 =	vld [tilespmem:s31+$0xFFFFFF30];
	_ =	sdelay $0x3  }
0x92: {  	v3 =	vld [tilespmem:s31+$0xB0]  }
0x93: {  	v4 =	vld [tilespmem:s31+$0xFFFFFFB0];
	_ =	sdelay $0x1  }
0x94: {  	v5 =	vld.idx.msk [tilespmem:v1+s14+$0x0], $0xffff  }
0x95: {  	v7 =	vld.idx.msk [tilespmem:v2+s14+$0x0], $0xffff  }
0x96: {  	v6 =	vadd.s32 $0x2800, v1  }
0x97: {  	v8 =	vadd.s32 $0x2800, v2;
	_ =	sdelay $0x1  }
0x98: {  	[tilespmem:v3+s18+$0x0] =	vst.idx.add.f32.msk $0xffff, v5  }
0x99: {  	[tilespmem:v4+s18+$0x0] =	vst.idx.add.f32.msk $0xffff, v7  }
0x9a: {  	v5 =	vld.idx.msk [tilespmem:v6+s14+$0x0], $0xffff;
	v6 =	vadd.s32 $0x2800, v3  }
0x9b: {  	v9 =	vadd.s32 $0x2800, v4;
	v8 =	vld.idx.msk [tilespmem:v8+s14+$0x0], $0xffff  }
0x9c: {  	v7 =	vadd.s32 $0x5000, v1  }
0x9d: {  	v10 =	vadd.s32 $0x5000, v2;
	_ =	sdelay $0x1  }
0x9e: {  	[tilespmem:v6+s18+$0x0] =	vst.idx.add.f32.msk $0xffff, v5  }
0x9f: {  	[tilespmem:v9+s18+$0x0] =	vst.idx.add.f32.msk $0xffff, v8  }
0xa0: {  	v6 =	vadd.s32 $0x5000, v3;
	v5 =	vld.idx.msk [tilespmem:v7+s14+$0x0], $0xffff  }
0xa1: {  	v7 =	vadd.s32 $0x5000, v4;
	v8 =	vld.idx.msk [tilespmem:v10+s14+$0x0], $0xffff  }
0xa2: {  	v1 =	vadd.s32 $0x7800, v1  }
0xa3: {  	v2 =	vadd.s32 $0x7800, v2;
	_ =	sdelay $0x1  }
0xa4: {  	[tilespmem:v6+s18+$0x0] =	vst.idx.add.f32.msk $0xffff, v5  }
0xa5: {  	[tilespmem:v7+s18+$0x0] =	vst.idx.add.f32.msk $0xffff, v8  }
0xa6: {  	v3 =	vadd.s32 $0x7800, v3;
	v1 =	vld.idx.msk [tilespmem:v1+s14+$0x0], $0xffff  }
0xa7: {  	v4 =	vadd.s32 $0x7800, v4;
	v2 =	vld.idx.msk [tilespmem:v2+s14+$0x0], $0xffff;
	_ =	sdelay $0x3  }
0xa8: {  	[tilespmem:v3+s18+$0x0] =	vst.idx.add.f32.msk $0xffff, v1  }
0xa9: {  	[tilespmem:v4+s18+$0x0] =	vst.idx.add.f32.msk $0xffff, v2  }
0xaa: {  	v1 =	vld [tilespmem:s31+$0x40]  }
0xab: {  	v2 =	vld [tilespmem:s31+$0xFFFFFF40];
	_ =	sdelay $0x3  }
0xac: {  	v3 =	vld [tilespmem:s31+$0xC0]  }
0xad: {  	v5 =	vld [tilespmem:s31+$0xFFFFFFC0];
	_ =	sdelay $0x1  }
0xae: {  	v4 =	vld.idx.msk [tilespmem:v1+s14+$0x0], $0xffff  }
0xaf: {  	s22 =	simm.s32 $0x300;
	v7 =	vld.idx.msk [tilespmem:v2+s14+$0x0], $0xffff  }
0xb0: {  	v8 =	vld [tilespmem:s22+$0x0];
	v6 =	vadd.s32 $0x2800, v1  }
0xb1: {  	v9 =	vld [tilespmem:s22+$0xFFFFFF00]  }
0xb2: {  	v13 =	vld [tilespmem:s22+$0x80];
	v10 =	vadd.s32 $0x2800, v2  }
0xb3: {  	[tilespmem:v3+s18+$0x0] =	vst.idx.add.f32.msk $0xffff, v4  }
0xb4: {  	[tilespmem:v5+s18+$0x0] =	vst.idx.add.f32.msk $0xffff, v7  }
0xb5: {  	v11 =	vadd.s32 $0x2800, v3;
	v4 =	vld.idx.msk [tilespmem:v6+s14+$0x0], $0xffff  }
0xb6: {  	v12 =	vadd.s32 $0x5000, v1;
	v6 =	vld [tilespmem:s22+$0xFFFFFF80]  }
0xb7: {  	v7 =	vadd.s32 $0x2800, v5;
	v10 =	vld.idx.msk [tilespmem:v10+s14+$0x0], $0xffff  }
0xb8: {  	v14 =	vld.idx.msk [tilespmem:v8+s14+$0x0], $0xffff  }
0xb9: {  	v15 =	vld.idx.msk [tilespmem:v9+s14+$0x0], $0xffff  }
0xba: {  	[tilespmem:v11+s18+$0x0] =	vst.idx.add.f32.msk $0xffff, v4;
	v4 =	vadd.s32 $0x2800, v8  }
0xbb: {  	v11 =	vld.idx.msk [tilespmem:v12+s14+$0x0], $0xffff;
	v12 =	vadd.s32 $0x5000, v3  }
0xbc: {  	[tilespmem:v7+s18+$0x0] =	vst.idx.add.f32.msk $0xffff, v10;
	v7 =	vadd.s32 $0x2800, v9  }
0xbd: {  	[tilespmem:v13+s18+$0x0] =	vst.idx.add.f32.msk $0xffff, v14;
	v1 =	vadd.s32 $0x7800, v1  }
0xbe: {  	v10 =	vadd.s32 $0x5000, v2;
	[tilespmem:v6+s18+$0x0] =	vst.idx.add.f32.msk $0xffff, v15  }
0xbf: {  	v14 =	vadd.s32 $0x2800, v13;
	v4 =	vld.idx.msk [tilespmem:v4+s14+$0x0], $0xffff  }
0xc0: {  	[tilespmem:v12+s18+$0x0] =	vst.idx.add.f32.msk $0xffff, v11;
	v11 =	vadd.s32 $0x5000, v8  }
0xc1: {  	v7 =	vld.idx.msk [tilespmem:v7+s14+$0x0], $0xffff;
	v12 =	vadd.s32 $0x2800, v6  }
0xc2: {  	v3 =	vadd.s32 $0x7800, v3;
	v1 =	vld.idx.msk [tilespmem:v1+s14+$0x0], $0xffff  }
0xc3: {  	v10 =	vld.idx.msk [tilespmem:v10+s14+$0x0], $0xffff  }
0xc4: {  	v15 =	vadd.s32 $0x5000, v9;
	[tilespmem:v14+s18+$0x0] =	vst.idx.add.f32.msk $0xffff, v4  }
0xc5: {  	v4 =	vadd.s32 $0x5000, v5;
	v11 =	vld.idx.msk [tilespmem:v11+s14+$0x0], $0xffff  }
0xc6: {  	[tilespmem:v12+s18+$0x0] =	vst.idx.add.f32.msk $0xffff, v7  }
0xc7: {  	v14 =	vadd.s32 $0x5000, v13;
	[tilespmem:v3+s18+$0x0] =	vst.idx.add.f32.msk $0xffff, v1  }
0xc8: {  	v2 =	vadd.s32 $0x7800, v2;
	v3 =	vld [tilespmem:s31+$0x50]  }
0xc9: {  	v1 =	vadd.s32 $0x7800, v8;
	v7 =	vld.idx.msk [tilespmem:v15+s14+$0x0], $0xffff  }
0xca: {  	[tilespmem:v4+s18+$0x0] =	vst.idx.add.f32.msk $0xffff, v10;
	v4 =	vadd.s32 $0x5000, v6  }
0xcb: {  	v10 =	vld [tilespmem:s31+$0xD0]  }
0xcc: {  	v8 =	vadd.s32 $0x7800, v9;
	[tilespmem:v14+s18+$0x0] =	vst.idx.add.f32.msk $0xffff, v11  }
0xcd: {  	v5 =	vadd.s32 $0x7800, v5;
	v2 =	vld.idx.msk [tilespmem:v2+s14+$0x0], $0xffff  }
0xce: {  	v9 =	vadd.s32 $0x7800, v13;
	v1 =	vld.idx.msk [tilespmem:v1+s14+$0x0], $0xffff  }
0xcf: {  	[tilespmem:v4+s18+$0x0] =	vst.idx.add.f32.msk $0xffff, v7  }
0xd0: {  	v11 =	vld.idx.msk [tilespmem:v3+s14+$0x0], $0xffff  }
0xd1: {  	v6 =	vadd.s32 $0x7800, v6;
	v4 =	vld.idx.msk [tilespmem:v8+s14+$0x0], $0xffff  }
0xd2: {  	v7 =	vadd.s32 $0x2800, v3;
	[tilespmem:v5+s18+$0x0] =	vst.idx.add.f32.msk $0xffff, v2  }
0xd3: {  	[tilespmem:v9+s18+$0x0] =	vst.idx.add.f32.msk $0xffff, v1  }
0xd4: {  	v1 =	vld [tilespmem:s22+$0x10]  }
0xd5: {  	[tilespmem:v10+s18+$0x0] =	vst.idx.add.f32.msk $0xffff, v11  }
0xd6: {  	[tilespmem:v6+s18+$0x0] =	vst.idx.add.f32.msk $0xffff, v4  }
0xd7: {  	v2 =	vld.idx.msk [tilespmem:v7+s14+$0x0], $0xffff  }
0xd8: {  	v4 =	vadd.s32 $0x2800, v10;
	v5 =	vld [tilespmem:s22+$0xFFFFFF10]  }
0xd9: {  	v6 =	vadd.s32 $0x5000, v3;
	v7 =	vld [tilespmem:s22+$0x90]  }
0xda: {  	v12 =	vld [tilespmem:s31+$0xFFFFFFD0]  }
0xdb: {  	v8 =	vld [tilespmem:s22+$0xFFFFFF90]  }
0xdc: {  	v9 =	vld.idx.msk [tilespmem:v1+s14+$0x0], $0xffff  }
0xdd: {  	[tilespmem:v4+s18+$0x0] =	vst.idx.add.f32.msk $0xffff, v2;
	v2 =	vadd.s32 $0x2800, v1  }
0xde: {  	v11 =	vadd.s32 $0x5000, v10;
	v4 =	vld.idx.msk [tilespmem:v6+s14+$0x0], $0xffff  }
0xdf: {  	v3 =	vadd.s32 $0x7800, v3;
	v6 =	vld [tilespmem:s31+$0xFFFFFF50]  }
0xe0: {  	v13 =	vld.idx.msk [tilespmem:v5+s14+$0x0], $0xffff  }
0xe1: {  	v14 =	vadd.s32 $0x2800, v5;
	[tilespmem:v7+s18+$0x0] =	vst.idx.add.f32.msk $0xffff, v9  }
0xe2: {  	v9 =	vadd.s32 $0x2800, v7;
	v2 =	vld.idx.msk [tilespmem:v2+s14+$0x0], $0xffff  }
0xe3: {  	[tilespmem:v11+s18+$0x0] =	vst.idx.add.f32.msk $0xffff, v4;
	v4 =	vadd.s32 $0x5000, v1  }
0xe4: {  	v10 =	vadd.s32 $0x7800, v10;
	v3 =	vld.idx.msk [tilespmem:v3+s14+$0x0], $0xffff  }
0xe5: {  	[tilespmem:v8+s18+$0x0] =	vst.idx.add.f32.msk $0xffff, v13  }
0xe6: {  	v11 =	vld.idx.msk [tilespmem:v14+s14+$0x0], $0xffff  }
0xe7: {  	v13 =	vadd.s32 $0x2800, v8;
	[tilespmem:v9+s18+$0x0] =	vst.idx.add.f32.msk $0xffff, v2  }
0xe8: {  	v2 =	vadd.s32 $0x5000, v5;
	v4 =	vld.idx.msk [tilespmem:v4+s14+$0x0], $0xffff  }
0xe9: {  	v9 =	vadd.s32 $0x5000, v7;
	[tilespmem:v10+s18+$0x0] =	vst.idx.add.f32.msk $0xffff, v3  }
0xea: {  	v10 =	vld.idx.msk [tilespmem:v6+s14+$0x0], $0xffff  }
0xeb: {  	v1 =	vadd.s32 $0x7800, v1;
	v3 =	vld [tilespmem:s31+$0x60]  }
0xec: {  	[tilespmem:v13+s18+$0x0] =	vst.idx.add.f32.msk $0xffff, v11  }
0xed: {  	v11 =	vadd.s32 $0x5000, v8;
	v2 =	vld.idx.msk [tilespmem:v2+s14+$0x0], $0xffff  }
0xee: {  	[tilespmem:v9+s18+$0x0] =	vst.idx.add.f32.msk $0xffff, v4  }
0xef: {  	v4 =	vadd.s32 $0x7800, v5;
	v5 =	vadd.s32 $0x7800, v7;
	v7 =	vld [tilespmem:s31+$0xE0]  }
0xf0: {  	v1 =	vld.idx.msk [tilespmem:v1+s14+$0x0], $0xffff  }
0xf1: {  	[tilespmem:v12+s18+$0x0] =	vst.idx.add.f32.msk $0xffff, v10  }
0xf2: {  	v9 =	vadd.s32 $0x2800, v6;
	[tilespmem:v11+s18+$0x0] =	vst.idx.add.f32.msk $0xffff, v2  }
0xf3: {  	v10 =	vld.idx.msk [tilespmem:v3+s14+$0x0], $0xffff  }
0xf4: {  	v8 =	vadd.s32 $0x7800, v8;
	v2 =	vld.idx.msk [tilespmem:v4+s14+$0x0], $0xffff  }
0xf5: {  	v4 =	vadd.s32 $0x2800, v3;
	[tilespmem:v5+s18+$0x0] =	vst.idx.add.f32.msk $0xffff, v1  }
0xf6: {  	v1 =	vld [tilespmem:s22+$0x20]  }
0xf7: {  	v5 =	vld.idx.msk [tilespmem:v9+s14+$0x0], $0xffff  }
0xf8: {  	[tilespmem:v7+s18+$0x0] =	vst.idx.add.f32.msk $0xffff, v10  }
0xf9: {  	[tilespmem:v8+s18+$0x0] =	vst.idx.add.f32.msk $0xffff, v2  }
0xfa: {  	v10 =	vadd.s32 $0x2800, v12;
	v4 =	vld.idx.msk [tilespmem:v4+s14+$0x0], $0xffff  }
0xfb: {  	v2 =	vadd.s32 $0x2800, v7;
	v8 =	vld [tilespmem:s22+$0xFFFFFF20]  }
0xfc: {  	v9 =	vadd.s32 $0x5000, v3;
	v11 =	vld [tilespmem:s22+$0xA0]  }
0xfd: {  	v13 =	vadd.s32 $0x5000, v6;
	v14 =	vld [tilespmem:s22+$0xFFFFFFA0]  }
0xfe: {  	v15 =	vld.idx.msk [tilespmem:v1+s14+$0x0], $0xffff  }
0xff: {  	[tilespmem:v10+s18+$0x0] =	vst.idx.add.f32.msk $0xffff, v5  }
0x100: {  	[tilespmem:v2+s18+$0x0] =	vst.idx.add.f32.msk $0xffff, v4;
	v2 =	vadd.s32 $0x2800, v1  }
0x101: {  	v5 =	vadd.s32 $0x5000, v7;
	v4 =	vld.idx.msk [tilespmem:v9+s14+$0x0], $0xffff  }
0x102: {  	v3 =	vadd.s32 $0x7800, v3;
	v9 =	vld.idx.msk [tilespmem:v13+s14+$0x0], $0xffff  }
0x103: {  	v10 =	vld.idx.msk [tilespmem:v8+s14+$0x0], $0xffff  }
0x104: {  	v13 =	vadd.s32 $0x2800, v8;
	[tilespmem:v11+s18+$0x0] =	vst.idx.add.f32.msk $0xffff, v15  }
0x105: {  	v15 =	vadd.s32 $0x2800, v11;
	v2 =	vld.idx.msk [tilespmem:v2+s14+$0x0], $0xffff  }
0x106: {  	[tilespmem:v5+s18+$0x0] =	vst.idx.add.f32.msk $0xffff, v4;
	v4 =	vadd.s32 $0x5000, v1  }
0x107: {  	v5 =	vadd.s32 $0x7800, v7;
	v3 =	vld.idx.msk [tilespmem:v3+s14+$0x0], $0xffff  }
0x108: {  	[tilespmem:v14+s18+$0x0] =	vst.idx.add.f32.msk $0xffff, v10  }
0x109: {  	v7 =	vadd.s32 $0x5000, v12;
	v10 =	vld.idx.msk [tilespmem:v13+s14+$0x0], $0xffff  }
0x10a: {  	v6 =	vadd.s32 $0x7800, v6;
	[tilespmem:v15+s18+$0x0] =	vst.idx.add.f32.msk $0xffff, v2  }
0x10b: {  	v2 =	vadd.s32 $0x2800, v14;
	v4 =	vld.idx.msk [tilespmem:v4+s14+$0x0], $0xffff  }
0x10c: {  	v13 =	vadd.s32 $0x5000, v8;
	[tilespmem:v5+s18+$0x0] =	vst.idx.add.f32.msk $0xffff, v3  }
0x10d: {  	v3 =	vadd.s32 $0x5000, v11;
	v5 =	vld [tilespmem:s31+$0x70]  }
0x10e: {  	[tilespmem:v7+s18+$0x0] =	vst.idx.add.f32.msk $0xffff, v9  }
0x10f: {  	v1 =	vadd.s32 $0x7800, v1;
	v6 =	vld.idx.msk [tilespmem:v6+s14+$0x0], $0xffff  }
0x110: {  	[tilespmem:v2+s18+$0x0] =	vst.idx.add.f32.msk $0xffff, v10  }
0x111: {  	v2 =	vadd.s32 $0x5000, v14;
	v7 =	vld.idx.msk [tilespmem:v13+s14+$0x0], $0xffff  }
0x112: {  	v8 =	vadd.s32 $0x7800, v8;
	[tilespmem:v3+s18+$0x0] =	vst.idx.add.f32.msk $0xffff, v4  }
0x113: {  	v3 =	vadd.s32 $0x7800, v12;
	v4 =	vld [tilespmem:s31+$0xF0]  }
0x114: {  	v1 =	vld.idx.msk [tilespmem:v1+s14+$0x0], $0xffff  }
0x115: {  	v9 =	vadd.s32 $0x7800, v11;
	v10 =	vld.idx.msk [tilespmem:v5+s14+$0x0], $0xffff  }
0x116: {  	[tilespmem:v2+s18+$0x0] =	vst.idx.add.f32.msk $0xffff, v7  }
0x117: {  	v7 =	vadd.s32 $0x2800, v5;
	v2 =	vld.idx.msk [tilespmem:v8+s14+$0x0], $0xffff  }
0x118: {  	[tilespmem:v3+s18+$0x0] =	vst.idx.add.f32.msk $0xffff, v6  }
0x119: {  	v3 =	vadd.s32 $0x7800, v14;
	v6 =	vld [tilespmem:s31+$0xFFFFFF60]  }
0x11a: {  	[tilespmem:v9+s18+$0x0] =	vst.idx.add.f32.msk $0xffff, v1  }
0x11b: {  	[tilespmem:v4+s18+$0x0] =	vst.idx.add.f32.msk $0xffff, v10  }
0x11c: {  	v1 =	vld.idx.msk [tilespmem:v7+s14+$0x0], $0xffff  }
0x11d: {  	v8 =	vadd.s32 $0x2800, v4;
	v7 =	vld [tilespmem:s22+$0x30]  }
0x11e: {  	[tilespmem:v3+s18+$0x0] =	vst.idx.add.f32.msk $0xffff, v2;
	v2 =	vadd.s32 $0x5000, v5  }
0x11f: {  	v3 =	vld [tilespmem:s22+$0xFFFFFF30]  }
0x120: {  	v12 =	vld [tilespmem:s31+$0xFFFFFFE0]  }
0x121: {  	v10 =	vld [tilespmem:s22+$0xB0]  }
0x122: {  	[tilespmem:v8+s18+$0x0] =	vst.idx.add.f32.msk $0xffff, v1  }
0x123: {  	v1 =	vld.idx.msk [tilespmem:v2+s14+$0x0], $0xffff;
	v2 =	vadd.s32 $0x5000, v4  }
0x124: {  	v5 =	vadd.s32 $0x7800, v5;
	v9 =	vld [tilespmem:s22+$0xFFFFFFB0]  }
0x125: {  	v11 =	vld.idx.msk [tilespmem:v7+s14+$0x0], $0xffff  }
0x126: {  	v8 =	vld.idx.msk [tilespmem:v6+s14+$0x0], $0xffff;
	v13 =	vadd.s32 $0x2800, v7  }
0x127: {  	v14 =	vld.idx.msk [tilespmem:v3+s14+$0x0], $0xffff  }
0x128: {  	v15 =	vadd.s32 $0x2800, v3;
	[tilespmem:v2+s18+$0x0] =	vst.idx.add.f32.msk $0xffff, v1  }
0x129: {  	v1 =	vld.idx.msk [tilespmem:v5+s14+$0x0], $0xffff  }
0x12a: {  	v2 =	vadd.s32 $0x2800, v6;
	[tilespmem:v10+s18+$0x0] =	vst.idx.add.f32.msk $0xffff, v11  }
0x12b: {  	v11 =	vadd.s32 $0x2800, v10;
	v5 =	vld.idx.msk [tilespmem:v13+s14+$0x0], $0xffff  }
0x12c: {  	[tilespmem:v9+s18+$0x0] =	vst.idx.add.f32.msk $0xffff, v14;
	v13 =	vadd.s32 $0x5000, v7  }
0x12d: {  	v14 =	vadd.s32 $0x2800, v9;
	v15 =	vld.idx.msk [tilespmem:v15+s14+$0x0], $0xffff  }
0x12e: {  	v16 =	vadd.s32 $0x5000, v3;
	[tilespmem:v12+s18+$0x0] =	vst.idx.add.f32.msk $0xffff, v8  }
0x12f: {  	v8 =	vadd.s32 $0x2800, v12;
	v2 =	vld.idx.msk [tilespmem:v2+s14+$0x0], $0xffff  }
0x130: {  	v17 =	vadd.s32 $0x5000, v6;
	[tilespmem:v11+s18+$0x0] =	vst.idx.add.f32.msk $0xffff, v5  }
0x131: {  	v11 =	vadd.s32 $0x5000, v10;
	v5 =	vld.idx.msk [tilespmem:v13+s14+$0x0], $0xffff  }
0x132: {  	[tilespmem:v14+s18+$0x0] =	vst.idx.add.f32.msk $0xffff, v15  }
0x133: {  	v7 =	vadd.s32 $0x7800, v7;
	v14 =	vld.idx.msk [tilespmem:v16+s14+$0x0], $0xffff  }
0x134: {  	v13 =	vadd.s32 $0x5000, v9;
	[tilespmem:v8+s18+$0x0] =	vst.idx.add.f32.msk $0xffff, v2  }
0x135: {  	v8 =	vld.idx.msk [tilespmem:v17+s14+$0x0], $0xffff  }
0x136: {  	s21 =	simm.s32 $0x500;
	[tilespmem:v11+s18+$0x0] =	vst.idx.add.f32.msk $0xffff, v5  }
0x137: {  	v3 =	vadd.s32 $0x7800, v3;
	v11 =	vld [tilespmem:s21+$0xFFFFFF00]  }
0x138: {  	v2 =	vadd.s32 $0x5000, v12;
	v5 =	vld.idx.msk [tilespmem:v7+s14+$0x0], $0xffff  }
0x139: {  	v6 =	vadd.s32 $0x7800, v6;
	[tilespmem:v13+s18+$0x0] =	vst.idx.add.f32.msk $0xffff, v14  }
0x13a: {  	v7 =	vadd.s32 $0x7800, v10;
	v10 =	vld [tilespmem:s21+$0x0]  }
0x13b: {  	v14 =	vld [tilespmem:s21+$0x80]  }
0x13c: {  	v9 =	vadd.s32 $0x7800, v9;
	v3 =	vld.idx.msk [tilespmem:v3+s14+$0x0], $0xffff  }
0x13d: {  	[tilespmem:v2+s18+$0x0] =	vst.idx.add.f32.msk $0xffff, v8;
	v2 =	vadd.s32 $0x7800, v4  }
0x13e: {  	v4 =	vld.idx.msk [tilespmem:v6+s14+$0x0], $0xffff  }
0x13f: {  	[tilespmem:v7+s18+$0x0] =	vst.idx.add.f32.msk $0xffff, v5  }
0x140: {  	v5 =	vld [tilespmem:s22+$0x40]  }
0x141: {  	v6 =	vadd.s32 $0x7800, v12;
	[tilespmem:v9+s18+$0x0] =	vst.idx.add.f32.msk $0xffff, v3  }
0x142: {  	[tilespmem:v2+s18+$0x0] =	vst.idx.add.f32.msk $0xffff, v1  }
0x143: {  	v3 =	vld [tilespmem:s22+$0xFFFFFF40]  }
0x144: {  	v8 =	vld [tilespmem:s22+$0xC0]  }
0x145: {  	v7 =	vld [tilespmem:s22+$0xFFFFFFC0]  }
0x146: {  	[tilespmem:v6+s18+$0x0] =	vst.idx.add.f32.msk $0xffff, v4  }
0x147: {  	v16 =	vld.idx.msk [tilespmem:v10+s14+$0x0], $0xffff  }
0x148: {  	v4 =	vld.idx.msk [tilespmem:v5+s14+$0x0], $0xffff  }
0x149: {  	v2 =	vld [tilespmem:s31+$0xFFFFFF70];
	v6 =	vadd.s32 $0x2800, v5  }
0x14a: {  	v1 =	vld [tilespmem:s31+$0xFFFFFFF0]  }
0x14b: {  	v9 =	vld.idx.msk [tilespmem:v3+s14+$0x0], $0xffff  }
0x14c: {  	v12 =	vadd.s32 $0x2800, v3;
	[tilespmem:v14+s18+$0x0] =	vst.idx.add.f32.msk $0xffff, v16  }
0x14d: {  	[tilespmem:v8+s18+$0x0] =	vst.idx.add.f32.msk $0xffff, v4  }
0x14e: {  	v13 =	vadd.s32 $0x2800, v8;
	v4 =	vld.idx.msk [tilespmem:v6+s14+$0x0], $0xffff  }
0x14f: {  	v6 =	vld [tilespmem:s21+$0xFFFFFF80]  }
0x150: {  	[tilespmem:v7+s18+$0x0] =	vst.idx.add.f32.msk $0xffff, v9;
	v9 =	vadd.s32 $0x5000, v5  }
0x151: {  	v15 =	vadd.s32 $0x2800, v7;
	v12 =	vld.idx.msk [tilespmem:v12+s14+$0x0], $0xffff  }
0x152: {  	v18 =	vld.idx.msk [tilespmem:v2+s14+$0x0], $0xffff  }
0x153: {  	[tilespmem:v13+s18+$0x0] =	vst.idx.add.f32.msk $0xffff, v4;
	v4 =	vadd.s32 $0x2800, v10  }
0x154: {  	v13 =	vld.idx.msk [tilespmem:v11+s14+$0x0], $0xffff  }
0x155: {  	v17 =	vadd.s32 $0x5000, v8;
	v9 =	vld.idx.msk [tilespmem:v9+s14+$0x0], $0xffff  }
0x156: {  	[tilespmem:v15+s18+$0x0] =	vst.idx.add.f32.msk $0xffff, v12;
	v12 =	vadd.s32 $0x2800, v11  }
0x157: {  	v5 =	vadd.s32 $0x7800, v5;
	[tilespmem:v1+s18+$0x0] =	vst.idx.add.f32.msk $0xffff, v18  }
0x158: {  	v15 =	vadd.s32 $0x5000, v3;
	v4 =	vld.idx.msk [tilespmem:v4+s14+$0x0], $0xffff  }
0x159: {  	v16 =	vadd.s32 $0x2800, v14;
	[tilespmem:v6+s18+$0x0] =	vst.idx.add.f32.msk $0xffff, v13  }
0x15a: {  	[tilespmem:v17+s18+$0x0] =	vst.idx.add.f32.msk $0xffff, v9;
	v9 =	vadd.s32 $0x5000, v10  }
0x15b: {  	v13 =	vadd.s32 $0x2800, v6;
	v12 =	vld.idx.msk [tilespmem:v12+s14+$0x0], $0xffff  }
0x15c: {  	v8 =	vadd.s32 $0x7800, v8;
	v5 =	vld.idx.msk [tilespmem:v5+s14+$0x0], $0xffff  }
0x15d: {  	v15 =	vld.idx.msk [tilespmem:v15+s14+$0x0], $0xffff  }
0x15e: {  	v17 =	vadd.s32 $0x5000, v11;
	[tilespmem:v16+s18+$0x0] =	vst.idx.add.f32.msk $0xffff, v4  }
0x15f: {  	v4 =	vadd.s32 $0x5000, v7;
	v9 =	vld.idx.msk [tilespmem:v9+s14+$0x0], $0xffff  }
0x160: {  	[tilespmem:v13+s18+$0x0] =	vst.idx.add.f32.msk $0xffff, v12  }
0x161: {  	v16 =	vadd.s32 $0x5000, v14;
	[tilespmem:v8+s18+$0x0] =	vst.idx.add.f32.msk $0xffff, v5  }
0x162: {  	v3 =	vadd.s32 $0x7800, v3;
	v8 =	vld [tilespmem:s22+$0x50]  }
0x163: {  	v5 =	vadd.s32 $0x7800, v10;
	v10 =	vld.idx.msk [tilespmem:v17+s14+$0x0], $0xffff  }
0x164: {  	[tilespmem:v4+s18+$0x0] =	vst.idx.add.f32.msk $0xffff, v15;
	v4 =	vadd.s32 $0x5000, v6  }
0x165: {  	v12 =	vld [tilespmem:s22+$0xD0]  }
0x166: {  	[tilespmem:v16+s18+$0x0] =	vst.idx.add.f32.msk $0xffff, v9;
	v9 =	vadd.s32 $0x7800, v11  }
0x167: {  	v7 =	vadd.s32 $0x7800, v7;
	v3 =	vld.idx.msk [tilespmem:v3+s14+$0x0], $0xffff  }
0x168: {  	v11 =	vadd.s32 $0x7800, v14;
	v5 =	vld.idx.msk [tilespmem:v5+s14+$0x0], $0xffff  }
0x169: {  	[tilespmem:v4+s18+$0x0] =	vst.idx.add.f32.msk $0xffff, v10  }
0x16a: {  	v13 =	vld.idx.msk [tilespmem:v8+s14+$0x0], $0xffff  }
0x16b: {  	v6 =	vadd.s32 $0x7800, v6;
	v4 =	vld.idx.msk [tilespmem:v9+s14+$0x0], $0xffff  }
0x16c: {  	v9 =	vadd.s32 $0x2800, v8;
	[tilespmem:v7+s18+$0x0] =	vst.idx.add.f32.msk $0xffff, v3  }
0x16d: {  	[tilespmem:v11+s18+$0x0] =	vst.idx.add.f32.msk $0xffff, v5  }
0x16e: {  	v5 =	vld [tilespmem:s21+$0x10]  }
0x16f: {  	[tilespmem:v12+s18+$0x0] =	vst.idx.add.f32.msk $0xffff, v13  }
0x170: {  	[tilespmem:v6+s18+$0x0] =	vst.idx.add.f32.msk $0xffff, v4  }
0x171: {  	v3 =	vld.idx.msk [tilespmem:v9+s14+$0x0], $0xffff  }
0x172: {  	v4 =	vadd.s32 $0x2800, v12;
	v6 =	vld [tilespmem:s21+$0xFFFFFF10]  }
0x173: {  	v7 =	vadd.s32 $0x5000, v8;
	v9 =	vld [tilespmem:s21+$0x90]  }
0x174: {  	v14 =	vld [tilespmem:s22+$0xFFFFFFD0]  }
0x175: {  	v10 =	vld [tilespmem:s21+$0xFFFFFF90]  }
0x176: {  	v11 =	vld.idx.msk [tilespmem:v5+s14+$0x0], $0xffff  }
0x177: {  	[tilespmem:v4+s18+$0x0] =	vst.idx.add.f32.msk $0xffff, v3;
	v3 =	vadd.s32 $0x2800, v5  }
0x178: {  	v13 =	vadd.s32 $0x5000, v12;
	v4 =	vld.idx.msk [tilespmem:v7+s14+$0x0], $0xffff  }
0x179: {  	v8 =	vadd.s32 $0x7800, v8;
	v7 =	vld [tilespmem:s22+$0xFFFFFF50]  }
0x17a: {  	v15 =	vld.idx.msk [tilespmem:v6+s14+$0x0], $0xffff  }
0x17b: {  	[tilespmem:v9+s18+$0x0] =	vst.idx.add.f32.msk $0xffff, v11;
	v11 =	vadd.s32 $0x2800, v6  }
0x17c: {  	v16 =	vadd.s32 $0x2800, v9;
	v3 =	vld.idx.msk [tilespmem:v3+s14+$0x0], $0xffff  }
0x17d: {  	[tilespmem:v13+s18+$0x0] =	vst.idx.add.f32.msk $0xffff, v4;
	v4 =	vadd.s32 $0x5000, v5  }
0x17e: {  	v12 =	vadd.s32 $0x7800, v12;
	v8 =	vld.idx.msk [tilespmem:v8+s14+$0x0], $0xffff  }
0x17f: {  	[tilespmem:v10+s18+$0x0] =	vst.idx.add.f32.msk $0xffff, v15  }
0x180: {  	v11 =	vld.idx.msk [tilespmem:v11+s14+$0x0], $0xffff  }
0x181: {  	v13 =	vadd.s32 $0x2800, v10;
	[tilespmem:v16+s18+$0x0] =	vst.idx.add.f32.msk $0xffff, v3  }
0x182: {  	v3 =	vadd.s32 $0x5000, v6;
	v4 =	vld.idx.msk [tilespmem:v4+s14+$0x0], $0xffff  }
0x183: {  	v15 =	vadd.s32 $0x5000, v9;
	[tilespmem:v12+s18+$0x0] =	vst.idx.add.f32.msk $0xffff, v8  }
0x184: {  	v12 =	vld.idx.msk [tilespmem:v7+s14+$0x0], $0xffff  }
0x185: {  	v5 =	vadd.s32 $0x7800, v5;
	v8 =	vld [tilespmem:s22+$0x60]  }
0x186: {  	[tilespmem:v13+s18+$0x0] =	vst.idx.add.f32.msk $0xffff, v11  }
0x187: {  	v11 =	vadd.s32 $0x5000, v10;
	v3 =	vld.idx.msk [tilespmem:v3+s14+$0x0], $0xffff  }
0x188: {  	[tilespmem:v15+s18+$0x0] =	vst.idx.add.f32.msk $0xffff, v4  }
0x189: {  	v4 =	vadd.s32 $0x7800, v6;
	v6 =	vadd.s32 $0x7800, v9;
	v9 =	vld [tilespmem:s22+$0xE0]  }
0x18a: {  	v5 =	vld.idx.msk [tilespmem:v5+s14+$0x0], $0xffff  }
0x18b: {  	[tilespmem:v14+s18+$0x0] =	vst.idx.add.f32.msk $0xffff, v12;
	v12 =	vadd.s32 $0x2800, v7  }
0x18c: {  	[tilespmem:v11+s18+$0x0] =	vst.idx.add.f32.msk $0xffff, v3  }
0x18d: {  	v13 =	vld.idx.msk [tilespmem:v8+s14+$0x0], $0xffff  }
0x18e: {  	v10 =	vadd.s32 $0x7800, v10;
	v3 =	vld.idx.msk [tilespmem:v4+s14+$0x0], $0xffff  }
0x18f: {  	v4 =	vadd.s32 $0x2800, v8;
	[tilespmem:v6+s18+$0x0] =	vst.idx.add.f32.msk $0xffff, v5  }
0x190: {  	v6 =	vld.idx.msk [tilespmem:v12+s14+$0x0], $0xffff  }
0x191: {  	v5 =	vld [tilespmem:s21+$0x20]  }
0x192: {  	[tilespmem:v9+s18+$0x0] =	vst.idx.add.f32.msk $0xffff, v13  }
0x193: {  	v12 =	vadd.s32 $0x2800, v14;
	[tilespmem:v10+s18+$0x0] =	vst.idx.add.f32.msk $0xffff, v3  }
0x194: {  	v4 =	vld.idx.msk [tilespmem:v4+s14+$0x0], $0xffff  }
0x195: {  	v3 =	vadd.s32 $0x2800, v9;
	v10 =	vld [tilespmem:s21+$0xFFFFFF20]  }
0x196: {  	v11 =	vadd.s32 $0x5000, v8;
	v13 =	vld [tilespmem:s21+$0xA0]  }
0x197: {  	v15 =	vadd.s32 $0x5000, v7;
	v16 =	vld [tilespmem:s21+$0xFFFFFFA0]  }
0x198: {  	[tilespmem:v12+s18+$0x0] =	vst.idx.add.f32.msk $0xffff, v6  }
0x199: {  	v17 =	vld.idx.msk [tilespmem:v5+s14+$0x0], $0xffff  }
0x19a: {  	[tilespmem:v3+s18+$0x0] =	vst.idx.add.f32.msk $0xffff, v4;
	v3 =	vadd.s32 $0x2800, v5  }
0x19b: {  	v6 =	vadd.s32 $0x5000, v9;
	v4 =	vld.idx.msk [tilespmem:v11+s14+$0x0], $0xffff  }
0x19c: {  	v12 =	vadd.s32 $0x5000, v14;
	v11 =	vld.idx.msk [tilespmem:v15+s14+$0x0], $0xffff  }
0x19d: {  	v8 =	vadd.s32 $0x7800, v8;
	v15 =	vld.idx.msk [tilespmem:v10+s14+$0x0], $0xffff  }
0x19e: {  	v7 =	vadd.s32 $0x7800, v7;
	[tilespmem:v13+s18+$0x0] =	vst.idx.add.f32.msk $0xffff, v17  }
0x19f: {  	v3 =	vld.idx.msk [tilespmem:v3+s14+$0x0], $0xffff  }
0x1a0: {  	v17 =	vadd.s32 $0x2800, v10;
	[tilespmem:v6+s18+$0x0] =	vst.idx.add.f32.msk $0xffff, v4  }
0x1a1: {  	v18 =	vadd.s32 $0x2800, v13;
	[tilespmem:v12+s18+$0x0] =	vst.idx.add.f32.msk $0xffff, v11  }
0x1a2: {  	v4 =	vadd.s32 $0x5000, v5;
	v6 =	vld.idx.msk [tilespmem:v8+s14+$0x0], $0xffff  }
0x1a3: {  	v8 =	vadd.s32 $0x7800, v9;
	v7 =	vld.idx.msk [tilespmem:v7+s14+$0x0], $0xffff  }
0x1a4: {  	[tilespmem:v16+s18+$0x0] =	vst.idx.add.f32.msk $0xffff, v15  }
0x1a5: {  	v11 =	vadd.s32 $0x2800, v16;
	v9 =	vld.idx.msk [tilespmem:v17+s14+$0x0], $0xffff  }
0x1a6: {  	[tilespmem:v18+s18+$0x0] =	vst.idx.add.f32.msk $0xffff, v3;
	v3 =	vadd.s32 $0x5000, v10  }
0x1a7: {  	v12 =	vadd.s32 $0x2800, v2;
	v4 =	vld.idx.msk [tilespmem:v4+s14+$0x0], $0xffff  }
0x1a8: {  	[tilespmem:v8+s18+$0x0] =	vst.idx.add.f32.msk $0xffff, v6;
	v6 =	vadd.s32 $0x5000, v13  }
0x1a9: {  	v8 =	vld [tilespmem:s22+$0x70]  }
0x1aa: {  	v5 =	vadd.s32 $0x7800, v5;
	[tilespmem:v11+s18+$0x0] =	vst.idx.add.f32.msk $0xffff, v9  }
0x1ab: {  	v9 =	vadd.s32 $0x5000, v16;
	v3 =	vld.idx.msk [tilespmem:v3+s14+$0x0], $0xffff  }
0x1ac: {  	v11 =	vld.idx.msk [tilespmem:v12+s14+$0x0], $0xffff  }
0x1ad: {  	v10 =	vadd.s32 $0x7800, v10;
	[tilespmem:v6+s18+$0x0] =	vst.idx.add.f32.msk $0xffff, v4  }
0x1ae: {  	v4 =	vadd.s32 $0x7800, v14;
	v6 =	vld [tilespmem:s22+$0xF0]  }
0x1af: {  	v5 =	vld.idx.msk [tilespmem:v5+s14+$0x0], $0xffff  }
0x1b0: {  	v12 =	vadd.s32 $0x7800, v13;
	[tilespmem:v9+s18+$0x0] =	vst.idx.add.f32.msk $0xffff, v3  }
0x1b1: {  	v13 =	vld.idx.msk [tilespmem:v8+s14+$0x0], $0xffff  }
0x1b2: {  	v9 =	vadd.s32 $0x2800, v8;
	v3 =	vld.idx.msk [tilespmem:v10+s14+$0x0], $0xffff  }
0x1b3: {  	[tilespmem:v4+s18+$0x0] =	vst.idx.add.f32.msk $0xffff, v7  }
0x1b4: {  	v4 =	vadd.s32 $0x7800, v16;
	v7 =	vld [tilespmem:s22+$0xFFFFFF60]  }
0x1b5: {  	[tilespmem:v12+s18+$0x0] =	vst.idx.add.f32.msk $0xffff, v5  }
0x1b6: {  	[tilespmem:v6+s18+$0x0] =	vst.idx.add.f32.msk $0xffff, v13  }
0x1b7: {  	v5 =	vld.idx.msk [tilespmem:v9+s14+$0x0], $0xffff  }
0x1b8: {  	v9 =	vld [tilespmem:s21+$0x30]  }
0x1b9: {  	v10 =	vadd.s32 $0x2800, v6;
	[tilespmem:v4+s18+$0x0] =	vst.idx.add.f32.msk $0xffff, v3  }
0x1ba: {  	v4 =	vld [tilespmem:s21+$0xFFFFFF30]  }
0x1bb: {  	v16 =	vld [tilespmem:s22+$0xFFFFFFE0];
	v3 =	vadd.s32 $0x5000, v8  }
0x1bc: {  	v13 =	vld [tilespmem:s21+$0xB0]  }
0x1bd: {  	v12 =	vld [tilespmem:s21+$0xFFFFFFB0]  }
0x1be: {  	[tilespmem:v10+s18+$0x0] =	vst.idx.add.f32.msk $0xffff, v5;
	v5 =	vadd.s32 $0x2800, v1  }
0x1bf: {  	v10 =	vld.idx.msk [tilespmem:v7+s14+$0x0], $0xffff  }
0x1c0: {  	v14 =	vadd.s32 $0x5000, v6;
	v3 =	vld.idx.msk [tilespmem:v3+s14+$0x0], $0xffff  }
0x1c1: {  	v8 =	vadd.s32 $0x7800, v8;
	v15 =	vld.idx.msk [tilespmem:v9+s14+$0x0], $0xffff  }
0x1c2: {  	v17 =	vld.idx.msk [tilespmem:v4+s14+$0x0], $0xffff  }
0x1c3: {  	v18 =	vadd.s32 $0x2800, v9;
	[tilespmem:v5+s18+$0x0] =	vst.idx.add.f32.msk $0xffff, v11  }
0x1c4: {  	[tilespmem:v16+s18+$0x0] =	vst.idx.add.f32.msk $0xffff, v10  }
0x1c5: {  	v5 =	vadd.s32 $0x2800, v4;
	[tilespmem:v14+s18+$0x0] =	vst.idx.add.f32.msk $0xffff, v3  }
0x1c6: {  	v6 =	vadd.s32 $0x7800, v6;
	v3 =	vld.idx.msk [tilespmem:v8+s14+$0x0], $0xffff  }
0x1c7: {  	v8 =	vadd.s32 $0x2800, v7;
	[tilespmem:v13+s18+$0x0] =	vst.idx.add.f32.msk $0xffff, v15  }
0x1c8: {  	v14 =	vadd.s32 $0x2800, v13;
	v11 =	vld.idx.msk [tilespmem:v18+s14+$0x0], $0xffff  }
0x1c9: {  	v15 =	vadd.s32 $0x5000, v9;
	[tilespmem:v12+s18+$0x0] =	vst.idx.add.f32.msk $0xffff, v17  }
0x1ca: {  	v17 =	vadd.s32 $0x2800, v12;
	v5 =	vld.idx.msk [tilespmem:v5+s14+$0x0], $0xffff  }
0x1cb: {  	v10 =	vadd.s32 $0x5000, v4;
	[tilespmem:v6+s18+$0x0] =	vst.idx.add.f32.msk $0xffff, v3  }
0x1cc: {  	v3 =	vadd.s32 $0x5000, v2;
	v6 =	vld.idx.msk [tilespmem:v8+s14+$0x0], $0xffff  }
0x1cd: {  	v8 =	vadd.s32 $0x2800, v16;
	[tilespmem:v14+s18+$0x0] =	vst.idx.add.f32.msk $0xffff, v11  }
0x1ce: {  	v11 =	vadd.s32 $0x5000, v7;
	v14 =	vld.idx.msk [tilespmem:v15+s14+$0x0], $0xffff  }
0x1cf: {  	[tilespmem:v17+s18+$0x0] =	vst.idx.add.f32.msk $0xffff, v5;
	v5 =	vadd.s32 $0x5000, v13  }
0x1d0: {  	v9 =	vadd.s32 $0x7800, v9;
	v10 =	vld.idx.msk [tilespmem:v10+s14+$0x0], $0xffff  }
0x1d1: {  	v15 =	vadd.s32 $0x5000, v12;
	v3 =	vld.idx.msk [tilespmem:v3+s14+$0x0], $0xffff  }
0x1d2: {  	v4 =	vadd.s32 $0x7800, v4;
	[tilespmem:v8+s18+$0x0] =	vst.idx.add.f32.msk $0xffff, v6  }
0x1d3: {  	v6 =	vadd.s32 $0x5000, v1;
	v8 =	vld.idx.msk [tilespmem:v11+s14+$0x0], $0xffff  }
0x1d4: {  	v11 =	vadd.s32 $0x5000, v16;
	[tilespmem:v5+s18+$0x0] =	vst.idx.add.f32.msk $0xffff, v14  }
0x1d5: {  	v5 =	vadd.s32 $0x7800, v7;
	v7 =	vld.idx.msk [tilespmem:v9+s14+$0x0], $0xffff  }
0x1d6: {  	[tilespmem:v15+s18+$0x0] =	vst.idx.add.f32.msk $0xffff, v10;
	v9 =	vadd.s32 $0x7800, v13  }
0x1d7: {  	v4 =	vld.idx.msk [tilespmem:v4+s14+$0x0], $0xffff  }
0x1d8: {  	v10 =	vadd.s32 $0x7800, v12;
	[tilespmem:v6+s18+$0x0] =	vst.idx.add.f32.msk $0xffff, v3  }
0x1d9: {  	[tilespmem:v11+s18+$0x0] =	vst.idx.add.f32.msk $0xffff, v8  }
0x1da: {  	v3 =	vld.idx.msk [tilespmem:v5+s14+$0x0], $0xffff  }
0x1db: {  	[tilespmem:v9+s18+$0x0] =	vst.idx.add.f32.msk $0xffff, v7  }
0x1dc: {  	v5 =	vadd.s32 $0x7800, v16;
	v16 =	vld [tilespmem:s21+$0x40]  }
0x1dd: {  	[tilespmem:v10+s18+$0x0] =	vst.idx.add.f32.msk $0xffff, v4  }
0x1de: {  	v15 =	vld [tilespmem:s21+$0xC0]  }
0x1df: {  	v4 =	vld [tilespmem:s21+$0xFFFFFF40]  }
0x1e0: {  	v19 =	vld [tilespmem:s21+$0xFFFFFFC0]  }
0x1e1: {  	v2 =	vadd.s32 $0x7800, v2;
	[tilespmem:v5+s18+$0x0] =	vst.idx.add.f32.msk $0xffff, v3  }
0x1e2: {  	v10 =	vld [tilespmem:s22+$0xFFFFFF70]  }
0x1e3: {  	v9 =	vld [tilespmem:s22+$0xFFFFFFF0]  }
0x1e4: {  	v1 =	vadd.s32 $0x7800, v1;
	v23 =	vadd.s32 $0x2800, v16  }
0x1e5: {  	v20 =	vadd.s32 $0x2800, v4;
	v17 =	vadd.s32 $0x5000, v4;
	v13 =	vadd.s32 $0x7800, v4;
	v22 =	vld.idx.msk [tilespmem:v16+s14+$0x0], $0xffff  }
0x1e6: {  	v11 =	vld.idx.msk [tilespmem:v2+s14+$0x0], $0xffff;
	v18 =	vadd.s32 $0x2800, v19;
	v14 =	vadd.s32 $0x5000, v19;
	v12 =	vadd.s32 $0x7800, v19  }
0x1e7: {  	s23 =	simm.s32 $0x700;
	s22 =	simm.s32 $0x4;
	v21 =	vld.idx.msk [tilespmem:v4+s14+$0x0], $0xffff;
	v6 =	vadd.s32 $0x2800, v10;
	v3 =	vadd.s32 $0x5000, v10;
	v2 =	vadd.s32 $0x7800, v10  }
.LBB2_4:
0x1e8: {  	v24 =	vld [tilespmem:s23+$0x0];
	v8 =	vadd.s32 $0x2800, v9;
	v7 =	vadd.s32 $0x5000, v9;
	v4 =	vadd.s32 $0x7800, v9  }
0x1e9: {  	v25 =	vld [tilespmem:s23+$0xFFFFFF00]  }
0x1ea: {  	[tilespmem:v15+s18+$0x0] =	vst.idx.add.f32.msk $0xffff, v22  }
0x1eb: {  	v5 =	vmov v11;
	v22 =	vld.idx.msk [tilespmem:v23+s14+$0x0], $0xffff  }
0x1ec: {  	s22 =	sadd.s32 $0x2, s22;
	v23 =	vadd.s32 $0x2800, v15;
	v11 =	vld [tilespmem:s23+$0xFFFFFF80]  }
0x1ed: {  	p1 =	slt.u32 s22, $0x4C;
	[tilespmem:v19+s18+$0x0] =	vst.idx.add.f32.msk $0xffff, v21;
	v19 =	vadd.s32 $0x5000, v16  }
0x1ee: {  	v21 =	vadd.s32 $0x2800, v25;
	v26 =	vadd.s32 $0x5000, v25;
	v27 =	vadd.s32 $0x7800, v25;
	v28 =	vld [tilespmem:s23+$0x80]  }
0x1ef: {  	v20 =	vld.idx.msk [tilespmem:v20+s14+$0x0], $0xffff  }
0x1f0: {  	v29 =	vld.idx.msk [tilespmem:v24+s14+$0x0], $0xffff  }
0x1f1: {  	v30 =	vadd.s32 $0x2800, v11;
	v31 =	vadd.s32 $0x5000, v11;
	v32 =	vadd.s32 $0x7800, v11;
	[tilespmem:v23+s18+$0x0] =	vst.idx.add.f32.msk $0xffff, v22  }
0x1f2: {  	v22 =	vadd.s32 $0x2800, v24;
	v19 =	vld.idx.msk [tilespmem:v19+s14+$0x0], $0xffff  }
0x1f3: {  	v23 =	vld.idx.msk [tilespmem:v25+s14+$0x0], $0xffff;
	v25 =	vadd.s32 $0x5000, v15  }
0x1f4: {  	v16 =	vadd.s32 $0x7800, v16;
	v33 =	vld.idx.msk [tilespmem:v10+s14+$0x0], $0xffff  }
0x1f5: {  	[tilespmem:v18+s18+$0x0] =	vst.idx.add.f32.msk $0xffff, v20  }
0x1f6: {  	[tilespmem:v28+s18+$0x0] =	vst.idx.add.f32.msk $0xffff, v29  }
0x1f7: {  	v10 =	vld.idx.msk [tilespmem:v22+s14+$0x0], $0xffff  }
0x1f8: {  	v18 =	vadd.s32 $0x2800, v28;
	[tilespmem:v25+s18+$0x0] =	vst.idx.add.f32.msk $0xffff, v19  }
0x1f9: {  	v19 =	vadd.s32 $0x5000, v24;
	v16 =	vld.idx.msk [tilespmem:v16+s14+$0x0], $0xffff  }
0x1fa: {  	[tilespmem:v11+s18+$0x0] =	vst.idx.add.f32.msk $0xffff, v23;
	v11 =	vadd.s32 $0x7800, v15  }
0x1fb: {  	v15 =	vld.idx.msk [tilespmem:v21+s14+$0x0], $0xffff  }
0x1fc: {  	v17 =	vld.idx.msk [tilespmem:v17+s14+$0x0], $0xffff  }
0x1fd: {  	[tilespmem:v18+s18+$0x0] =	vst.idx.add.f32.msk $0xffff, v10  }
0x1fe: {  	v10 =	vld.idx.msk [tilespmem:v19+s14+$0x0], $0xffff  }
0x1ff: {  	v18 =	vadd.s32 $0x5000, v28;
	[tilespmem:v11+s18+$0x0] =	vst.idx.add.f32.msk $0xffff, v16  }
0x200: {  	v11 =	vadd.s32 $0x7800, v24;
	v16 =	vld [tilespmem:s21+$0x50]  }
0x201: {  	[tilespmem:v30+s18+$0x0] =	vst.idx.add.f32.msk $0xffff, v15  }
0x202: {  	v15 =	vld.idx.msk [tilespmem:v26+s14+$0x0], $0xffff  }
0x203: {  	[tilespmem:v14+s18+$0x0] =	vst.idx.add.f32.msk $0xffff, v17  }
0x204: {  	[tilespmem:v18+s18+$0x0] =	vst.idx.add.f32.msk $0xffff, v10  }
0x205: {  	v10 =	vld.idx.msk [tilespmem:v11+s14+$0x0], $0xffff  }
0x206: {  	v11 =	vadd.s32 $0x7800, v28;
	v14 =	vld [tilespmem:s21+$0xD0]  }
0x207: {  	v13 =	vld.idx.msk [tilespmem:v13+s14+$0x0], $0xffff  }
0x208: {  	v17 =	vld.idx.msk [tilespmem:v16+s14+$0x0], $0xffff  }
0x209: {  	[tilespmem:v31+s18+$0x0] =	vst.idx.add.f32.msk $0xffff, v15  }
0x20a: {  	v18 =	vadd.s32 $0x2800, v16;
	v15 =	vld.idx.msk [tilespmem:v27+s14+$0x0], $0xffff  }
0x20b: {  	[tilespmem:v11+s18+$0x0] =	vst.idx.add.f32.msk $0xffff, v10  }
0x20c: {  	v11 =	vld [tilespmem:s23+$0x10]  }
0x20d: {  	[tilespmem:v12+s18+$0x0] =	vst.idx.add.f32.msk $0xffff, v13  }
0x20e: {  	[tilespmem:v14+s18+$0x0] =	vst.idx.add.f32.msk $0xffff, v17  }
0x20f: {  	v10 =	vld.idx.msk [tilespmem:v18+s14+$0x0], $0xffff  }
0x210: {  	v12 =	vadd.s32 $0x2800, v14;
	[tilespmem:v32+s18+$0x0] =	vst.idx.add.f32.msk $0xffff, v15  }
0x211: {  	v15 =	vadd.s32 $0x5000, v16;
	v13 =	vld [tilespmem:s23+$0xFFFFFF10]  }
0x212: {  	v17 =	vld [tilespmem:s23+$0x90]  }
0x213: {  	v18 =	vld [tilespmem:s23+$0xFFFFFF90]  }
0x214: {  	v19 =	vld.idx.msk [tilespmem:v11+s14+$0x0], $0xffff  }
0x215: {  	[tilespmem:v12+s18+$0x0] =	vst.idx.add.f32.msk $0xffff, v10  }
0x216: {  	v10 =	vadd.s32 $0x2800, v11;
	v12 =	vadd.s32 $0x2800, v13;
	v20 =	vadd.s32 $0x5000, v13;
	v15 =	vld.idx.msk [tilespmem:v15+s14+$0x0], $0xffff  }
0x217: {  	v23 =	vadd.s32 $0x5000, v14;
	v21 =	vadd.s32 $0x7800, v13;
	v22 =	vld [tilespmem:s21+$0xFFFFFF50]  }
0x218: {  	v16 =	vadd.s32 $0x7800, v16;
	v24 =	vadd.s32 $0x2800, v18;
	v25 =	vadd.s32 $0x5000, v18;
	v26 =	vld [tilespmem:s21+$0xFFFFFFD0]  }
0x219: {  	v27 =	vadd.s32 $0x7800, v18;
	v13 =	vld.idx.msk [tilespmem:v13+s14+$0x0], $0xffff  }
0x21a: {  	[tilespmem:v17+s18+$0x0] =	vst.idx.add.f32.msk $0xffff, v19  }
0x21b: {  	v19 =	vld.idx.msk [tilespmem:v10+s14+$0x0], $0xffff  }
0x21c: {  	v28 =	vadd.s32 $0x2800, v17;
	v29 =	vadd.s32 $0x2800, v22;
	v30 =	vadd.s32 $0x5000, v22;
	[tilespmem:v23+s18+$0x0] =	vst.idx.add.f32.msk $0xffff, v15  }
0x21d: {  	v15 =	vadd.s32 $0x5000, v11;
	v23 =	vadd.s32 $0x2800, v26;
	v31 =	vadd.s32 $0x5000, v26;
	v16 =	vld.idx.msk [tilespmem:v16+s14+$0x0], $0xffff  }
0x21e: {  	v14 =	vadd.s32 $0x7800, v14;
	v32 =	vadd.s32 $0x7800, v22;
	v10 =	vadd.s32 $0x7800, v26;
	[tilespmem:v9+s18+$0x0] =	vst.idx.add.f32.msk $0xffff, v33  }
0x21f: {  	[tilespmem:v18+s18+$0x0] =	vst.idx.add.f32.msk $0xffff, v13  }
0x220: {  	v9 =	vld.idx.msk [tilespmem:v12+s14+$0x0], $0xffff  }
0x221: {  	[tilespmem:v28+s18+$0x0] =	vst.idx.add.f32.msk $0xffff, v19  }
0x222: {  	v12 =	vld.idx.msk [tilespmem:v15+s14+$0x0], $0xffff  }
0x223: {  	v13 =	vadd.s32 $0x5000, v17;
	[tilespmem:v14+s18+$0x0] =	vst.idx.add.f32.msk $0xffff, v16  }
0x224: {  	v11 =	vadd.s32 $0x7800, v11;
	v14 =	vld [tilespmem:s21+$0x60]  }
0x225: {  	v15 =	vld.idx.msk [tilespmem:v22+s14+$0x0], $0xffff  }
0x226: {  	[tilespmem:v24+s18+$0x0] =	vst.idx.add.f32.msk $0xffff, v9  }
0x227: {  	v9 =	vld.idx.msk [tilespmem:v20+s14+$0x0], $0xffff  }
0x228: {  	[tilespmem:v13+s18+$0x0] =	vst.idx.add.f32.msk $0xffff, v12  }
0x229: {  	v11 =	vld.idx.msk [tilespmem:v11+s14+$0x0], $0xffff  }
0x22a: {  	v12 =	vadd.s32 $0x7800, v17;
	v13 =	vld [tilespmem:s21+$0xE0]  }
0x22b: {  	[tilespmem:v26+s18+$0x0] =	vst.idx.add.f32.msk $0xffff, v15  }
0x22c: {  	v15 =	vld.idx.msk [tilespmem:v14+s14+$0x0], $0xffff  }
0x22d: {  	[tilespmem:v25+s18+$0x0] =	vst.idx.add.f32.msk $0xffff, v9  }
0x22e: {  	v16 =	vadd.s32 $0x2800, v14;
	v9 =	vld.idx.msk [tilespmem:v21+s14+$0x0], $0xffff  }
0x22f: {  	[tilespmem:v12+s18+$0x0] =	vst.idx.add.f32.msk $0xffff, v11  }
0x230: {  	v11 =	vld [tilespmem:s23+$0x20]  }
0x231: {  	v12 =	vld.idx.msk [tilespmem:v29+s14+$0x0], $0xffff  }
0x232: {  	[tilespmem:v13+s18+$0x0] =	vst.idx.add.f32.msk $0xffff, v15  }
0x233: {  	v15 =	vld.idx.msk [tilespmem:v16+s14+$0x0], $0xffff  }
0x234: {  	[tilespmem:v27+s18+$0x0] =	vst.idx.add.f32.msk $0xffff, v9;
	v9 =	vadd.s32 $0x2800, v13  }
0x235: {  	v17 =	vadd.s32 $0x5000, v14;
	v16 =	vld [tilespmem:s23+$0xFFFFFF20]  }
0x236: {  	v18 =	vld [tilespmem:s23+$0xA0]  }
0x237: {  	v19 =	vld [tilespmem:s23+$0xFFFFFFA0]  }
0x238: {  	v20 =	vld.idx.msk [tilespmem:v11+s14+$0x0], $0xffff  }
0x239: {  	[tilespmem:v9+s18+$0x0] =	vst.idx.add.f32.msk $0xffff, v15  }
0x23a: {  	v21 =	vadd.s32 $0x2800, v11;
	v9 =	vadd.s32 $0x2800, v16;
	v15 =	vadd.s32 $0x5000, v16;
	v17 =	vld.idx.msk [tilespmem:v17+s14+$0x0], $0xffff  }
0x23b: {  	v22 =	vadd.s32 $0x7800, v16;
	[tilespmem:v23+s18+$0x0] =	vst.idx.add.f32.msk $0xffff, v12;
	v12 =	vadd.s32 $0x5000, v13  }
0x23c: {  	v14 =	vadd.s32 $0x7800, v14;
	v23 =	vadd.s32 $0x2800, v19;
	v24 =	vadd.s32 $0x5000, v19;
	v25 =	vld.idx.msk [tilespmem:v30+s14+$0x0], $0xffff  }
0x23d: {  	v26 =	vadd.s32 $0x7800, v19;
	v16 =	vld.idx.msk [tilespmem:v16+s14+$0x0], $0xffff  }
0x23e: {  	[tilespmem:v18+s18+$0x0] =	vst.idx.add.f32.msk $0xffff, v20  }
0x23f: {  	v20 =	vld.idx.msk [tilespmem:v21+s14+$0x0], $0xffff  }
0x240: {  	v21 =	vadd.s32 $0x2800, v18;
	[tilespmem:v12+s18+$0x0] =	vst.idx.add.f32.msk $0xffff, v17  }
0x241: {  	v12 =	vadd.s32 $0x5000, v11;
	v14 =	vld.idx.msk [tilespmem:v14+s14+$0x0], $0xffff  }
0x242: {  	v13 =	vadd.s32 $0x7800, v13;
	[tilespmem:v31+s18+$0x0] =	vst.idx.add.f32.msk $0xffff, v25  }
0x243: {  	[tilespmem:v19+s18+$0x0] =	vst.idx.add.f32.msk $0xffff, v16  }
0x244: {  	v9 =	vld.idx.msk [tilespmem:v9+s14+$0x0], $0xffff  }
0x245: {  	[tilespmem:v21+s18+$0x0] =	vst.idx.add.f32.msk $0xffff, v20  }
0x246: {  	v12 =	vld.idx.msk [tilespmem:v12+s14+$0x0], $0xffff  }
0x247: {  	[tilespmem:v13+s18+$0x0] =	vst.idx.add.f32.msk $0xffff, v14  }
0x248: {  	v13 =	vadd.s32 $0x5000, v18;
	v14 =	vld [tilespmem:s21+$0x70]  }
0x249: {  	v16 =	vld.idx.msk [tilespmem:v32+s14+$0x0], $0xffff  }
0x24a: {  	[tilespmem:v23+s18+$0x0] =	vst.idx.add.f32.msk $0xffff, v9;
	v9 =	vadd.s32 $0x7800, v11  }
0x24b: {  	v11 =	vld.idx.msk [tilespmem:v15+s14+$0x0], $0xffff  }
0x24c: {  	v6 =	vld.idx.msk [tilespmem:v6+s14+$0x0], $0xffff  }
0x24d: {  	[tilespmem:v13+s18+$0x0] =	vst.idx.add.f32.msk $0xffff, v12  }
0x24e: {  	v12 =	vld [tilespmem:s21+$0xF0]  }
0x24f: {  	v9 =	vld.idx.msk [tilespmem:v9+s14+$0x0], $0xffff  }
0x250: {  	v13 =	vadd.s32 $0x7800, v18;
	v15 =	vld.idx.msk [tilespmem:v14+s14+$0x0], $0xffff  }
0x251: {  	[tilespmem:v24+s18+$0x0] =	vst.idx.add.f32.msk $0xffff, v11  }
0x252: {  	v17 =	vadd.s32 $0x2800, v14;
	v11 =	vld.idx.msk [tilespmem:v22+s14+$0x0], $0xffff  }
0x253: {  	[tilespmem:v10+s18+$0x0] =	vst.idx.add.f32.msk $0xffff, v16  }
0x254: {  	v10 =	vld [tilespmem:s21+$0xFFFFFF60]  }
0x255: {  	[tilespmem:v13+s18+$0x0] =	vst.idx.add.f32.msk $0xffff, v9  }
0x256: {  	[tilespmem:v12+s18+$0x0] =	vst.idx.add.f32.msk $0xffff, v15  }
0x257: {  	v9 =	vld.idx.msk [tilespmem:v17+s14+$0x0], $0xffff  }
0x258: {  	v15 =	vadd.s32 $0x2800, v12;
	v13 =	vld [tilespmem:s23+$0x30]  }
0x259: {  	v17 =	vadd.s32 $0x5000, v14;
	[tilespmem:v26+s18+$0x0] =	vst.idx.add.f32.msk $0xffff, v11;
	v11 =	vadd.s32 $0x2800, v10;
	v16 =	vadd.s32 $0x5000, v10  }
0x25a: {  	v19 =	vadd.s32 $0x7800, v10;
	v18 =	vld [tilespmem:s23+$0xFFFFFF30]  }
0x25b: {  	v20 =	vld [tilespmem:s23+$0xFFFFFFB0]  }
0x25c: {  	v21 =	vld [tilespmem:s23+$0xB0]  }
0x25d: {  	[tilespmem:v15+s18+$0x0] =	vst.idx.add.f32.msk $0xffff, v9  }
0x25e: {  	v9 =	vld.idx.msk [tilespmem:v17+s14+$0x0], $0xffff  }
0x25f: {  	v22 =	vadd.s32 $0x5000, v12;
	v15 =	vadd.s32 $0x2800, v18;
	v17 =	vadd.s32 $0x5000, v18;
	v10 =	vld.idx.msk [tilespmem:v10+s14+$0x0], $0xffff  }
0x260: {  	v14 =	vadd.s32 $0x7800, v14;
	v23 =	vadd.s32 $0x2800, v20;
	v24 =	vadd.s32 $0x5000, v20;
	v25 =	vld.idx.msk [tilespmem:v13+s14+$0x0], $0xffff  }
0x261: {  	v26 =	vadd.s32 $0x7800, v18;
	v27 =	vadd.s32 $0x7800, v20;
	v28 =	vld [tilespmem:s21+$0xFFFFFFE0]  }
0x262: {  	v29 =	vadd.s32 $0x2800, v13;
	v18 =	vld.idx.msk [tilespmem:v18+s14+$0x0], $0xffff  }
0x263: {  	[tilespmem:v8+s18+$0x0] =	vst.idx.add.f32.msk $0xffff, v6  }
0x264: {  	[tilespmem:v22+s18+$0x0] =	vst.idx.add.f32.msk $0xffff, v9  }
0x265: {  	v6 =	vld.idx.msk [tilespmem:v14+s14+$0x0], $0xffff  }
0x266: {  	v12 =	vadd.s32 $0x7800, v12;
	[tilespmem:v21+s18+$0x0] =	vst.idx.add.f32.msk $0xffff, v25;
	v8 =	vadd.s32 $0x2800, v28;
	v9 =	vadd.s32 $0x5000, v28  }
0x267: {  	v22 =	vadd.s32 $0x7800, v28;
	v14 =	vld.idx.msk [tilespmem:v29+s14+$0x0], $0xffff  }
0x268: {  	[tilespmem:v20+s18+$0x0] =	vst.idx.add.f32.msk $0xffff, v18;
	v18 =	vadd.s32 $0x2800, v21  }
0x269: {  	v20 =	vadd.s32 $0x5000, v13;
	v15 =	vld.idx.msk [tilespmem:v15+s14+$0x0], $0xffff  }
0x26a: {  	[tilespmem:v28+s18+$0x0] =	vst.idx.add.f32.msk $0xffff, v10  }
0x26b: {  	[tilespmem:v12+s18+$0x0] =	vst.idx.add.f32.msk $0xffff, v6  }
0x26c: {  	v6 =	vld.idx.msk [tilespmem:v11+s14+$0x0], $0xffff  }
0x26d: {  	[tilespmem:v18+s18+$0x0] =	vst.idx.add.f32.msk $0xffff, v14  }
0x26e: {  	v10 =	vld.idx.msk [tilespmem:v20+s14+$0x0], $0xffff  }
0x26f: {  	v11 =	vadd.s32 $0x5000, v21;
	[tilespmem:v23+s18+$0x0] =	vst.idx.add.f32.msk $0xffff, v15  }
0x270: {  	v13 =	vadd.s32 $0x7800, v13;
	v12 =	vld.idx.msk [tilespmem:v17+s14+$0x0], $0xffff  }
0x271: {  	v3 =	vld.idx.msk [tilespmem:v3+s14+$0x0], $0xffff  }
0x272: {  	[tilespmem:v8+s18+$0x0] =	vst.idx.add.f32.msk $0xffff, v6  }
0x273: {  	v6 =	vld.idx.msk [tilespmem:v16+s14+$0x0], $0xffff  }
0x274: {  	[tilespmem:v11+s18+$0x0] =	vst.idx.add.f32.msk $0xffff, v10  }
0x275: {  	v8 =	vld.idx.msk [tilespmem:v13+s14+$0x0], $0xffff  }
0x276: {  	v10 =	vadd.s32 $0x7800, v21;
	[tilespmem:v24+s18+$0x0] =	vst.idx.add.f32.msk $0xffff, v12  }
0x277: {  	v11 =	vld.idx.msk [tilespmem:v26+s14+$0x0], $0xffff  }
0x278: {  	[tilespmem:v7+s18+$0x0] =	vst.idx.add.f32.msk $0xffff, v3  }
0x279: {  	[tilespmem:v9+s18+$0x0] =	vst.idx.add.f32.msk $0xffff, v6  }
0x27a: {  	v3 =	vld.idx.msk [tilespmem:v19+s14+$0x0], $0xffff  }
0x27b: {  	[tilespmem:v10+s18+$0x0] =	vst.idx.add.f32.msk $0xffff, v8  }
0x27c: {  	v16 =	vld [tilespmem:s23+$0x40]  }
0x27d: {  	[tilespmem:v27+s18+$0x0] =	vst.idx.add.f32.msk $0xffff, v11  }
0x27e: {  	v6 =	vld [tilespmem:s23+$0xFFFFFF40]  }
0x27f: {  	v19 =	vld [tilespmem:s23+$0xFFFFFFC0]  }
0x280: {  	[tilespmem:v22+s18+$0x0] =	vst.idx.add.f32.msk $0xffff, v3  }
0x281: {  	v10 =	vld [tilespmem:s21+$0xFFFFFF70]  }
0x282: {  	v15 =	vld [tilespmem:s23+$0xC0]  }
.Ltmp4:
0x283: {  	v20 =	vadd.s32 $0x2800, v6;
	v17 =	vadd.s32 $0x5000, v6;
	v13 =	vadd.s32 $0x7800, v6;
	v9 =	vld [tilespmem:s21+$0xFFFFFFF0];
	s21 =	smov.u32 s23;
	(pc) =	sbr.rel @p1 .LBB2_4-.Ltmp4, $4  }
0x284: {  	v18 =	vadd.s32 $0x2800, v19;
	v14 =	vadd.s32 $0x5000, v19;
	v12 =	vadd.s32 $0x7800, v19;
	v22 =	vld.idx.msk [tilespmem:v16+s14+$0x0], $0xffff  }
0x285: {  	v11 =	vld.idx.msk [tilespmem:v2+s14+$0x0], $0xffff  }
0x286: {  	v23 =	vadd.s32 $0x2800, v16;
	v21 =	vld.idx.msk [tilespmem:v6+s14+$0x0], $0xffff;
	v6 =	vadd.s32 $0x2800, v10;
	v3 =	vadd.s32 $0x5000, v10  }
0x287: {  	s23 =	sadd.s32 $0x200, s23;
	v2 =	vadd.s32 $0x7800, v10;
	[tilespmem:v1+s18+$0x0] =	vst.idx.add.f32.msk $0xffff, v5;
	v1 =	vmov v4  }
0x288: {  	_ =	sdelay $0x3  }
0x289: {  	[tilespmem:v15+s18+$0x0] =	vst.idx.add.f32.msk $0xffff, v22  }
0x28a: {  	v5 =	vadd.s32 $0x2800, v15;
	v4 =	vld.idx.msk [tilespmem:v23+s14+$0x0], $0xffff  }
0x28b: {  	v7 =	vadd.s32 $0x5000, v16;
	[tilespmem:v19+s18+$0x0] =	vst.idx.add.f32.msk $0xffff, v21  }
0x28c: {  	v8 =	vld.idx.msk [tilespmem:v20+s14+$0x0], $0xffff;
	_ =	sdelay $0x2  }
0x28d: {  	[tilespmem:v5+s18+$0x0] =	vst.idx.add.f32.msk $0xffff, v4  }
0x28e: {  	v23 =	vadd.s32 $0x5000, v15;
	v4 =	vld.idx.msk [tilespmem:v7+s14+$0x0], $0xffff  }
0x28f: {  	v24 =	vadd.s32 $0x7800, v16;
	[tilespmem:v18+s18+$0x0] =	vst.idx.add.f32.msk $0xffff, v8  }
0x290: {  	v8 =	vld.idx.msk [tilespmem:v17+s14+$0x0], $0xffff;
	_ =	sdelay $0x2  }
0x291: {  	[tilespmem:v23+s18+$0x0] =	vst.idx.add.f32.msk $0xffff, v4  }
0x292: {  	v25 =	vadd.s32 $0x7800, v15;
	v4 =	vld.idx.msk [tilespmem:v24+s14+$0x0], $0xffff  }
0x293: {  	[tilespmem:v14+s18+$0x0] =	vst.idx.add.f32.msk $0xffff, v8  }
0x294: {  	v26 =	vld.idx.msk [tilespmem:v13+s14+$0x0], $0xffff;
	_ =	sdelay $0x2  }
0x295: {  	[tilespmem:v25+s18+$0x0] =	vst.idx.add.f32.msk $0xffff, v4  }
0x296: {  	v4 =	vld [tilespmem:s21+$0x50]  }
0x297: {  	[tilespmem:v12+s18+$0x0] =	vst.idx.add.f32.msk $0xffff, v26  }
0x298: {  	v27 =	vld [tilespmem:s21+$0xFFFFFF50];
	_ =	sdelay $0x2  }
0x299: {  	v28 =	vld [tilespmem:s21+$0xD0];
	_ =	sdelay $0x1  }
0x29a: {  	v31 =	vld [tilespmem:s21+$0xFFFFFFD0]  }
0x29b: {  	v29 =	vld.idx.msk [tilespmem:v4+s14+$0x0], $0xffff  }
0x29c: {  	v30 =	vadd.s32 $0x2800, v4  }
0x29d: {  	v14 =	vld.idx.msk [tilespmem:v27+s14+$0x0], $0xffff  }
0x29e: {  	v32 =	vadd.s32 $0x2800, v27;
	_ =	sdelay $0x1  }
0x29f: {  	[tilespmem:v28+s18+$0x0] =	vst.idx.add.f32.msk $0xffff, v29  }
0x2a0: {  	v33 =	vadd.s32 $0x2800, v28;
	v12 =	vld.idx.msk [tilespmem:v30+s14+$0x0], $0xffff  }
0x2a1: {  	v34 =	vadd.s32 $0x5000, v4;
	[tilespmem:v31+s18+$0x0] =	vst.idx.add.f32.msk $0xffff, v14  }
0x2a2: {  	v35 =	vadd.s32 $0x2800, v31;
	v8 =	vld.idx.msk [tilespmem:v32+s14+$0x0], $0xffff  }
0x2a3: {  	v36 =	vadd.s32 $0x5000, v27;
	_ =	sdelay $0x1  }
0x2a4: {  	[tilespmem:v33+s18+$0x0] =	vst.idx.add.f32.msk $0xffff, v12  }
0x2a5: {  	v37 =	vadd.s32 $0x5000, v28;
	v15 =	vld.idx.msk [tilespmem:v34+s14+$0x0], $0xffff  }
0x2a6: {  	v4 =	vadd.s32 $0x7800, v4;
	[tilespmem:v35+s18+$0x0] =	vst.idx.add.f32.msk $0xffff, v8  }
0x2a7: {  	v38 =	vadd.s32 $0x5000, v31;
	v12 =	vld.idx.msk [tilespmem:v36+s14+$0x0], $0xffff  }
0x2a8: {  	v5 =	vadd.s32 $0x7800, v27;
	_ =	sdelay $0x1  }
0x2a9: {  	[tilespmem:v37+s18+$0x0] =	vst.idx.add.f32.msk $0xffff, v15  }
0x2aa: {  	v7 =	vadd.s32 $0x7800, v28;
	v4 =	vld.idx.msk [tilespmem:v4+s14+$0x0], $0xffff  }
0x2ab: {  	[tilespmem:v38+s18+$0x0] =	vst.idx.add.f32.msk $0xffff, v12  }
0x2ac: {  	v39 =	vadd.s32 $0x7800, v31;
	v5 =	vld.idx.msk [tilespmem:v5+s14+$0x0], $0xffff;
	_ =	sdelay $0x2  }
0x2ad: {  	[tilespmem:v7+s18+$0x0] =	vst.idx.add.f32.msk $0xffff, v4  }
0x2ae: {  	v4 =	vld [tilespmem:s21+$0x60]  }
0x2af: {  	[tilespmem:v39+s18+$0x0] =	vst.idx.add.f32.msk $0xffff, v5  }
0x2b0: {  	v5 =	vld [tilespmem:s21+$0xFFFFFF60];
	_ =	sdelay $0x2  }
0x2b1: {  	v7 =	vld [tilespmem:s21+$0xE0];
	_ =	sdelay $0x1  }
0x2b2: {  	v42 =	vld [tilespmem:s21+$0xFFFFFFE0]  }
0x2b3: {  	v40 =	vld.idx.msk [tilespmem:v4+s14+$0x0], $0xffff  }
0x2b4: {  	v41 =	vadd.s32 $0x2800, v4  }
0x2b5: {  	v14 =	vld.idx.msk [tilespmem:v5+s14+$0x0], $0xffff  }
0x2b6: {  	v43 =	vadd.s32 $0x2800, v5;
	_ =	sdelay $0x1  }
0x2b7: {  	[tilespmem:v7+s18+$0x0] =	vst.idx.add.f32.msk $0xffff, v40  }
0x2b8: {  	v44 =	vadd.s32 $0x2800, v7;
	v12 =	vld.idx.msk [tilespmem:v41+s14+$0x0], $0xffff  }
0x2b9: {  	v45 =	vadd.s32 $0x5000, v4;
	[tilespmem:v42+s18+$0x0] =	vst.idx.add.f32.msk $0xffff, v14  }
0x2ba: {  	v46 =	vadd.s32 $0x2800, v42;
	v8 =	vld.idx.msk [tilespmem:v43+s14+$0x0], $0xffff  }
0x2bb: {  	v47 =	vadd.s32 $0x5000, v5;
	_ =	sdelay $0x1  }
0x2bc: {  	[tilespmem:v44+s18+$0x0] =	vst.idx.add.f32.msk $0xffff, v12  }
0x2bd: {  	v48 =	vadd.s32 $0x5000, v7;
	v15 =	vld.idx.msk [tilespmem:v45+s14+$0x0], $0xffff  }
0x2be: {  	v4 =	vadd.s32 $0x7800, v4;
	[tilespmem:v46+s18+$0x0] =	vst.idx.add.f32.msk $0xffff, v8  }
0x2bf: {  	v49 =	vadd.s32 $0x5000, v42;
	v12 =	vld.idx.msk [tilespmem:v47+s14+$0x0], $0xffff  }
0x2c0: {  	v5 =	vadd.s32 $0x7800, v5;
	_ =	sdelay $0x1  }
0x2c1: {  	[tilespmem:v48+s18+$0x0] =	vst.idx.add.f32.msk $0xffff, v15  }
0x2c2: {  	v7 =	vadd.s32 $0x7800, v7;
	v4 =	vld.idx.msk [tilespmem:v4+s14+$0x0], $0xffff  }
0x2c3: {  	[tilespmem:v49+s18+$0x0] =	vst.idx.add.f32.msk $0xffff, v12  }
0x2c4: {  	v50 =	vadd.s32 $0x7800, v42;
	v5 =	vld.idx.msk [tilespmem:v5+s14+$0x0], $0xffff;
	_ =	sdelay $0x2  }
0x2c5: {  	[tilespmem:v7+s18+$0x0] =	vst.idx.add.f32.msk $0xffff, v4  }
0x2c6: {  	v4 =	vld [tilespmem:s21+$0x70]  }
0x2c7: {  	[tilespmem:v50+s18+$0x0] =	vst.idx.add.f32.msk $0xffff, v5  }
0x2c8: {  	v5 =	vld [tilespmem:s21+$0xFFFFFF70];
	_ =	sdelay $0x2  }
0x2c9: {  	v7 =	vld [tilespmem:s21+$0xF0]  }
0x2ca: {  	v10 =	vld.idx.msk [tilespmem:v10+s14+$0x0], $0xffff  }
0x2cb: {  	v53 =	vld [tilespmem:s21+$0xFFFFFFF0]  }
0x2cc: {  	v51 =	vld.idx.msk [tilespmem:v4+s14+$0x0], $0xffff  }
0x2cd: {  	v52 =	vadd.s32 $0x2800, v4  }
0x2ce: {  	v14 =	vld.idx.msk [tilespmem:v5+s14+$0x0], $0xffff  }
0x2cf: {  	[tilespmem:v9+s18+$0x0] =	vst.idx.add.f32.msk $0xffff, v10;
	v54 =	vadd.s32 $0x2800, v5  }
0x2d0: {  	v57 =	vadd.s32 $0x2800, v9;
	v6 =	vld.idx.msk [tilespmem:v6+s14+$0x0], $0xffff  }
0x2d1: {  	[tilespmem:v7+s18+$0x0] =	vst.idx.add.f32.msk $0xffff, v51  }
0x2d2: {  	v55 =	vadd.s32 $0x2800, v7;
	v12 =	vld.idx.msk [tilespmem:v52+s14+$0x0], $0xffff  }
0x2d3: {  	v56 =	vadd.s32 $0x5000, v4;
	[tilespmem:v53+s18+$0x0] =	vst.idx.add.f32.msk $0xffff, v14  }
0x2d4: {  	v58 =	vadd.s32 $0x2800, v53;
	v8 =	vld.idx.msk [tilespmem:v54+s14+$0x0], $0xffff  }
0x2d5: {  	[tilespmem:v57+s18+$0x0] =	vst.idx.add.f32.msk $0xffff, v6;
	v59 =	vadd.s32 $0x5000, v5  }
0x2d6: {  	v61 =	vadd.s32 $0x5000, v9;
	v3 =	vld.idx.msk [tilespmem:v3+s14+$0x0], $0xffff  }
0x2d7: {  	[tilespmem:v55+s18+$0x0] =	vst.idx.add.f32.msk $0xffff, v12  }
0x2d8: {  	v60 =	vadd.s32 $0x5000, v7;
	v10 =	vld.idx.msk [tilespmem:v56+s14+$0x0], $0xffff  }
0x2d9: {  	v4 =	vadd.s32 $0x7800, v4;
	[tilespmem:v58+s18+$0x0] =	vst.idx.add.f32.msk $0xffff, v8  }
0x2da: {  	v62 =	vadd.s32 $0x5000, v53;
	v12 =	vld.idx.msk [tilespmem:v59+s14+$0x0], $0xffff  }
0x2db: {  	[tilespmem:v61+s18+$0x0] =	vst.idx.add.f32.msk $0xffff, v3;
	v5 =	vadd.s32 $0x7800, v5  }
0x2dc: {  	v2 =	vld.idx.msk [tilespmem:v2+s14+$0x0], $0xffff  }
0x2dd: {  	[tilespmem:v60+s18+$0x0] =	vst.idx.add.f32.msk $0xffff, v10  }
0x2de: {  	v3 =	vadd.s32 $0x7800, v9;
	v4 =	vld.idx.msk [tilespmem:v4+s14+$0x0], $0xffff  }
0x2df: {  	v7 =	vadd.s32 $0x7800, v7;
	[tilespmem:v62+s18+$0x0] =	vst.idx.add.f32.msk $0xffff, v12  }
0x2e0: {  	v63 =	vadd.s32 $0x7800, v53;
	v5 =	vld.idx.msk [tilespmem:v5+s14+$0x0], $0xffff  }
.Ltmp5:
0x2e1: {  	_ = 	snop;
	(pc) =	sbr.rel @p0 .LBB2_7-.Ltmp5, $4  }
0x2e2: {  	[tilespmem:v1+s18+$0x0] =	vst.idx.add.f32.msk $0xffff, v11  }
0x2e3: {  	[tilespmem:v3+s18+$0x0] =	vst.idx.add.f32.msk $0xffff, v2  }
0x2e4: {  	[tilespmem:v7+s18+$0x0] =	vst.idx.add.f32.msk $0xffff, v4  }
0x2e5: {  	[tilespmem:v63+s18+$0x0] =	vst.idx.add.f32.msk $0xffff, v5  }
0x2e6: {  	v1 =	vld [tilespmem:$0x4E00];
	_ =	sdelay $0x4  }
0x2e7: {  	v2 =	vld [tilespmem:$0x4E80];
	_ =	sdelay $0x2  }
0x2e8: {  	v3 =	vld.idx.msk [tilespmem:v1+s14+$0x0], $0xffff  }
0x2e9: {  	v4 =	vadd.s32 $0x2800, v1;
	_ =	sdelay $0x3  }
0x2ea: {  	[tilespmem:v2+s18+$0x0] =	vst.idx.add.f32.msk $0xffff, v3  }
0x2eb: {  	v34 =	vadd.s32 $0x2800, v2;
	v3 =	vld.idx.msk [tilespmem:v4+s14+$0x0], $0xffff  }
0x2ec: {  	v5 =	vadd.s32 $0x5000, v1;
	_ =	sdelay $0x3  }
0x2ed: {  	[tilespmem:v34+s18+$0x0] =	vst.idx.add.f32.msk $0xffff, v3  }
0x2ee: {  	v35 =	vadd.s32 $0x5000, v2;
	v3 =	vld.idx.msk [tilespmem:v5+s14+$0x0], $0xffff  }
0x2ef: {  	v1 =	vadd.s32 $0x7800, v1;
	_ =	sdelay $0x3  }
0x2f0: {  	[tilespmem:v35+s18+$0x0] =	vst.idx.add.f32.msk $0xffff, v3  }
0x2f1: {  	v2 =	vadd.s32 $0x7800, v2;
	v1 =	vld.idx.msk [tilespmem:v1+s14+$0x0], $0xffff;
	_ =	sdelay $0x4  }
0x2f2: {  	[tilespmem:v2+s18+$0x0] =	vst.idx.add.f32.msk $0xffff, v1  }
0x2f3: {  	v1 =	vld [tilespmem:$0x4E10];
	_ =	sdelay $0x4  }
0x2f4: {  	v2 =	vld [tilespmem:$0x4E90];
	_ =	sdelay $0x2  }
0x2f5: {  	v3 =	vld.idx.msk [tilespmem:v1+s14+$0x0], $0xffff  }
0x2f6: {  	v36 =	vadd.s32 $0x2800, v1;
	_ =	sdelay $0x3  }
0x2f7: {  	[tilespmem:v2+s18+$0x0] =	vst.idx.add.f32.msk $0xffff, v3  }
0x2f8: {  	v37 =	vadd.s32 $0x2800, v2;
	v3 =	vld.idx.msk [tilespmem:v36+s14+$0x0], $0xffff  }
0x2f9: {  	v38 =	vadd.s32 $0x5000, v1;
	_ =	sdelay $0x3  }
0x2fa: {  	[tilespmem:v37+s18+$0x0] =	vst.idx.add.f32.msk $0xffff, v3  }
0x2fb: {  	v39 =	vadd.s32 $0x5000, v2;
	v3 =	vld.idx.msk [tilespmem:v38+s14+$0x0], $0xffff  }
0x2fc: {  	v1 =	vadd.s32 $0x7800, v1;
	_ =	sdelay $0x3  }
0x2fd: {  	[tilespmem:v39+s18+$0x0] =	vst.idx.add.f32.msk $0xffff, v3  }
0x2fe: {  	v2 =	vadd.s32 $0x7800, v2;
	v1 =	vld.idx.msk [tilespmem:v1+s14+$0x0], $0xffff;
	_ =	sdelay $0x4  }
0x2ff: {  	[tilespmem:v2+s18+$0x0] =	vst.idx.add.f32.msk $0xffff, v1  }
0x300: {  	v1 =	vld [tilespmem:$0x4E20];
	_ =	sdelay $0x4  }
0x301: {  	v2 =	vld [tilespmem:$0x4EA0];
	_ =	sdelay $0x2  }
0x302: {  	v3 =	vld.idx.msk [tilespmem:v1+s14+$0x0], $0xffff  }
0x303: {  	v40 =	vadd.s32 $0x2800, v1;
	_ =	sdelay $0x3  }
0x304: {  	[tilespmem:v2+s18+$0x0] =	vst.idx.add.f32.msk $0xffff, v3  }
0x305: {  	v41 =	vadd.s32 $0x2800, v2;
	v3 =	vld.idx.msk [tilespmem:v40+s14+$0x0], $0xffff  }
0x306: {  	v42 =	vadd.s32 $0x5000, v1;
	_ =	sdelay $0x3  }
0x307: {  	[tilespmem:v41+s18+$0x0] =	vst.idx.add.f32.msk $0xffff, v3  }
0x308: {  	v43 =	vadd.s32 $0x5000, v2;
	v3 =	vld.idx.msk [tilespmem:v42+s14+$0x0], $0xffff  }
0x309: {  	v1 =	vadd.s32 $0x7800, v1;
	_ =	sdelay $0x3  }
0x30a: {  	[tilespmem:v43+s18+$0x0] =	vst.idx.add.f32.msk $0xffff, v3  }
0x30b: {  	v2 =	vadd.s32 $0x7800, v2;
	v1 =	vld.idx.msk [tilespmem:v1+s14+$0x0], $0xffff;
	_ =	sdelay $0x4  }
0x30c: {  	[tilespmem:v2+s18+$0x0] =	vst.idx.add.f32.msk $0xffff, v1  }
0x30d: {  	v1 =	vld [tilespmem:$0x4E30];
	_ =	sdelay $0x4  }
0x30e: {  	v2 =	vld [tilespmem:$0x4EB0];
	_ =	sdelay $0x2  }
0x30f: {  	v3 =	vld.idx.msk [tilespmem:v1+s14+$0x0], $0xffff  }
0x310: {  	v44 =	vadd.s32 $0x2800, v1;
	_ =	sdelay $0x3  }
0x311: {  	[tilespmem:v2+s18+$0x0] =	vst.idx.add.f32.msk $0xffff, v3  }
0x312: {  	v45 =	vadd.s32 $0x2800, v2;
	v3 =	vld.idx.msk [tilespmem:v44+s14+$0x0], $0xffff  }
0x313: {  	v46 =	vadd.s32 $0x5000, v1;
	_ =	sdelay $0x3  }
0x314: {  	[tilespmem:v45+s18+$0x0] =	vst.idx.add.f32.msk $0xffff, v3  }
0x315: {  	v47 =	vadd.s32 $0x5000, v2;
	v3 =	vld.idx.msk [tilespmem:v46+s14+$0x0], $0xffff  }
0x316: {  	v1 =	vadd.s32 $0x7800, v1;
	_ =	sdelay $0x3  }
0x317: {  	[tilespmem:v47+s18+$0x0] =	vst.idx.add.f32.msk $0xffff, v3  }
0x318: {  	v2 =	vadd.s32 $0x7800, v2;
	v1 =	vld.idx.msk [tilespmem:v1+s14+$0x0], $0xffff;
	_ =	sdelay $0x4  }
0x319: {  	[tilespmem:v2+s18+$0x0] =	vst.idx.add.f32.msk $0xffff, v1  }
0x31a: {  	v1 =	vld [tilespmem:$0x4E40];
	_ =	sdelay $0x4  }
0x31b: {  	v2 =	vld [tilespmem:$0x4EC0];
	_ =	sdelay $0x2  }
0x31c: {  	v3 =	vld.idx.msk [tilespmem:v1+s14+$0x0], $0xffff  }
0x31d: {  	v48 =	vadd.s32 $0x2800, v1;
	_ =	sdelay $0x3  }
0x31e: {  	[tilespmem:v2+s18+$0x0] =	vst.idx.add.f32.msk $0xffff, v3  }
0x31f: {  	v49 =	vadd.s32 $0x2800, v2;
	v3 =	vld.idx.msk [tilespmem:v48+s14+$0x0], $0xffff  }
0x320: {  	v50 =	vadd.s32 $0x5000, v1;
	_ =	sdelay $0x3  }
0x321: {  	[tilespmem:v49+s18+$0x0] =	vst.idx.add.f32.msk $0xffff, v3  }
0x322: {  	v51 =	vadd.s32 $0x5000, v2;
	v3 =	vld.idx.msk [tilespmem:v50+s14+$0x0], $0xffff  }
0x323: {  	v1 =	vadd.s32 $0x7800, v1;
	_ =	sdelay $0x3  }
0x324: {  	[tilespmem:v51+s18+$0x0] =	vst.idx.add.f32.msk $0xffff, v3  }
0x325: {  	v2 =	vadd.s32 $0x7800, v2;
	v1 =	vld.idx.msk [tilespmem:v1+s14+$0x0], $0xffff;
	_ =	sdelay $0x4  }
0x326: {  	[tilespmem:v2+s18+$0x0] =	vst.idx.add.f32.msk $0xffff, v1  }
0x327: {  	v1 =	vld [tilespmem:$0x4E50];
	_ =	sdelay $0x4  }
0x328: {  	v2 =	vld [tilespmem:$0x4ED0];
	_ =	sdelay $0x2  }
0x329: {  	v3 =	vld.idx.msk [tilespmem:v1+s14+$0x0], $0xffff  }
0x32a: {  	v52 =	vadd.s32 $0x2800, v1;
	_ =	sdelay $0x3  }
0x32b: {  	[tilespmem:v2+s18+$0x0] =	vst.idx.add.f32.msk $0xffff, v3  }
0x32c: {  	v53 =	vadd.s32 $0x2800, v2;
	v3 =	vld.idx.msk [tilespmem:v52+s14+$0x0], $0xffff  }
0x32d: {  	v54 =	vadd.s32 $0x5000, v1;
	_ =	sdelay $0x3  }
0x32e: {  	[tilespmem:v53+s18+$0x0] =	vst.idx.add.f32.msk $0xffff, v3  }
0x32f: {  	v55 =	vadd.s32 $0x5000, v2;
	v3 =	vld.idx.msk [tilespmem:v54+s14+$0x0], $0xffff  }
0x330: {  	v1 =	vadd.s32 $0x7800, v1;
	_ =	sdelay $0x3  }
0x331: {  	[tilespmem:v55+s18+$0x0] =	vst.idx.add.f32.msk $0xffff, v3  }
0x332: {  	v2 =	vadd.s32 $0x7800, v2;
	v1 =	vld.idx.msk [tilespmem:v1+s14+$0x0], $0xffff;
	_ =	sdelay $0x4  }
0x333: {  	[tilespmem:v2+s18+$0x0] =	vst.idx.add.f32.msk $0xffff, v1  }
0x334: {  	v1 =	vld [tilespmem:$0x4E60];
	_ =	sdelay $0x4  }
0x335: {  	v2 =	vld [tilespmem:$0x4EE0];
	_ =	sdelay $0x2  }
0x336: {  	v3 =	vld.idx.msk [tilespmem:v1+s14+$0x0], $0xffff  }
0x337: {  	v56 =	vadd.s32 $0x2800, v1;
	_ =	sdelay $0x3  }
0x338: {  	[tilespmem:v2+s18+$0x0] =	vst.idx.add.f32.msk $0xffff, v3  }
0x339: {  	v57 =	vadd.s32 $0x2800, v2;
	v3 =	vld.idx.msk [tilespmem:v56+s14+$0x0], $0xffff  }
0x33a: {  	v58 =	vadd.s32 $0x5000, v1;
	_ =	sdelay $0x3  }
0x33b: {  	[tilespmem:v57+s18+$0x0] =	vst.idx.add.f32.msk $0xffff, v3  }
0x33c: {  	v59 =	vadd.s32 $0x5000, v2;
	v3 =	vld.idx.msk [tilespmem:v58+s14+$0x0], $0xffff  }
0x33d: {  	v1 =	vadd.s32 $0x7800, v1;
	_ =	sdelay $0x3  }
0x33e: {  	[tilespmem:v59+s18+$0x0] =	vst.idx.add.f32.msk $0xffff, v3  }
0x33f: {  	v2 =	vadd.s32 $0x7800, v2;
	v1 =	vld.idx.msk [tilespmem:v1+s14+$0x0], $0xffff;
	_ =	sdelay $0x4  }
0x340: {  	[tilespmem:v2+s18+$0x0] =	vst.idx.add.f32.msk $0xffff, v1  }
0x341: {  	v1 =	vld [tilespmem:$0x4E70];
	_ =	sdelay $0x4  }
0x342: {  	v2 =	vld [tilespmem:$0x4EF0];
	_ =	sdelay $0x2  }
0x343: {  	v3 =	vld.idx.msk [tilespmem:v1+s14+$0x0], $0xffff  }
0x344: {  	v60 =	vadd.s32 $0x2800, v1;
	_ =	sdelay $0x3  }
0x345: {  	[tilespmem:v2+s18+$0x0] =	vst.idx.add.f32.msk $0xffff, v3  }
0x346: {  	v61 =	vadd.s32 $0x2800, v2;
	v3 =	vld.idx.msk [tilespmem:v60+s14+$0x0], $0xffff  }
0x347: {  	v62 =	vadd.s32 $0x5000, v1;
	_ =	sdelay $0x3  }
0x348: {  	[tilespmem:v61+s18+$0x0] =	vst.idx.add.f32.msk $0xffff, v3  }
0x349: {  	v63 =	vadd.s32 $0x5000, v2;
	v3 =	vld.idx.msk [tilespmem:v62+s14+$0x0], $0xffff  }
0x34a: {  	v1 =	vadd.s32 $0x7800, v1;
	_ =	sdelay $0x3  }
0x34b: {  	[tilespmem:v63+s18+$0x0] =	vst.idx.add.f32.msk $0xffff, v3  }
0x34c: {  	v2 =	vadd.s32 $0x7800, v2;
	v1 =	vld.idx.msk [tilespmem:v1+s14+$0x0], $0xffff  }
.Ltmp6:
0x34d: {  	_ = 	snop;
	(pc) =	sbr.rel .LBB2_7-.Ltmp6, $2  }
0x34e: {  	_ =	sdelay $0x2  }
0x34f: {  	[tilespmem:v2+s18+$0x0] =	vst.idx.add.f32.msk $0xffff, v1  }
.LBB2_8:
0x350: {  	_ =	sfence.sel $0x180000  }
0x351: {  	[bflag:$0x0] =	sbarrier.arrive $0xFFFF  }
0x352: {  	p0 =	sne.s32 s1, $0x0;
	_ =	strace $0x9000004D  }
0x353: {  	s0 =	sadd.s32 @!p0 $0x100000, s0;
	[bflag:$0x2] =	sbarrier.arrive $0xFFFF  }
0x354: {  	[sflag:s0] =	ssyncadd.tile.s32 @!p0 $0x1;
	_ =	shalt  }
.Lfunc_end2:
_tile_overlayer_lowered:
.L_overlay_start_2:
0x355: {  	(tag) =	ssettag $0x2  }
0x356: {  	s0 =	rddreg [dreg:$0x0];
	s2 =	stileid.u32  }
0x357: {  	s1 =	rddreg [dreg:$0x1];
	p0 =	sne.s32 s2, $0x0  }
0x358: {  	s3 =	rddreg [dreg:$0x2];
	[bflag:$0x3] =	sbarrier.arrive $0xFFFF;
	s2 =	simm.s32 @!p0 $0x1C01  }
0x359: {  	[timem:s3], [sflag:s2] =	dma.local @!p0 [hbm:s0], s1  }
0x35a: {  	s0 =	simm.s32 @!p0 $0x1  }
0x35b: {  	_ =	swait.ge @!p0 [sflag:s0], s1  }
0x35c: {  	s1 =	ssub.s32 @!p0 $0x0, s1;
	[sflag:s0] =	ssyncset.done @!p0 $0x0  }
0x35d: {  	[sflag:s0] =	ssyncadd.s32 @!p0 s1  }
0x35e: {  	[bflag:$0x3] =	sbarrier.arrive $0xFFFF  }
0x35f: {  	_ =	shalt  }

// kernel: kernel.8.cloned.1.call-start
scs
__scs_entry_jumppad:
0x0: {  	(pc) =	sbr.rel $0x88, $3  }
0x1: {  	(tag) =	ssettag $0x0;
	lr =	simm.s32 $0x1  }
0x2: {  	[smem:$0x3F99] =	sst lr;
	_ =	strace $0xD0000000  }
0x3: {  	_ = 	snop  }
0x4: {  	_ = 	snop  }
0x5: {  	_ = 	snop  }
0x6: {  	_ = 	snop  }
0x7: {  	_ = 	snop  }
__scs_overlays_trampoline_lowered:
0x8: {  	[smem:$0x3FA8] =	sst s0  }
0x9: {  	[smem:$0x3FA9] =	sst s1  }
0xa: {  	[smem:$0x3FAA] =	sst s2  }
0xb: {  	[smem:$0x3FAB] =	sst s3  }
0xc: {  	[smem:$0x3FAC] =	sst s4  }
0xd: {  	[smem:$0x3FAD] =	sst s5  }
0xe: {  	[smem:$0x3FAE] =	sst s6  }
0xf: {  	[smem:$0x3FAF] =	sst s7  }
0x10: {  	[smem:$0x3FB0] =	sst s8  }
0x11: {  	[smem:$0x3FB1] =	sst s9;
	s0 =	simm.s32 @!p0 $0x0  }
0x12: {  	s1 =	sld [smem:$0x3F97];
	s0 =	simm.s32 @p0 $0x1  }
0x13: {  	[smem:$0x3FB2] =	sst s0;
	s0 =	simm.s32 @!p1 $0x0  }
0x14: {  	s2 =	sld [smem:$0x3F96];
	s0 =	simm.s32 @p1 $0x1  }
0x15: {  	[smem:$0x3FB3] =	sst s0;
	s0 =	simm.s32 @!p2 $0x0  }
0x16: {  	s3 =	sld [smem:$0x3FDB];
	s0 =	simm.s32 @p2 $0x1  }
0x17: {  	s4 =	simm.s32 $0x1BF5;
	[smem:$0x3FB5] =	sst s0  }
0x18: {  	s0 =	sld [smem:$0x3F98];
	_ =	swait.ge [sflag:s4], $0x0  }
0x19: {  	s7 =	sld [smem:$0x3F99]  }
0x1a: {  	s8 =	sadd.s32 $0xFFFFE003, lr  }
0x1b: {  	s9 =	sadd.s32 $0xFFFFFEF7, lr;
	s5 =	simm.s32 $0xFFFFFFFF;
	p2 =	slt.u32 s8, $0xFFFFF086  }
0x1c: {  	p1 =	slt.u32 s9, $0xF7A;
	s5 =	simm.s32 @!p2 $0x0  }
0x1d: {  	s5 =	simm.s32 @p1 $0x1;
	p0 =	seq.s32 s7, s2  }
0x1e: {  	s7 =	smul.u32 @!p0 $0xF7A, s2;
	p2 =	seq.s32 @!p0 s5, $0x0  }
0x1f: {  	s9 =	smul.u32 $0xF7A, s1;
	s8 =	simm.s32 @!p0 $0x1BF5;
	p2 =	por !p2, p0  }
0x20: {  	[sflag:s8] =	ssyncset.s32 @!p0 $0xFFFFF086;
	s6 =	sadd.s32 @!p0 s3, s7;
	s7 =	simm.s32 @!p0 $0x108  }
0x21: {  	s3 =	sadd.s32 s3, s9;
	s6 =	sadd.s32 @!p0 $0x88, s6;
	s7 =	simm.s32 @p2 $0x1082  }
0x22: {  	[simem:s7], [sflag:s8] =	dma.local @!p0 [hbm:s6], $0xF7A  }
0x23: {  	s9 =	sor.u32 $0xD0000000, s2;
	s6 =	simm.s32 $0x108;
	_ =	swait.ge @!p0 [sflag:s8], $0x0  }
0x24: {  	s3 =	sadd.s32 $0x88, s3;
	s6 =	simm.s32 @!p1 $0x1082;
	[sflag:s4] =	ssyncset.s32 $0xFFFFF086  }
0x25: {  	[simem:s6], [sflag:s4] =	dma.local [hbm:s3], $0xF7A  }
0x26: {  	[smem:$0x3F99] =	sst s1;
	(tag) =	ssettag s2;
	_ =	strace s9  }
0x27: {  	s1 =	sld [smem:$0x3FA9]  }
0x28: {  	s2 =	sld [smem:$0x3FAA]  }
0x29: {  	s4 =	sld [smem:$0x3FAC]  }
0x2a: {  	p0 =	seq.s32 s5, $0x0;
	s5 =	sld [smem:$0x3FAD]  }
0x2b: {  	s6 =	sld [smem:$0x3FAE]  }
0x2c: {  	s7 =	sld [smem:$0x3FAF]  }
0x2d: {  	s3 =	simm.s32 $0x108;
	s8 =	sld [smem:$0x3FB0]  }
0x2e: {  	s3 =	simm.s32 @!p0 $0x1082;
	s9 =	sld [smem:$0x3FB1]  }
0x2f: {  	lr =	sadd.s32 s0, s3;
	s0 =	sld [smem:$0x3FA8]  }
0x30: {  	s3 =	sld [smem:$0x3FAB]  }
0x31: {  	[smem:$0x3FB4] =	sst s10  }
0x32: {  	s10 =	sld [smem:$0x3FB2];
	_ =	sdelay $0x3  }
0x33: {  	p0 =	seq.s32 s10, $0x1;
	s10 =	sld [smem:$0x3FB4];
	_ =	sdelay $0x3  }
0x34: {  	[smem:$0x3FB4] =	sst s10  }
0x35: {  	s10 =	sld [smem:$0x3FB3];
	_ =	sdelay $0x3  }
0x36: {  	p1 =	seq.s32 s10, $0x1;
	s10 =	sld [smem:$0x3FB4];
	_ =	sdelay $0x3  }
0x37: {  	[smem:$0x3FB4] =	sst s10  }
0x38: {  	s10 =	sld [smem:$0x3FB5]  }
0x39: {  	_ = 	snop;
	(pc) =	sbr.ind lr, $3  }
0x3a: {  	_ = 	snop  }
0x3b: {  	_ = 	snop  }
0x3c: {  	p2 =	seq.s32 s10, $0x1;
	s10 =	sld [smem:$0x3FB4]  }
0x3d: {  	_ =	shalt  }
0x3e: {  	_ =	shalt  }
0x3f: {  	_ =	shalt  }
0x40: {  	_ =	shalt  }
0x41: {  	_ =	shalt  }
0x42: {  	_ =	shalt  }
0x43: {  	_ =	shalt  }
0x44: {  	_ =	shalt  }
0x45: {  	_ =	shalt  }
0x46: {  	_ =	shalt  }
0x47: {  	_ =	shalt  }
0x48: {  	_ =	shalt  }
0x49: {  	_ =	shalt  }
0x4a: {  	_ =	shalt  }
0x4b: {  	_ =	shalt  }
0x4c: {  	_ =	shalt  }
0x4d: {  	_ =	shalt  }
0x4e: {  	_ =	shalt  }
0x4f: {  	_ =	shalt  }
0x50: {  	_ =	shalt  }
0x51: {  	_ =	shalt  }
0x52: {  	_ =	shalt  }
0x53: {  	_ =	shalt  }
0x54: {  	_ =	shalt  }
0x55: {  	_ =	shalt  }
0x56: {  	_ =	shalt  }
0x57: {  	_ =	shalt  }
0x58: {  	_ =	shalt  }
0x59: {  	_ =	shalt  }
0x5a: {  	_ =	shalt  }
0x5b: {  	_ =	shalt  }
0x5c: {  	_ =	shalt  }
0x5d: {  	_ =	shalt  }
0x5e: {  	_ =	shalt  }
0x5f: {  	_ =	shalt  }
0x60: {  	_ =	shalt  }
0x61: {  	_ =	shalt  }
0x62: {  	_ =	shalt  }
0x63: {  	_ =	shalt  }
0x64: {  	_ =	shalt  }
0x65: {  	_ =	shalt  }
0x66: {  	_ =	shalt  }
0x67: {  	_ =	shalt  }
0x68: {  	_ =	shalt  }
0x69: {  	_ =	shalt  }
0x6a: {  	_ =	shalt  }
0x6b: {  	_ =	shalt  }
0x6c: {  	_ =	shalt  }
0x6d: {  	_ =	shalt  }
0x6e: {  	_ =	shalt  }
0x6f: {  	_ =	shalt  }
0x70: {  	_ =	shalt  }
0x71: {  	_ =	shalt  }
0x72: {  	_ =	shalt  }
0x73: {  	_ =	shalt  }
0x74: {  	_ =	shalt  }
0x75: {  	_ =	shalt  }
0x76: {  	_ =	shalt  }
0x77: {  	_ =	shalt  }
0x78: {  	_ =	shalt  }
0x79: {  	_ =	shalt  }
0x7a: {  	_ =	shalt  }
0x7b: {  	_ =	shalt  }
0x7c: {  	_ =	shalt  }
0x7d: {  	_ =	shalt  }
0x7e: {  	_ =	shalt  }
0x7f: {  	_ =	shalt  }
0x80: {  	_ =	shalt  }
0x81: {  	_ =	shalt  }
0x82: {  	_ =	shalt  }
0x83: {  	_ =	shalt  }
0x84: {  	_ =	shalt  }
0x85: {  	_ =	shalt  }
0x86: {  	_ =	shalt  }
0x87: {  	_ =	shalt  }
.Lfunc_end0:
.L_simem_size_0:
called_computation_lowered:
.L_overlay_start_0:
0x88: {  	s2 =	sld [smem:$0x3FD9]  }
0x89: {  	s3 =	sld [smem:$0x3FFE];
	_ =	sdelay $0x1  }
0x8a: {  	s1 =	srdreg.scid  }
0x8b: {  	s0 =	sand.u32 $0x1, s1  }
0x8c: {  	s17 =	sshll.u32 s0, $0xA;
	s2 =	sadd.s32 s3, s2  }
0x8d: {  	s2 =	sadd.s32 s2, s17  }
0x8e: {  	[smem:$0x3FC0] =	sst s2  }
0x8f: {  	_ = 	snop  }
0x90: {  	s2 =	sld [smem:$0x3FC8];
	(tm) =	ssettm $0x1  }
0x91: {  	s18 =	sld [smem:$0x3FFB];
	_ =	sdelay $0x3  }
0x92: {  	_ =	strace s18  }
0x93: {  	s3 =	sld [smem:$0x3FFC];
	_ =	sdelay $0x3  }
0x94: {  	_ =	strace s3  }
0x95: {  	s3 =	sld [smem:$0x3FFD];
	_ =	sdelay $0x3  }
0x96: {  	_ =	strace s3  }
0x97: {  	_ =	strace $0x8FFFFFFF  }
0x98: {  	s19 =	sld [smem:$0x3FDB];
	_ =	sdelay $0x1  }
0x99: {  	s4 =	simm.s32 $_scs_section_size  }
0x9a: {  	s5 =	simm.s32 $_size__tile_overlayer_lowered;
	s6 =	simm.s32 $_tile_overlayer_lowered  }
0x9b: {  	s22 =	simm.s32 $0x1BFF;
	s21 =	sshll.u32 s6, $0x1;
	s3 =	sadd.s32 s4, s19  }
0x9c: {  	s7 =	simm.s32 $0x0;
	s20 =	sshll.u32 s5, $0x1;
	s5 =	sadd.s32 s21, s3  }
0x9d: {  	[timem:s7], [sflag:s22] =	dma.local [hbm:s5], s20  }
0x9e: {  	_ =	swait.ge [sflag:s22], s20  }
0x9f: {  	s4 =	ssub.s32 $0x0, s20;
	[sflag:s22] =	ssyncset.done $0x0  }
0xa0: {  	[sflag:s22] =	ssyncadd.s32 s4;
	_ =	sdelay $0x1  }
0xa1: {  	s23 =	simm.s32 $0x1B8B  }
0xa2: {  	_ =	swait.ge [sflag:s23], $0x1  }
0xa3: {  	[sflag:s23] =	ssyncset.done $0x0  }
0xa4: {  	s25 =	simm.s32 $0x1B8E;
	s24 =	sld [smem:$0x3FFE];
	[sflag:s23] =	ssyncadd.s32 $0xFFFFFFFF  }
0xa5: {  	s26 =	simm.s32 $execute0_lowered;
	[smem:$0x3FD2] =	sst s25  }
0xa6: {  	s5 =	sshll.u32 s26, $0x1;
	_ =	strace $0x80000046;
	[dreg:$0x1] =	wrdreg $0xFFFFFFFF  }
0xa7: {  	s28 =	simm.s32 $_size_execute0_lowered;
	s3 =	sadd.s32 s3, s5;
	[dreg:$0x0] =	wrdreg $0x0  }
0xa8: {  	s5 =	sshll.u32 s28, $0x1;
	[dreg:$0x2] =	wrdreg s3  }
0xa9: {  	[dreg:$0x3] =	wrdreg s5  }
0xaa: {  	[dreg:$0x4] =	wrdreg $0xC0  }
0xab: {  	_ =	task [dreg:s7], $0x5FFFF  }
0xac: {  	[dreg:$0x1] =	wrdreg $0xFFFFFFFF  }
0xad: {  	[dreg:$0x0] =	wrdreg $0x60  }
0xae: {  	[dreg:$0x2] =	wrdreg s2  }
0xaf: {  	[dreg:$0x3] =	wrdreg s24  }
0xb0: {  	[dreg:$0x4] =	wrdreg $0x9  }
0xb1: {  	_ =	task.clear_ibuf [dreg:s7], $0x5FFFF;
	_ =	strace $0x90000046  }
0xb2: {  	s29 =	simm.s32 $0x9;
	_ =	strace $0x80000048  }
0xb3: {  	_ =	swait.ge [sflag:s29], $0x1  }
0xb4: {  	[sflag:s29] =	ssyncadd.s32 $0xFFFFFFFF  }
0xb5: {  	_ =	strace $0x90000048  }
0xb6: {  	_ =	sfence  }
0xb7: {  	s30 =	sld [smem:$0x0];
	_ =	sdelay $0x2  }
0xb8: {  	s31 =	sshll.u32 s1, $0xD;
	s1 =	sshrl.u32 s1, $0x2  }
0xb9: {  	s3 =	sand.u32 $0x4000, s31;
	s1 =	sadd.s32 s1, s30  }
0xba: {  	s0 =	sor.u32 s3, s0;
	s1 =	sshll.u32 s1, $0x11  }
0xbb: {  	s0 =	sor.u32 s1, s0  }
0xbc: {  	s0 =	sadd.s32 $0x8F2B, s0  }
0xbd: {  	[sflag:s0] =	ssyncadd.remote.s32 $0x1  }
0xbe: {  	_ =	sfence.sel $0xFFFF  }
0xbf: {  	[dreg:$0x0] =	wrdreg $0xFFFFFFFF;
	(pc) =	sbr.abs _section_cstart, $3  }
0xc0: {  	[dreg:$0x1] =	wrdreg $0xFFFFFFFF  }
0xc1: {  	_ =	task.clear_ibuf [dreg:s7], $0x2FFFF;
	_ =	strace $0x9FFFFFFF  }
0xc2: {  	(tm) =	ssettm $0x7FFFFFFF  }
0xc3: {  	_ =	shalt  }
tec
execute0_lowered:
.L_overlay_start_1:
0x0: {  	(tag) =	ssettag $0x1  }
0x1: {  	s3 =	rddreg [dreg:$0x0]  }
0x2: {  	s4 =	rddreg [dreg:$0x1]  }
0x3: {  	s0 =	rddreg [dreg:$0x2]  }
0x4: {  	s2 =	srdreg.scid;
	s1 =	stileid.u32  }
0x5: {  	s10 =	simm.s32 $0x400;
	s11 =	simm.s32 $0x0;
	s5 =	sand.u32 $0x1, s2  }
0x6: {  	s6 =	sshll.u32 s1, $0x1;
	s7 =	sshrl.u32 s1, $0x2;
	s2 =	simm.s32 $0x0  }
0x7: {  	p0 =	sgt.u32 s1, $0x1;
	s6 =	sor.u32 s5, s6;
	s7 =	smul.u32 $0x14000, s7  }
0x8: {  	[smem:$0x7FF] =	sst s2;
	s5 =	ssub.s32 $0x2, s5;
	s8 =	sshll.u32 s6, $0x7  }
0x9: {  	s9 =	smul.u32 $0x4E, s6;
	_ =	strace $0x80000047;
	s8 =	sand.u32 $0x380, s8  }
0xa: {  	s6 =	smin.u32 s6, $0x4;
	s31 =	sshrl.u32 s5, $0x1;
	s7 =	sor.u32 s7, s8  }
0xb: {  	s6 =	sadd.s32 s6, s9;
	s8 =	ssub.s32 s5, s31;
	s7 =	sshrl.u32 s7, $0x3  }
0xc: {  	s9 =	simm.s32 $0x80;
	s6 =	sshll.u32 s6, $0x5;
	s7 =	sadd.s32 s7, s4  }
0xd: {  	s3 =	sadd.s32 s3, s6;
	s6 =	smax.u32 s8, $0x1;
	s8 =	simm.s32 $0x4F00  }
0xe: {  	v0 =	vimm.f32 $0.0e+00;
	v1 =	vimm.f32 $1.000000000e+00;
	s4 =	sadd.s32 $0x9C0, s3;
	s5 =	sadd.s32 $0x2E00, s7;
	s7 =	simm.s32 $0x1  }
.LBB2_1:
0xf: {  	[tilespmem:s2], [sflag:$0x1] =	stream.linear.gather [hbm4b:s3+s2], $0x4E00, $0x38;
	[tilespmem:$0x7700] =	vst v63  }
0x10: {  	_ =	swait.ge [sflag:s7], $0x4E00  }
0x11: {  	s12 =	simm.s32 @!p0 $0x0;
	[sflag:s7] =	ssyncset.done $0x0  }
0x12: {  	s13 =	simm.s32 @!p0 $0x4E00;
	p1 =	por $0x0, $0x0;
	[sflag:s7] =	ssyncadd.s32 $0xFFFFB200  }
0x13: {  	[tilespmem:s13], [sflag:$0x1] =	stream.linear.gather @!p0 [hbm4b:s4+s12], $0x100, $0x38;
	[tilespmem:$0x7700] =	vst v63  }
.Ltmp0:
0x14: {  	_ = 	snop;
	(pc) =	sbr.rel @p1 .LBB2_3-.Ltmp0, $4  }
0x15: {  	s12 =	simm.s32 @!p0 $0x1  }
0x16: {  	_ =	swait.ge @!p0 [sflag:s12], $0x100  }
0x17: {  	[sflag:s12] =	ssyncset.done @!p0 $0x0  }
0x18: {  	s13 =	simm.s32 $0x200;
	[sflag:s12] =	ssyncadd.s32 @!p0 $0xFFFFFF00;
	s12 =	simm.s32 $0x0  }
.LBB2_2:
0x19: {  	p1 =	seq.s32 s13, $0x9E00;
	[tilespmem:s12+$0x4F70] =	vst v0  }
0x1a: {  	[tilespmem:s12+$0x4F00] =	vst v0  }
0x1b: {  	[tilespmem:s12+$0x4F10] =	vst v0  }
.Ltmp1:
0x1c: {  	[tilespmem:s12+$0x4F20] =	vst v0;
	(pc) =	sbr.rel @!p1 .LBB2_2-.Ltmp1, $4  }
0x1d: {  	[tilespmem:s12+$0x4F30] =	vst v0  }
0x1e: {  	[tilespmem:s12+$0x4F40] =	vst v0  }
0x1f: {  	[tilespmem:s12+$0x4F50] =	vst v0  }
0x20: {  	[tilespmem:s12+$0x4F60] =	vst v0;
	s12 =	sshra.s32 s13, $0x2;
	s13 =	sadd.s32 $0x200, s13  }
.LBB2_3:
0x21: {  	[tilespmem:s12+$0x4F70] =	vst v0  }
0x22: {  	[tilespmem:s12+$0x4F00] =	vst v0  }
0x23: {  	[tilespmem:s12+$0x4F10] =	vst v0  }
0x24: {  	[tilespmem:s12+$0x4F20] =	vst v0  }
0x25: {  	[tilespmem:s12+$0x4F30] =	vst v0  }
0x26: {  	[tilespmem:s12+$0x4F40] =	vst v0  }
0x27: {  	[tilespmem:s12+$0x4F50] =	vst v0  }
0x28: {  	[tilespmem:s12+$0x4F60] =	vst v0;
	s12 =	simm.s32 $0x180  }
0x29: {  	v2 =	vld [tilespmem:s12+$0x0];
	_ =	sdelay $0x3  }
0x2a: {  	v3 =	vld [tilespmem:s12+$0xFFFFFF00];
	_ =	sdelay $0x3  }
0x2b: {  	[tilespmem:v2+s8+$0x0] =	vst.idx.add.f32.msk $0xffff, v1  }
0x2c: {  	v2 =	vld [tilespmem:s12+$0x10];
	_ =	sdelay $0x2  }
0x2d: {  	[tilespmem:v3+s8+$0x0] =	vst.idx.add.f32.msk $0xffff, v1  }
0x2e: {  	v3 =	vld [tilespmem:s12+$0xFFFFFF10];
	_ =	sdelay $0x3  }
0x2f: {  	[tilespmem:v2+s8+$0x0] =	vst.idx.add.f32.msk $0xffff, v1  }
0x30: {  	v2 =	vld [tilespmem:s12+$0x20];
	_ =	sdelay $0x2  }
0x31: {  	[tilespmem:v3+s8+$0x0] =	vst.idx.add.f32.msk $0xffff, v1  }
0x32: {  	v3 =	vld [tilespmem:s12+$0xFFFFFF20];
	_ =	sdelay $0x3  }
0x33: {  	[tilespmem:v2+s8+$0x0] =	vst.idx.add.f32.msk $0xffff, v1  }
0x34: {  	v2 =	vld [tilespmem:s12+$0x30]  }
0x35: {  	s13 =	simm.s32 $0x380  }
0x36: {  	v4 =	vld [tilespmem:s13+$0x0]  }
0x37: {  	[tilespmem:v3+s8+$0x0] =	vst.idx.add.f32.msk $0xffff, v1  }
0x38: {  	v3 =	vld [tilespmem:s12+$0xFFFFFF30];
	_ =	sdelay $0x2  }
0x39: {  	v5 =	vld [tilespmem:s13+$0xFFFFFF00]  }
0x3a: {  	[tilespmem:v2+s8+$0x0] =	vst.idx.add.f32.msk $0xffff, v1  }
0x3b: {  	v2 =	vld [tilespmem:s12+$0x40]  }
0x3c: {  	[tilespmem:v4+s8+$0x0] =	vst.idx.add.f32.msk $0xffff, v1  }
0x3d: {  	v4 =	vld [tilespmem:s13+$0x10]  }
0x3e: {  	[tilespmem:v3+s8+$0x0] =	vst.idx.add.f32.msk $0xffff, v1  }
0x3f: {  	v3 =	vld [tilespmem:s12+$0xFFFFFF40];
	_ =	sdelay $0x1  }
0x40: {  	[tilespmem:v5+s8+$0x0] =	vst.idx.add.f32.msk $0xffff, v1  }
0x41: {  	v5 =	vld [tilespmem:s13+$0xFFFFFF10]  }
0x42: {  	[tilespmem:v2+s8+$0x0] =	vst.idx.add.f32.msk $0xffff, v1  }
0x43: {  	v2 =	vld [tilespmem:s12+$0x50]  }
0x44: {  	[tilespmem:v4+s8+$0x0] =	vst.idx.add.f32.msk $0xffff, v1  }
0x45: {  	v4 =	vld [tilespmem:s13+$0x20]  }
0x46: {  	[tilespmem:v3+s8+$0x0] =	vst.idx.add.f32.msk $0xffff, v1  }
0x47: {  	v3 =	vld [tilespmem:s12+$0xFFFFFF50];
	_ =	sdelay $0x1  }
0x48: {  	[tilespmem:v5+s8+$0x0] =	vst.idx.add.f32.msk $0xffff, v1  }
0x49: {  	v5 =	vld [tilespmem:s13+$0xFFFFFF20]  }
0x4a: {  	[tilespmem:v2+s8+$0x0] =	vst.idx.add.f32.msk $0xffff, v1  }
0x4b: {  	v6 =	vld [tilespmem:s12+$0x60];
	_ =	sdelay $0x1  }
0x4c: {  	[tilespmem:v4+s8+$0x0] =	vst.idx.add.f32.msk $0xffff, v1  }
0x4d: {  	[tilespmem:v3+s8+$0x0] =	vst.idx.add.f32.msk $0xffff, v1  }
0x4e: {  	v2 =	vld [tilespmem:s12+$0xFFFFFF60]  }
0x4f: {  	v4 =	vld [tilespmem:s13+$0x30]  }
0x50: {  	[tilespmem:v5+s8+$0x0] =	vst.idx.add.f32.msk $0xffff, v1  }
0x51: {  	v5 =	vld [tilespmem:s13+$0xFFFFFF30]  }
0x52: {  	[tilespmem:v6+s8+$0x0] =	vst.idx.add.f32.msk $0xffff, v1  }
0x53: {  	s14 =	simm.s32 $0x2;
	s15 =	simm.s32 $0x580;
	v3 =	vld [tilespmem:s12+$0x70]  }
.LBB2_4:
0x54: {  	v6 =	vld [tilespmem:s15+$0x0];
	s14 =	sadd.s32 $0x2, s14  }
0x55: {  	v7 =	vld [tilespmem:s15+$0xFFFFFF00];
	p1 =	slt.u32 s14, $0x4C  }
0x56: {  	[tilespmem:v2+s8+$0x0] =	vst.idx.add.f32.msk $0xffff, v1  }
0x57: {  	[tilespmem:v4+s8+$0x0] =	vst.idx.add.f32.msk $0xffff, v1  }
0x58: {  	v2 =	vld [tilespmem:s13+$0x40]  }
0x59: {  	[tilespmem:v5+s8+$0x0] =	vst.idx.add.f32.msk $0xffff, v1  }
0x5a: {  	v4 =	vld [tilespmem:s13+$0xFFFFFF40]  }
0x5b: {  	[tilespmem:v3+s8+$0x0] =	vst.idx.add.f32.msk $0xffff, v1  }
0x5c: {  	[tilespmem:v6+s8+$0x0] =	vst.idx.add.f32.msk $0xffff, v1  }
0x5d: {  	v3 =	vld [tilespmem:s15+$0x10]  }
0x5e: {  	[tilespmem:v7+s8+$0x0] =	vst.idx.add.f32.msk $0xffff, v1  }
0x5f: {  	v5 =	vld [tilespmem:s15+$0xFFFFFF10]  }
0x60: {  	[tilespmem:v2+s8+$0x0] =	vst.idx.add.f32.msk $0xffff, v1  }
0x61: {  	v2 =	vld [tilespmem:s13+$0x50]  }
0x62: {  	[tilespmem:v4+s8+$0x0] =	vst.idx.add.f32.msk $0xffff, v1  }
0x63: {  	v4 =	vld [tilespmem:s13+$0xFFFFFF50]  }
0x64: {  	v6 =	vld [tilespmem:s12+$0xFFFFFF70];
	s12 =	smov.u32 s13;
	s13 =	smov.u32 s15  }
0x65: {  	[tilespmem:v3+s8+$0x0] =	vst.idx.add.f32.msk $0xffff, v1  }
0x66: {  	v3 =	vld [tilespmem:s15+$0x20]  }
0x67: {  	[tilespmem:v5+s8+$0x0] =	vst.idx.add.f32.msk $0xffff, v1  }
0x68: {  	v5 =	vld [tilespmem:s15+$0xFFFFFF20]  }
0x69: {  	[tilespmem:v2+s8+$0x0] =	vst.idx.add.f32.msk $0xffff, v1  }
0x6a: {  	v7 =	vld [tilespmem:s12+$0x60]  }
0x6b: {  	[tilespmem:v4+s8+$0x0] =	vst.idx.add.f32.msk $0xffff, v1  }
0x6c: {  	v2 =	vld [tilespmem:s12+$0xFFFFFF60]  }
0x6d: {  	[tilespmem:v6+s8+$0x0] =	vst.idx.add.f32.msk $0xffff, v1  }
0x6e: {  	[tilespmem:v3+s8+$0x0] =	vst.idx.add.f32.msk $0xffff, v1  }
.Ltmp2:
0x6f: {  	v4 =	vld [tilespmem:s15+$0x30];
	(pc) =	sbr.rel @p1 .LBB2_4-.Ltmp2, $4  }
0x70: {  	[tilespmem:v5+s8+$0x0] =	vst.idx.add.f32.msk $0xffff, v1  }
0x71: {  	v5 =	vld [tilespmem:s15+$0xFFFFFF30]  }
0x72: {  	[tilespmem:v7+s8+$0x0] =	vst.idx.add.f32.msk $0xffff, v1  }
0x73: {  	s15 =	sadd.s32 $0x200, s15;
	v3 =	vld [tilespmem:s12+$0x70]  }
0x74: {  	_ =	sdelay $0x3  }
0x75: {  	[tilespmem:v4+s8+$0x0] =	vst.idx.add.f32.msk $0xffff, v1  }
0x76: {  	v4 =	vld [tilespmem:s13+$0x40]  }
0x77: {  	[tilespmem:v5+s8+$0x0] =	vst.idx.add.f32.msk $0xffff, v1  }
0x78: {  	v5 =	vld [tilespmem:s13+$0xFFFFFF40];
	_ =	sdelay $0x5  }
0x79: {  	[tilespmem:v4+s8+$0x0] =	vst.idx.add.f32.msk $0xffff, v1  }
0x7a: {  	v4 =	vld [tilespmem:s13+$0x50]  }
0x7b: {  	[tilespmem:v5+s8+$0x0] =	vst.idx.add.f32.msk $0xffff, v1  }
0x7c: {  	v5 =	vld [tilespmem:s13+$0xFFFFFF50];
	_ =	sdelay $0x5  }
0x7d: {  	[tilespmem:v4+s8+$0x0] =	vst.idx.add.f32.msk $0xffff, v1  }
0x7e: {  	v4 =	vld [tilespmem:s13+$0x60]  }
0x7f: {  	[tilespmem:v5+s8+$0x0] =	vst.idx.add.f32.msk $0xffff, v1  }
0x80: {  	v5 =	vld [tilespmem:s13+$0xFFFFFF60];
	_ =	sdelay $0x3  }
0x81: {  	[tilespmem:v2+s8+$0x0] =	vst.idx.add.f32.msk $0xffff, v1  }
0x82: {  	v2 =	vld [tilespmem:s12+$0xFFFFFF70]  }
0x83: {  	[tilespmem:v4+s8+$0x0] =	vst.idx.add.f32.msk $0xffff, v1  }
0x84: {  	v4 =	vld [tilespmem:s13+$0x70]  }
0x85: {  	[tilespmem:v5+s8+$0x0] =	vst.idx.add.f32.msk $0xffff, v1  }
0x86: {  	v5 =	vld [tilespmem:s13+$0xFFFFFF70];
	_ =	sdelay $0x4  }
0x87: {  	[tilespmem:v3+s8+$0x0] =	vst.idx.add.f32.msk $0xffff, v1  }
0x88: {  	[tilespmem:v2+s8+$0x0] =	vst.idx.add.f32.msk $0xffff, v1  }
0x89: {  	[tilespmem:v4+s8+$0x0] =	vst.idx.add.f32.msk $0xffff, v1  }
0x8a: {  	[tilespmem:v5+s8+$0x0] =	vst.idx.add.f32.msk $0xffff, v1  }
0x8b: {  	v2 =	vld @!p0 [tilespmem:$0x4E80];
	_ =	sdelay $0x6  }
0x8c: {  	s12 =	simm.s32 @!p0 $0x4F00;
	v3 =	vimm.f32 @!p0 $1.000000000e+00  }
0x8d: {  	[tilespmem:v2+s12+$0x0] =	vst.idx.add.f32.msk @!p0 $0xffff, v3  }
0x8e: {  	v2 =	vld @!p0 [tilespmem:$0x4E90];
	_ =	sdelay $0x7  }
0x8f: {  	[tilespmem:v2+s12+$0x0] =	vst.idx.add.f32.msk @!p0 $0xffff, v3  }
0x90: {  	v2 =	vld @!p0 [tilespmem:$0x4EA0];
	_ =	sdelay $0x7  }
0x91: {  	[tilespmem:v2+s12+$0x0] =	vst.idx.add.f32.msk @!p0 $0xffff, v3  }
0x92: {  	v2 =	vld @!p0 [tilespmem:$0x4EB0];
	_ =	sdelay $0x7  }
0x93: {  	[tilespmem:v2+s12+$0x0] =	vst.idx.add.f32.msk @!p0 $0xffff, v3  }
0x94: {  	v2 =	vld @!p0 [tilespmem:$0x4EC0];
	_ =	sdelay $0x7  }
0x95: {  	[tilespmem:v2+s12+$0x0] =	vst.idx.add.f32.msk @!p0 $0xffff, v3  }
0x96: {  	v2 =	vld @!p0 [tilespmem:$0x4ED0];
	_ =	sdelay $0x7  }
0x97: {  	[tilespmem:v2+s12+$0x0] =	vst.idx.add.f32.msk @!p0 $0xffff, v3  }
0x98: {  	v2 =	vld @!p0 [tilespmem:$0x4EE0];
	_ =	sdelay $0x7  }
0x99: {  	[tilespmem:v2+s12+$0x0] =	vst.idx.add.f32.msk @!p0 $0xffff, v3  }
0x9a: {  	v2 =	vld @!p0 [tilespmem:$0x4EF0];
	_ =	sdelay $0x5  }
0x9b: {  	s11 =	sadd.s32 $0x1, s11  }
0x9c: {  	p1 =	sne.s32 s11, s6  }
.Ltmp3:
0x9d: {  	[tilespmem:v2+s12+$0x0] =	vst.idx.add.f32.msk @!p0 $0xffff, v3;
	(pc) =	sbr.rel @p1 .LBB2_1-.Ltmp3, $4  }
0x9e: {  	[hbm4b:s5+s9] =	stream.strided.scatter [tilespmem:s8], [sflag:$0x1], $0x2800, s10, s9, $0x38;
	[tilespmem:$0x7700] =	vst v63  }
0x9f: {  	_ =	swait.ge [sflag:s7], $0x2800  }
0xa0: {  	[sflag:s7] =	ssyncset.done $0x0  }
0xa1: {  	[sflag:s7] =	ssyncadd.s32 $0xFFFFD800  }
0xa2: {  	_ =	sfence.sel $0x180000  }
0xa3: {  	[bflag:$0x0] =	sbarrier.arrive $0xFFFF  }
0xa4: {  	p0 =	sne.s32 s1, $0x0;
	_ =	strace $0x90000047  }
0xa5: {  	s0 =	sadd.s32 @!p0 $0x100000, s0;
	[bflag:$0x2] =	sbarrier.arrive $0xFFFF  }
0xa6: {  	[sflag:s0] =	ssyncadd.tile.s32 @!p0 $0x1;
	_ =	shalt  }
.Lfunc_end2:
_tile_overlayer_lowered:
.L_overlay_start_2:
0xa7: {  	(tag) =	ssettag $0x2  }
0xa8: {  	s0 =	rddreg [dreg:$0x0];
	s2 =	stileid.u32  }
0xa9: {  	s1 =	rddreg [dreg:$0x1];
	p0 =	sne.s32 s2, $0x0  }
0xaa: {  	s3 =	rddreg [dreg:$0x2];
	[bflag:$0x3] =	sbarrier.arrive $0xFFFF;
	s2 =	simm.s32 @!p0 $0x1C01  }
0xab: {  	[timem:s3], [sflag:s2] =	dma.local @!p0 [hbm:s0], s1  }
0xac: {  	s0 =	simm.s32 @!p0 $0x1  }
0xad: {  	_ =	swait.ge @!p0 [sflag:s0], s1  }
0xae: {  	s1 =	ssub.s32 @!p0 $0x0, s1;
	[sflag:s0] =	ssyncset.done @!p0 $0x0  }
0xaf: {  	[sflag:s0] =	ssyncadd.s32 @!p0 s1  }
0xb0: {  	[bflag:$0x3] =	sbarrier.arrive $0xFFFF  }
0xb1: {  	_ =	shalt  }

</sc_bundles>
